<compile_context>
chip_gen: v7x
topology: tpu7x:2x2x1
jax: 0.10.2.dev20260603
libtpu: 0.0.44.dev20260713+nightly
codegen_flags: <defaults>
</compile_context>

<pallas_src>
import functools

import jax
import jax.numpy as jnp
from jax import lax
from jax.experimental import pallas as pl
from jax.experimental.pallas import tpu as pltpu
from jax.experimental.pallas import tpu_sc as plsc

VOCAB = 1000000
D = 64
SEQ = 200
N_CORES = 2
N_SUBCORES = 16
N_WORKERS = N_CORES * N_SUBCORES

NBUF = 4

TBLK = 16384
BBLK = 512
LBLK = 8


def _transpose_table(emb_t):

    def body(in_ref, out_ref):
        x = in_ref[...]
        t = jax.lax.dot_general(
            x, jnp.eye(D, dtype=jnp.float32),
            dimension_numbers=(((0,), (0,)), ((), ())),
            preferred_element_type=jnp.float32,
        )
        out_ref[:, :D] = t

    grid = (pl.cdiv(VOCAB, TBLK),)
    return pl.pallas_call(
        body,
        grid=grid,
        in_specs=[pl.BlockSpec((D, TBLK), lambda i: (0, i))],
        out_specs=pl.BlockSpec((TBLK, 2 * D), lambda i: (i, 0)),
        out_shape=jax.ShapeDtypeStruct((VOCAB, 2 * D), jnp.float32),
    )(emb_t)


@functools.lru_cache(maxsize=None)
def _make_gather(n_batch: int, l_len: int):
    per_w = n_batch // N_WORKERS
    assert n_batch % N_WORKERS == 0
    assert per_w % NBUF == 0 and per_w >= 2 * NBUF
    mesh = plsc.VectorSubcoreMesh(core_axis_name="c", subcore_axis_name="s")

    @functools.partial(
        pl.kernel,
        mesh=mesh,
        out_type=jax.ShapeDtypeStruct((n_batch, l_len, 2 * D), jnp.float32),
        compiler_params=pltpu.CompilerParams(use_tc_tiling_on_sc=True),
        scratch_types=[pltpu.VMEM((l_len,), jnp.int32) for _ in range(NBUF)]
        + [pltpu.VMEM((l_len, 2 * D), jnp.float32) for _ in range(NBUF)]
        + [pltpu.SemaphoreType.DMA for _ in range(3 * NBUF)],
    )
    def gather_kernel(x1_hbm, emb_hbm, out_hbm, *bufs):
        idx_v = list(bufs[0:NBUF])
        rows_v = list(bufs[NBUF:2 * NBUF])
        lsem = list(bufs[2 * NBUF:3 * NBUF])
        gsem = list(bufs[3 * NBUF:4 * NBUF])
        osem = list(bufs[4 * NBUF:5 * NBUF])

        wid = lax.axis_index("s") * N_CORES + lax.axis_index("c")
        b0 = wid * per_w

        def start_load(c, b):
            pltpu.async_copy(x1_hbm.at[b0 + c], idx_v[b], lsem[b])

        def wait_load(b):
            pltpu.make_async_copy(x1_hbm.at[0], idx_v[b], lsem[b]).wait()

        def start_gather(b):
            pltpu.async_copy(emb_hbm.at[idx_v[b]], rows_v[b], gsem[b])

        def wait_gather(b):
            pltpu.make_async_copy(
                emb_hbm.at[idx_v[b]], rows_v[b], gsem[b]).wait()

        def start_store(c, b):
            pltpu.async_copy(rows_v[b], out_hbm.at[b0 + c], osem[b])

        def wait_store(b):
            pltpu.make_async_copy(rows_v[b], out_hbm.at[0], osem[b]).wait()

        for b in range(NBUF):
            start_load(b, b)
        wait_load(0)
        start_gather(0)

        def steady(gg, carry):
            for b in range(NBUF):
                c = gg * NBUF + b
                bn = (b + 1) % NBUF
                @pl.when(c + 1 < per_w)
                def _():
                    wait_load(bn)

                    @pl.when(c + 1 >= NBUF)
                    def _():
                        wait_store(bn)

                    start_gather(bn)

                wait_gather(b)
                start_store(c, b)

                @pl.when(c + NBUF < per_w)
                def _():
                    start_load(c + NBUF, b)

            return carry

        lax.fori_loop(0, per_w // NBUF, steady, 0)
        for b in range(NBUF):
            wait_store(b)

    return gather_kernel


def _finalize_part(gath, x2t_p, pos_p, w2, b2, n_batch, l_off, l_len, prev):

    def body(*refs):
        g_ref, x2_ref, pos_ref, w_ref, b_ref, out_ref = refs[-6:]
        x2b = x2_ref[...]
        w = w_ref[0]
        bias = b_ref[0]
        pp = pos_ref[...] + bias[None, :]
        g2 = g_ref[...].reshape(BBLK, LBLK * 2 * D)
        t = jnp.transpose(g2)
        for l in range(LBLK):
            t_l = t[l * 2 * D:l * 2 * D + D]
            out_ref[l] = t_l + x2b[l][None, :] * w[:, None] + pp[l][:, None]

    i0 = l_off // LBLK
    grid = (l_len // LBLK, n_batch // BBLK)
    in_specs = [
        pl.BlockSpec((BBLK, LBLK, 2 * D), lambda i, j: (j, i, 0)),
        pl.BlockSpec((LBLK, BBLK), lambda i, j: (i, j)),
        pl.BlockSpec((LBLK, D), lambda i, j: (i, 0)),
        pl.BlockSpec((1, D), lambda i, j: (0, 0)),
        pl.BlockSpec((1, D), lambda i, j: (0, 0)),
    ]
    args = (gath, x2t_p, pos_p, w2, b2)
    aliases = {}
    if prev is not None:
        in_specs = [pl.BlockSpec(memory_space=pl.ANY)] + in_specs
        args = (prev,) + args
        aliases = {0: 0}
    return pl.pallas_call(
        body,
        grid=grid,
        in_specs=in_specs,
        out_specs=pl.BlockSpec((LBLK, D, BBLK), lambda i, j: (i + i0, 0, j)),
        out_shape=jax.ShapeDtypeStruct((SEQ, D, n_batch), jnp.float32),
        input_output_aliases=aliases,
    )(*args)


def kernel(x1, x2, emb_table, pos_enc, mas_w, mas_b):
    n_batch, l = x1.shape
    emb_rm = _transpose_table(jnp.transpose(emb_table))
    x2t = jnp.transpose(x2)
    w2 = mas_w.reshape(1, D)
    b2 = mas_b.reshape(1, D)
    parts = ((0, 56), (56, 56), (112, 56), (168, 32))
    gaths = [
        _make_gather(n_batch, ln)(
            lax.slice(x1, (0, off), (n_batch, off + ln)), emb_rm)
        for off, ln in parts
    ]
    out_t = None
    for (off, ln), g in zip(parts, gaths):
        out_t = _finalize_part(
            g,
            lax.slice(x2t, (off, 0), (off + ln, n_batch)),
            lax.slice(pos_enc, (off, 0), (off + ln, D)),
            w2, b2, n_batch, off, ln, out_t,
        )
    return jnp.transpose(out_t, (2, 0, 1))

# --- scband reference (transcript-rebuilt; emitter-appended) ---
"""Pipeline reference for scband-discriminator-embedding-51625506898184 (READ-ONLY COPY).

The authoritative reference and input builder live on the scoring server;
editing this copy changes nothing except your own understanding.
"""

import jax, jax.numpy as jnp
import numpy as np

VOCAB = 1000000
D_MODEL = 64
MAX_LEN = 512
B = 4096
L = 200

def setup_inputs(seed: int = 0) -> dict:
    key = jax.random.key(seed)
    k1, k2, k3, k4, k5, k6 = jax.random.split(key, 6)
    x1 = jax.random.randint(k1, (B, L), 0, VOCAB, dtype=jnp.int32)
    x2 = jax.random.uniform(k2, (B, L), dtype=jnp.float32)
    emb_table = jax.random.normal(k3, (VOCAB, D_MODEL), dtype=jnp.float32) * 0.02
    pos_enc = jax.random.normal(k4, (MAX_LEN, D_MODEL), dtype=jnp.float32)
    mas_w = jax.random.normal(k5, (D_MODEL, 1), dtype=jnp.float32) * 0.02
    mas_b = jax.random.normal(k6, (D_MODEL,), dtype=jnp.float32) * 0.02
    return {"x1": x1, "x2": x2, "emb_table": emb_table, "pos_enc": pos_enc, "mas_w": mas_w, "mas_b": mas_b}

def reference(x1, x2, emb_table, pos_enc, mas_w, mas_b):
    # TokenEmbedding: gather rows of the embedding table
    token_emb = jnp.take(emb_table, x1, axis=0)              # [B, L, D]
    # mas_emb: Linear(1, d_model) applied to x2.unsqueeze(2)
    mask_emb = x2[..., None] * mas_w[:, 0][None, None, :] + mas_b[None, None, :]  # [B, L, D]
    # LearnedPositionalEncoding: slice first seq_len rows
    seq_len = token_emb.shape[1]
    pos_emb = pos_enc[:seq_len, :]                           # [L, D]
    return token_emb + mask_emb + pos_emb[None, :, :]

if __name__ == "__main__":
    import jax
    _d = setup_inputs()
    print(jax.jit(kernel)(*tuple(_d.values())))

</pallas_src>

<mosaic_0001>
#map = affine_map<(d0, d1) -> (0, 0)>
#map1 = affine_map<(d0, d1) -> (0, 0, 0)>
module attributes {stable_mosaic.version = 14 : i64} {
  func.func @gather_kernel(%arg0: i32, %arg1: i32, %arg2: memref<4096x56xi32, #tpu.memory_space<hbm>>, %arg3: memref<1000000x128xf32, #tpu.memory_space<hbm>>, %arg4: memref<4096x56x128xf32, #tpu.memory_space<hbm>>, %arg5: memref<56xi32, #tpu.memory_space<vmem>>, %arg6: memref<56xi32, #tpu.memory_space<vmem>>, %arg7: memref<56xi32, #tpu.memory_space<vmem>>, %arg8: memref<56xi32, #tpu.memory_space<vmem>>, %arg9: memref<56x128xf32, #tpu.memory_space<vmem>>, %arg10: memref<56x128xf32, #tpu.memory_space<vmem>>, %arg11: memref<56x128xf32, #tpu.memory_space<vmem>>, %arg12: memref<56x128xf32, #tpu.memory_space<vmem>>, %arg13: memref<!tpu.dma_semaphore, #tpu.memory_space<semaphore_mem>>, %arg14: memref<!tpu.dma_semaphore, #tpu.memory_space<semaphore_mem>>, %arg15: memref<!tpu.dma_semaphore, #tpu.memory_space<semaphore_mem>>, %arg16: memref<!tpu.dma_semaphore, #tpu.memory_space<semaphore_mem>>, %arg17: memref<!tpu.dma_semaphore, #tpu.memory_space<semaphore_mem>>, %arg18: memref<!tpu.dma_semaphore, #tpu.memory_space<semaphore_mem>>, %arg19: memref<!tpu.dma_semaphore, #tpu.memory_space<semaphore_mem>>, %arg20: memref<!tpu.dma_semaphore, #tpu.memory_space<semaphore_mem>>, %arg21: memref<!tpu.dma_semaphore, #tpu.memory_space<semaphore_mem>>, %arg22: memref<!tpu.dma_semaphore, #tpu.memory_space<semaphore_mem>>, %arg23: memref<!tpu.dma_semaphore, #tpu.memory_space<semaphore_mem>>, %arg24: memref<!tpu.dma_semaphore, #tpu.memory_space<semaphore_mem>>) attributes {dimension_semantics = [#tpu.dimension_semantics<core_parallel>, #tpu.dimension_semantics<subcore_parallel>], iteration_bounds = array<i64: 2, 16>, scalar_prefetch = 0 : i64, scratch_operands = 20 : i64, tpu.core_type = #tpu.core_type<sc_vector_subcore>, window_params = [{transform_indices = #map}, {transform_indices = #map}, {transform_indices = #map1}]} {
    %mul3A = arith.constant 2 : i32
    %mul3A_0 = arith.muli %arg1, %mul3A : i32
    %add3A = arith.addi %mul3A_0, %arg0 : i32
    %mul3A_1 = arith.constant 128 : i32
    %mul3A_2 = arith.muli %add3A, %mul3A_1 : i32
    %add3A_3 = arith.constant 0 : i32
    %add3A_4 = arith.addi %mul3A_2, %add3A_3 : i32
    %dma_start3A = arith.constant 0 : i32
    %dma_start3A_5 = tpu.memref_slice %arg2[%add3A_4, %dma_start3A] : memref<4096x56xi32, #tpu.memory_space<hbm>> -> memref<1x56xi32, #tpu.memory_space<hbm>>
    %dma_start3A_6 = tpu.memref_squeeze %dma_start3A_5 : memref<1x56xi32, #tpu.memory_space<hbm>> -> memref<56xi32, #tpu.memory_space<hbm>>
    %dma_start3A_7 = arith.constant 0 : i32
    %dma_start3A_8 = tpu.memref_slice %arg2[%add3A_4, %dma_start3A_7] : memref<4096x56xi32, #tpu.memory_space<hbm>> -> memref<1x56xi32, #tpu.memory_space<hbm>>
    %dma_start3A_9 = tpu.memref_squeeze %dma_start3A_8 : memref<1x56xi32, #tpu.memory_space<hbm>> -> memref<56xi32, #tpu.memory_space<hbm>>
    tpu.enqueue_dma source(%dma_start3A_9 : memref<56xi32, #tpu.memory_space<hbm>>) target(%arg5 : memref<56xi32, #tpu.memory_space<vmem>>) target_semaphore(%arg13 : memref<!tpu.dma_semaphore, #tpu.memory_space<semaphore_mem>>)
    %add3A_10 = arith.constant 1 : i32
    %add3A_11 = arith.addi %mul3A_2, %add3A_10 : i32
    %dma_start3A_12 = arith.constant 0 : i32
    %dma_start3A_13 = tpu.memref_slice %arg2[%add3A_11, %dma_start3A_12] : memref<4096x56xi32, #tpu.memory_space<hbm>> -> memref<1x56xi32, #tpu.memory_space<hbm>>
    %dma_start3A_14 = tpu.memref_squeeze %dma_start3A_13 : memref<1x56xi32, #tpu.memory_space<hbm>> -> memref<56xi32, #tpu.memory_space<hbm>>
    %dma_start3A_15 = arith.constant 0 : i32
    %dma_start3A_16 = tpu.memref_slice %arg2[%add3A_11, %dma_start3A_15] : memref<4096x56xi32, #tpu.memory_space<hbm>> -> memref<1x56xi32, #tpu.memory_space<hbm>>
    %dma_start3A_17 = tpu.memref_squeeze %dma_start3A_16 : memref<1x56xi32, #tpu.memory_space<hbm>> -> memref<56xi32, #tpu.memory_space<hbm>>
    tpu.enqueue_dma source(%dma_start3A_17 : memref<56xi32, #tpu.memory_space<hbm>>) target(%arg6 : memref<56xi32, #tpu.memory_space<vmem>>) target_semaphore(%arg14 : memref<!tpu.dma_semaphore, #tpu.memory_space<semaphore_mem>>)
    %add3A_18 = arith.constant 2 : i32
    %add3A_19 = arith.addi %mul3A_2, %add3A_18 : i32
    %dma_start3A_20 = arith.constant 0 : i32
    %dma_start3A_21 = tpu.memref_slice %arg2[%add3A_19, %dma_start3A_20] : memref<4096x56xi32, #tpu.memory_space<hbm>> -> memref<1x56xi32, #tpu.memory_space<hbm>>
    %dma_start3A_22 = tpu.memref_squeeze %dma_start3A_21 : memref<1x56xi32, #tpu.memory_space<hbm>> -> memref<56xi32, #tpu.memory_space<hbm>>
    %dma_start3A_23 = arith.constant 0 : i32
    %dma_start3A_24 = tpu.memref_slice %arg2[%add3A_19, %dma_start3A_23] : memref<4096x56xi32, #tpu.memory_space<hbm>> -> memref<1x56xi32, #tpu.memory_space<hbm>>
    %dma_start3A_25 = tpu.memref_squeeze %dma_start3A_24 : memref<1x56xi32, #tpu.memory_space<hbm>> -> memref<56xi32, #tpu.memory_space<hbm>>
    tpu.enqueue_dma source(%dma_start3A_25 : memref<56xi32, #tpu.memory_space<hbm>>) target(%arg7 : memref<56xi32, #tpu.memory_space<vmem>>) target_semaphore(%arg15 : memref<!tpu.dma_semaphore, #tpu.memory_space<semaphore_mem>>)
    %add3A_26 = arith.constant 3 : i32
    %add3A_27 = arith.addi %mul3A_2, %add3A_26 : i32
    %dma_start3A_28 = arith.constant 0 : i32
    %dma_start3A_29 = tpu.memref_slice %arg2[%add3A_27, %dma_start3A_28] : memref<4096x56xi32, #tpu.memory_space<hbm>> -> memref<1x56xi32, #tpu.memory_space<hbm>>
    %dma_start3A_30 = tpu.memref_squeeze %dma_start3A_29 : memref<1x56xi32, #tpu.memory_space<hbm>> -> memref<56xi32, #tpu.memory_space<hbm>>
    %dma_start3A_31 = arith.constant 0 : i32
    %dma_start3A_32 = tpu.memref_slice %arg2[%add3A_27, %dma_start3A_31] : memref<4096x56xi32, #tpu.memory_space<hbm>> -> memref<1x56xi32, #tpu.memory_space<hbm>>
    %dma_start3A_33 = tpu.memref_squeeze %dma_start3A_32 : memref<1x56xi32, #tpu.memory_space<hbm>> -> memref<56xi32, #tpu.memory_space<hbm>>
    tpu.enqueue_dma source(%dma_start3A_33 : memref<56xi32, #tpu.memory_space<hbm>>) target(%arg8 : memref<56xi32, #tpu.memory_space<vmem>>) target_semaphore(%arg16 : memref<!tpu.dma_semaphore, #tpu.memory_space<semaphore_mem>>)
    %dma_wait3A = arith.constant 0 : i32
    %dma_wait3A_34 = arith.constant 0 : i32
    %dma_wait3A_35 = tpu.memref_slice %arg2[%dma_wait3A, %dma_wait3A_34] : memref<4096x56xi32, #tpu.memory_space<hbm>> -> memref<1x56xi32, #tpu.memory_space<hbm>>
    %dma_wait3A_36 = tpu.memref_squeeze %dma_wait3A_35 : memref<1x56xi32, #tpu.memory_space<hbm>> -> memref<56xi32, #tpu.memory_space<hbm>>
    %dma_wait3A_37 = arith.constant 0 : i32
    %dma_wait3A_38 = tpu.memref_slice %arg2[%dma_wait3A, %dma_wait3A_37] : memref<4096x56xi32, #tpu.memory_space<hbm>> -> memref<1x56xi32, #tpu.memory_space<hbm>>
    %dma_wait3A_39 = tpu.memref_squeeze %dma_wait3A_38 : memref<1x56xi32, #tpu.memory_space<hbm>> -> memref<56xi32, #tpu.memory_space<hbm>>
    tpu.wait_dma2 semaphore(%arg13 : memref<!tpu.dma_semaphore, #tpu.memory_space<semaphore_mem>>) src(%dma_wait3A_39 : memref<56xi32, #tpu.memory_space<hbm>>) dst(%arg5 : memref<56xi32, #tpu.memory_space<vmem>>)
    %dma_start3A_40 = arith.constant 0 : i32
    %dma_start3A_41 = arith.constant 0 : i32
    %dma_start3A_42 = tpu.memref_slice %arg3[%dma_start3A_40, %dma_start3A_41] : memref<1000000x128xf32, #tpu.memory_space<hbm>> -> memref<1000000x128xf32, #tpu.memory_space<hbm>>
    tpu.enqueue_indirect_dma source(%dma_start3A_42 : memref<1000000x128xf32, #tpu.memory_space<hbm>>) target(%arg9 : memref<56x128xf32, #tpu.memory_space<vmem>>) offsets(%arg5 : memref<56xi32, #tpu.memory_space<vmem>>) semaphore(%arg17 : memref<!tpu.dma_semaphore, #tpu.memory_space<semaphore_mem>>)
    %scan3A = arith.constant 0 : i32
    %scan3A_43 = arith.constant 0 : i32
    %scan3A_44 = arith.constant 32 : i32
    %scan3A_45 = arith.addi %scan3A_43, %scan3A_44 : i32
    %scan3A_46 = arith.constant 1 : i32
    scf.for %scan3A_84 = %scan3A_43 to %scan3A_45 step %scan3A_46  : i32 {
      %mul3A_85 = arith.constant 4 : i32
      %mul3A_86 = arith.muli %scan3A_84, %mul3A_85 : i32
      %add3A_87 = arith.constant 0 : i32
      %add3A_88 = arith.addi %mul3A_86, %add3A_87 : i32
      %add3A_89 = arith.constant 1 : i32
      %add3A_90 = arith.addi %add3A_88, %add3A_89 : i32
      %lt3A = arith.constant 128 : i32
      %lt3A_91 = arith.cmpi slt, %add3A_90, %lt3A : i32
      %convert_element_type3A = arith.extui %lt3A_91 : i1 to i32
      %cond3A = arith.constant 0 : i32
      %cond3A_92 = arith.cmpi ne, %convert_element_type3A, %cond3A : i32
      scf.if %cond3A_92 {
        %dma_wait3A_202 = arith.constant 0 : i32
        %dma_wait3A_203 = arith.constant 0 : i32
        %dma_wait3A_204 = tpu.memref_slice %arg2[%dma_wait3A_202, %dma_wait3A_203] : memref<4096x56xi32, #tpu.memory_space<hbm>> -> memref<1x56xi32, #tpu.memory_space<hbm>>
        %dma_wait3A_205 = tpu.memref_squeeze %dma_wait3A_204 : memref<1x56xi32, #tpu.memory_space<hbm>> -> memref<56xi32, #tpu.memory_space<hbm>>
        %dma_wait3A_206 = arith.constant 0 : i32
        %dma_wait3A_207 = tpu.memref_slice %arg2[%dma_wait3A_202, %dma_wait3A_206] : memref<4096x56xi32, #tpu.memory_space<hbm>> -> memref<1x56xi32, #tpu.memory_space<hbm>>
        %dma_wait3A_208 = tpu.memref_squeeze %dma_wait3A_207 : memref<1x56xi32, #tpu.memory_space<hbm>> -> memref<56xi32, #tpu.memory_space<hbm>>
        tpu.wait_dma2 semaphore(%arg14 : memref<!tpu.dma_semaphore, #tpu.memory_space<semaphore_mem>>) src(%dma_wait3A_208 : memref<56xi32, #tpu.memory_space<hbm>>) dst(%arg6 : memref<56xi32, #tpu.memory_space<vmem>>)
        %add3A_209 = arith.constant 1 : i32
        %add3A_210 = arith.addi %add3A_88, %add3A_209 : i32
        %ge3A = arith.constant 4 : i32
        %ge3A_211 = arith.cmpi sge, %add3A_210, %ge3A : i32
        %convert_element_type3A_212 = arith.extui %ge3A_211 : i1 to i32
        %cond3A_213 = arith.constant 0 : i32
        %cond3A_214 = arith.cmpi ne, %convert_element_type3A_212, %cond3A_213 : i32
        scf.if %cond3A_214 {
          %dma_wait3A_218 = arith.constant 0 : i32
          %dma_wait3A_219 = arith.constant 0 : i32
          %dma_wait3A_220 = arith.constant 0 : i32
          %dma_wait3A_221 = tpu.memref_slice %arg4[%dma_wait3A_218, %dma_wait3A_219, %dma_wait3A_220] : memref<4096x56x128xf32, #tpu.memory_space<hbm>> -> memref<1x56x128xf32, #tpu.memory_space<hbm>>
          %dma_wait3A_222 = tpu.memref_squeeze %dma_wait3A_221 : memref<1x56x128xf32, #tpu.memory_space<hbm>> -> memref<56x128xf32, #tpu.memory_space<hbm>>
          %dma_wait3A_223 = arith.constant 0 : i32
          %dma_wait3A_224 = arith.constant 0 : i32
          %dma_wait3A_225 = tpu.memref_slice %arg4[%dma_wait3A_218, %dma_wait3A_223, %dma_wait3A_224] : memref<4096x56x128xf32, #tpu.memory_space<hbm>> -> memref<1x56x128xf32, #tpu.memory_space<hbm>>
          %dma_wait3A_226 = tpu.memref_squeeze %dma_wait3A_225 : memref<1x56x128xf32, #tpu.memory_space<hbm>> -> memref<56x128xf32, #tpu.memory_space<hbm>>
          tpu.wait_dma2 semaphore(%arg22 : memref<!tpu.dma_semaphore, #tpu.memory_space<semaphore_mem>>) src(%arg10 : memref<56x128xf32, #tpu.memory_space<vmem>>) dst(%dma_wait3A_226 : memref<56x128xf32, #tpu.memory_space<hbm>>)
        } else {
        }
        %dma_start3A_215 = arith.constant 0 : i32
        %dma_start3A_216 = arith.constant 0 : i32
        %dma_start3A_217 = tpu.memref_slice %arg3[%dma_start3A_215, %dma_start3A_216] : memref<1000000x128xf32, #tpu.memory_space<hbm>> -> memref<1000000x128xf32, #tpu.memory_space<hbm>>
        tpu.enqueue_indirect_dma source(%dma_start3A_217 : memref<1000000x128xf32, #tpu.memory_space<hbm>>) target(%arg10 : memref<56x128xf32, #tpu.memory_space<vmem>>) offsets(%arg6 : memref<56xi32, #tpu.memory_space<vmem>>) semaphore(%arg18 : memref<!tpu.dma_semaphore, #tpu.memory_space<semaphore_mem>>)
      } else {
      }
      %dma_wait3A_93 = arith.constant 0 : i32
      %dma_wait3A_94 = arith.constant 0 : i32
      %dma_wait3A_95 = tpu.memref_slice %arg3[%dma_wait3A_93, %dma_wait3A_94] : memref<1000000x128xf32, #tpu.memory_space<hbm>> -> memref<1000000x128xf32, #tpu.memory_space<hbm>>
      tpu.wait_indirect_dma semaphore(%arg17 : memref<!tpu.dma_semaphore, #tpu.memory_space<semaphore_mem>>) src(%dma_wait3A_95 : memref<1000000x128xf32, #tpu.memory_space<hbm>>) dst(%arg9 : memref<56x128xf32, #tpu.memory_space<vmem>>)
      %add3A_96 = arith.addi %mul3A_2, %add3A_88 : i32
      %dma_start3A_97 = arith.constant 0 : i32
      %dma_start3A_98 = arith.constant 0 : i32
      %dma_start3A_99 = tpu.memref_slice %arg4[%add3A_96, %dma_start3A_97, %dma_start3A_98] : memref<4096x56x128xf32, #tpu.memory_space<hbm>> -> memref<1x56x128xf32, #tpu.memory_space<hbm>>
      %dma_start3A_100 = tpu.memref_squeeze %dma_start3A_99 : memref<1x56x128xf32, #tpu.memory_space<hbm>> -> memref<56x128xf32, #tpu.memory_space<hbm>>
      %dma_start3A_101 = arith.constant 0 : i32
      %dma_start3A_102 = arith.constant 0 : i32
      %dma_start3A_103 = tpu.memref_slice %arg4[%add3A_96, %dma_start3A_101, %dma_start3A_102] : memref<4096x56x128xf32, #tpu.memory_space<hbm>> -> memref<1x56x128xf32, #tpu.memory_space<hbm>>
      %dma_start3A_104 = tpu.memref_squeeze %dma_start3A_103 : memref<1x56x128xf32, #tpu.memory_space<hbm>> -> memref<56x128xf32, #tpu.memory_space<hbm>>
      tpu.enqueue_dma source(%arg9 : memref<56x128xf32, #tpu.memory_space<vmem>>) target(%dma_start3A_104 : memref<56x128xf32, #tpu.memory_space<hbm>>) target_semaphore(%arg21 : memref<!tpu.dma_semaphore, #tpu.memory_space<semaphore_mem>>)
      %add3A_105 = arith.constant 4 : i32
      %add3A_106 = arith.addi %add3A_88, %add3A_105 : i32
      %lt3A_107 = arith.constant 128 : i32
      %lt3A_108 = arith.cmpi slt, %add3A_106, %lt3A_107 : i32
      %convert_element_type3A_109 = arith.extui %lt3A_108 : i1 to i32
      %cond3A_110 = arith.constant 0 : i32
      %cond3A_111 = arith.cmpi ne, %convert_element_type3A_109, %cond3A_110 : i32
      scf.if %cond3A_111 {
        %add3A_202 = arith.constant 4 : i32
        %add3A_203 = arith.addi %add3A_88, %add3A_202 : i32
        %add3A_204 = arith.addi %mul3A_2, %add3A_203 : i32
        %dma_start3A_205 = arith.constant 0 : i32
        %dma_start3A_206 = tpu.memref_slice %arg2[%add3A_204, %dma_start3A_205] : memref<4096x56xi32, #tpu.memory_space<hbm>> -> memref<1x56xi32, #tpu.memory_space<hbm>>
        %dma_start3A_207 = tpu.memref_squeeze %dma_start3A_206 : memref<1x56xi32, #tpu.memory_space<hbm>> -> memref<56xi32, #tpu.memory_space<hbm>>
        %dma_start3A_208 = arith.constant 0 : i32
        %dma_start3A_209 = tpu.memref_slice %arg2[%add3A_204, %dma_start3A_208] : memref<4096x56xi32, #tpu.memory_space<hbm>> -> memref<1x56xi32, #tpu.memory_space<hbm>>
        %dma_start3A_210 = tpu.memref_squeeze %dma_start3A_209 : memref<1x56xi32, #tpu.memory_space<hbm>> -> memref<56xi32, #tpu.memory_space<hbm>>
        tpu.enqueue_dma source(%dma_start3A_210 : memref<56xi32, #tpu.memory_space<hbm>>) target(%arg5 : memref<56xi32, #tpu.memory_space<vmem>>) target_semaphore(%arg13 : memref<!tpu.dma_semaphore, #tpu.memory_space<semaphore_mem>>)
      } else {
      }
      %mul3A_112 = arith.constant 4 : i32
      %mul3A_113 = arith.muli %scan3A_84, %mul3A_112 : i32
      %add3A_114 = arith.constant 1 : i32
      %add3A_115 = arith.addi %mul3A_113, %add3A_114 : i32
      %add3A_116 = arith.constant 1 : i32
      %add3A_117 = arith.addi %add3A_115, %add3A_116 : i32
      %lt3A_118 = arith.constant 128 : i32
      %lt3A_119 = arith.cmpi slt, %add3A_117, %lt3A_118 : i32
      %convert_element_type3A_120 = arith.extui %lt3A_119 : i1 to i32
      %cond3A_121 = arith.constant 0 : i32
      %cond3A_122 = arith.cmpi ne, %convert_element_type3A_120, %cond3A_121 : i32
      scf.if %cond3A_122 {
        %dma_wait3A_202 = arith.constant 0 : i32
        %dma_wait3A_203 = arith.constant 0 : i32
        %dma_wait3A_204 = tpu.memref_slice %arg2[%dma_wait3A_202, %dma_wait3A_203] : memref<4096x56xi32, #tpu.memory_space<hbm>> -> memref<1x56xi32, #tpu.memory_space<hbm>>
        %dma_wait3A_205 = tpu.memref_squeeze %dma_wait3A_204 : memref<1x56xi32, #tpu.memory_space<hbm>> -> memref<56xi32, #tpu.memory_space<hbm>>
        %dma_wait3A_206 = arith.constant 0 : i32
        %dma_wait3A_207 = tpu.memref_slice %arg2[%dma_wait3A_202, %dma_wait3A_206] : memref<4096x56xi32, #tpu.memory_space<hbm>> -> memref<1x56xi32, #tpu.memory_space<hbm>>
        %dma_wait3A_208 = tpu.memref_squeeze %dma_wait3A_207 : memref<1x56xi32, #tpu.memory_space<hbm>> -> memref<56xi32, #tpu.memory_space<hbm>>
        tpu.wait_dma2 semaphore(%arg15 : memref<!tpu.dma_semaphore, #tpu.memory_space<semaphore_mem>>) src(%dma_wait3A_208 : memref<56xi32, #tpu.memory_space<hbm>>) dst(%arg7 : memref<56xi32, #tpu.memory_space<vmem>>)
        %add3A_209 = arith.constant 1 : i32
        %add3A_210 = arith.addi %add3A_115, %add3A_209 : i32
        %ge3A = arith.constant 4 : i32
        %ge3A_211 = arith.cmpi sge, %add3A_210, %ge3A : i32
        %convert_element_type3A_212 = arith.extui %ge3A_211 : i1 to i32
        %cond3A_213 = arith.constant 0 : i32
        %cond3A_214 = arith.cmpi ne, %convert_element_type3A_212, %cond3A_213 : i32
        scf.if %cond3A_214 {
          %dma_wait3A_218 = arith.constant 0 : i32
          %dma_wait3A_219 = arith.constant 0 : i32
          %dma_wait3A_220 = arith.constant 0 : i32
          %dma_wait3A_221 = tpu.memref_slice %arg4[%dma_wait3A_218, %dma_wait3A_219, %dma_wait3A_220] : memref<4096x56x128xf32, #tpu.memory_space<hbm>> -> memref<1x56x128xf32, #tpu.memory_space<hbm>>
          %dma_wait3A_222 = tpu.memref_squeeze %dma_wait3A_221 : memref<1x56x128xf32, #tpu.memory_space<hbm>> -> memref<56x128xf32, #tpu.memory_space<hbm>>
          %dma_wait3A_223 = arith.constant 0 : i32
          %dma_wait3A_224 = arith.constant 0 : i32
          %dma_wait3A_225 = tpu.memref_slice %arg4[%dma_wait3A_218, %dma_wait3A_223, %dma_wait3A_224] : memref<4096x56x128xf32, #tpu.memory_space<hbm>> -> memref<1x56x128xf32, #tpu.memory_space<hbm>>
          %dma_wait3A_226 = tpu.memref_squeeze %dma_wait3A_225 : memref<1x56x128xf32, #tpu.memory_space<hbm>> -> memref<56x128xf32, #tpu.memory_space<hbm>>
          tpu.wait_dma2 semaphore(%arg23 : memref<!tpu.dma_semaphore, #tpu.memory_space<semaphore_mem>>) src(%arg11 : memref<56x128xf32, #tpu.memory_space<vmem>>) dst(%dma_wait3A_226 : memref<56x128xf32, #tpu.memory_space<hbm>>)
        } else {
        }
        %dma_start3A_215 = arith.constant 0 : i32
        %dma_start3A_216 = arith.constant 0 : i32
        %dma_start3A_217 = tpu.memref_slice %arg3[%dma_start3A_215, %dma_start3A_216] : memref<1000000x128xf32, #tpu.memory_space<hbm>> -> memref<1000000x128xf32, #tpu.memory_space<hbm>>
        tpu.enqueue_indirect_dma source(%dma_start3A_217 : memref<1000000x128xf32, #tpu.memory_space<hbm>>) target(%arg11 : memref<56x128xf32, #tpu.memory_space<vmem>>) offsets(%arg7 : memref<56xi32, #tpu.memory_space<vmem>>) semaphore(%arg19 : memref<!tpu.dma_semaphore, #tpu.memory_space<semaphore_mem>>)
      } else {
      }
      %dma_wait3A_123 = arith.constant 0 : i32
      %dma_wait3A_124 = arith.constant 0 : i32
      %dma_wait3A_125 = tpu.memref_slice %arg3[%dma_wait3A_123, %dma_wait3A_124] : memref<1000000x128xf32, #tpu.memory_space<hbm>> -> memref<1000000x128xf32, #tpu.memory_space<hbm>>
      tpu.wait_indirect_dma semaphore(%arg18 : memref<!tpu.dma_semaphore, #tpu.memory_space<semaphore_mem>>) src(%dma_wait3A_125 : memref<1000000x128xf32, #tpu.memory_space<hbm>>) dst(%arg10 : memref<56x128xf32, #tpu.memory_space<vmem>>)
      %add3A_126 = arith.addi %mul3A_2, %add3A_115 : i32
      %dma_start3A_127 = arith.constant 0 : i32
      %dma_start3A_128 = arith.constant 0 : i32
      %dma_start3A_129 = tpu.memref_slice %arg4[%add3A_126, %dma_start3A_127, %dma_start3A_128] : memref<4096x56x128xf32, #tpu.memory_space<hbm>> -> memref<1x56x128xf32, #tpu.memory_space<hbm>>
      %dma_start3A_130 = tpu.memref_squeeze %dma_start3A_129 : memref<1x56x128xf32, #tpu.memory_space<hbm>> -> memref<56x128xf32, #tpu.memory_space<hbm>>
      %dma_start3A_131 = arith.constant 0 : i32
      %dma_start3A_132 = arith.constant 0 : i32
      %dma_start3A_133 = tpu.memref_slice %arg4[%add3A_126, %dma_start3A_131, %dma_start3A_132] : memref<4096x56x128xf32, #tpu.memory_space<hbm>> -> memref<1x56x128xf32, #tpu.memory_space<hbm>>
      %dma_start3A_134 = tpu.memref_squeeze %dma_start3A_133 : memref<1x56x128xf32, #tpu.memory_space<hbm>> -> memref<56x128xf32, #tpu.memory_space<hbm>>
      tpu.enqueue_dma source(%arg10 : memref<56x128xf32, #tpu.memory_space<vmem>>) target(%dma_start3A_134 : memref<56x128xf32, #tpu.memory_space<hbm>>) target_semaphore(%arg22 : memref<!tpu.dma_semaphore, #tpu.memory_space<semaphore_mem>>)
      %add3A_135 = arith.constant 4 : i32
      %add3A_136 = arith.addi %add3A_115, %add3A_135 : i32
      %lt3A_137 = arith.constant 128 : i32
      %lt3A_138 = arith.cmpi slt, %add3A_136, %lt3A_137 : i32
      %convert_element_type3A_139 = arith.extui %lt3A_138 : i1 to i32
      %cond3A_140 = arith.constant 0 : i32
      %cond3A_141 = arith.cmpi ne, %convert_element_type3A_139, %cond3A_140 : i32
      scf.if %cond3A_141 {
        %add3A_202 = arith.constant 4 : i32
        %add3A_203 = arith.addi %add3A_115, %add3A_202 : i32
        %add3A_204 = arith.addi %mul3A_2, %add3A_203 : i32
        %dma_start3A_205 = arith.constant 0 : i32
        %dma_start3A_206 = tpu.memref_slice %arg2[%add3A_204, %dma_start3A_205] : memref<4096x56xi32, #tpu.memory_space<hbm>> -> memref<1x56xi32, #tpu.memory_space<hbm>>
        %dma_start3A_207 = tpu.memref_squeeze %dma_start3A_206 : memref<1x56xi32, #tpu.memory_space<hbm>> -> memref<56xi32, #tpu.memory_space<hbm>>
        %dma_start3A_208 = arith.constant 0 : i32
        %dma_start3A_209 = tpu.memref_slice %arg2[%add3A_204, %dma_start3A_208] : memref<4096x56xi32, #tpu.memory_space<hbm>> -> memref<1x56xi32, #tpu.memory_space<hbm>>
        %dma_start3A_210 = tpu.memref_squeeze %dma_start3A_209 : memref<1x56xi32, #tpu.memory_space<hbm>> -> memref<56xi32, #tpu.memory_space<hbm>>
        tpu.enqueue_dma source(%dma_start3A_210 : memref<56xi32, #tpu.memory_space<hbm>>) target(%arg6 : memref<56xi32, #tpu.memory_space<vmem>>) target_semaphore(%arg14 : memref<!tpu.dma_semaphore, #tpu.memory_space<semaphore_mem>>)
      } else {
      }
      %mul3A_142 = arith.constant 4 : i32
      %mul3A_143 = arith.muli %scan3A_84, %mul3A_142 : i32
      %add3A_144 = arith.constant 2 : i32
      %add3A_145 = arith.addi %mul3A_143, %add3A_144 : i32
      %add3A_146 = arith.constant 1 : i32
      %add3A_147 = arith.addi %add3A_145, %add3A_146 : i32
      %lt3A_148 = arith.constant 128 : i32
      %lt3A_149 = arith.cmpi slt, %add3A_147, %lt3A_148 : i32
      %convert_element_type3A_150 = arith.extui %lt3A_149 : i1 to i32
      %cond3A_151 = arith.constant 0 : i32
      %cond3A_152 = arith.cmpi ne, %convert_element_type3A_150, %cond3A_151 : i32
      scf.if %cond3A_152 {
        %dma_wait3A_202 = arith.constant 0 : i32
        %dma_wait3A_203 = arith.constant 0 : i32
        %dma_wait3A_204 = tpu.memref_slice %arg2[%dma_wait3A_202, %dma_wait3A_203] : memref<4096x56xi32, #tpu.memory_space<hbm>> -> memref<1x56xi32, #tpu.memory_space<hbm>>
        %dma_wait3A_205 = tpu.memref_squeeze %dma_wait3A_204 : memref<1x56xi32, #tpu.memory_space<hbm>> -> memref<56xi32, #tpu.memory_space<hbm>>
        %dma_wait3A_206 = arith.constant 0 : i32
        %dma_wait3A_207 = tpu.memref_slice %arg2[%dma_wait3A_202, %dma_wait3A_206] : memref<4096x56xi32, #tpu.memory_space<hbm>> -> memref<1x56xi32, #tpu.memory_space<hbm>>
        %dma_wait3A_208 = tpu.memref_squeeze %dma_wait3A_207 : memref<1x56xi32, #tpu.memory_space<hbm>> -> memref<56xi32, #tpu.memory_space<hbm>>
        tpu.wait_dma2 semaphore(%arg16 : memref<!tpu.dma_semaphore, #tpu.memory_space<semaphore_mem>>) src(%dma_wait3A_208 : memref<56xi32, #tpu.memory_space<hbm>>) dst(%arg8 : memref<56xi32, #tpu.memory_space<vmem>>)
        %add3A_209 = arith.constant 1 : i32
        %add3A_210 = arith.addi %add3A_145, %add3A_209 : i32
        %ge3A = arith.constant 4 : i32
        %ge3A_211 = arith.cmpi sge, %add3A_210, %ge3A : i32
        %convert_element_type3A_212 = arith.extui %ge3A_211 : i1 to i32
        %cond3A_213 = arith.constant 0 : i32
        %cond3A_214 = arith.cmpi ne, %convert_element_type3A_212, %cond3A_213 : i32
        scf.if %cond3A_214 {
          %dma_wait3A_218 = arith.constant 0 : i32
          %dma_wait3A_219 = arith.constant 0 : i32
          %dma_wait3A_220 = arith.constant 0 : i32
          %dma_wait3A_221 = tpu.memref_slice %arg4[%dma_wait3A_218, %dma_wait3A_219, %dma_wait3A_220] : memref<4096x56x128xf32, #tpu.memory_space<hbm>> -> memref<1x56x128xf32, #tpu.memory_space<hbm>>
          %dma_wait3A_222 = tpu.memref_squeeze %dma_wait3A_221 : memref<1x56x128xf32, #tpu.memory_space<hbm>> -> memref<56x128xf32, #tpu.memory_space<hbm>>
          %dma_wait3A_223 = arith.constant 0 : i32
          %dma_wait3A_224 = arith.constant 0 : i32
          %dma_wait3A_225 = tpu.memref_slice %arg4[%dma_wait3A_218, %dma_wait3A_223, %dma_wait3A_224] : memref<4096x56x128xf32, #tpu.memory_space<hbm>> -> memref<1x56x128xf32, #tpu.memory_space<hbm>>
          %dma_wait3A_226 = tpu.memref_squeeze %dma_wait3A_225 : memref<1x56x128xf32, #tpu.memory_space<hbm>> -> memref<56x128xf32, #tpu.memory_space<hbm>>
          tpu.wait_dma2 semaphore(%arg24 : memref<!tpu.dma_semaphore, #tpu.memory_space<semaphore_mem>>) src(%arg12 : memref<56x128xf32, #tpu.memory_space<vmem>>) dst(%dma_wait3A_226 : memref<56x128xf32, #tpu.memory_space<hbm>>)
        } else {
        }
        %dma_start3A_215 = arith.constant 0 : i32
        %dma_start3A_216 = arith.constant 0 : i32
        %dma_start3A_217 = tpu.memref_slice %arg3[%dma_start3A_215, %dma_start3A_216] : memref<1000000x128xf32, #tpu.memory_space<hbm>> -> memref<1000000x128xf32, #tpu.memory_space<hbm>>
        tpu.enqueue_indirect_dma source(%dma_start3A_217 : memref<1000000x128xf32, #tpu.memory_space<hbm>>) target(%arg12 : memref<56x128xf32, #tpu.memory_space<vmem>>) offsets(%arg8 : memref<56xi32, #tpu.memory_space<vmem>>) semaphore(%arg20 : memref<!tpu.dma_semaphore, #tpu.memory_space<semaphore_mem>>)
      } else {
      }
      %dma_wait3A_153 = arith.constant 0 : i32
      %dma_wait3A_154 = arith.constant 0 : i32
      %dma_wait3A_155 = tpu.memref_slice %arg3[%dma_wait3A_153, %dma_wait3A_154] : memref<1000000x128xf32, #tpu.memory_space<hbm>> -> memref<1000000x128xf32, #tpu.memory_space<hbm>>
      tpu.wait_indirect_dma semaphore(%arg19 : memref<!tpu.dma_semaphore, #tpu.memory_space<semaphore_mem>>) src(%dma_wait3A_155 : memref<1000000x128xf32, #tpu.memory_space<hbm>>) dst(%arg11 : memref<56x128xf32, #tpu.memory_space<vmem>>)
      %add3A_156 = arith.addi %mul3A_2, %add3A_145 : i32
      %dma_start3A_157 = arith.constant 0 : i32
      %dma_start3A_158 = arith.constant 0 : i32
      %dma_start3A_159 = tpu.memref_slice %arg4[%add3A_156, %dma_start3A_157, %dma_start3A_158] : memref<4096x56x128xf32, #tpu.memory_space<hbm>> -> memref<1x56x128xf32, #tpu.memory_space<hbm>>
      %dma_start3A_160 = tpu.memref_squeeze %dma_start3A_159 : memref<1x56x128xf32, #tpu.memory_space<hbm>> -> memref<56x128xf32, #tpu.memory_space<hbm>>
      %dma_start3A_161 = arith.constant 0 : i32
      %dma_start3A_162 = arith.constant 0 : i32
      %dma_start3A_163 = tpu.memref_slice %arg4[%add3A_156, %dma_start3A_161, %dma_start3A_162] : memref<4096x56x128xf32, #tpu.memory_space<hbm>> -> memref<1x56x128xf32, #tpu.memory_space<hbm>>
      %dma_start3A_164 = tpu.memref_squeeze %dma_start3A_163 : memref<1x56x128xf32, #tpu.memory_space<hbm>> -> memref<56x128xf32, #tpu.memory_space<hbm>>
      tpu.enqueue_dma source(%arg11 : memref<56x128xf32, #tpu.memory_space<vmem>>) target(%dma_start3A_164 : memref<56x128xf32, #tpu.memory_space<hbm>>) target_semaphore(%arg23 : memref<!tpu.dma_semaphore, #tpu.memory_space<semaphore_mem>>)
      %add3A_165 = arith.constant 4 : i32
      %add3A_166 = arith.addi %add3A_145, %add3A_165 : i32
      %lt3A_167 = arith.constant 128 : i32
      %lt3A_168 = arith.cmpi slt, %add3A_166, %lt3A_167 : i32
      %convert_element_type3A_169 = arith.extui %lt3A_168 : i1 to i32
      %cond3A_170 = arith.constant 0 : i32
      %cond3A_171 = arith.cmpi ne, %convert_element_type3A_169, %cond3A_170 : i32
      scf.if %cond3A_171 {
        %add3A_202 = arith.constant 4 : i32
        %add3A_203 = arith.addi %add3A_145, %add3A_202 : i32
        %add3A_204 = arith.addi %mul3A_2, %add3A_203 : i32
        %dma_start3A_205 = arith.constant 0 : i32
        %dma_start3A_206 = tpu.memref_slice %arg2[%add3A_204, %dma_start3A_205] : memref<4096x56xi32, #tpu.memory_space<hbm>> -> memref<1x56xi32, #tpu.memory_space<hbm>>
        %dma_start3A_207 = tpu.memref_squeeze %dma_start3A_206 : memref<1x56xi32, #tpu.memory_space<hbm>> -> memref<56xi32, #tpu.memory_space<hbm>>
        %dma_start3A_208 = arith.constant 0 : i32
        %dma_start3A_209 = tpu.memref_slice %arg2[%add3A_204, %dma_start3A_208] : memref<4096x56xi32, #tpu.memory_space<hbm>> -> memref<1x56xi32, #tpu.memory_space<hbm>>
        %dma_start3A_210 = tpu.memref_squeeze %dma_start3A_209 : memref<1x56xi32, #tpu.memory_space<hbm>> -> memref<56xi32, #tpu.memory_space<hbm>>
        tpu.enqueue_dma source(%dma_start3A_210 : memref<56xi32, #tpu.memory_space<hbm>>) target(%arg7 : memref<56xi32, #tpu.memory_space<vmem>>) target_semaphore(%arg15 : memref<!tpu.dma_semaphore, #tpu.memory_space<semaphore_mem>>)
      } else {
      }
      %mul3A_172 = arith.constant 4 : i32
      %mul3A_173 = arith.muli %scan3A_84, %mul3A_172 : i32
      %add3A_174 = arith.constant 3 : i32
      %add3A_175 = arith.addi %mul3A_173, %add3A_174 : i32
      %add3A_176 = arith.constant 1 : i32
      %add3A_177 = arith.addi %add3A_175, %add3A_176 : i32
      %lt3A_178 = arith.constant 128 : i32
      %lt3A_179 = arith.cmpi slt, %add3A_177, %lt3A_178 : i32
      %convert_element_type3A_180 = arith.extui %lt3A_179 : i1 to i32
      %cond3A_181 = arith.constant 0 : i32
      %cond3A_182 = arith.cmpi ne, %convert_element_type3A_180, %cond3A_181 : i32
      scf.if %cond3A_182 {
        %dma_wait3A_202 = arith.constant 0 : i32
        %dma_wait3A_203 = arith.constant 0 : i32
        %dma_wait3A_204 = tpu.memref_slice %arg2[%dma_wait3A_202, %dma_wait3A_203] : memref<4096x56xi32, #tpu.memory_space<hbm>> -> memref<1x56xi32, #tpu.memory_space<hbm>>
        %dma_wait3A_205 = tpu.memref_squeeze %dma_wait3A_204 : memref<1x56xi32, #tpu.memory_space<hbm>> -> memref<56xi32, #tpu.memory_space<hbm>>
        %dma_wait3A_206 = arith.constant 0 : i32
        %dma_wait3A_207 = tpu.memref_slice %arg2[%dma_wait3A_202, %dma_wait3A_206] : memref<4096x56xi32, #tpu.memory_space<hbm>> -> memref<1x56xi32, #tpu.memory_space<hbm>>
        %dma_wait3A_208 = tpu.memref_squeeze %dma_wait3A_207 : memref<1x56xi32, #tpu.memory_space<hbm>> -> memref<56xi32, #tpu.memory_space<hbm>>
        tpu.wait_dma2 semaphore(%arg13 : memref<!tpu.dma_semaphore, #tpu.memory_space<semaphore_mem>>) src(%dma_wait3A_208 : memref<56xi32, #tpu.memory_space<hbm>>) dst(%arg5 : memref<56xi32, #tpu.memory_space<vmem>>)
        %add3A_209 = arith.constant 1 : i32
        %add3A_210 = arith.addi %add3A_175, %add3A_209 : i32
        %ge3A = arith.constant 4 : i32
        %ge3A_211 = arith.cmpi sge, %add3A_210, %ge3A : i32
        %convert_element_type3A_212 = arith.extui %ge3A_211 : i1 to i32
        %cond3A_213 = arith.constant 0 : i32
        %cond3A_214 = arith.cmpi ne, %convert_element_type3A_212, %cond3A_213 : i32
        scf.if %cond3A_214 {
          %dma_wait3A_218 = arith.constant 0 : i32
          %dma_wait3A_219 = arith.constant 0 : i32
          %dma_wait3A_220 = arith.constant 0 : i32
          %dma_wait3A_221 = tpu.memref_slice %arg4[%dma_wait3A_218, %dma_wait3A_219, %dma_wait3A_220] : memref<4096x56x128xf32, #tpu.memory_space<hbm>> -> memref<1x56x128xf32, #tpu.memory_space<hbm>>
          %dma_wait3A_222 = tpu.memref_squeeze %dma_wait3A_221 : memref<1x56x128xf32, #tpu.memory_space<hbm>> -> memref<56x128xf32, #tpu.memory_space<hbm>>
          %dma_wait3A_223 = arith.constant 0 : i32
          %dma_wait3A_224 = arith.constant 0 : i32
          %dma_wait3A_225 = tpu.memref_slice %arg4[%dma_wait3A_218, %dma_wait3A_223, %dma_wait3A_224] : memref<4096x56x128xf32, #tpu.memory_space<hbm>> -> memref<1x56x128xf32, #tpu.memory_space<hbm>>
          %dma_wait3A_226 = tpu.memref_squeeze %dma_wait3A_225 : memref<1x56x128xf32, #tpu.memory_space<hbm>> -> memref<56x128xf32, #tpu.memory_space<hbm>>
          tpu.wait_dma2 semaphore(%arg21 : memref<!tpu.dma_semaphore, #tpu.memory_space<semaphore_mem>>) src(%arg9 : memref<56x128xf32, #tpu.memory_space<vmem>>) dst(%dma_wait3A_226 : memref<56x128xf32, #tpu.memory_space<hbm>>)
        } else {
        }
        %dma_start3A_215 = arith.constant 0 : i32
        %dma_start3A_216 = arith.constant 0 : i32
        %dma_start3A_217 = tpu.memref_slice %arg3[%dma_start3A_215, %dma_start3A_216] : memref<1000000x128xf32, #tpu.memory_space<hbm>> -> memref<1000000x128xf32, #tpu.memory_space<hbm>>
        tpu.enqueue_indirect_dma source(%dma_start3A_217 : memref<1000000x128xf32, #tpu.memory_space<hbm>>) target(%arg9 : memref<56x128xf32, #tpu.memory_space<vmem>>) offsets(%arg5 : memref<56xi32, #tpu.memory_space<vmem>>) semaphore(%arg17 : memref<!tpu.dma_semaphore, #tpu.memory_space<semaphore_mem>>)
      } else {
      }
      %dma_wait3A_183 = arith.constant 0 : i32
      %dma_wait3A_184 = arith.constant 0 : i32
      %dma_wait3A_185 = tpu.memref_slice %arg3[%dma_wait3A_183, %dma_wait3A_184] : memref<1000000x128xf32, #tpu.memory_space<hbm>> -> memref<1000000x128xf32, #tpu.memory_space<hbm>>
      tpu.wait_indirect_dma semaphore(%arg20 : memref<!tpu.dma_semaphore, #tpu.memory_space<semaphore_mem>>) src(%dma_wait3A_185 : memref<1000000x128xf32, #tpu.memory_space<hbm>>) dst(%arg12 : memref<56x128xf32, #tpu.memory_space<vmem>>)
      %add3A_186 = arith.addi %mul3A_2, %add3A_175 : i32
      %dma_start3A_187 = arith.constant 0 : i32
      %dma_start3A_188 = arith.constant 0 : i32
      %dma_start3A_189 = tpu.memref_slice %arg4[%add3A_186, %dma_start3A_187, %dma_start3A_188] : memref<4096x56x128xf32, #tpu.memory_space<hbm>> -> memref<1x56x128xf32, #tpu.memory_space<hbm>>
      %dma_start3A_190 = tpu.memref_squeeze %dma_start3A_189 : memref<1x56x128xf32, #tpu.memory_space<hbm>> -> memref<56x128xf32, #tpu.memory_space<hbm>>
      %dma_start3A_191 = arith.constant 0 : i32
      %dma_start3A_192 = arith.constant 0 : i32
      %dma_start3A_193 = tpu.memref_slice %arg4[%add3A_186, %dma_start3A_191, %dma_start3A_192] : memref<4096x56x128xf32, #tpu.memory_space<hbm>> -> memref<1x56x128xf32, #tpu.memory_space<hbm>>
      %dma_start3A_194 = tpu.memref_squeeze %dma_start3A_193 : memref<1x56x128xf32, #tpu.memory_space<hbm>> -> memref<56x128xf32, #tpu.memory_space<hbm>>
      tpu.enqueue_dma source(%arg12 : memref<56x128xf32, #tpu.memory_space<vmem>>) target(%dma_start3A_194 : memref<56x128xf32, #tpu.memory_space<hbm>>) target_semaphore(%arg24 : memref<!tpu.dma_semaphore, #tpu.memory_space<semaphore_mem>>)
      %add3A_195 = arith.constant 4 : i32
      %add3A_196 = arith.addi %add3A_175, %add3A_195 : i32
      %lt3A_197 = arith.constant 128 : i32
      %lt3A_198 = arith.cmpi slt, %add3A_196, %lt3A_197 : i32
      %convert_element_type3A_199 = arith.extui %lt3A_198 : i1 to i32
      %cond3A_200 = arith.constant 0 : i32
      %cond3A_201 = arith.cmpi ne, %convert_element_type3A_199, %cond3A_200 : i32
      scf.if %cond3A_201 {
        %add3A_202 = arith.constant 4 : i32
        %add3A_203 = arith.addi %add3A_175, %add3A_202 : i32
        %add3A_204 = arith.addi %mul3A_2, %add3A_203 : i32
        %dma_start3A_205 = arith.constant 0 : i32
        %dma_start3A_206 = tpu.memref_slice %arg2[%add3A_204, %dma_start3A_205] : memref<4096x56xi32, #tpu.memory_space<hbm>> -> memref<1x56xi32, #tpu.memory_space<hbm>>
        %dma_start3A_207 = tpu.memref_squeeze %dma_start3A_206 : memref<1x56xi32, #tpu.memory_space<hbm>> -> memref<56xi32, #tpu.memory_space<hbm>>
        %dma_start3A_208 = arith.constant 0 : i32
        %dma_start3A_209 = tpu.memref_slice %arg2[%add3A_204, %dma_start3A_208] : memref<4096x56xi32, #tpu.memory_space<hbm>> -> memref<1x56xi32, #tpu.memory_space<hbm>>
        %dma_start3A_210 = tpu.memref_squeeze %dma_start3A_209 : memref<1x56xi32, #tpu.memory_space<hbm>> -> memref<56xi32, #tpu.memory_space<hbm>>
        tpu.enqueue_dma source(%dma_start3A_210 : memref<56xi32, #tpu.memory_space<hbm>>) target(%arg8 : memref<56xi32, #tpu.memory_space<vmem>>) target_semaphore(%arg16 : memref<!tpu.dma_semaphore, #tpu.memory_space<semaphore_mem>>)
      } else {
      }
    }
    %scan3A_47 = arith.constant 32 : i32
    %dma_wait3A_48 = arith.constant 0 : i32
    %dma_wait3A_49 = arith.constant 0 : i32
    %dma_wait3A_50 = arith.constant 0 : i32
    %dma_wait3A_51 = tpu.memref_slice %arg4[%dma_wait3A_48, %dma_wait3A_49, %dma_wait3A_50] : memref<4096x56x128xf32, #tpu.memory_space<hbm>> -> memref<1x56x128xf32, #tpu.memory_space<hbm>>
    %dma_wait3A_52 = tpu.memref_squeeze %dma_wait3A_51 : memref<1x56x128xf32, #tpu.memory_space<hbm>> -> memref<56x128xf32, #tpu.memory_space<hbm>>
    %dma_wait3A_53 = arith.constant 0 : i32
    %dma_wait3A_54 = arith.constant 0 : i32
    %dma_wait3A_55 = tpu.memref_slice %arg4[%dma_wait3A_48, %dma_wait3A_53, %dma_wait3A_54] : memref<4096x56x128xf32, #tpu.memory_space<hbm>> -> memref<1x56x128xf32, #tpu.memory_space<hbm>>
    %dma_wait3A_56 = tpu.memref_squeeze %dma_wait3A_55 : memref<1x56x128xf32, #tpu.memory_space<hbm>> -> memref<56x128xf32, #tpu.memory_space<hbm>>
    tpu.wait_dma2 semaphore(%arg21 : memref<!tpu.dma_semaphore, #tpu.memory_space<semaphore_mem>>) src(%arg9 : memref<56x128xf32, #tpu.memory_space<vmem>>) dst(%dma_wait3A_56 : memref<56x128xf32, #tpu.memory_space<hbm>>)
    %dma_wait3A_57 = arith.constant 0 : i32
    %dma_wait3A_58 = arith.constant 0 : i32
    %dma_wait3A_59 = arith.constant 0 : i32
    %dma_wait3A_60 = tpu.memref_slice %arg4[%dma_wait3A_57, %dma_wait3A_58, %dma_wait3A_59] : memref<4096x56x128xf32, #tpu.memory_space<hbm>> -> memref<1x56x128xf32, #tpu.memory_space<hbm>>
    %dma_wait3A_61 = tpu.memref_squeeze %dma_wait3A_60 : memref<1x56x128xf32, #tpu.memory_space<hbm>> -> memref<56x128xf32, #tpu.memory_space<hbm>>
    %dma_wait3A_62 = arith.constant 0 : i32
    %dma_wait3A_63 = arith.constant 0 : i32
    %dma_wait3A_64 = tpu.memref_slice %arg4[%dma_wait3A_57, %dma_wait3A_62, %dma_wait3A_63] : memref<4096x56x128xf32, #tpu.memory_space<hbm>> -> memref<1x56x128xf32, #tpu.memory_space<hbm>>
    %dma_wait3A_65 = tpu.memref_squeeze %dma_wait3A_64 : memref<1x56x128xf32, #tpu.memory_space<hbm>> -> memref<56x128xf32, #tpu.memory_space<hbm>>
    tpu.wait_dma2 semaphore(%arg22 : memref<!tpu.dma_semaphore, #tpu.memory_space<semaphore_mem>>) src(%arg10 : memref<56x128xf32, #tpu.memory_space<vmem>>) dst(%dma_wait3A_65 : memref<56x128xf32, #tpu.memory_space<hbm>>)
    %dma_wait3A_66 = arith.constant 0 : i32
    %dma_wait3A_67 = arith.constant 0 : i32
    %dma_wait3A_68 = arith.constant 0 : i32
    %dma_wait3A_69 = tpu.memref_slice %arg4[%dma_wait3A_66, %dma_wait3A_67, %dma_wait3A_68] : memref<4096x56x128xf32, #tpu.memory_space<hbm>> -> memref<1x56x128xf32, #tpu.memory_space<hbm>>
    %dma_wait3A_70 = tpu.memref_squeeze %dma_wait3A_69 : memref<1x56x128xf32, #tpu.memory_space<hbm>> -> memref<56x128xf32, #tpu.memory_space<hbm>>
    %dma_wait3A_71 = arith.constant 0 : i32
    %dma_wait3A_72 = arith.constant 0 : i32
    %dma_wait3A_73 = tpu.memref_slice %arg4[%dma_wait3A_66, %dma_wait3A_71, %dma_wait3A_72] : memref<4096x56x128xf32, #tpu.memory_space<hbm>> -> memref<1x56x128xf32, #tpu.memory_space<hbm>>
    %dma_wait3A_74 = tpu.memref_squeeze %dma_wait3A_73 : memref<1x56x128xf32, #tpu.memory_space<hbm>> -> memref<56x128xf32, #tpu.memory_space<hbm>>
    tpu.wait_dma2 semaphore(%arg23 : memref<!tpu.dma_semaphore, #tpu.memory_space<semaphore_mem>>) src(%arg11 : memref<56x128xf32, #tpu.memory_space<vmem>>) dst(%dma_wait3A_74 : memref<56x128xf32, #tpu.memory_space<hbm>>)
    %dma_wait3A_75 = arith.constant 0 : i32
    %dma_wait3A_76 = arith.constant 0 : i32
    %dma_wait3A_77 = arith.constant 0 : i32
    %dma_wait3A_78 = tpu.memref_slice %arg4[%dma_wait3A_75, %dma_wait3A_76, %dma_wait3A_77] : memref<4096x56x128xf32, #tpu.memory_space<hbm>> -> memref<1x56x128xf32, #tpu.memory_space<hbm>>
    %dma_wait3A_79 = tpu.memref_squeeze %dma_wait3A_78 : memref<1x56x128xf32, #tpu.memory_space<hbm>> -> memref<56x128xf32, #tpu.memory_space<hbm>>
    %dma_wait3A_80 = arith.constant 0 : i32
    %dma_wait3A_81 = arith.constant 0 : i32
    %dma_wait3A_82 = tpu.memref_slice %arg4[%dma_wait3A_75, %dma_wait3A_80, %dma_wait3A_81] : memref<4096x56x128xf32, #tpu.memory_space<hbm>> -> memref<1x56x128xf32, #tpu.memory_space<hbm>>
    %dma_wait3A_83 = tpu.memref_squeeze %dma_wait3A_82 : memref<1x56x128xf32, #tpu.memory_space<hbm>> -> memref<56x128xf32, #tpu.memory_space<hbm>>
    tpu.wait_dma2 semaphore(%arg24 : memref<!tpu.dma_semaphore, #tpu.memory_space<semaphore_mem>>) src(%arg12 : memref<56x128xf32, #tpu.memory_space<vmem>>) dst(%dma_wait3A_83 : memref<56x128xf32, #tpu.memory_space<hbm>>)
    return
  }
}

#map = affine_map<(d0, d1) -> (0, 0)>
#map1 = affine_map<(d0, d1) -> (0, 0, 0)>
module attributes {stable_mosaic.version = 14 : i64} {
  func.func @gather_kernel(%arg0: i32, %arg1: i32, %arg2: memref<4096x56xi32, #tpu.memory_space<hbm>>, %arg3: memref<1000000x128xf32, #tpu.memory_space<hbm>>, %arg4: memref<4096x56x128xf32, #tpu.memory_space<hbm>>, %arg5: memref<56xi32, #tpu.memory_space<vmem>>, %arg6: memref<56xi32, #tpu.memory_space<vmem>>, %arg7: memref<56xi32, #tpu.memory_space<vmem>>, %arg8: memref<56xi32, #tpu.memory_space<vmem>>, %arg9: memref<56x128xf32, #tpu.memory_space<vmem>>, %arg10: memref<56x128xf32, #tpu.memory_space<vmem>>, %arg11: memref<56x128xf32, #tpu.memory_space<vmem>>, %arg12: memref<56x128xf32, #tpu.memory_space<vmem>>, %arg13: memref<!tpu.dma_semaphore, #tpu.memory_space<semaphore_mem>>, %arg14: memref<!tpu.dma_semaphore, #tpu.memory_space<semaphore_mem>>, %arg15: memref<!tpu.dma_semaphore, #tpu.memory_space<semaphore_mem>>, %arg16: memref<!tpu.dma_semaphore, #tpu.memory_space<semaphore_mem>>, %arg17: memref<!tpu.dma_semaphore, #tpu.memory_space<semaphore_mem>>, %arg18: memref<!tpu.dma_semaphore, #tpu.memory_space<semaphore_mem>>, %arg19: memref<!tpu.dma_semaphore, #tpu.memory_space<semaphore_mem>>, %arg20: memref<!tpu.dma_semaphore, #tpu.memory_space<semaphore_mem>>, %arg21: memref<!tpu.dma_semaphore, #tpu.memory_space<semaphore_mem>>, %arg22: memref<!tpu.dma_semaphore, #tpu.memory_space<semaphore_mem>>, %arg23: memref<!tpu.dma_semaphore, #tpu.memory_space<semaphore_mem>>, %arg24: memref<!tpu.dma_semaphore, #tpu.memory_space<semaphore_mem>>) attributes {dimension_semantics = [#tpu.dimension_semantics<core_parallel>, #tpu.dimension_semantics<subcore_parallel>], iteration_bounds = array<i64: 2, 16>, scalar_prefetch = 0 : i64, scratch_operands = 20 : i64, tpu.core_type = #tpu.core_type<sc_vector_subcore>, window_params = [{transform_indices = #map}, {transform_indices = #map}, {transform_indices = #map1}]} {
    %mul3A = arith.constant 2 : i32
    %mul3A_0 = arith.muli %arg1, %mul3A : i32
    %add3A = arith.addi %mul3A_0, %arg0 : i32
    %mul3A_1 = arith.constant 128 : i32
    %mul3A_2 = arith.muli %add3A, %mul3A_1 : i32
    %add3A_3 = arith.constant 0 : i32
    %add3A_4 = arith.addi %mul3A_2, %add3A_3 : i32
    %dma_start3A = arith.constant 0 : i32
    %dma_start3A_5 = tpu.memref_slice %arg2[%add3A_4, %dma_start3A] : memref<4096x56xi32, #tpu.memory_space<hbm>> -> memref<1x56xi32, #tpu.memory_space<hbm>>
    %dma_start3A_6 = tpu.memref_squeeze %dma_start3A_5 : memref<1x56xi32, #tpu.memory_space<hbm>> -> memref<56xi32, #tpu.memory_space<hbm>>
    %dma_start3A_7 = arith.constant 0 : i32
    %dma_start3A_8 = tpu.memref_slice %arg2[%add3A_4, %dma_start3A_7] : memref<4096x56xi32, #tpu.memory_space<hbm>> -> memref<1x56xi32, #tpu.memory_space<hbm>>
    %dma_start3A_9 = tpu.memref_squeeze %dma_start3A_8 : memref<1x56xi32, #tpu.memory_space<hbm>> -> memref<56xi32, #tpu.memory_space<hbm>>
    tpu.enqueue_dma source(%dma_start3A_9 : memref<56xi32, #tpu.memory_space<hbm>>) target(%arg5 : memref<56xi32, #tpu.memory_space<vmem>>) target_semaphore(%arg13 : memref<!tpu.dma_semaphore, #tpu.memory_space<semaphore_mem>>)
    %add3A_10 = arith.constant 1 : i32
    %add3A_11 = arith.addi %mul3A_2, %add3A_10 : i32
    %dma_start3A_12 = arith.constant 0 : i32
    %dma_start3A_13 = tpu.memref_slice %arg2[%add3A_11, %dma_start3A_12] : memref<4096x56xi32, #tpu.memory_space<hbm>> -> memref<1x56xi32, #tpu.memory_space<hbm>>
    %dma_start3A_14 = tpu.memref_squeeze %dma_start3A_13 : memref<1x56xi32, #tpu.memory_space<hbm>> -> memref<56xi32, #tpu.memory_space<hbm>>
    %dma_start3A_15 = arith.constant 0 : i32
    %dma_start3A_16 = tpu.memref_slice %arg2[%add3A_11, %dma_start3A_15] : memref<4096x56xi32, #tpu.memory_space<hbm>> -> memref<1x56xi32, #tpu.memory_space<hbm>>
    %dma_start3A_17 = tpu.memref_squeeze %dma_start3A_16 : memref<1x56xi32, #tpu.memory_space<hbm>> -> memref<56xi32, #tpu.memory_space<hbm>>
    tpu.enqueue_dma source(%dma_start3A_17 : memref<56xi32, #tpu.memory_space<hbm>>) target(%arg6 : memref<56xi32, #tpu.memory_space<vmem>>) target_semaphore(%arg14 : memref<!tpu.dma_semaphore, #tpu.memory_space<semaphore_mem>>)
    %add3A_18 = arith.constant 2 : i32
    %add3A_19 = arith.addi %mul3A_2, %add3A_18 : i32
    %dma_start3A_20 = arith.constant 0 : i32
    %dma_start3A_21 = tpu.memref_slice %arg2[%add3A_19, %dma_start3A_20] : memref<4096x56xi32, #tpu.memory_space<hbm>> -> memref<1x56xi32, #tpu.memory_space<hbm>>
    %dma_start3A_22 = tpu.memref_squeeze %dma_start3A_21 : memref<1x56xi32, #tpu.memory_space<hbm>> -> memref<56xi32, #tpu.memory_space<hbm>>
    %dma_start3A_23 = arith.constant 0 : i32
    %dma_start3A_24 = tpu.memref_slice %arg2[%add3A_19, %dma_start3A_23] : memref<4096x56xi32, #tpu.memory_space<hbm>> -> memref<1x56xi32, #tpu.memory_space<hbm>>
    %dma_start3A_25 = tpu.memref_squeeze %dma_start3A_24 : memref<1x56xi32, #tpu.memory_space<hbm>> -> memref<56xi32, #tpu.memory_space<hbm>>
    tpu.enqueue_dma source(%dma_start3A_25 : memref<56xi32, #tpu.memory_space<hbm>>) target(%arg7 : memref<56xi32, #tpu.memory_space<vmem>>) target_semaphore(%arg15 : memref<!tpu.dma_semaphore, #tpu.memory_space<semaphore_mem>>)
    %add3A_26 = arith.constant 3 : i32
    %add3A_27 = arith.addi %mul3A_2, %add3A_26 : i32
    %dma_start3A_28 = arith.constant 0 : i32
    %dma_start3A_29 = tpu.memref_slice %arg2[%add3A_27, %dma_start3A_28] : memref<4096x56xi32, #tpu.memory_space<hbm>> -> memref<1x56xi32, #tpu.memory_space<hbm>>
    %dma_start3A_30 = tpu.memref_squeeze %dma_start3A_29 : memref<1x56xi32, #tpu.memory_space<hbm>> -> memref<56xi32, #tpu.memory_space<hbm>>
    %dma_start3A_31 = arith.constant 0 : i32
    %dma_start3A_32 = tpu.memref_slice %arg2[%add3A_27, %dma_start3A_31] : memref<4096x56xi32, #tpu.memory_space<hbm>> -> memref<1x56xi32, #tpu.memory_space<hbm>>
    %dma_start3A_33 = tpu.memref_squeeze %dma_start3A_32 : memref<1x56xi32, #tpu.memory_space<hbm>> -> memref<56xi32, #tpu.memory_space<hbm>>
    tpu.enqueue_dma source(%dma_start3A_33 : memref<56xi32, #tpu.memory_space<hbm>>) target(%arg8 : memref<56xi32, #tpu.memory_space<vmem>>) target_semaphore(%arg16 : memref<!tpu.dma_semaphore, #tpu.memory_space<semaphore_mem>>)
    %dma_wait3A = arith.constant 0 : i32
    %dma_wait3A_34 = arith.constant 0 : i32
    %dma_wait3A_35 = tpu.memref_slice %arg2[%dma_wait3A, %dma_wait3A_34] : memref<4096x56xi32, #tpu.memory_space<hbm>> -> memref<1x56xi32, #tpu.memory_space<hbm>>
    %dma_wait3A_36 = tpu.memref_squeeze %dma_wait3A_35 : memref<1x56xi32, #tpu.memory_space<hbm>> -> memref<56xi32, #tpu.memory_space<hbm>>
    %dma_wait3A_37 = arith.constant 0 : i32
    %dma_wait3A_38 = tpu.memref_slice %arg2[%dma_wait3A, %dma_wait3A_37] : memref<4096x56xi32, #tpu.memory_space<hbm>> -> memref<1x56xi32, #tpu.memory_space<hbm>>
    %dma_wait3A_39 = tpu.memref_squeeze %dma_wait3A_38 : memref<1x56xi32, #tpu.memory_space<hbm>> -> memref<56xi32, #tpu.memory_space<hbm>>
    tpu.wait_dma2 semaphore(%arg13 : memref<!tpu.dma_semaphore, #tpu.memory_space<semaphore_mem>>) src(%dma_wait3A_39 : memref<56xi32, #tpu.memory_space<hbm>>) dst(%arg5 : memref<56xi32, #tpu.memory_space<vmem>>)
    %dma_start3A_40 = arith.constant 0 : i32
    %dma_start3A_41 = arith.constant 0 : i32
    %dma_start3A_42 = tpu.memref_slice %arg3[%dma_start3A_40, %dma_start3A_41] : memref<1000000x128xf32, #tpu.memory_space<hbm>> -> memref<1000000x128xf32, #tpu.memory_space<hbm>>
    tpu.enqueue_indirect_dma source(%dma_start3A_42 : memref<1000000x128xf32, #tpu.memory_space<hbm>>) target(%arg9 : memref<56x128xf32, #tpu.memory_space<vmem>>) offsets(%arg5 : memref<56xi32, #tpu.memory_space<vmem>>) semaphore(%arg17 : memref<!tpu.dma_semaphore, #tpu.memory_space<semaphore_mem>>)
    %scan3A = arith.constant 0 : i32
    %scan3A_43 = arith.constant 0 : i32
    %scan3A_44 = arith.constant 32 : i32
    %scan3A_45 = arith.addi %scan3A_43, %scan3A_44 : i32
    %scan3A_46 = arith.constant 1 : i32
    scf.for %scan3A_84 = %scan3A_43 to %scan3A_45 step %scan3A_46  : i32 {
      %mul3A_85 = arith.constant 4 : i32
      %mul3A_86 = arith.muli %scan3A_84, %mul3A_85 : i32
      %add3A_87 = arith.constant 0 : i32
      %add3A_88 = arith.addi %mul3A_86, %add3A_87 : i32
      %add3A_89 = arith.constant 1 : i32
      %add3A_90 = arith.addi %add3A_88, %add3A_89 : i32
      %lt3A = arith.constant 128 : i32
      %lt3A_91 = arith.cmpi slt, %add3A_90, %lt3A : i32
      %convert_element_type3A = arith.extui %lt3A_91 : i1 to i32
      %cond3A = arith.constant 0 : i32
      %cond3A_92 = arith.cmpi ne, %convert_element_type3A, %cond3A : i32
      scf.if %cond3A_92 {
        %dma_wait3A_202 = arith.constant 0 : i32
        %dma_wait3A_203 = arith.constant 0 : i32
        %dma_wait3A_204 = tpu.memref_slice %arg2[%dma_wait3A_202, %dma_wait3A_203] : memref<4096x56xi32, #tpu.memory_space<hbm>> -> memref<1x56xi32, #tpu.memory_space<hbm>>
        %dma_wait3A_205 = tpu.memref_squeeze %dma_wait3A_204 : memref<1x56xi32, #tpu.memory_space<hbm>> -> memref<56xi32, #tpu.memory_space<hbm>>
        %dma_wait3A_206 = arith.constant 0 : i32
        %dma_wait3A_207 = tpu.memref_slice %arg2[%dma_wait3A_202, %dma_wait3A_206] : memref<4096x56xi32, #tpu.memory_space<hbm>> -> memref<1x56xi32, #tpu.memory_space<hbm>>
        %dma_wait3A_208 = tpu.memref_squeeze %dma_wait3A_207 : memref<1x56xi32, #tpu.memory_space<hbm>> -> memref<56xi32, #tpu.memory_space<hbm>>
        tpu.wait_dma2 semaphore(%arg14 : memref<!tpu.dma_semaphore, #tpu.memory_space<semaphore_mem>>) src(%dma_wait3A_208 : memref<56xi32, #tpu.memory_space<hbm>>) dst(%arg6 : memref<56xi32, #tpu.memory_space<vmem>>)
        %add3A_209 = arith.constant 1 : i32
        %add3A_210 = arith.addi %add3A_88, %add3A_209 : i32
        %ge3A = arith.constant 4 : i32
        %ge3A_211 = arith.cmpi sge, %add3A_210, %ge3A : i32
        %convert_element_type3A_212 = arith.extui %ge3A_211 : i1 to i32
        %cond3A_213 = arith.constant 0 : i32
        %cond3A_214 = arith.cmpi ne, %convert_element_type3A_212, %cond3A_213 : i32
        scf.if %cond3A_214 {
          %dma_wait3A_218 = arith.constant 0 : i32
          %dma_wait3A_219 = arith.constant 0 : i32
          %dma_wait3A_220 = arith.constant 0 : i32
          %dma_wait3A_221 = tpu.memref_slice %arg4[%dma_wait3A_218, %dma_wait3A_219, %dma_wait3A_220] : memref<4096x56x128xf32, #tpu.memory_space<hbm>> -> memref<1x56x128xf32, #tpu.memory_space<hbm>>
          %dma_wait3A_222 = tpu.memref_squeeze %dma_wait3A_221 : memref<1x56x128xf32, #tpu.memory_space<hbm>> -> memref<56x128xf32, #tpu.memory_space<hbm>>
          %dma_wait3A_223 = arith.constant 0 : i32
          %dma_wait3A_224 = arith.constant 0 : i32
          %dma_wait3A_225 = tpu.memref_slice %arg4[%dma_wait3A_218, %dma_wait3A_223, %dma_wait3A_224] : memref<4096x56x128xf32, #tpu.memory_space<hbm>> -> memref<1x56x128xf32, #tpu.memory_space<hbm>>
          %dma_wait3A_226 = tpu.memref_squeeze %dma_wait3A_225 : memref<1x56x128xf32, #tpu.memory_space<hbm>> -> memref<56x128xf32, #tpu.memory_space<hbm>>
          tpu.wait_dma2 semaphore(%arg22 : memref<!tpu.dma_semaphore, #tpu.memory_space<semaphore_mem>>) src(%arg10 : memref<56x128xf32, #tpu.memory_space<vmem>>) dst(%dma_wait3A_226 : memref<56x128xf32, #tpu.memory_space<hbm>>)
        } else {
        }
        %dma_start3A_215 = arith.constant 0 : i32
        %dma_start3A_216 = arith.constant 0 : i32
        %dma_start3A_217 = tpu.memref_slice %arg3[%dma_start3A_215, %dma_start3A_216] : memref<1000000x128xf32, #tpu.memory_space<hbm>> -> memref<1000000x128xf32, #tpu.memory_space<hbm>>
        tpu.enqueue_indirect_dma source(%dma_start3A_217 : memref<1000000x128xf32, #tpu.memory_space<hbm>>) target(%arg10 : memref<56x128xf32, #tpu.memory_space<vmem>>) offsets(%arg6 : memref<56xi32, #tpu.memory_space<vmem>>) semaphore(%arg18 : memref<!tpu.dma_semaphore, #tpu.memory_space<semaphore_mem>>)
      } else {
      }
      %dma_wait3A_93 = arith.constant 0 : i32
      %dma_wait3A_94 = arith.constant 0 : i32
      %dma_wait3A_95 = tpu.memref_slice %arg3[%dma_wait3A_93, %dma_wait3A_94] : memref<1000000x128xf32, #tpu.memory_space<hbm>> -> memref<1000000x128xf32, #tpu.memory_space<hbm>>
      tpu.wait_indirect_dma semaphore(%arg17 : memref<!tpu.dma_semaphore, #tpu.memory_space<semaphore_mem>>) src(%dma_wait3A_95 : memref<1000000x128xf32, #tpu.memory_space<hbm>>) dst(%arg9 : memref<56x128xf32, #tpu.memory_space<vmem>>)
      %add3A_96 = arith.addi %mul3A_2, %add3A_88 : i32
      %dma_start3A_97 = arith.constant 0 : i32
      %dma_start3A_98 = arith.constant 0 : i32
      %dma_start3A_99 = tpu.memref_slice %arg4[%add3A_96, %dma_start3A_97, %dma_start3A_98] : memref<4096x56x128xf32, #tpu.memory_space<hbm>> -> memref<1x56x128xf32, #tpu.memory_space<hbm>>
      %dma_start3A_100 = tpu.memref_squeeze %dma_start3A_99 : memref<1x56x128xf32, #tpu.memory_space<hbm>> -> memref<56x128xf32, #tpu.memory_space<hbm>>
      %dma_start3A_101 = arith.constant 0 : i32
      %dma_start3A_102 = arith.constant 0 : i32
      %dma_start3A_103 = tpu.memref_slice %arg4[%add3A_96, %dma_start3A_101, %dma_start3A_102] : memref<4096x56x128xf32, #tpu.memory_space<hbm>> -> memref<1x56x128xf32, #tpu.memory_space<hbm>>
      %dma_start3A_104 = tpu.memref_squeeze %dma_start3A_103 : memref<1x56x128xf32, #tpu.memory_space<hbm>> -> memref<56x128xf32, #tpu.memory_space<hbm>>
      tpu.enqueue_dma source(%arg9 : memref<56x128xf32, #tpu.memory_space<vmem>>) target(%dma_start3A_104 : memref<56x128xf32, #tpu.memory_space<hbm>>) target_semaphore(%arg21 : memref<!tpu.dma_semaphore, #tpu.memory_space<semaphore_mem>>)
      %add3A_105 = arith.constant 4 : i32
      %add3A_106 = arith.addi %add3A_88, %add3A_105 : i32
      %lt3A_107 = arith.constant 128 : i32
      %lt3A_108 = arith.cmpi slt, %add3A_106, %lt3A_107 : i32
      %convert_element_type3A_109 = arith.extui %lt3A_108 : i1 to i32
      %cond3A_110 = arith.constant 0 : i32
      %cond3A_111 = arith.cmpi ne, %convert_element_type3A_109, %cond3A_110 : i32
      scf.if %cond3A_111 {
        %add3A_202 = arith.constant 4 : i32
        %add3A_203 = arith.addi %add3A_88, %add3A_202 : i32
        %add3A_204 = arith.addi %mul3A_2, %add3A_203 : i32
        %dma_start3A_205 = arith.constant 0 : i32
        %dma_start3A_206 = tpu.memref_slice %arg2[%add3A_204, %dma_start3A_205] : memref<4096x56xi32, #tpu.memory_space<hbm>> -> memref<1x56xi32, #tpu.memory_space<hbm>>
        %dma_start3A_207 = tpu.memref_squeeze %dma_start3A_206 : memref<1x56xi32, #tpu.memory_space<hbm>> -> memref<56xi32, #tpu.memory_space<hbm>>
        %dma_start3A_208 = arith.constant 0 : i32
        %dma_start3A_209 = tpu.memref_slice %arg2[%add3A_204, %dma_start3A_208] : memref<4096x56xi32, #tpu.memory_space<hbm>> -> memref<1x56xi32, #tpu.memory_space<hbm>>
        %dma_start3A_210 = tpu.memref_squeeze %dma_start3A_209 : memref<1x56xi32, #tpu.memory_space<hbm>> -> memref<56xi32, #tpu.memory_space<hbm>>
        tpu.enqueue_dma source(%dma_start3A_210 : memref<56xi32, #tpu.memory_space<hbm>>) target(%arg5 : memref<56xi32, #tpu.memory_space<vmem>>) target_semaphore(%arg13 : memref<!tpu.dma_semaphore, #tpu.memory_space<semaphore_mem>>)
      } else {
      }
      %mul3A_112 = arith.constant 4 : i32
      %mul3A_113 = arith.muli %scan3A_84, %mul3A_112 : i32
      %add3A_114 = arith.constant 1 : i32
      %add3A_115 = arith.addi %mul3A_113, %add3A_114 : i32
      %add3A_116 = arith.constant 1 : i32
      %add3A_117 = arith.addi %add3A_115, %add3A_116 : i32
      %lt3A_118 = arith.constant 128 : i32
      %lt3A_119 = arith.cmpi slt, %add3A_117, %lt3A_118 : i32
      %convert_element_type3A_120 = arith.extui %lt3A_119 : i1 to i32
      %cond3A_121 = arith.constant 0 : i32
      %cond3A_122 = arith.cmpi ne, %convert_element_type3A_120, %cond3A_121 : i32
      scf.if %cond3A_122 {
        %dma_wait3A_202 = arith.constant 0 : i32
        %dma_wait3A_203 = arith.constant 0 : i32
        %dma_wait3A_204 = tpu.memref_slice %arg2[%dma_wait3A_202, %dma_wait3A_203] : memref<4096x56xi32, #tpu.memory_space<hbm>> -> memref<1x56xi32, #tpu.memory_space<hbm>>
        %dma_wait3A_205 = tpu.memref_squeeze %dma_wait3A_204 : memref<1x56xi32, #tpu.memory_space<hbm>> -> memref<56xi32, #tpu.memory_space<hbm>>
        %dma_wait3A_206 = arith.constant 0 : i32
        %dma_wait3A_207 = tpu.memref_slice %arg2[%dma_wait3A_202, %dma_wait3A_206] : memref<4096x56xi32, #tpu.memory_space<hbm>> -> memref<1x56xi32, #tpu.memory_space<hbm>>
        %dma_wait3A_208 = tpu.memref_squeeze %dma_wait3A_207 : memref<1x56xi32, #tpu.memory_space<hbm>> -> memref<56xi32, #tpu.memory_space<hbm>>
        tpu.wait_dma2 semaphore(%arg15 : memref<!tpu.dma_semaphore, #tpu.memory_space<semaphore_mem>>) src(%dma_wait3A_208 : memref<56xi32, #tpu.memory_space<hbm>>) dst(%arg7 : memref<56xi32, #tpu.memory_space<vmem>>)
        %add3A_209 = arith.constant 1 : i32
        %add3A_210 = arith.addi %add3A_115, %add3A_209 : i32
        %ge3A = arith.constant 4 : i32
        %ge3A_211 = arith.cmpi sge, %add3A_210, %ge3A : i32
        %convert_element_type3A_212 = arith.extui %ge3A_211 : i1 to i32
        %cond3A_213 = arith.constant 0 : i32
        %cond3A_214 = arith.cmpi ne, %convert_element_type3A_212, %cond3A_213 : i32
        scf.if %cond3A_214 {
          %dma_wait3A_218 = arith.constant 0 : i32
          %dma_wait3A_219 = arith.constant 0 : i32
          %dma_wait3A_220 = arith.constant 0 : i32
          %dma_wait3A_221 = tpu.memref_slice %arg4[%dma_wait3A_218, %dma_wait3A_219, %dma_wait3A_220] : memref<4096x56x128xf32, #tpu.memory_space<hbm>> -> memref<1x56x128xf32, #tpu.memory_space<hbm>>
          %dma_wait3A_222 = tpu.memref_squeeze %dma_wait3A_221 : memref<1x56x128xf32, #tpu.memory_space<hbm>> -> memref<56x128xf32, #tpu.memory_space<hbm>>
          %dma_wait3A_223 = arith.constant 0 : i32
          %dma_wait3A_224 = arith.constant 0 : i32
          %dma_wait3A_225 = tpu.memref_slice %arg4[%dma_wait3A_218, %dma_wait3A_223, %dma_wait3A_224] : memref<4096x56x128xf32, #tpu.memory_space<hbm>> -> memref<1x56x128xf32, #tpu.memory_space<hbm>>
          %dma_wait3A_226 = tpu.memref_squeeze %dma_wait3A_225 : memref<1x56x128xf32, #tpu.memory_space<hbm>> -> memref<56x128xf32, #tpu.memory_space<hbm>>
          tpu.wait_dma2 semaphore(%arg23 : memref<!tpu.dma_semaphore, #tpu.memory_space<semaphore_mem>>) src(%arg11 : memref<56x128xf32, #tpu.memory_space<vmem>>) dst(%dma_wait3A_226 : memref<56x128xf32, #tpu.memory_space<hbm>>)
        } else {
        }
        %dma_start3A_215 = arith.constant 0 : i32
        %dma_start3A_216 = arith.constant 0 : i32
        %dma_start3A_217 = tpu.memref_slice %arg3[%dma_start3A_215, %dma_start3A_216] : memref<1000000x128xf32, #tpu.memory_space<hbm>> -> memref<1000000x128xf32, #tpu.memory_space<hbm>>
        tpu.enqueue_indirect_dma source(%dma_start3A_217 : memref<1000000x128xf32, #tpu.memory_space<hbm>>) target(%arg11 : memref<56x128xf32, #tpu.memory_space<vmem>>) offsets(%arg7 : memref<56xi32, #tpu.memory_space<vmem>>) semaphore(%arg19 : memref<!tpu.dma_semaphore, #tpu.memory_space<semaphore_mem>>)
      } else {
      }
      %dma_wait3A_123 = arith.constant 0 : i32
      %dma_wait3A_124 = arith.constant 0 : i32
      %dma_wait3A_125 = tpu.memref_slice %arg3[%dma_wait3A_123, %dma_wait3A_124] : memref<1000000x128xf32, #tpu.memory_space<hbm>> -> memref<1000000x128xf32, #tpu.memory_space<hbm>>
      tpu.wait_indirect_dma semaphore(%arg18 : memref<!tpu.dma_semaphore, #tpu.memory_space<semaphore_mem>>) src(%dma_wait3A_125 : memref<1000000x128xf32, #tpu.memory_space<hbm>>) dst(%arg10 : memref<56x128xf32, #tpu.memory_space<vmem>>)
      %add3A_126 = arith.addi %mul3A_2, %add3A_115 : i32
      %dma_start3A_127 = arith.constant 0 : i32
      %dma_start3A_128 = arith.constant 0 : i32
      %dma_start3A_129 = tpu.memref_slice %arg4[%add3A_126, %dma_start3A_127, %dma_start3A_128] : memref<4096x56x128xf32, #tpu.memory_space<hbm>> -> memref<1x56x128xf32, #tpu.memory_space<hbm>>
      %dma_start3A_130 = tpu.memref_squeeze %dma_start3A_129 : memref<1x56x128xf32, #tpu.memory_space<hbm>> -> memref<56x128xf32, #tpu.memory_space<hbm>>
      %dma_start3A_131 = arith.constant 0 : i32
      %dma_start3A_132 = arith.constant 0 : i32
      %dma_start3A_133 = tpu.memref_slice %arg4[%add3A_126, %dma_start3A_131, %dma_start3A_132] : memref<4096x56x128xf32, #tpu.memory_space<hbm>> -> memref<1x56x128xf32, #tpu.memory_space<hbm>>
      %dma_start3A_134 = tpu.memref_squeeze %dma_start3A_133 : memref<1x56x128xf32, #tpu.memory_space<hbm>> -> memref<56x128xf32, #tpu.memory_space<hbm>>
      tpu.enqueue_dma source(%arg10 : memref<56x128xf32, #tpu.memory_space<vmem>>) target(%dma_start3A_134 : memref<56x128xf32, #tpu.memory_space<hbm>>) target_semaphore(%arg22 : memref<!tpu.dma_semaphore, #tpu.memory_space<semaphore_mem>>)
      %add3A_135 = arith.constant 4 : i32
      %add3A_136 = arith.addi %add3A_115, %add3A_135 : i32
      %lt3A_137 = arith.constant 128 : i32
      %lt3A_138 = arith.cmpi slt, %add3A_136, %lt3A_137 : i32
      %convert_element_type3A_139 = arith.extui %lt3A_138 : i1 to i32
      %cond3A_140 = arith.constant 0 : i32
      %cond3A_141 = arith.cmpi ne, %convert_element_type3A_139, %cond3A_140 : i32
      scf.if %cond3A_141 {
        %add3A_202 = arith.constant 4 : i32
        %add3A_203 = arith.addi %add3A_115, %add3A_202 : i32
        %add3A_204 = arith.addi %mul3A_2, %add3A_203 : i32
        %dma_start3A_205 = arith.constant 0 : i32
        %dma_start3A_206 = tpu.memref_slice %arg2[%add3A_204, %dma_start3A_205] : memref<4096x56xi32, #tpu.memory_space<hbm>> -> memref<1x56xi32, #tpu.memory_space<hbm>>
        %dma_start3A_207 = tpu.memref_squeeze %dma_start3A_206 : memref<1x56xi32, #tpu.memory_space<hbm>> -> memref<56xi32, #tpu.memory_space<hbm>>
        %dma_start3A_208 = arith.constant 0 : i32
        %dma_start3A_209 = tpu.memref_slice %arg2[%add3A_204, %dma_start3A_208] : memref<4096x56xi32, #tpu.memory_space<hbm>> -> memref<1x56xi32, #tpu.memory_space<hbm>>
        %dma_start3A_210 = tpu.memref_squeeze %dma_start3A_209 : memref<1x56xi32, #tpu.memory_space<hbm>> -> memref<56xi32, #tpu.memory_space<hbm>>
        tpu.enqueue_dma source(%dma_start3A_210 : memref<56xi32, #tpu.memory_space<hbm>>) target(%arg6 : memref<56xi32, #tpu.memory_space<vmem>>) target_semaphore(%arg14 : memref<!tpu.dma_semaphore, #tpu.memory_space<semaphore_mem>>)
      } else {
      }
      %mul3A_142 = arith.constant 4 : i32
      %mul3A_143 = arith.muli %scan3A_84, %mul3A_142 : i32
      %add3A_144 = arith.constant 2 : i32
      %add3A_145 = arith.addi %mul3A_143, %add3A_144 : i32
      %add3A_146 = arith.constant 1 : i32
      %add3A_147 = arith.addi %add3A_145, %add3A_146 : i32
      %lt3A_148 = arith.constant 128 : i32
      %lt3A_149 = arith.cmpi slt, %add3A_147, %lt3A_148 : i32
      %convert_element_type3A_150 = arith.extui %lt3A_149 : i1 to i32
      %cond3A_151 = arith.constant 0 : i32
      %cond3A_152 = arith.cmpi ne, %convert_element_type3A_150, %cond3A_151 : i32
      scf.if %cond3A_152 {
        %dma_wait3A_202 = arith.constant 0 : i32
        %dma_wait3A_203 = arith.constant 0 : i32
        %dma_wait3A_204 = tpu.memref_slice %arg2[%dma_wait3A_202, %dma_wait3A_203] : memref<4096x56xi32, #tpu.memory_space<hbm>> -> memref<1x56xi32, #tpu.memory_space<hbm>>
        %dma_wait3A_205 = tpu.memref_squeeze %dma_wait3A_204 : memref<1x56xi32, #tpu.memory_space<hbm>> -> memref<56xi32, #tpu.memory_space<hbm>>
        %dma_wait3A_206 = arith.constant 0 : i32
        %dma_wait3A_207 = tpu.memref_slice %arg2[%dma_wait3A_202, %dma_wait3A_206] : memref<4096x56xi32, #tpu.memory_space<hbm>> -> memref<1x56xi32, #tpu.memory_space<hbm>>
        %dma_wait3A_208 = tpu.memref_squeeze %dma_wait3A_207 : memref<1x56xi32, #tpu.memory_space<hbm>> -> memref<56xi32, #tpu.memory_space<hbm>>
        tpu.wait_dma2 semaphore(%arg16 : memref<!tpu.dma_semaphore, #tpu.memory_space<semaphore_mem>>) src(%dma_wait3A_208 : memref<56xi32, #tpu.memory_space<hbm>>) dst(%arg8 : memref<56xi32, #tpu.memory_space<vmem>>)
        %add3A_209 = arith.constant 1 : i32
        %add3A_210 = arith.addi %add3A_145, %add3A_209 : i32
        %ge3A = arith.constant 4 : i32
        %ge3A_211 = arith.cmpi sge, %add3A_210, %ge3A : i32
        %convert_element_type3A_212 = arith.extui %ge3A_211 : i1 to i32
        %cond3A_213 = arith.constant 0 : i32
        %cond3A_214 = arith.cmpi ne, %convert_element_type3A_212, %cond3A_213 : i32
        scf.if %cond3A_214 {
          %dma_wait3A_218 = arith.constant 0 : i32
          %dma_wait3A_219 = arith.constant 0 : i32
          %dma_wait3A_220 = arith.constant 0 : i32
          %dma_wait3A_221 = tpu.memref_slice %arg4[%dma_wait3A_218, %dma_wait3A_219, %dma_wait3A_220] : memref<4096x56x128xf32, #tpu.memory_space<hbm>> -> memref<1x56x128xf32, #tpu.memory_space<hbm>>
          %dma_wait3A_222 = tpu.memref_squeeze %dma_wait3A_221 : memref<1x56x128xf32, #tpu.memory_space<hbm>> -> memref<56x128xf32, #tpu.memory_space<hbm>>
          %dma_wait3A_223 = arith.constant 0 : i32
          %dma_wait3A_224 = arith.constant 0 : i32
          %dma_wait3A_225 = tpu.memref_slice %arg4[%dma_wait3A_218, %dma_wait3A_223, %dma_wait3A_224] : memref<4096x56x128xf32, #tpu.memory_space<hbm>> -> memref<1x56x128xf32, #tpu.memory_space<hbm>>
          %dma_wait3A_226 = tpu.memref_squeeze %dma_wait3A_225 : memref<1x56x128xf32, #tpu.memory_space<hbm>> -> memref<56x128xf32, #tpu.memory_space<hbm>>
          tpu.wait_dma2 semaphore(%arg24 : memref<!tpu.dma_semaphore, #tpu.memory_space<semaphore_mem>>) src(%arg12 : memref<56x128xf32, #tpu.memory_space<vmem>>) dst(%dma_wait3A_226 : memref<56x128xf32, #tpu.memory_space<hbm>>)
        } else {
        }
        %dma_start3A_215 = arith.constant 0 : i32
        %dma_start3A_216 = arith.constant 0 : i32
        %dma_start3A_217 = tpu.memref_slice %arg3[%dma_start3A_215, %dma_start3A_216] : memref<1000000x128xf32, #tpu.memory_space<hbm>> -> memref<1000000x128xf32, #tpu.memory_space<hbm>>
        tpu.enqueue_indirect_dma source(%dma_start3A_217 : memref<1000000x128xf32, #tpu.memory_space<hbm>>) target(%arg12 : memref<56x128xf32, #tpu.memory_space<vmem>>) offsets(%arg8 : memref<56xi32, #tpu.memory_space<vmem>>) semaphore(%arg20 : memref<!tpu.dma_semaphore, #tpu.memory_space<semaphore_mem>>)
      } else {
      }
      %dma_wait3A_153 = arith.constant 0 : i32
      %dma_wait3A_154 = arith.constant 0 : i32
      %dma_wait3A_155 = tpu.memref_slice %arg3[%dma_wait3A_153, %dma_wait3A_154] : memref<1000000x128xf32, #tpu.memory_space<hbm>> -> memref<1000000x128xf32, #tpu.memory_space<hbm>>
      tpu.wait_indirect_dma semaphore(%arg19 : memref<!tpu.dma_semaphore, #tpu.memory_space<semaphore_mem>>) src(%dma_wait3A_155 : memref<1000000x128xf32, #tpu.memory_space<hbm>>) dst(%arg11 : memref<56x128xf32, #tpu.memory_space<vmem>>)
      %add3A_156 = arith.addi %mul3A_2, %add3A_145 : i32
      %dma_start3A_157 = arith.constant 0 : i32
      %dma_start3A_158 = arith.constant 0 : i32
      %dma_start3A_159 = tpu.memref_slice %arg4[%add3A_156, %dma_start3A_157, %dma_start3A_158] : memref<4096x56x128xf32, #tpu.memory_space<hbm>> -> memref<1x56x128xf32, #tpu.memory_space<hbm>>
      %dma_start3A_160 = tpu.memref_squeeze %dma_start3A_159 : memref<1x56x128xf32, #tpu.memory_space<hbm>> -> memref<56x128xf32, #tpu.memory_space<hbm>>
      %dma_start3A_161 = arith.constant 0 : i32
      %dma_start3A_162 = arith.constant 0 : i32
      %dma_start3A_163 = tpu.memref_slice %arg4[%add3A_156, %dma_start3A_161, %dma_start3A_162] : memref<4096x56x128xf32, #tpu.memory_space<hbm>> -> memref<1x56x128xf32, #tpu.memory_space<hbm>>
      %dma_start3A_164 = tpu.memref_squeeze %dma_start3A_163 : memref<1x56x128xf32, #tpu.memory_space<hbm>> -> memref<56x128xf32, #tpu.memory_space<hbm>>
      tpu.enqueue_dma source(%arg11 : memref<56x128xf32, #tpu.memory_space<vmem>>) target(%dma_start3A_164 : memref<56x128xf32, #tpu.memory_space<hbm>>) target_semaphore(%arg23 : memref<!tpu.dma_semaphore, #tpu.memory_space<semaphore_mem>>)
      %add3A_165 = arith.constant 4 : i32
      %add3A_166 = arith.addi %add3A_145, %add3A_165 : i32
      %lt3A_167 = arith.constant 128 : i32
      %lt3A_168 = arith.cmpi slt, %add3A_166, %lt3A_167 : i32
      %convert_element_type3A_169 = arith.extui %lt3A_168 : i1 to i32
      %cond3A_170 = arith.constant 0 : i32
      %cond3A_171 = arith.cmpi ne, %convert_element_type3A_169, %cond3A_170 : i32
      scf.if %cond3A_171 {
        %add3A_202 = arith.constant 4 : i32
        %add3A_203 = arith.addi %add3A_145, %add3A_202 : i32
        %add3A_204 = arith.addi %mul3A_2, %add3A_203 : i32
        %dma_start3A_205 = arith.constant 0 : i32
        %dma_start3A_206 = tpu.memref_slice %arg2[%add3A_204, %dma_start3A_205] : memref<4096x56xi32, #tpu.memory_space<hbm>> -> memref<1x56xi32, #tpu.memory_space<hbm>>
        %dma_start3A_207 = tpu.memref_squeeze %dma_start3A_206 : memref<1x56xi32, #tpu.memory_space<hbm>> -> memref<56xi32, #tpu.memory_space<hbm>>
        %dma_start3A_208 = arith.constant 0 : i32
        %dma_start3A_209 = tpu.memref_slice %arg2[%add3A_204, %dma_start3A_208] : memref<4096x56xi32, #tpu.memory_space<hbm>> -> memref<1x56xi32, #tpu.memory_space<hbm>>
        %dma_start3A_210 = tpu.memref_squeeze %dma_start3A_209 : memref<1x56xi32, #tpu.memory_space<hbm>> -> memref<56xi32, #tpu.memory_space<hbm>>
        tpu.enqueue_dma source(%dma_start3A_210 : memref<56xi32, #tpu.memory_space<hbm>>) target(%arg7 : memref<56xi32, #tpu.memory_space<vmem>>) target_semaphore(%arg15 : memref<!tpu.dma_semaphore, #tpu.memory_space<semaphore_mem>>)
      } else {
      }
      %mul3A_172 = arith.constant 4 : i32
      %mul3A_173 = arith.muli %scan3A_84, %mul3A_172 : i32
      %add3A_174 = arith.constant 3 : i32
      %add3A_175 = arith.addi %mul3A_173, %add3A_174 : i32
      %add3A_176 = arith.constant 1 : i32
      %add3A_177 = arith.addi %add3A_175, %add3A_176 : i32
      %lt3A_178 = arith.constant 128 : i32
      %lt3A_179 = arith.cmpi slt, %add3A_177, %lt3A_178 : i32
      %convert_element_type3A_180 = arith.extui %lt3A_179 : i1 to i32
      %cond3A_181 = arith.constant 0 : i32
      %cond3A_182 = arith.cmpi ne, %convert_element_type3A_180, %cond3A_181 : i32
      scf.if %cond3A_182 {
        %dma_wait3A_202 = arith.constant 0 : i32
        %dma_wait3A_203 = arith.constant 0 : i32
        %dma_wait3A_204 = tpu.memref_slice %arg2[%dma_wait3A_202, %dma_wait3A_203] : memref<4096x56xi32, #tpu.memory_space<hbm>> -> memref<1x56xi32, #tpu.memory_space<hbm>>
        %dma_wait3A_205 = tpu.memref_squeeze %dma_wait3A_204 : memref<1x56xi32, #tpu.memory_space<hbm>> -> memref<56xi32, #tpu.memory_space<hbm>>
        %dma_wait3A_206 = arith.constant 0 : i32
        %dma_wait3A_207 = tpu.memref_slice %arg2[%dma_wait3A_202, %dma_wait3A_206] : memref<4096x56xi32, #tpu.memory_space<hbm>> -> memref<1x56xi32, #tpu.memory_space<hbm>>
        %dma_wait3A_208 = tpu.memref_squeeze %dma_wait3A_207 : memref<1x56xi32, #tpu.memory_space<hbm>> -> memref<56xi32, #tpu.memory_space<hbm>>
        tpu.wait_dma2 semaphore(%arg13 : memref<!tpu.dma_semaphore, #tpu.memory_space<semaphore_mem>>) src(%dma_wait3A_208 : memref<56xi32, #tpu.memory_space<hbm>>) dst(%arg5 : memref<56xi32, #tpu.memory_space<vmem>>)
        %add3A_209 = arith.constant 1 : i32
        %add3A_210 = arith.addi %add3A_175, %add3A_209 : i32
        %ge3A = arith.constant 4 : i32
        %ge3A_211 = arith.cmpi sge, %add3A_210, %ge3A : i32
        %convert_element_type3A_212 = arith.extui %ge3A_211 : i1 to i32
        %cond3A_213 = arith.constant 0 : i32
        %cond3A_214 = arith.cmpi ne, %convert_element_type3A_212, %cond3A_213 : i32
        scf.if %cond3A_214 {
          %dma_wait3A_218 = arith.constant 0 : i32
          %dma_wait3A_219 = arith.constant 0 : i32
          %dma_wait3A_220 = arith.constant 0 : i32
          %dma_wait3A_221 = tpu.memref_slice %arg4[%dma_wait3A_218, %dma_wait3A_219, %dma_wait3A_220] : memref<4096x56x128xf32, #tpu.memory_space<hbm>> -> memref<1x56x128xf32, #tpu.memory_space<hbm>>
          %dma_wait3A_222 = tpu.memref_squeeze %dma_wait3A_221 : memref<1x56x128xf32, #tpu.memory_space<hbm>> -> memref<56x128xf32, #tpu.memory_space<hbm>>
          %dma_wait3A_223 = arith.constant 0 : i32
          %dma_wait3A_224 = arith.constant 0 : i32
          %dma_wait3A_225 = tpu.memref_slice %arg4[%dma_wait3A_218, %dma_wait3A_223, %dma_wait3A_224] : memref<4096x56x128xf32, #tpu.memory_space<hbm>> -> memref<1x56x128xf32, #tpu.memory_space<hbm>>
          %dma_wait3A_226 = tpu.memref_squeeze %dma_wait3A_225 : memref<1x56x128xf32, #tpu.memory_space<hbm>> -> memref<56x128xf32, #tpu.memory_space<hbm>>
          tpu.wait_dma2 semaphore(%arg21 : memref<!tpu.dma_semaphore, #tpu.memory_space<semaphore_mem>>) src(%arg9 : memref<56x128xf32, #tpu.memory_space<vmem>>) dst(%dma_wait3A_226 : memref<56x128xf32, #tpu.memory_space<hbm>>)
        } else {
        }
        %dma_start3A_215 = arith.constant 0 : i32
        %dma_start3A_216 = arith.constant 0 : i32
        %dma_start3A_217 = tpu.memref_slice %arg3[%dma_start3A_215, %dma_start3A_216] : memref<1000000x128xf32, #tpu.memory_space<hbm>> -> memref<1000000x128xf32, #tpu.memory_space<hbm>>
        tpu.enqueue_indirect_dma source(%dma_start3A_217 : memref<1000000x128xf32, #tpu.memory_space<hbm>>) target(%arg9 : memref<56x128xf32, #tpu.memory_space<vmem>>) offsets(%arg5 : memref<56xi32, #tpu.memory_space<vmem>>) semaphore(%arg17 : memref<!tpu.dma_semaphore, #tpu.memory_space<semaphore_mem>>)
      } else {
      }
      %dma_wait3A_183 = arith.constant 0 : i32
      %dma_wait3A_184 = arith.constant 0 : i32
      %dma_wait3A_185 = tpu.memref_slice %arg3[%dma_wait3A_183, %dma_wait3A_184] : memref<1000000x128xf32, #tpu.memory_space<hbm>> -> memref<1000000x128xf32, #tpu.memory_space<hbm>>
      tpu.wait_indirect_dma semaphore(%arg20 : memref<!tpu.dma_semaphore, #tpu.memory_space<semaphore_mem>>) src(%dma_wait3A_185 : memref<1000000x128xf32, #tpu.memory_space<hbm>>) dst(%arg12 : memref<56x128xf32, #tpu.memory_space<vmem>>)
      %add3A_186 = arith.addi %mul3A_2, %add3A_175 : i32
      %dma_start3A_187 = arith.constant 0 : i32
      %dma_start3A_188 = arith.constant 0 : i32
      %dma_start3A_189 = tpu.memref_slice %arg4[%add3A_186, %dma_start3A_187, %dma_start3A_188] : memref<4096x56x128xf32, #tpu.memory_space<hbm>> -> memref<1x56x128xf32, #tpu.memory_space<hbm>>
      %dma_start3A_190 = tpu.memref_squeeze %dma_start3A_189 : memref<1x56x128xf32, #tpu.memory_space<hbm>> -> memref<56x128xf32, #tpu.memory_space<hbm>>
      %dma_start3A_191 = arith.constant 0 : i32
      %dma_start3A_192 = arith.constant 0 : i32
      %dma_start3A_193 = tpu.memref_slice %arg4[%add3A_186, %dma_start3A_191, %dma_start3A_192] : memref<4096x56x128xf32, #tpu.memory_space<hbm>> -> memref<1x56x128xf32, #tpu.memory_space<hbm>>
      %dma_start3A_194 = tpu.memref_squeeze %dma_start3A_193 : memref<1x56x128xf32, #tpu.memory_space<hbm>> -> memref<56x128xf32, #tpu.memory_space<hbm>>
      tpu.enqueue_dma source(%arg12 : memref<56x128xf32, #tpu.memory_space<vmem>>) target(%dma_start3A_194 : memref<56x128xf32, #tpu.memory_space<hbm>>) target_semaphore(%arg24 : memref<!tpu.dma_semaphore, #tpu.memory_space<semaphore_mem>>)
      %add3A_195 = arith.constant 4 : i32
      %add3A_196 = arith.addi %add3A_175, %add3A_195 : i32
      %lt3A_197 = arith.constant 128 : i32
      %lt3A_198 = arith.cmpi slt, %add3A_196, %lt3A_197 : i32
      %convert_element_type3A_199 = arith.extui %lt3A_198 : i1 to i32
      %cond3A_200 = arith.constant 0 : i32
      %cond3A_201 = arith.cmpi ne, %convert_element_type3A_199, %cond3A_200 : i32
      scf.if %cond3A_201 {
        %add3A_202 = arith.constant 4 : i32
        %add3A_203 = arith.addi %add3A_175, %add3A_202 : i32
        %add3A_204 = arith.addi %mul3A_2, %add3A_203 : i32
        %dma_start3A_205 = arith.constant 0 : i32
        %dma_start3A_206 = tpu.memref_slice %arg2[%add3A_204, %dma_start3A_205] : memref<4096x56xi32, #tpu.memory_space<hbm>> -> memref<1x56xi32, #tpu.memory_space<hbm>>
        %dma_start3A_207 = tpu.memref_squeeze %dma_start3A_206 : memref<1x56xi32, #tpu.memory_space<hbm>> -> memref<56xi32, #tpu.memory_space<hbm>>
        %dma_start3A_208 = arith.constant 0 : i32
        %dma_start3A_209 = tpu.memref_slice %arg2[%add3A_204, %dma_start3A_208] : memref<4096x56xi32, #tpu.memory_space<hbm>> -> memref<1x56xi32, #tpu.memory_space<hbm>>
        %dma_start3A_210 = tpu.memref_squeeze %dma_start3A_209 : memref<1x56xi32, #tpu.memory_space<hbm>> -> memref<56xi32, #tpu.memory_space<hbm>>
        tpu.enqueue_dma source(%dma_start3A_210 : memref<56xi32, #tpu.memory_space<hbm>>) target(%arg8 : memref<56xi32, #tpu.memory_space<vmem>>) target_semaphore(%arg16 : memref<!tpu.dma_semaphore, #tpu.memory_space<semaphore_mem>>)
      } else {
      }
    }
    %scan3A_47 = arith.constant 32 : i32
    %dma_wait3A_48 = arith.constant 0 : i32
    %dma_wait3A_49 = arith.constant 0 : i32
    %dma_wait3A_50 = arith.constant 0 : i32
    %dma_wait3A_51 = tpu.memref_slice %arg4[%dma_wait3A_48, %dma_wait3A_49, %dma_wait3A_50] : memref<4096x56x128xf32, #tpu.memory_space<hbm>> -> memref<1x56x128xf32, #tpu.memory_space<hbm>>
    %dma_wait3A_52 = tpu.memref_squeeze %dma_wait3A_51 : memref<1x56x128xf32, #tpu.memory_space<hbm>> -> memref<56x128xf32, #tpu.memory_space<hbm>>
    %dma_wait3A_53 = arith.constant 0 : i32
    %dma_wait3A_54 = arith.constant 0 : i32
    %dma_wait3A_55 = tpu.memref_slice %arg4[%dma_wait3A_48, %dma_wait3A_53, %dma_wait3A_54] : memref<4096x56x128xf32, #tpu.memory_space<hbm>> -> memref<1x56x128xf32, #tpu.memory_space<hbm>>
    %dma_wait3A_56 = tpu.memref_squeeze %dma_wait3A_55 : memref<1x56x128xf32, #tpu.memory_space<hbm>> -> memref<56x128xf32, #tpu.memory_space<hbm>>
    tpu.wait_dma2 semaphore(%arg21 : memref<!tpu.dma_semaphore, #tpu.memory_space<semaphore_mem>>) src(%arg9 : memref<56x128xf32, #tpu.memory_space<vmem>>) dst(%dma_wait3A_56 : memref<56x128xf32, #tpu.memory_space<hbm>>)
    %dma_wait3A_57 = arith.constant 0 : i32
    %dma_wait3A_58 = arith.constant 0 : i32
    %dma_wait3A_59 = arith.constant 0 : i32
    %dma_wait3A_60 = tpu.memref_slice %arg4[%dma_wait3A_57, %dma_wait3A_58, %dma_wait3A_59] : memref<4096x56x128xf32, #tpu.memory_space<hbm>> -> memref<1x56x128xf32, #tpu.memory_space<hbm>>
    %dma_wait3A_61 = tpu.memref_squeeze %dma_wait3A_60 : memref<1x56x128xf32, #tpu.memory_space<hbm>> -> memref<56x128xf32, #tpu.memory_space<hbm>>
    %dma_wait3A_62 = arith.constant 0 : i32
    %dma_wait3A_63 = arith.constant 0 : i32
    %dma_wait3A_64 = tpu.memref_slice %arg4[%dma_wait3A_57, %dma_wait3A_62, %dma_wait3A_63] : memref<4096x56x128xf32, #tpu.memory_space<hbm>> -> memref<1x56x128xf32, #tpu.memory_space<hbm>>
    %dma_wait3A_65 = tpu.memref_squeeze %dma_wait3A_64 : memref<1x56x128xf32, #tpu.memory_space<hbm>> -> memref<56x128xf32, #tpu.memory_space<hbm>>
    tpu.wait_dma2 semaphore(%arg22 : memref<!tpu.dma_semaphore, #tpu.memory_space<semaphore_mem>>) src(%arg10 : memref<56x128xf32, #tpu.memory_space<vmem>>) dst(%dma_wait3A_65 : memref<56x128xf32, #tpu.memory_space<hbm>>)
    %dma_wait3A_66 = arith.constant 0 : i32
    %dma_wait3A_67 = arith.constant 0 : i32
    %dma_wait3A_68 = arith.constant 0 : i32
    %dma_wait3A_69 = tpu.memref_slice %arg4[%dma_wait3A_66, %dma_wait3A_67, %dma_wait3A_68] : memref<4096x56x128xf32, #tpu.memory_space<hbm>> -> memref<1x56x128xf32, #tpu.memory_space<hbm>>
    %dma_wait3A_70 = tpu.memref_squeeze %dma_wait3A_69 : memref<1x56x128xf32, #tpu.memory_space<hbm>> -> memref<56x128xf32, #tpu.memory_space<hbm>>
    %dma_wait3A_71 = arith.constant 0 : i32
    %dma_wait3A_72 = arith.constant 0 : i32
    %dma_wait3A_73 = tpu.memref_slice %arg4[%dma_wait3A_66, %dma_wait3A_71, %dma_wait3A_72] : memref<4096x56x128xf32, #tpu.memory_space<hbm>> -> memref<1x56x128xf32, #tpu.memory_space<hbm>>
    %dma_wait3A_74 = tpu.memref_squeeze %dma_wait3A_73 : memref<1x56x128xf32, #tpu.memory_space<hbm>> -> memref<56x128xf32, #tpu.memory_space<hbm>>
    tpu.wait_dma2 semaphore(%arg23 : memref<!tpu.dma_semaphore, #tpu.memory_space<semaphore_mem>>) src(%arg11 : memref<56x128xf32, #tpu.memory_space<vmem>>) dst(%dma_wait3A_74 : memref<56x128xf32, #tpu.memory_space<hbm>>)
    %dma_wait3A_75 = arith.constant 0 : i32
    %dma_wait3A_76 = arith.constant 0 : i32
    %dma_wait3A_77 = arith.constant 0 : i32
    %dma_wait3A_78 = tpu.memref_slice %arg4[%dma_wait3A_75, %dma_wait3A_76, %dma_wait3A_77] : memref<4096x56x128xf32, #tpu.memory_space<hbm>> -> memref<1x56x128xf32, #tpu.memory_space<hbm>>
    %dma_wait3A_79 = tpu.memref_squeeze %dma_wait3A_78 : memref<1x56x128xf32, #tpu.memory_space<hbm>> -> memref<56x128xf32, #tpu.memory_space<hbm>>
    %dma_wait3A_80 = arith.constant 0 : i32
    %dma_wait3A_81 = arith.constant 0 : i32
    %dma_wait3A_82 = tpu.memref_slice %arg4[%dma_wait3A_75, %dma_wait3A_80, %dma_wait3A_81] : memref<4096x56x128xf32, #tpu.memory_space<hbm>> -> memref<1x56x128xf32, #tpu.memory_space<hbm>>
    %dma_wait3A_83 = tpu.memref_squeeze %dma_wait3A_82 : memref<1x56x128xf32, #tpu.memory_space<hbm>> -> memref<56x128xf32, #tpu.memory_space<hbm>>
    tpu.wait_dma2 semaphore(%arg24 : memref<!tpu.dma_semaphore, #tpu.memory_space<semaphore_mem>>) src(%arg12 : memref<56x128xf32, #tpu.memory_space<vmem>>) dst(%dma_wait3A_83 : memref<56x128xf32, #tpu.memory_space<hbm>>)
    return
  }
}

#map = affine_map<(d0, d1) -> (0, 0)>
#map1 = affine_map<(d0, d1) -> (0, 0, 0)>
module attributes {stable_mosaic.version = 14 : i64} {
  func.func @gather_kernel(%arg0: i32, %arg1: i32, %arg2: memref<4096x32xi32, #tpu.memory_space<hbm>>, %arg3: memref<1000000x128xf32, #tpu.memory_space<hbm>>, %arg4: memref<4096x32x128xf32, #tpu.memory_space<hbm>>, %arg5: memref<32xi32, #tpu.memory_space<vmem>>, %arg6: memref<32xi32, #tpu.memory_space<vmem>>, %arg7: memref<32xi32, #tpu.memory_space<vmem>>, %arg8: memref<32xi32, #tpu.memory_space<vmem>>, %arg9: memref<32x128xf32, #tpu.memory_space<vmem>>, %arg10: memref<32x128xf32, #tpu.memory_space<vmem>>, %arg11: memref<32x128xf32, #tpu.memory_space<vmem>>, %arg12: memref<32x128xf32, #tpu.memory_space<vmem>>, %arg13: memref<!tpu.dma_semaphore, #tpu.memory_space<semaphore_mem>>, %arg14: memref<!tpu.dma_semaphore, #tpu.memory_space<semaphore_mem>>, %arg15: memref<!tpu.dma_semaphore, #tpu.memory_space<semaphore_mem>>, %arg16: memref<!tpu.dma_semaphore, #tpu.memory_space<semaphore_mem>>, %arg17: memref<!tpu.dma_semaphore, #tpu.memory_space<semaphore_mem>>, %arg18: memref<!tpu.dma_semaphore, #tpu.memory_space<semaphore_mem>>, %arg19: memref<!tpu.dma_semaphore, #tpu.memory_space<semaphore_mem>>, %arg20: memref<!tpu.dma_semaphore, #tpu.memory_space<semaphore_mem>>, %arg21: memref<!tpu.dma_semaphore, #tpu.memory_space<semaphore_mem>>, %arg22: memref<!tpu.dma_semaphore, #tpu.memory_space<semaphore_mem>>, %arg23: memref<!tpu.dma_semaphore, #tpu.memory_space<semaphore_mem>>, %arg24: memref<!tpu.dma_semaphore, #tpu.memory_space<semaphore_mem>>) attributes {dimension_semantics = [#tpu.dimension_semantics<core_parallel>, #tpu.dimension_semantics<subcore_parallel>], iteration_bounds = array<i64: 2, 16>, scalar_prefetch = 0 : i64, scratch_operands = 20 : i64, tpu.core_type = #tpu.core_type<sc_vector_subcore>, window_params = [{transform_indices = #map}, {transform_indices = #map}, {transform_indices = #map1}]} {
    %mul3A = arith.constant 2 : i32
    %mul3A_0 = arith.muli %arg1, %mul3A : i32
    %add3A = arith.addi %mul3A_0, %arg0 : i32
    %mul3A_1 = arith.constant 128 : i32
    %mul3A_2 = arith.muli %add3A, %mul3A_1 : i32
    %add3A_3 = arith.constant 0 : i32
    %add3A_4 = arith.addi %mul3A_2, %add3A_3 : i32
    %dma_start3A = arith.constant 0 : i32
    %dma_start3A_5 = tpu.memref_slice %arg2[%add3A_4, %dma_start3A] : memref<4096x32xi32, #tpu.memory_space<hbm>> -> memref<1x32xi32, #tpu.memory_space<hbm>>
    %dma_start3A_6 = tpu.memref_squeeze %dma_start3A_5 : memref<1x32xi32, #tpu.memory_space<hbm>> -> memref<32xi32, #tpu.memory_space<hbm>>
    %dma_start3A_7 = arith.constant 0 : i32
    %dma_start3A_8 = tpu.memref_slice %arg2[%add3A_4, %dma_start3A_7] : memref<4096x32xi32, #tpu.memory_space<hbm>> -> memref<1x32xi32, #tpu.memory_space<hbm>>
    %dma_start3A_9 = tpu.memref_squeeze %dma_start3A_8 : memref<1x32xi32, #tpu.memory_space<hbm>> -> memref<32xi32, #tpu.memory_space<hbm>>
    tpu.enqueue_dma source(%dma_start3A_9 : memref<32xi32, #tpu.memory_space<hbm>>) target(%arg5 : memref<32xi32, #tpu.memory_space<vmem>>) target_semaphore(%arg13 : memref<!tpu.dma_semaphore, #tpu.memory_space<semaphore_mem>>)
    %add3A_10 = arith.constant 1 : i32
    %add3A_11 = arith.addi %mul3A_2, %add3A_10 : i32
    %dma_start3A_12 = arith.constant 0 : i32
    %dma_start3A_13 = tpu.memref_slice %arg2[%add3A_11, %dma_start3A_12] : memref<4096x32xi32, #tpu.memory_space<hbm>> -> memref<1x32xi32, #tpu.memory_space<hbm>>
    %dma_start3A_14 = tpu.memref_squeeze %dma_start3A_13 : memref<1x32xi32, #tpu.memory_space<hbm>> -> memref<32xi32, #tpu.memory_space<hbm>>
    %dma_start3A_15 = arith.constant 0 : i32
    %dma_start3A_16 = tpu.memref_slice %arg2[%add3A_11, %dma_start3A_15] : memref<4096x32xi32, #tpu.memory_space<hbm>> -> memref<1x32xi32, #tpu.memory_space<hbm>>
    %dma_start3A_17 = tpu.memref_squeeze %dma_start3A_16 : memref<1x32xi32, #tpu.memory_space<hbm>> -> memref<32xi32, #tpu.memory_space<hbm>>
    tpu.enqueue_dma source(%dma_start3A_17 : memref<32xi32, #tpu.memory_space<hbm>>) target(%arg6 : memref<32xi32, #tpu.memory_space<vmem>>) target_semaphore(%arg14 : memref<!tpu.dma_semaphore, #tpu.memory_space<semaphore_mem>>)
    %add3A_18 = arith.constant 2 : i32
    %add3A_19 = arith.addi %mul3A_2, %add3A_18 : i32
    %dma_start3A_20 = arith.constant 0 : i32
    %dma_start3A_21 = tpu.memref_slice %arg2[%add3A_19, %dma_start3A_20] : memref<4096x32xi32, #tpu.memory_space<hbm>> -> memref<1x32xi32, #tpu.memory_space<hbm>>
    %dma_start3A_22 = tpu.memref_squeeze %dma_start3A_21 : memref<1x32xi32, #tpu.memory_space<hbm>> -> memref<32xi32, #tpu.memory_space<hbm>>
    %dma_start3A_23 = arith.constant 0 : i32
    %dma_start3A_24 = tpu.memref_slice %arg2[%add3A_19, %dma_start3A_23] : memref<4096x32xi32, #tpu.memory_space<hbm>> -> memref<1x32xi32, #tpu.memory_space<hbm>>
    %dma_start3A_25 = tpu.memref_squeeze %dma_start3A_24 : memref<1x32xi32, #tpu.memory_space<hbm>> -> memref<32xi32, #tpu.memory_space<hbm>>
    tpu.enqueue_dma source(%dma_start3A_25 : memref<32xi32, #tpu.memory_space<hbm>>) target(%arg7 : memref<32xi32, #tpu.memory_space<vmem>>) target_semaphore(%arg15 : memref<!tpu.dma_semaphore, #tpu.memory_space<semaphore_mem>>)
    %add3A_26 = arith.constant 3 : i32
    %add3A_27 = arith.addi %mul3A_2, %add3A_26 : i32
    %dma_start3A_28 = arith.constant 0 : i32
    %dma_start3A_29 = tpu.memref_slice %arg2[%add3A_27, %dma_start3A_28] : memref<4096x32xi32, #tpu.memory_space<hbm>> -> memref<1x32xi32, #tpu.memory_space<hbm>>
    %dma_start3A_30 = tpu.memref_squeeze %dma_start3A_29 : memref<1x32xi32, #tpu.memory_space<hbm>> -> memref<32xi32, #tpu.memory_space<hbm>>
    %dma_start3A_31 = arith.constant 0 : i32
    %dma_start3A_32 = tpu.memref_slice %arg2[%add3A_27, %dma_start3A_31] : memref<4096x32xi32, #tpu.memory_space<hbm>> -> memref<1x32xi32, #tpu.memory_space<hbm>>
    %dma_start3A_33 = tpu.memref_squeeze %dma_start3A_32 : memref<1x32xi32, #tpu.memory_space<hbm>> -> memref<32xi32, #tpu.memory_space<hbm>>
    tpu.enqueue_dma source(%dma_start3A_33 : memref<32xi32, #tpu.memory_space<hbm>>) target(%arg8 : memref<32xi32, #tpu.memory_space<vmem>>) target_semaphore(%arg16 : memref<!tpu.dma_semaphore, #tpu.memory_space<semaphore_mem>>)
    %dma_wait3A = arith.constant 0 : i32
    %dma_wait3A_34 = arith.constant 0 : i32
    %dma_wait3A_35 = tpu.memref_slice %arg2[%dma_wait3A, %dma_wait3A_34] : memref<4096x32xi32, #tpu.memory_space<hbm>> -> memref<1x32xi32, #tpu.memory_space<hbm>>
    %dma_wait3A_36 = tpu.memref_squeeze %dma_wait3A_35 : memref<1x32xi32, #tpu.memory_space<hbm>> -> memref<32xi32, #tpu.memory_space<hbm>>
    %dma_wait3A_37 = arith.constant 0 : i32
    %dma_wait3A_38 = tpu.memref_slice %arg2[%dma_wait3A, %dma_wait3A_37] : memref<4096x32xi32, #tpu.memory_space<hbm>> -> memref<1x32xi32, #tpu.memory_space<hbm>>
    %dma_wait3A_39 = tpu.memref_squeeze %dma_wait3A_38 : memref<1x32xi32, #tpu.memory_space<hbm>> -> memref<32xi32, #tpu.memory_space<hbm>>
    tpu.wait_dma2 semaphore(%arg13 : memref<!tpu.dma_semaphore, #tpu.memory_space<semaphore_mem>>) src(%dma_wait3A_39 : memref<32xi32, #tpu.memory_space<hbm>>) dst(%arg5 : memref<32xi32, #tpu.memory_space<vmem>>)
    %dma_start3A_40 = arith.constant 0 : i32
    %dma_start3A_41 = arith.constant 0 : i32
    %dma_start3A_42 = tpu.memref_slice %arg3[%dma_start3A_40, %dma_start3A_41] : memref<1000000x128xf32, #tpu.memory_space<hbm>> -> memref<1000000x128xf32, #tpu.memory_space<hbm>>
    tpu.enqueue_indirect_dma source(%dma_start3A_42 : memref<1000000x128xf32, #tpu.memory_space<hbm>>) target(%arg9 : memref<32x128xf32, #tpu.memory_space<vmem>>) offsets(%arg5 : memref<32xi32, #tpu.memory_space<vmem>>) semaphore(%arg17 : memref<!tpu.dma_semaphore, #tpu.memory_space<semaphore_mem>>)
    %scan3A = arith.constant 0 : i32
    %scan3A_43 = arith.constant 0 : i32
    %scan3A_44 = arith.constant 32 : i32
    %scan3A_45 = arith.addi %scan3A_43, %scan3A_44 : i32
    %scan3A_46 = arith.constant 1 : i32
    scf.for %scan3A_84 = %scan3A_43 to %scan3A_45 step %scan3A_46  : i32 {
      %mul3A_85 = arith.constant 4 : i32
      %mul3A_86 = arith.muli %scan3A_84, %mul3A_85 : i32
      %add3A_87 = arith.constant 0 : i32
      %add3A_88 = arith.addi %mul3A_86, %add3A_87 : i32
      %add3A_89 = arith.constant 1 : i32
      %add3A_90 = arith.addi %add3A_88, %add3A_89 : i32
      %lt3A = arith.constant 128 : i32
      %lt3A_91 = arith.cmpi slt, %add3A_90, %lt3A : i32
      %convert_element_type3A = arith.extui %lt3A_91 : i1 to i32
      %cond3A = arith.constant 0 : i32
      %cond3A_92 = arith.cmpi ne, %convert_element_type3A, %cond3A : i32
      scf.if %cond3A_92 {
        %dma_wait3A_202 = arith.constant 0 : i32
        %dma_wait3A_203 = arith.constant 0 : i32
        %dma_wait3A_204 = tpu.memref_slice %arg2[%dma_wait3A_202, %dma_wait3A_203] : memref<4096x32xi32, #tpu.memory_space<hbm>> -> memref<1x32xi32, #tpu.memory_space<hbm>>
        %dma_wait3A_205 = tpu.memref_squeeze %dma_wait3A_204 : memref<1x32xi32, #tpu.memory_space<hbm>> -> memref<32xi32, #tpu.memory_space<hbm>>
        %dma_wait3A_206 = arith.constant 0 : i32
        %dma_wait3A_207 = tpu.memref_slice %arg2[%dma_wait3A_202, %dma_wait3A_206] : memref<4096x32xi32, #tpu.memory_space<hbm>> -> memref<1x32xi32, #tpu.memory_space<hbm>>
        %dma_wait3A_208 = tpu.memref_squeeze %dma_wait3A_207 : memref<1x32xi32, #tpu.memory_space<hbm>> -> memref<32xi32, #tpu.memory_space<hbm>>
        tpu.wait_dma2 semaphore(%arg14 : memref<!tpu.dma_semaphore, #tpu.memory_space<semaphore_mem>>) src(%dma_wait3A_208 : memref<32xi32, #tpu.memory_space<hbm>>) dst(%arg6 : memref<32xi32, #tpu.memory_space<vmem>>)
        %add3A_209 = arith.constant 1 : i32
        %add3A_210 = arith.addi %add3A_88, %add3A_209 : i32
        %ge3A = arith.constant 4 : i32
        %ge3A_211 = arith.cmpi sge, %add3A_210, %ge3A : i32
        %convert_element_type3A_212 = arith.extui %ge3A_211 : i1 to i32
        %cond3A_213 = arith.constant 0 : i32
        %cond3A_214 = arith.cmpi ne, %convert_element_type3A_212, %cond3A_213 : i32
        scf.if %cond3A_214 {
          %dma_wait3A_218 = arith.constant 0 : i32
          %dma_wait3A_219 = arith.constant 0 : i32
          %dma_wait3A_220 = arith.constant 0 : i32
          %dma_wait3A_221 = tpu.memref_slice %arg4[%dma_wait3A_218, %dma_wait3A_219, %dma_wait3A_220] : memref<4096x32x128xf32, #tpu.memory_space<hbm>> -> memref<1x32x128xf32, #tpu.memory_space<hbm>>
          %dma_wait3A_222 = tpu.memref_squeeze %dma_wait3A_221 : memref<1x32x128xf32, #tpu.memory_space<hbm>> -> memref<32x128xf32, #tpu.memory_space<hbm>>
          %dma_wait3A_223 = arith.constant 0 : i32
          %dma_wait3A_224 = arith.constant 0 : i32
          %dma_wait3A_225 = tpu.memref_slice %arg4[%dma_wait3A_218, %dma_wait3A_223, %dma_wait3A_224] : memref<4096x32x128xf32, #tpu.memory_space<hbm>> -> memref<1x32x128xf32, #tpu.memory_space<hbm>>
          %dma_wait3A_226 = tpu.memref_squeeze %dma_wait3A_225 : memref<1x32x128xf32, #tpu.memory_space<hbm>> -> memref<32x128xf32, #tpu.memory_space<hbm>>
          tpu.wait_dma2 semaphore(%arg22 : memref<!tpu.dma_semaphore, #tpu.memory_space<semaphore_mem>>) src(%arg10 : memref<32x128xf32, #tpu.memory_space<vmem>>) dst(%dma_wait3A_226 : memref<32x128xf32, #tpu.memory_space<hbm>>)
        } else {
        }
        %dma_start3A_215 = arith.constant 0 : i32
        %dma_start3A_216 = arith.constant 0 : i32
        %dma_start3A_217 = tpu.memref_slice %arg3[%dma_start3A_215, %dma_start3A_216] : memref<1000000x128xf32, #tpu.memory_space<hbm>> -> memref<1000000x128xf32, #tpu.memory_space<hbm>>
        tpu.enqueue_indirect_dma source(%dma_start3A_217 : memref<1000000x128xf32, #tpu.memory_space<hbm>>) target(%arg10 : memref<32x128xf32, #tpu.memory_space<vmem>>) offsets(%arg6 : memref<32xi32, #tpu.memory_space<vmem>>) semaphore(%arg18 : memref<!tpu.dma_semaphore, #tpu.memory_space<semaphore_mem>>)
      } else {
      }
      %dma_wait3A_93 = arith.constant 0 : i32
      %dma_wait3A_94 = arith.constant 0 : i32
      %dma_wait3A_95 = tpu.memref_slice %arg3[%dma_wait3A_93, %dma_wait3A_94] : memref<1000000x128xf32, #tpu.memory_space<hbm>> -> memref<1000000x128xf32, #tpu.memory_space<hbm>>
      tpu.wait_indirect_dma semaphore(%arg17 : memref<!tpu.dma_semaphore, #tpu.memory_space<semaphore_mem>>) src(%dma_wait3A_95 : memref<1000000x128xf32, #tpu.memory_space<hbm>>) dst(%arg9 : memref<32x128xf32, #tpu.memory_space<vmem>>)
      %add3A_96 = arith.addi %mul3A_2, %add3A_88 : i32
      %dma_start3A_97 = arith.constant 0 : i32
      %dma_start3A_98 = arith.constant 0 : i32
      %dma_start3A_99 = tpu.memref_slice %arg4[%add3A_96, %dma_start3A_97, %dma_start3A_98] : memref<4096x32x128xf32, #tpu.memory_space<hbm>> -> memref<1x32x128xf32, #tpu.memory_space<hbm>>
      %dma_start3A_100 = tpu.memref_squeeze %dma_start3A_99 : memref<1x32x128xf32, #tpu.memory_space<hbm>> -> memref<32x128xf32, #tpu.memory_space<hbm>>
      %dma_start3A_101 = arith.constant 0 : i32
      %dma_start3A_102 = arith.constant 0 : i32
      %dma_start3A_103 = tpu.memref_slice %arg4[%add3A_96, %dma_start3A_101, %dma_start3A_102] : memref<4096x32x128xf32, #tpu.memory_space<hbm>> -> memref<1x32x128xf32, #tpu.memory_space<hbm>>
      %dma_start3A_104 = tpu.memref_squeeze %dma_start3A_103 : memref<1x32x128xf32, #tpu.memory_space<hbm>> -> memref<32x128xf32, #tpu.memory_space<hbm>>
      tpu.enqueue_dma source(%arg9 : memref<32x128xf32, #tpu.memory_space<vmem>>) target(%dma_start3A_104 : memref<32x128xf32, #tpu.memory_space<hbm>>) target_semaphore(%arg21 : memref<!tpu.dma_semaphore, #tpu.memory_space<semaphore_mem>>)
      %add3A_105 = arith.constant 4 : i32
      %add3A_106 = arith.addi %add3A_88, %add3A_105 : i32
      %lt3A_107 = arith.constant 128 : i32
      %lt3A_108 = arith.cmpi slt, %add3A_106, %lt3A_107 : i32
      %convert_element_type3A_109 = arith.extui %lt3A_108 : i1 to i32
      %cond3A_110 = arith.constant 0 : i32
      %cond3A_111 = arith.cmpi ne, %convert_element_type3A_109, %cond3A_110 : i32
      scf.if %cond3A_111 {
        %add3A_202 = arith.constant 4 : i32
        %add3A_203 = arith.addi %add3A_88, %add3A_202 : i32
        %add3A_204 = arith.addi %mul3A_2, %add3A_203 : i32
        %dma_start3A_205 = arith.constant 0 : i32
        %dma_start3A_206 = tpu.memref_slice %arg2[%add3A_204, %dma_start3A_205] : memref<4096x32xi32, #tpu.memory_space<hbm>> -> memref<1x32xi32, #tpu.memory_space<hbm>>
        %dma_start3A_207 = tpu.memref_squeeze %dma_start3A_206 : memref<1x32xi32, #tpu.memory_space<hbm>> -> memref<32xi32, #tpu.memory_space<hbm>>
        %dma_start3A_208 = arith.constant 0 : i32
        %dma_start3A_209 = tpu.memref_slice %arg2[%add3A_204, %dma_start3A_208] : memref<4096x32xi32, #tpu.memory_space<hbm>> -> memref<1x32xi32, #tpu.memory_space<hbm>>
        %dma_start3A_210 = tpu.memref_squeeze %dma_start3A_209 : memref<1x32xi32, #tpu.memory_space<hbm>> -> memref<32xi32, #tpu.memory_space<hbm>>
        tpu.enqueue_dma source(%dma_start3A_210 : memref<32xi32, #tpu.memory_space<hbm>>) target(%arg5 : memref<32xi32, #tpu.memory_space<vmem>>) target_semaphore(%arg13 : memref<!tpu.dma_semaphore, #tpu.memory_space<semaphore_mem>>)
      } else {
      }
      %mul3A_112 = arith.constant 4 : i32
      %mul3A_113 = arith.muli %scan3A_84, %mul3A_112 : i32
      %add3A_114 = arith.constant 1 : i32
      %add3A_115 = arith.addi %mul3A_113, %add3A_114 : i32
      %add3A_116 = arith.constant 1 : i32
      %add3A_117 = arith.addi %add3A_115, %add3A_116 : i32
      %lt3A_118 = arith.constant 128 : i32
      %lt3A_119 = arith.cmpi slt, %add3A_117, %lt3A_118 : i32
      %convert_element_type3A_120 = arith.extui %lt3A_119 : i1 to i32
      %cond3A_121 = arith.constant 0 : i32
      %cond3A_122 = arith.cmpi ne, %convert_element_type3A_120, %cond3A_121 : i32
      scf.if %cond3A_122 {
        %dma_wait3A_202 = arith.constant 0 : i32
        %dma_wait3A_203 = arith.constant 0 : i32
        %dma_wait3A_204 = tpu.memref_slice %arg2[%dma_wait3A_202, %dma_wait3A_203] : memref<4096x32xi32, #tpu.memory_space<hbm>> -> memref<1x32xi32, #tpu.memory_space<hbm>>
        %dma_wait3A_205 = tpu.memref_squeeze %dma_wait3A_204 : memref<1x32xi32, #tpu.memory_space<hbm>> -> memref<32xi32, #tpu.memory_space<hbm>>
        %dma_wait3A_206 = arith.constant 0 : i32
        %dma_wait3A_207 = tpu.memref_slice %arg2[%dma_wait3A_202, %dma_wait3A_206] : memref<4096x32xi32, #tpu.memory_space<hbm>> -> memref<1x32xi32, #tpu.memory_space<hbm>>
        %dma_wait3A_208 = tpu.memref_squeeze %dma_wait3A_207 : memref<1x32xi32, #tpu.memory_space<hbm>> -> memref<32xi32, #tpu.memory_space<hbm>>
        tpu.wait_dma2 semaphore(%arg15 : memref<!tpu.dma_semaphore, #tpu.memory_space<semaphore_mem>>) src(%dma_wait3A_208 : memref<32xi32, #tpu.memory_space<hbm>>) dst(%arg7 : memref<32xi32, #tpu.memory_space<vmem>>)
        %add3A_209 = arith.constant 1 : i32
        %add3A_210 = arith.addi %add3A_115, %add3A_209 : i32
        %ge3A = arith.constant 4 : i32
        %ge3A_211 = arith.cmpi sge, %add3A_210, %ge3A : i32
        %convert_element_type3A_212 = arith.extui %ge3A_211 : i1 to i32
        %cond3A_213 = arith.constant 0 : i32
        %cond3A_214 = arith.cmpi ne, %convert_element_type3A_212, %cond3A_213 : i32
        scf.if %cond3A_214 {
          %dma_wait3A_218 = arith.constant 0 : i32
          %dma_wait3A_219 = arith.constant 0 : i32
          %dma_wait3A_220 = arith.constant 0 : i32
          %dma_wait3A_221 = tpu.memref_slice %arg4[%dma_wait3A_218, %dma_wait3A_219, %dma_wait3A_220] : memref<4096x32x128xf32, #tpu.memory_space<hbm>> -> memref<1x32x128xf32, #tpu.memory_space<hbm>>
          %dma_wait3A_222 = tpu.memref_squeeze %dma_wait3A_221 : memref<1x32x128xf32, #tpu.memory_space<hbm>> -> memref<32x128xf32, #tpu.memory_space<hbm>>
          %dma_wait3A_223 = arith.constant 0 : i32
          %dma_wait3A_224 = arith.constant 0 : i32
          %dma_wait3A_225 = tpu.memref_slice %arg4[%dma_wait3A_218, %dma_wait3A_223, %dma_wait3A_224] : memref<4096x32x128xf32, #tpu.memory_space<hbm>> -> memref<1x32x128xf32, #tpu.memory_space<hbm>>
          %dma_wait3A_226 = tpu.memref_squeeze %dma_wait3A_225 : memref<1x32x128xf32, #tpu.memory_space<hbm>> -> memref<32x128xf32, #tpu.memory_space<hbm>>
          tpu.wait_dma2 semaphore(%arg23 : memref<!tpu.dma_semaphore, #tpu.memory_space<semaphore_mem>>) src(%arg11 : memref<32x128xf32, #tpu.memory_space<vmem>>) dst(%dma_wait3A_226 : memref<32x128xf32, #tpu.memory_space<hbm>>)
        } else {
        }
        %dma_start3A_215 = arith.constant 0 : i32
        %dma_start3A_216 = arith.constant 0 : i32
        %dma_start3A_217 = tpu.memref_slice %arg3[%dma_start3A_215, %dma_start3A_216] : memref<1000000x128xf32, #tpu.memory_space<hbm>> -> memref<1000000x128xf32, #tpu.memory_space<hbm>>
        tpu.enqueue_indirect_dma source(%dma_start3A_217 : memref<1000000x128xf32, #tpu.memory_space<hbm>>) target(%arg11 : memref<32x128xf32, #tpu.memory_space<vmem>>) offsets(%arg7 : memref<32xi32, #tpu.memory_space<vmem>>) semaphore(%arg19 : memref<!tpu.dma_semaphore, #tpu.memory_space<semaphore_mem>>)
      } else {
      }
      %dma_wait3A_123 = arith.constant 0 : i32
      %dma_wait3A_124 = arith.constant 0 : i32
      %dma_wait3A_125 = tpu.memref_slice %arg3[%dma_wait3A_123, %dma_wait3A_124] : memref<1000000x128xf32, #tpu.memory_space<hbm>> -> memref<1000000x128xf32, #tpu.memory_space<hbm>>
      tpu.wait_indirect_dma semaphore(%arg18 : memref<!tpu.dma_semaphore, #tpu.memory_space<semaphore_mem>>) src(%dma_wait3A_125 : memref<1000000x128xf32, #tpu.memory_space<hbm>>) dst(%arg10 : memref<32x128xf32, #tpu.memory_space<vmem>>)
      %add3A_126 = arith.addi %mul3A_2, %add3A_115 : i32
      %dma_start3A_127 = arith.constant 0 : i32
      %dma_start3A_128 = arith.constant 0 : i32
      %dma_start3A_129 = tpu.memref_slice %arg4[%add3A_126, %dma_start3A_127, %dma_start3A_128] : memref<4096x32x128xf32, #tpu.memory_space<hbm>> -> memref<1x32x128xf32, #tpu.memory_space<hbm>>
      %dma_start3A_130 = tpu.memref_squeeze %dma_start3A_129 : memref<1x32x128xf32, #tpu.memory_space<hbm>> -> memref<32x128xf32, #tpu.memory_space<hbm>>
      %dma_start3A_131 = arith.constant 0 : i32
      %dma_start3A_132 = arith.constant 0 : i32
      %dma_start3A_133 = tpu.memref_slice %arg4[%add3A_126, %dma_start3A_131, %dma_start3A_132] : memref<4096x32x128xf32, #tpu.memory_space<hbm>> -> memref<1x32x128xf32, #tpu.memory_space<hbm>>
      %dma_start3A_134 = tpu.memref_squeeze %dma_start3A_133 : memref<1x32x128xf32, #tpu.memory_space<hbm>> -> memref<32x128xf32, #tpu.memory_space<hbm>>
      tpu.enqueue_dma source(%arg10 : memref<32x128xf32, #tpu.memory_space<vmem>>) target(%dma_start3A_134 : memref<32x128xf32, #tpu.memory_space<hbm>>) target_semaphore(%arg22 : memref<!tpu.dma_semaphore, #tpu.memory_space<semaphore_mem>>)
      %add3A_135 = arith.constant 4 : i32
      %add3A_136 = arith.addi %add3A_115, %add3A_135 : i32
      %lt3A_137 = arith.constant 128 : i32
      %lt3A_138 = arith.cmpi slt, %add3A_136, %lt3A_137 : i32
      %convert_element_type3A_139 = arith.extui %lt3A_138 : i1 to i32
      %cond3A_140 = arith.constant 0 : i32
      %cond3A_141 = arith.cmpi ne, %convert_element_type3A_139, %cond3A_140 : i32
      scf.if %cond3A_141 {
        %add3A_202 = arith.constant 4 : i32
        %add3A_203 = arith.addi %add3A_115, %add3A_202 : i32
        %add3A_204 = arith.addi %mul3A_2, %add3A_203 : i32
        %dma_start3A_205 = arith.constant 0 : i32
        %dma_start3A_206 = tpu.memref_slice %arg2[%add3A_204, %dma_start3A_205] : memref<4096x32xi32, #tpu.memory_space<hbm>> -> memref<1x32xi32, #tpu.memory_space<hbm>>
        %dma_start3A_207 = tpu.memref_squeeze %dma_start3A_206 : memref<1x32xi32, #tpu.memory_space<hbm>> -> memref<32xi32, #tpu.memory_space<hbm>>
        %dma_start3A_208 = arith.constant 0 : i32
        %dma_start3A_209 = tpu.memref_slice %arg2[%add3A_204, %dma_start3A_208] : memref<4096x32xi32, #tpu.memory_space<hbm>> -> memref<1x32xi32, #tpu.memory_space<hbm>>
        %dma_start3A_210 = tpu.memref_squeeze %dma_start3A_209 : memref<1x32xi32, #tpu.memory_space<hbm>> -> memref<32xi32, #tpu.memory_space<hbm>>
        tpu.enqueue_dma source(%dma_start3A_210 : memref<32xi32, #tpu.memory_space<hbm>>) target(%arg6 : memref<32xi32, #tpu.memory_space<vmem>>) target_semaphore(%arg14 : memref<!tpu.dma_semaphore, #tpu.memory_space<semaphore_mem>>)
      } else {
      }
      %mul3A_142 = arith.constant 4 : i32
      %mul3A_143 = arith.muli %scan3A_84, %mul3A_142 : i32
      %add3A_144 = arith.constant 2 : i32
      %add3A_145 = arith.addi %mul3A_143, %add3A_144 : i32
      %add3A_146 = arith.constant 1 : i32
      %add3A_147 = arith.addi %add3A_145, %add3A_146 : i32
      %lt3A_148 = arith.constant 128 : i32
      %lt3A_149 = arith.cmpi slt, %add3A_147, %lt3A_148 : i32
      %convert_element_type3A_150 = arith.extui %lt3A_149 : i1 to i32
      %cond3A_151 = arith.constant 0 : i32
      %cond3A_152 = arith.cmpi ne, %convert_element_type3A_150, %cond3A_151 : i32
      scf.if %cond3A_152 {
        %dma_wait3A_202 = arith.constant 0 : i32
        %dma_wait3A_203 = arith.constant 0 : i32
        %dma_wait3A_204 = tpu.memref_slice %arg2[%dma_wait3A_202, %dma_wait3A_203] : memref<4096x32xi32, #tpu.memory_space<hbm>> -> memref<1x32xi32, #tpu.memory_space<hbm>>
        %dma_wait3A_205 = tpu.memref_squeeze %dma_wait3A_204 : memref<1x32xi32, #tpu.memory_space<hbm>> -> memref<32xi32, #tpu.memory_space<hbm>>
        %dma_wait3A_206 = arith.constant 0 : i32
        %dma_wait3A_207 = tpu.memref_slice %arg2[%dma_wait3A_202, %dma_wait3A_206] : memref<4096x32xi32, #tpu.memory_space<hbm>> -> memref<1x32xi32, #tpu.memory_space<hbm>>
        %dma_wait3A_208 = tpu.memref_squeeze %dma_wait3A_207 : memref<1x32xi32, #tpu.memory_space<hbm>> -> memref<32xi32, #tpu.memory_space<hbm>>
        tpu.wait_dma2 semaphore(%arg16 : memref<!tpu.dma_semaphore, #tpu.memory_space<semaphore_mem>>) src(%dma_wait3A_208 : memref<32xi32, #tpu.memory_space<hbm>>) dst(%arg8 : memref<32xi32, #tpu.memory_space<vmem>>)
        %add3A_209 = arith.constant 1 : i32
        %add3A_210 = arith.addi %add3A_145, %add3A_209 : i32
        %ge3A = arith.constant 4 : i32
        %ge3A_211 = arith.cmpi sge, %add3A_210, %ge3A : i32
        %convert_element_type3A_212 = arith.extui %ge3A_211 : i1 to i32
        %cond3A_213 = arith.constant 0 : i32
        %cond3A_214 = arith.cmpi ne, %convert_element_type3A_212, %cond3A_213 : i32
        scf.if %cond3A_214 {
          %dma_wait3A_218 = arith.constant 0 : i32
          %dma_wait3A_219 = arith.constant 0 : i32
          %dma_wait3A_220 = arith.constant 0 : i32
          %dma_wait3A_221 = tpu.memref_slice %arg4[%dma_wait3A_218, %dma_wait3A_219, %dma_wait3A_220] : memref<4096x32x128xf32, #tpu.memory_space<hbm>> -> memref<1x32x128xf32, #tpu.memory_space<hbm>>
          %dma_wait3A_222 = tpu.memref_squeeze %dma_wait3A_221 : memref<1x32x128xf32, #tpu.memory_space<hbm>> -> memref<32x128xf32, #tpu.memory_space<hbm>>
          %dma_wait3A_223 = arith.constant 0 : i32
          %dma_wait3A_224 = arith.constant 0 : i32
          %dma_wait3A_225 = tpu.memref_slice %arg4[%dma_wait3A_218, %dma_wait3A_223, %dma_wait3A_224] : memref<4096x32x128xf32, #tpu.memory_space<hbm>> -> memref<1x32x128xf32, #tpu.memory_space<hbm>>
          %dma_wait3A_226 = tpu.memref_squeeze %dma_wait3A_225 : memref<1x32x128xf32, #tpu.memory_space<hbm>> -> memref<32x128xf32, #tpu.memory_space<hbm>>
          tpu.wait_dma2 semaphore(%arg24 : memref<!tpu.dma_semaphore, #tpu.memory_space<semaphore_mem>>) src(%arg12 : memref<32x128xf32, #tpu.memory_space<vmem>>) dst(%dma_wait3A_226 : memref<32x128xf32, #tpu.memory_space<hbm>>)
        } else {
        }
        %dma_start3A_215 = arith.constant 0 : i32
        %dma_start3A_216 = arith.constant 0 : i32
        %dma_start3A_217 = tpu.memref_slice %arg3[%dma_start3A_215, %dma_start3A_216] : memref<1000000x128xf32, #tpu.memory_space<hbm>> -> memref<1000000x128xf32, #tpu.memory_space<hbm>>
        tpu.enqueue_indirect_dma source(%dma_start3A_217 : memref<1000000x128xf32, #tpu.memory_space<hbm>>) target(%arg12 : memref<32x128xf32, #tpu.memory_space<vmem>>) offsets(%arg8 : memref<32xi32, #tpu.memory_space<vmem>>) semaphore(%arg20 : memref<!tpu.dma_semaphore, #tpu.memory_space<semaphore_mem>>)
      } else {
      }
      %dma_wait3A_153 = arith.constant 0 : i32
      %dma_wait3A_154 = arith.constant 0 : i32
      %dma_wait3A_155 = tpu.memref_slice %arg3[%dma_wait3A_153, %dma_wait3A_154] : memref<1000000x128xf32, #tpu.memory_space<hbm>> -> memref<1000000x128xf32, #tpu.memory_space<hbm>>
      tpu.wait_indirect_dma semaphore(%arg19 : memref<!tpu.dma_semaphore, #tpu.memory_space<semaphore_mem>>) src(%dma_wait3A_155 : memref<1000000x128xf32, #tpu.memory_space<hbm>>) dst(%arg11 : memref<32x128xf32, #tpu.memory_space<vmem>>)
      %add3A_156 = arith.addi %mul3A_2, %add3A_145 : i32
      %dma_start3A_157 = arith.constant 0 : i32
      %dma_start3A_158 = arith.constant 0 : i32
      %dma_start3A_159 = tpu.memref_slice %arg4[%add3A_156, %dma_start3A_157, %dma_start3A_158] : memref<4096x32x128xf32, #tpu.memory_space<hbm>> -> memref<1x32x128xf32, #tpu.memory_space<hbm>>
      %dma_start3A_160 = tpu.memref_squeeze %dma_start3A_159 : memref<1x32x128xf32, #tpu.memory_space<hbm>> -> memref<32x128xf32, #tpu.memory_space<hbm>>
      %dma_start3A_161 = arith.constant 0 : i32
      %dma_start3A_162 = arith.constant 0 : i32
      %dma_start3A_163 = tpu.memref_slice %arg4[%add3A_156, %dma_start3A_161, %dma_start3A_162] : memref<4096x32x128xf32, #tpu.memory_space<hbm>> -> memref<1x32x128xf32, #tpu.memory_space<hbm>>
      %dma_start3A_164 = tpu.memref_squeeze %dma_start3A_163 : memref<1x32x128xf32, #tpu.memory_space<hbm>> -> memref<32x128xf32, #tpu.memory_space<hbm>>
      tpu.enqueue_dma source(%arg11 : memref<32x128xf32, #tpu.memory_space<vmem>>) target(%dma_start3A_164 : memref<32x128xf32, #tpu.memory_space<hbm>>) target_semaphore(%arg23 : memref<!tpu.dma_semaphore, #tpu.memory_space<semaphore_mem>>)
      %add3A_165 = arith.constant 4 : i32
      %add3A_166 = arith.addi %add3A_145, %add3A_165 : i32
      %lt3A_167 = arith.constant 128 : i32
      %lt3A_168 = arith.cmpi slt, %add3A_166, %lt3A_167 : i32
      %convert_element_type3A_169 = arith.extui %lt3A_168 : i1 to i32
      %cond3A_170 = arith.constant 0 : i32
      %cond3A_171 = arith.cmpi ne, %convert_element_type3A_169, %cond3A_170 : i32
      scf.if %cond3A_171 {
        %add3A_202 = arith.constant 4 : i32
        %add3A_203 = arith.addi %add3A_145, %add3A_202 : i32
        %add3A_204 = arith.addi %mul3A_2, %add3A_203 : i32
        %dma_start3A_205 = arith.constant 0 : i32
        %dma_start3A_206 = tpu.memref_slice %arg2[%add3A_204, %dma_start3A_205] : memref<4096x32xi32, #tpu.memory_space<hbm>> -> memref<1x32xi32, #tpu.memory_space<hbm>>
        %dma_start3A_207 = tpu.memref_squeeze %dma_start3A_206 : memref<1x32xi32, #tpu.memory_space<hbm>> -> memref<32xi32, #tpu.memory_space<hbm>>
        %dma_start3A_208 = arith.constant 0 : i32
        %dma_start3A_209 = tpu.memref_slice %arg2[%add3A_204, %dma_start3A_208] : memref<4096x32xi32, #tpu.memory_space<hbm>> -> memref<1x32xi32, #tpu.memory_space<hbm>>
        %dma_start3A_210 = tpu.memref_squeeze %dma_start3A_209 : memref<1x32xi32, #tpu.memory_space<hbm>> -> memref<32xi32, #tpu.memory_space<hbm>>
        tpu.enqueue_dma source(%dma_start3A_210 : memref<32xi32, #tpu.memory_space<hbm>>) target(%arg7 : memref<32xi32, #tpu.memory_space<vmem>>) target_semaphore(%arg15 : memref<!tpu.dma_semaphore, #tpu.memory_space<semaphore_mem>>)
      } else {
      }
      %mul3A_172 = arith.constant 4 : i32
      %mul3A_173 = arith.muli %scan3A_84, %mul3A_172 : i32
      %add3A_174 = arith.constant 3 : i32
      %add3A_175 = arith.addi %mul3A_173, %add3A_174 : i32
      %add3A_176 = arith.constant 1 : i32
      %add3A_177 = arith.addi %add3A_175, %add3A_176 : i32
      %lt3A_178 = arith.constant 128 : i32
      %lt3A_179 = arith.cmpi slt, %add3A_177, %lt3A_178 : i32
      %convert_element_type3A_180 = arith.extui %lt3A_179 : i1 to i32
      %cond3A_181 = arith.constant 0 : i32
      %cond3A_182 = arith.cmpi ne, %convert_element_type3A_180, %cond3A_181 : i32
      scf.if %cond3A_182 {
        %dma_wait3A_202 = arith.constant 0 : i32
        %dma_wait3A_203 = arith.constant 0 : i32
        %dma_wait3A_204 = tpu.memref_slice %arg2[%dma_wait3A_202, %dma_wait3A_203] : memref<4096x32xi32, #tpu.memory_space<hbm>> -> memref<1x32xi32, #tpu.memory_space<hbm>>
        %dma_wait3A_205 = tpu.memref_squeeze %dma_wait3A_204 : memref<1x32xi32, #tpu.memory_space<hbm>> -> memref<32xi32, #tpu.memory_space<hbm>>
        %dma_wait3A_206 = arith.constant 0 : i32
        %dma_wait3A_207 = tpu.memref_slice %arg2[%dma_wait3A_202, %dma_wait3A_206] : memref<4096x32xi32, #tpu.memory_space<hbm>> -> memref<1x32xi32, #tpu.memory_space<hbm>>
        %dma_wait3A_208 = tpu.memref_squeeze %dma_wait3A_207 : memref<1x32xi32, #tpu.memory_space<hbm>> -> memref<32xi32, #tpu.memory_space<hbm>>
        tpu.wait_dma2 semaphore(%arg13 : memref<!tpu.dma_semaphore, #tpu.memory_space<semaphore_mem>>) src(%dma_wait3A_208 : memref<32xi32, #tpu.memory_space<hbm>>) dst(%arg5 : memref<32xi32, #tpu.memory_space<vmem>>)
        %add3A_209 = arith.constant 1 : i32
        %add3A_210 = arith.addi %add3A_175, %add3A_209 : i32
        %ge3A = arith.constant 4 : i32
        %ge3A_211 = arith.cmpi sge, %add3A_210, %ge3A : i32
        %convert_element_type3A_212 = arith.extui %ge3A_211 : i1 to i32
        %cond3A_213 = arith.constant 0 : i32
        %cond3A_214 = arith.cmpi ne, %convert_element_type3A_212, %cond3A_213 : i32
        scf.if %cond3A_214 {
          %dma_wait3A_218 = arith.constant 0 : i32
          %dma_wait3A_219 = arith.constant 0 : i32
          %dma_wait3A_220 = arith.constant 0 : i32
          %dma_wait3A_221 = tpu.memref_slice %arg4[%dma_wait3A_218, %dma_wait3A_219, %dma_wait3A_220] : memref<4096x32x128xf32, #tpu.memory_space<hbm>> -> memref<1x32x128xf32, #tpu.memory_space<hbm>>
          %dma_wait3A_222 = tpu.memref_squeeze %dma_wait3A_221 : memref<1x32x128xf32, #tpu.memory_space<hbm>> -> memref<32x128xf32, #tpu.memory_space<hbm>>
          %dma_wait3A_223 = arith.constant 0 : i32
          %dma_wait3A_224 = arith.constant 0 : i32
          %dma_wait3A_225 = tpu.memref_slice %arg4[%dma_wait3A_218, %dma_wait3A_223, %dma_wait3A_224] : memref<4096x32x128xf32, #tpu.memory_space<hbm>> -> memref<1x32x128xf32, #tpu.memory_space<hbm>>
          %dma_wait3A_226 = tpu.memref_squeeze %dma_wait3A_225 : memref<1x32x128xf32, #tpu.memory_space<hbm>> -> memref<32x128xf32, #tpu.memory_space<hbm>>
          tpu.wait_dma2 semaphore(%arg21 : memref<!tpu.dma_semaphore, #tpu.memory_space<semaphore_mem>>) src(%arg9 : memref<32x128xf32, #tpu.memory_space<vmem>>) dst(%dma_wait3A_226 : memref<32x128xf32, #tpu.memory_space<hbm>>)
        } else {
        }
        %dma_start3A_215 = arith.constant 0 : i32
        %dma_start3A_216 = arith.constant 0 : i32
        %dma_start3A_217 = tpu.memref_slice %arg3[%dma_start3A_215, %dma_start3A_216] : memref<1000000x128xf32, #tpu.memory_space<hbm>> -> memref<1000000x128xf32, #tpu.memory_space<hbm>>
        tpu.enqueue_indirect_dma source(%dma_start3A_217 : memref<1000000x128xf32, #tpu.memory_space<hbm>>) target(%arg9 : memref<32x128xf32, #tpu.memory_space<vmem>>) offsets(%arg5 : memref<32xi32, #tpu.memory_space<vmem>>) semaphore(%arg17 : memref<!tpu.dma_semaphore, #tpu.memory_space<semaphore_mem>>)
      } else {
      }
      %dma_wait3A_183 = arith.constant 0 : i32
      %dma_wait3A_184 = arith.constant 0 : i32
      %dma_wait3A_185 = tpu.memref_slice %arg3[%dma_wait3A_183, %dma_wait3A_184] : memref<1000000x128xf32, #tpu.memory_space<hbm>> -> memref<1000000x128xf32, #tpu.memory_space<hbm>>
      tpu.wait_indirect_dma semaphore(%arg20 : memref<!tpu.dma_semaphore, #tpu.memory_space<semaphore_mem>>) src(%dma_wait3A_185 : memref<1000000x128xf32, #tpu.memory_space<hbm>>) dst(%arg12 : memref<32x128xf32, #tpu.memory_space<vmem>>)
      %add3A_186 = arith.addi %mul3A_2, %add3A_175 : i32
      %dma_start3A_187 = arith.constant 0 : i32
      %dma_start3A_188 = arith.constant 0 : i32
      %dma_start3A_189 = tpu.memref_slice %arg4[%add3A_186, %dma_start3A_187, %dma_start3A_188] : memref<4096x32x128xf32, #tpu.memory_space<hbm>> -> memref<1x32x128xf32, #tpu.memory_space<hbm>>
      %dma_start3A_190 = tpu.memref_squeeze %dma_start3A_189 : memref<1x32x128xf32, #tpu.memory_space<hbm>> -> memref<32x128xf32, #tpu.memory_space<hbm>>
      %dma_start3A_191 = arith.constant 0 : i32
      %dma_start3A_192 = arith.constant 0 : i32
      %dma_start3A_193 = tpu.memref_slice %arg4[%add3A_186, %dma_start3A_191, %dma_start3A_192] : memref<4096x32x128xf32, #tpu.memory_space<hbm>> -> memref<1x32x128xf32, #tpu.memory_space<hbm>>
      %dma_start3A_194 = tpu.memref_squeeze %dma_start3A_193 : memref<1x32x128xf32, #tpu.memory_space<hbm>> -> memref<32x128xf32, #tpu.memory_space<hbm>>
      tpu.enqueue_dma source(%arg12 : memref<32x128xf32, #tpu.memory_space<vmem>>) target(%dma_start3A_194 : memref<32x128xf32, #tpu.memory_space<hbm>>) target_semaphore(%arg24 : memref<!tpu.dma_semaphore, #tpu.memory_space<semaphore_mem>>)
      %add3A_195 = arith.constant 4 : i32
      %add3A_196 = arith.addi %add3A_175, %add3A_195 : i32
      %lt3A_197 = arith.constant 128 : i32
      %lt3A_198 = arith.cmpi slt, %add3A_196, %lt3A_197 : i32
      %convert_element_type3A_199 = arith.extui %lt3A_198 : i1 to i32
      %cond3A_200 = arith.constant 0 : i32
      %cond3A_201 = arith.cmpi ne, %convert_element_type3A_199, %cond3A_200 : i32
      scf.if %cond3A_201 {
        %add3A_202 = arith.constant 4 : i32
        %add3A_203 = arith.addi %add3A_175, %add3A_202 : i32
        %add3A_204 = arith.addi %mul3A_2, %add3A_203 : i32
        %dma_start3A_205 = arith.constant 0 : i32
        %dma_start3A_206 = tpu.memref_slice %arg2[%add3A_204, %dma_start3A_205] : memref<4096x32xi32, #tpu.memory_space<hbm>> -> memref<1x32xi32, #tpu.memory_space<hbm>>
        %dma_start3A_207 = tpu.memref_squeeze %dma_start3A_206 : memref<1x32xi32, #tpu.memory_space<hbm>> -> memref<32xi32, #tpu.memory_space<hbm>>
        %dma_start3A_208 = arith.constant 0 : i32
        %dma_start3A_209 = tpu.memref_slice %arg2[%add3A_204, %dma_start3A_208] : memref<4096x32xi32, #tpu.memory_space<hbm>> -> memref<1x32xi32, #tpu.memory_space<hbm>>
        %dma_start3A_210 = tpu.memref_squeeze %dma_start3A_209 : memref<1x32xi32, #tpu.memory_space<hbm>> -> memref<32xi32, #tpu.memory_space<hbm>>
        tpu.enqueue_dma source(%dma_start3A_210 : memref<32xi32, #tpu.memory_space<hbm>>) target(%arg8 : memref<32xi32, #tpu.memory_space<vmem>>) target_semaphore(%arg16 : memref<!tpu.dma_semaphore, #tpu.memory_space<semaphore_mem>>)
      } else {
      }
    }
    %scan3A_47 = arith.constant 32 : i32
    %dma_wait3A_48 = arith.constant 0 : i32
    %dma_wait3A_49 = arith.constant 0 : i32
    %dma_wait3A_50 = arith.constant 0 : i32
    %dma_wait3A_51 = tpu.memref_slice %arg4[%dma_wait3A_48, %dma_wait3A_49, %dma_wait3A_50] : memref<4096x32x128xf32, #tpu.memory_space<hbm>> -> memref<1x32x128xf32, #tpu.memory_space<hbm>>
    %dma_wait3A_52 = tpu.memref_squeeze %dma_wait3A_51 : memref<1x32x128xf32, #tpu.memory_space<hbm>> -> memref<32x128xf32, #tpu.memory_space<hbm>>
    %dma_wait3A_53 = arith.constant 0 : i32
    %dma_wait3A_54 = arith.constant 0 : i32
    %dma_wait3A_55 = tpu.memref_slice %arg4[%dma_wait3A_48, %dma_wait3A_53, %dma_wait3A_54] : memref<4096x32x128xf32, #tpu.memory_space<hbm>> -> memref<1x32x128xf32, #tpu.memory_space<hbm>>
    %dma_wait3A_56 = tpu.memref_squeeze %dma_wait3A_55 : memref<1x32x128xf32, #tpu.memory_space<hbm>> -> memref<32x128xf32, #tpu.memory_space<hbm>>
    tpu.wait_dma2 semaphore(%arg21 : memref<!tpu.dma_semaphore, #tpu.memory_space<semaphore_mem>>) src(%arg9 : memref<32x128xf32, #tpu.memory_space<vmem>>) dst(%dma_wait3A_56 : memref<32x128xf32, #tpu.memory_space<hbm>>)
    %dma_wait3A_57 = arith.constant 0 : i32
    %dma_wait3A_58 = arith.constant 0 : i32
    %dma_wait3A_59 = arith.constant 0 : i32
    %dma_wait3A_60 = tpu.memref_slice %arg4[%dma_wait3A_57, %dma_wait3A_58, %dma_wait3A_59] : memref<4096x32x128xf32, #tpu.memory_space<hbm>> -> memref<1x32x128xf32, #tpu.memory_space<hbm>>
    %dma_wait3A_61 = tpu.memref_squeeze %dma_wait3A_60 : memref<1x32x128xf32, #tpu.memory_space<hbm>> -> memref<32x128xf32, #tpu.memory_space<hbm>>
    %dma_wait3A_62 = arith.constant 0 : i32
    %dma_wait3A_63 = arith.constant 0 : i32
    %dma_wait3A_64 = tpu.memref_slice %arg4[%dma_wait3A_57, %dma_wait3A_62, %dma_wait3A_63] : memref<4096x32x128xf32, #tpu.memory_space<hbm>> -> memref<1x32x128xf32, #tpu.memory_space<hbm>>
    %dma_wait3A_65 = tpu.memref_squeeze %dma_wait3A_64 : memref<1x32x128xf32, #tpu.memory_space<hbm>> -> memref<32x128xf32, #tpu.memory_space<hbm>>
    tpu.wait_dma2 semaphore(%arg22 : memref<!tpu.dma_semaphore, #tpu.memory_space<semaphore_mem>>) src(%arg10 : memref<32x128xf32, #tpu.memory_space<vmem>>) dst(%dma_wait3A_65 : memref<32x128xf32, #tpu.memory_space<hbm>>)
    %dma_wait3A_66 = arith.constant 0 : i32
    %dma_wait3A_67 = arith.constant 0 : i32
    %dma_wait3A_68 = arith.constant 0 : i32
    %dma_wait3A_69 = tpu.memref_slice %arg4[%dma_wait3A_66, %dma_wait3A_67, %dma_wait3A_68] : memref<4096x32x128xf32, #tpu.memory_space<hbm>> -> memref<1x32x128xf32, #tpu.memory_space<hbm>>
    %dma_wait3A_70 = tpu.memref_squeeze %dma_wait3A_69 : memref<1x32x128xf32, #tpu.memory_space<hbm>> -> memref<32x128xf32, #tpu.memory_space<hbm>>
    %dma_wait3A_71 = arith.constant 0 : i32
    %dma_wait3A_72 = arith.constant 0 : i32
    %dma_wait3A_73 = tpu.memref_slice %arg4[%dma_wait3A_66, %dma_wait3A_71, %dma_wait3A_72] : memref<4096x32x128xf32, #tpu.memory_space<hbm>> -> memref<1x32x128xf32, #tpu.memory_space<hbm>>
    %dma_wait3A_74 = tpu.memref_squeeze %dma_wait3A_73 : memref<1x32x128xf32, #tpu.memory_space<hbm>> -> memref<32x128xf32, #tpu.memory_space<hbm>>
    tpu.wait_dma2 semaphore(%arg23 : memref<!tpu.dma_semaphore, #tpu.memory_space<semaphore_mem>>) src(%arg11 : memref<32x128xf32, #tpu.memory_space<vmem>>) dst(%dma_wait3A_74 : memref<32x128xf32, #tpu.memory_space<hbm>>)
    %dma_wait3A_75 = arith.constant 0 : i32
    %dma_wait3A_76 = arith.constant 0 : i32
    %dma_wait3A_77 = arith.constant 0 : i32
    %dma_wait3A_78 = tpu.memref_slice %arg4[%dma_wait3A_75, %dma_wait3A_76, %dma_wait3A_77] : memref<4096x32x128xf32, #tpu.memory_space<hbm>> -> memref<1x32x128xf32, #tpu.memory_space<hbm>>
    %dma_wait3A_79 = tpu.memref_squeeze %dma_wait3A_78 : memref<1x32x128xf32, #tpu.memory_space<hbm>> -> memref<32x128xf32, #tpu.memory_space<hbm>>
    %dma_wait3A_80 = arith.constant 0 : i32
    %dma_wait3A_81 = arith.constant 0 : i32
    %dma_wait3A_82 = tpu.memref_slice %arg4[%dma_wait3A_75, %dma_wait3A_80, %dma_wait3A_81] : memref<4096x32x128xf32, #tpu.memory_space<hbm>> -> memref<1x32x128xf32, #tpu.memory_space<hbm>>
    %dma_wait3A_83 = tpu.memref_squeeze %dma_wait3A_82 : memref<1x32x128xf32, #tpu.memory_space<hbm>> -> memref<32x128xf32, #tpu.memory_space<hbm>>
    tpu.wait_dma2 semaphore(%arg24 : memref<!tpu.dma_semaphore, #tpu.memory_space<semaphore_mem>>) src(%arg12 : memref<32x128xf32, #tpu.memory_space<vmem>>) dst(%dma_wait3A_83 : memref<32x128xf32, #tpu.memory_space<hbm>>)
    return
  }
}

#map = affine_map<(d0, d1) -> (0, 0)>
#map1 = affine_map<(d0, d1) -> (0, 0, 0)>
module attributes {stable_mosaic.version = 14 : i64} {
  func.func @gather_kernel(%arg0: i32, %arg1: i32, %arg2: memref<4096x56xi32, #tpu.memory_space<hbm>>, %arg3: memref<1000000x128xf32, #tpu.memory_space<hbm>>, %arg4: memref<4096x56x128xf32, #tpu.memory_space<hbm>>, %arg5: memref<56xi32, #tpu.memory_space<vmem>>, %arg6: memref<56xi32, #tpu.memory_space<vmem>>, %arg7: memref<56xi32, #tpu.memory_space<vmem>>, %arg8: memref<56xi32, #tpu.memory_space<vmem>>, %arg9: memref<56x128xf32, #tpu.memory_space<vmem>>, %arg10: memref<56x128xf32, #tpu.memory_space<vmem>>, %arg11: memref<56x128xf32, #tpu.memory_space<vmem>>, %arg12: memref<56x128xf32, #tpu.memory_space<vmem>>, %arg13: memref<!tpu.dma_semaphore, #tpu.memory_space<semaphore_mem>>, %arg14: memref<!tpu.dma_semaphore, #tpu.memory_space<semaphore_mem>>, %arg15: memref<!tpu.dma_semaphore, #tpu.memory_space<semaphore_mem>>, %arg16: memref<!tpu.dma_semaphore, #tpu.memory_space<semaphore_mem>>, %arg17: memref<!tpu.dma_semaphore, #tpu.memory_space<semaphore_mem>>, %arg18: memref<!tpu.dma_semaphore, #tpu.memory_space<semaphore_mem>>, %arg19: memref<!tpu.dma_semaphore, #tpu.memory_space<semaphore_mem>>, %arg20: memref<!tpu.dma_semaphore, #tpu.memory_space<semaphore_mem>>, %arg21: memref<!tpu.dma_semaphore, #tpu.memory_space<semaphore_mem>>, %arg22: memref<!tpu.dma_semaphore, #tpu.memory_space<semaphore_mem>>, %arg23: memref<!tpu.dma_semaphore, #tpu.memory_space<semaphore_mem>>, %arg24: memref<!tpu.dma_semaphore, #tpu.memory_space<semaphore_mem>>) attributes {dimension_semantics = [#tpu.dimension_semantics<core_parallel>, #tpu.dimension_semantics<subcore_parallel>], iteration_bounds = array<i64: 2, 16>, scalar_prefetch = 0 : i64, scratch_operands = 20 : i64, tpu.core_type = #tpu.core_type<sc_vector_subcore>, window_params = [{transform_indices = #map}, {transform_indices = #map}, {transform_indices = #map1}]} {
    %mul3A = arith.constant 2 : i32
    %mul3A_0 = arith.muli %arg1, %mul3A : i32
    %add3A = arith.addi %mul3A_0, %arg0 : i32
    %mul3A_1 = arith.constant 128 : i32
    %mul3A_2 = arith.muli %add3A, %mul3A_1 : i32
    %add3A_3 = arith.constant 0 : i32
    %add3A_4 = arith.addi %mul3A_2, %add3A_3 : i32
    %dma_start3A = arith.constant 0 : i32
    %dma_start3A_5 = tpu.memref_slice %arg2[%add3A_4, %dma_start3A] : memref<4096x56xi32, #tpu.memory_space<hbm>> -> memref<1x56xi32, #tpu.memory_space<hbm>>
    %dma_start3A_6 = tpu.memref_squeeze %dma_start3A_5 : memref<1x56xi32, #tpu.memory_space<hbm>> -> memref<56xi32, #tpu.memory_space<hbm>>
    %dma_start3A_7 = arith.constant 0 : i32
    %dma_start3A_8 = tpu.memref_slice %arg2[%add3A_4, %dma_start3A_7] : memref<4096x56xi32, #tpu.memory_space<hbm>> -> memref<1x56xi32, #tpu.memory_space<hbm>>
    %dma_start3A_9 = tpu.memref_squeeze %dma_start3A_8 : memref<1x56xi32, #tpu.memory_space<hbm>> -> memref<56xi32, #tpu.memory_space<hbm>>
    tpu.enqueue_dma source(%dma_start3A_9 : memref<56xi32, #tpu.memory_space<hbm>>) target(%arg5 : memref<56xi32, #tpu.memory_space<vmem>>) target_semaphore(%arg13 : memref<!tpu.dma_semaphore, #tpu.memory_space<semaphore_mem>>)
    %add3A_10 = arith.constant 1 : i32
    %add3A_11 = arith.addi %mul3A_2, %add3A_10 : i32
    %dma_start3A_12 = arith.constant 0 : i32
    %dma_start3A_13 = tpu.memref_slice %arg2[%add3A_11, %dma_start3A_12] : memref<4096x56xi32, #tpu.memory_space<hbm>> -> memref<1x56xi32, #tpu.memory_space<hbm>>
    %dma_start3A_14 = tpu.memref_squeeze %dma_start3A_13 : memref<1x56xi32, #tpu.memory_space<hbm>> -> memref<56xi32, #tpu.memory_space<hbm>>
    %dma_start3A_15 = arith.constant 0 : i32
    %dma_start3A_16 = tpu.memref_slice %arg2[%add3A_11, %dma_start3A_15] : memref<4096x56xi32, #tpu.memory_space<hbm>> -> memref<1x56xi32, #tpu.memory_space<hbm>>
    %dma_start3A_17 = tpu.memref_squeeze %dma_start3A_16 : memref<1x56xi32, #tpu.memory_space<hbm>> -> memref<56xi32, #tpu.memory_space<hbm>>
    tpu.enqueue_dma source(%dma_start3A_17 : memref<56xi32, #tpu.memory_space<hbm>>) target(%arg6 : memref<56xi32, #tpu.memory_space<vmem>>) target_semaphore(%arg14 : memref<!tpu.dma_semaphore, #tpu.memory_space<semaphore_mem>>)
    %add3A_18 = arith.constant 2 : i32
    %add3A_19 = arith.addi %mul3A_2, %add3A_18 : i32
    %dma_start3A_20 = arith.constant 0 : i32
    %dma_start3A_21 = tpu.memref_slice %arg2[%add3A_19, %dma_start3A_20] : memref<4096x56xi32, #tpu.memory_space<hbm>> -> memref<1x56xi32, #tpu.memory_space<hbm>>
    %dma_start3A_22 = tpu.memref_squeeze %dma_start3A_21 : memref<1x56xi32, #tpu.memory_space<hbm>> -> memref<56xi32, #tpu.memory_space<hbm>>
    %dma_start3A_23 = arith.constant 0 : i32
    %dma_start3A_24 = tpu.memref_slice %arg2[%add3A_19, %dma_start3A_23] : memref<4096x56xi32, #tpu.memory_space<hbm>> -> memref<1x56xi32, #tpu.memory_space<hbm>>
    %dma_start3A_25 = tpu.memref_squeeze %dma_start3A_24 : memref<1x56xi32, #tpu.memory_space<hbm>> -> memref<56xi32, #tpu.memory_space<hbm>>
    tpu.enqueue_dma source(%dma_start3A_25 : memref<56xi32, #tpu.memory_space<hbm>>) target(%arg7 : memref<56xi32, #tpu.memory_space<vmem>>) target_semaphore(%arg15 : memref<!tpu.dma_semaphore, #tpu.memory_space<semaphore_mem>>)
    %add3A_26 = arith.constant 3 : i32
    %add3A_27 = arith.addi %mul3A_2, %add3A_26 : i32
    %dma_start3A_28 = arith.constant 0 : i32
    %dma_start3A_29 = tpu.memref_slice %arg2[%add3A_27, %dma_start3A_28] : memref<4096x56xi32, #tpu.memory_space<hbm>> -> memref<1x56xi32, #tpu.memory_space<hbm>>
    %dma_start3A_30 = tpu.memref_squeeze %dma_start3A_29 : memref<1x56xi32, #tpu.memory_space<hbm>> -> memref<56xi32, #tpu.memory_space<hbm>>
    %dma_start3A_31 = arith.constant 0 : i32
    %dma_start3A_32 = tpu.memref_slice %arg2[%add3A_27, %dma_start3A_31] : memref<4096x56xi32, #tpu.memory_space<hbm>> -> memref<1x56xi32, #tpu.memory_space<hbm>>
    %dma_start3A_33 = tpu.memref_squeeze %dma_start3A_32 : memref<1x56xi32, #tpu.memory_space<hbm>> -> memref<56xi32, #tpu.memory_space<hbm>>
    tpu.enqueue_dma source(%dma_start3A_33 : memref<56xi32, #tpu.memory_space<hbm>>) target(%arg8 : memref<56xi32, #tpu.memory_space<vmem>>) target_semaphore(%arg16 : memref<!tpu.dma_semaphore, #tpu.memory_space<semaphore_mem>>)
    %dma_wait3A = arith.constant 0 : i32
    %dma_wait3A_34 = arith.constant 0 : i32
    %dma_wait3A_35 = tpu.memref_slice %arg2[%dma_wait3A, %dma_wait3A_34] : memref<4096x56xi32, #tpu.memory_space<hbm>> -> memref<1x56xi32, #tpu.memory_space<hbm>>
    %dma_wait3A_36 = tpu.memref_squeeze %dma_wait3A_35 : memref<1x56xi32, #tpu.memory_space<hbm>> -> memref<56xi32, #tpu.memory_space<hbm>>
    %dma_wait3A_37 = arith.constant 0 : i32
    %dma_wait3A_38 = tpu.memref_slice %arg2[%dma_wait3A, %dma_wait3A_37] : memref<4096x56xi32, #tpu.memory_space<hbm>> -> memref<1x56xi32, #tpu.memory_space<hbm>>
    %dma_wait3A_39 = tpu.memref_squeeze %dma_wait3A_38 : memref<1x56xi32, #tpu.memory_space<hbm>> -> memref<56xi32, #tpu.memory_space<hbm>>
    tpu.wait_dma2 semaphore(%arg13 : memref<!tpu.dma_semaphore, #tpu.memory_space<semaphore_mem>>) src(%dma_wait3A_39 : memref<56xi32, #tpu.memory_space<hbm>>) dst(%arg5 : memref<56xi32, #tpu.memory_space<vmem>>)
    %dma_start3A_40 = arith.constant 0 : i32
    %dma_start3A_41 = arith.constant 0 : i32
    %dma_start3A_42 = tpu.memref_slice %arg3[%dma_start3A_40, %dma_start3A_41] : memref<1000000x128xf32, #tpu.memory_space<hbm>> -> memref<1000000x128xf32, #tpu.memory_space<hbm>>
    tpu.enqueue_indirect_dma source(%dma_start3A_42 : memref<1000000x128xf32, #tpu.memory_space<hbm>>) target(%arg9 : memref<56x128xf32, #tpu.memory_space<vmem>>) offsets(%arg5 : memref<56xi32, #tpu.memory_space<vmem>>) semaphore(%arg17 : memref<!tpu.dma_semaphore, #tpu.memory_space<semaphore_mem>>)
    %scan3A = arith.constant 0 : i32
    %scan3A_43 = arith.constant 0 : i32
    %scan3A_44 = arith.constant 32 : i32
    %scan3A_45 = arith.addi %scan3A_43, %scan3A_44 : i32
    %scan3A_46 = arith.constant 1 : i32
    scf.for %scan3A_84 = %scan3A_43 to %scan3A_45 step %scan3A_46  : i32 {
      %mul3A_85 = arith.constant 4 : i32
      %mul3A_86 = arith.muli %scan3A_84, %mul3A_85 : i32
      %add3A_87 = arith.constant 0 : i32
      %add3A_88 = arith.addi %mul3A_86, %add3A_87 : i32
      %add3A_89 = arith.constant 1 : i32
      %add3A_90 = arith.addi %add3A_88, %add3A_89 : i32
      %lt3A = arith.constant 128 : i32
      %lt3A_91 = arith.cmpi slt, %add3A_90, %lt3A : i32
      %convert_element_type3A = arith.extui %lt3A_91 : i1 to i32
      %cond3A = arith.constant 0 : i32
      %cond3A_92 = arith.cmpi ne, %convert_element_type3A, %cond3A : i32
      scf.if %cond3A_92 {
        %dma_wait3A_202 = arith.constant 0 : i32
        %dma_wait3A_203 = arith.constant 0 : i32
        %dma_wait3A_204 = tpu.memref_slice %arg2[%dma_wait3A_202, %dma_wait3A_203] : memref<4096x56xi32, #tpu.memory_space<hbm>> -> memref<1x56xi32, #tpu.memory_space<hbm>>
        %dma_wait3A_205 = tpu.memref_squeeze %dma_wait3A_204 : memref<1x56xi32, #tpu.memory_space<hbm>> -> memref<56xi32, #tpu.memory_space<hbm>>
        %dma_wait3A_206 = arith.constant 0 : i32
        %dma_wait3A_207 = tpu.memref_slice %arg2[%dma_wait3A_202, %dma_wait3A_206] : memref<4096x56xi32, #tpu.memory_space<hbm>> -> memref<1x56xi32, #tpu.memory_space<hbm>>
        %dma_wait3A_208 = tpu.memref_squeeze %dma_wait3A_207 : memref<1x56xi32, #tpu.memory_space<hbm>> -> memref<56xi32, #tpu.memory_space<hbm>>
        tpu.wait_dma2 semaphore(%arg14 : memref<!tpu.dma_semaphore, #tpu.memory_space<semaphore_mem>>) src(%dma_wait3A_208 : memref<56xi32, #tpu.memory_space<hbm>>) dst(%arg6 : memref<56xi32, #tpu.memory_space<vmem>>)
        %add3A_209 = arith.constant 1 : i32
        %add3A_210 = arith.addi %add3A_88, %add3A_209 : i32
        %ge3A = arith.constant 4 : i32
        %ge3A_211 = arith.cmpi sge, %add3A_210, %ge3A : i32
        %convert_element_type3A_212 = arith.extui %ge3A_211 : i1 to i32
        %cond3A_213 = arith.constant 0 : i32
        %cond3A_214 = arith.cmpi ne, %convert_element_type3A_212, %cond3A_213 : i32
        scf.if %cond3A_214 {
          %dma_wait3A_218 = arith.constant 0 : i32
          %dma_wait3A_219 = arith.constant 0 : i32
          %dma_wait3A_220 = arith.constant 0 : i32
          %dma_wait3A_221 = tpu.memref_slice %arg4[%dma_wait3A_218, %dma_wait3A_219, %dma_wait3A_220] : memref<4096x56x128xf32, #tpu.memory_space<hbm>> -> memref<1x56x128xf32, #tpu.memory_space<hbm>>
          %dma_wait3A_222 = tpu.memref_squeeze %dma_wait3A_221 : memref<1x56x128xf32, #tpu.memory_space<hbm>> -> memref<56x128xf32, #tpu.memory_space<hbm>>
          %dma_wait3A_223 = arith.constant 0 : i32
          %dma_wait3A_224 = arith.constant 0 : i32
          %dma_wait3A_225 = tpu.memref_slice %arg4[%dma_wait3A_218, %dma_wait3A_223, %dma_wait3A_224] : memref<4096x56x128xf32, #tpu.memory_space<hbm>> -> memref<1x56x128xf32, #tpu.memory_space<hbm>>
          %dma_wait3A_226 = tpu.memref_squeeze %dma_wait3A_225 : memref<1x56x128xf32, #tpu.memory_space<hbm>> -> memref<56x128xf32, #tpu.memory_space<hbm>>
          tpu.wait_dma2 semaphore(%arg22 : memref<!tpu.dma_semaphore, #tpu.memory_space<semaphore_mem>>) src(%arg10 : memref<56x128xf32, #tpu.memory_space<vmem>>) dst(%dma_wait3A_226 : memref<56x128xf32, #tpu.memory_space<hbm>>)
        } else {
        }
        %dma_start3A_215 = arith.constant 0 : i32
        %dma_start3A_216 = arith.constant 0 : i32
        %dma_start3A_217 = tpu.memref_slice %arg3[%dma_start3A_215, %dma_start3A_216] : memref<1000000x128xf32, #tpu.memory_space<hbm>> -> memref<1000000x128xf32, #tpu.memory_space<hbm>>
        tpu.enqueue_indirect_dma source(%dma_start3A_217 : memref<1000000x128xf32, #tpu.memory_space<hbm>>) target(%arg10 : memref<56x128xf32, #tpu.memory_space<vmem>>) offsets(%arg6 : memref<56xi32, #tpu.memory_space<vmem>>) semaphore(%arg18 : memref<!tpu.dma_semaphore, #tpu.memory_space<semaphore_mem>>)
      } else {
      }
      %dma_wait3A_93 = arith.constant 0 : i32
      %dma_wait3A_94 = arith.constant 0 : i32
      %dma_wait3A_95 = tpu.memref_slice %arg3[%dma_wait3A_93, %dma_wait3A_94] : memref<1000000x128xf32, #tpu.memory_space<hbm>> -> memref<1000000x128xf32, #tpu.memory_space<hbm>>
      tpu.wait_indirect_dma semaphore(%arg17 : memref<!tpu.dma_semaphore, #tpu.memory_space<semaphore_mem>>) src(%dma_wait3A_95 : memref<1000000x128xf32, #tpu.memory_space<hbm>>) dst(%arg9 : memref<56x128xf32, #tpu.memory_space<vmem>>)
      %add3A_96 = arith.addi %mul3A_2, %add3A_88 : i32
      %dma_start3A_97 = arith.constant 0 : i32
      %dma_start3A_98 = arith.constant 0 : i32
      %dma_start3A_99 = tpu.memref_slice %arg4[%add3A_96, %dma_start3A_97, %dma_start3A_98] : memref<4096x56x128xf32, #tpu.memory_space<hbm>> -> memref<1x56x128xf32, #tpu.memory_space<hbm>>
      %dma_start3A_100 = tpu.memref_squeeze %dma_start3A_99 : memref<1x56x128xf32, #tpu.memory_space<hbm>> -> memref<56x128xf32, #tpu.memory_space<hbm>>
      %dma_start3A_101 = arith.constant 0 : i32
      %dma_start3A_102 = arith.constant 0 : i32
      %dma_start3A_103 = tpu.memref_slice %arg4[%add3A_96, %dma_start3A_101, %dma_start3A_102] : memref<4096x56x128xf32, #tpu.memory_space<hbm>> -> memref<1x56x128xf32, #tpu.memory_space<hbm>>
      %dma_start3A_104 = tpu.memref_squeeze %dma_start3A_103 : memref<1x56x128xf32, #tpu.memory_space<hbm>> -> memref<56x128xf32, #tpu.memory_space<hbm>>
      tpu.enqueue_dma source(%arg9 : memref<56x128xf32, #tpu.memory_space<vmem>>) target(%dma_start3A_104 : memref<56x128xf32, #tpu.memory_space<hbm>>) target_semaphore(%arg21 : memref<!tpu.dma_semaphore, #tpu.memory_space<semaphore_mem>>)
      %add3A_105 = arith.constant 4 : i32
      %add3A_106 = arith.addi %add3A_88, %add3A_105 : i32
      %lt3A_107 = arith.constant 128 : i32
      %lt3A_108 = arith.cmpi slt, %add3A_106, %lt3A_107 : i32
      %convert_element_type3A_109 = arith.extui %lt3A_108 : i1 to i32
      %cond3A_110 = arith.constant 0 : i32
      %cond3A_111 = arith.cmpi ne, %convert_element_type3A_109, %cond3A_110 : i32
      scf.if %cond3A_111 {
        %add3A_202 = arith.constant 4 : i32
        %add3A_203 = arith.addi %add3A_88, %add3A_202 : i32
        %add3A_204 = arith.addi %mul3A_2, %add3A_203 : i32
        %dma_start3A_205 = arith.constant 0 : i32
        %dma_start3A_206 = tpu.memref_slice %arg2[%add3A_204, %dma_start3A_205] : memref<4096x56xi32, #tpu.memory_space<hbm>> -> memref<1x56xi32, #tpu.memory_space<hbm>>
        %dma_start3A_207 = tpu.memref_squeeze %dma_start3A_206 : memref<1x56xi32, #tpu.memory_space<hbm>> -> memref<56xi32, #tpu.memory_space<hbm>>
        %dma_start3A_208 = arith.constant 0 : i32
        %dma_start3A_209 = tpu.memref_slice %arg2[%add3A_204, %dma_start3A_208] : memref<4096x56xi32, #tpu.memory_space<hbm>> -> memref<1x56xi32, #tpu.memory_space<hbm>>
        %dma_start3A_210 = tpu.memref_squeeze %dma_start3A_209 : memref<1x56xi32, #tpu.memory_space<hbm>> -> memref<56xi32, #tpu.memory_space<hbm>>
        tpu.enqueue_dma source(%dma_start3A_210 : memref<56xi32, #tpu.memory_space<hbm>>) target(%arg5 : memref<56xi32, #tpu.memory_space<vmem>>) target_semaphore(%arg13 : memref<!tpu.dma_semaphore, #tpu.memory_space<semaphore_mem>>)
      } else {
      }
      %mul3A_112 = arith.constant 4 : i32
      %mul3A_113 = arith.muli %scan3A_84, %mul3A_112 : i32
      %add3A_114 = arith.constant 1 : i32
      %add3A_115 = arith.addi %mul3A_113, %add3A_114 : i32
      %add3A_116 = arith.constant 1 : i32
      %add3A_117 = arith.addi %add3A_115, %add3A_116 : i32
      %lt3A_118 = arith.constant 128 : i32
      %lt3A_119 = arith.cmpi slt, %add3A_117, %lt3A_118 : i32
      %convert_element_type3A_120 = arith.extui %lt3A_119 : i1 to i32
      %cond3A_121 = arith.constant 0 : i32
      %cond3A_122 = arith.cmpi ne, %convert_element_type3A_120, %cond3A_121 : i32
      scf.if %cond3A_122 {
        %dma_wait3A_202 = arith.constant 0 : i32
        %dma_wait3A_203 = arith.constant 0 : i32
        %dma_wait3A_204 = tpu.memref_slice %arg2[%dma_wait3A_202, %dma_wait3A_203] : memref<4096x56xi32, #tpu.memory_space<hbm>> -> memref<1x56xi32, #tpu.memory_space<hbm>>
        %dma_wait3A_205 = tpu.memref_squeeze %dma_wait3A_204 : memref<1x56xi32, #tpu.memory_space<hbm>> -> memref<56xi32, #tpu.memory_space<hbm>>
        %dma_wait3A_206 = arith.constant 0 : i32
        %dma_wait3A_207 = tpu.memref_slice %arg2[%dma_wait3A_202, %dma_wait3A_206] : memref<4096x56xi32, #tpu.memory_space<hbm>> -> memref<1x56xi32, #tpu.memory_space<hbm>>
        %dma_wait3A_208 = tpu.memref_squeeze %dma_wait3A_207 : memref<1x56xi32, #tpu.memory_space<hbm>> -> memref<56xi32, #tpu.memory_space<hbm>>
        tpu.wait_dma2 semaphore(%arg15 : memref<!tpu.dma_semaphore, #tpu.memory_space<semaphore_mem>>) src(%dma_wait3A_208 : memref<56xi32, #tpu.memory_space<hbm>>) dst(%arg7 : memref<56xi32, #tpu.memory_space<vmem>>)
        %add3A_209 = arith.constant 1 : i32
        %add3A_210 = arith.addi %add3A_115, %add3A_209 : i32
        %ge3A = arith.constant 4 : i32
        %ge3A_211 = arith.cmpi sge, %add3A_210, %ge3A : i32
        %convert_element_type3A_212 = arith.extui %ge3A_211 : i1 to i32
        %cond3A_213 = arith.constant 0 : i32
        %cond3A_214 = arith.cmpi ne, %convert_element_type3A_212, %cond3A_213 : i32
        scf.if %cond3A_214 {
          %dma_wait3A_218 = arith.constant 0 : i32
          %dma_wait3A_219 = arith.constant 0 : i32
          %dma_wait3A_220 = arith.constant 0 : i32
          %dma_wait3A_221 = tpu.memref_slice %arg4[%dma_wait3A_218, %dma_wait3A_219, %dma_wait3A_220] : memref<4096x56x128xf32, #tpu.memory_space<hbm>> -> memref<1x56x128xf32, #tpu.memory_space<hbm>>
          %dma_wait3A_222 = tpu.memref_squeeze %dma_wait3A_221 : memref<1x56x128xf32, #tpu.memory_space<hbm>> -> memref<56x128xf32, #tpu.memory_space<hbm>>
          %dma_wait3A_223 = arith.constant 0 : i32
          %dma_wait3A_224 = arith.constant 0 : i32
          %dma_wait3A_225 = tpu.memref_slice %arg4[%dma_wait3A_218, %dma_wait3A_223, %dma_wait3A_224] : memref<4096x56x128xf32, #tpu.memory_space<hbm>> -> memref<1x56x128xf32, #tpu.memory_space<hbm>>
          %dma_wait3A_226 = tpu.memref_squeeze %dma_wait3A_225 : memref<1x56x128xf32, #tpu.memory_space<hbm>> -> memref<56x128xf32, #tpu.memory_space<hbm>>
          tpu.wait_dma2 semaphore(%arg23 : memref<!tpu.dma_semaphore, #tpu.memory_space<semaphore_mem>>) src(%arg11 : memref<56x128xf32, #tpu.memory_space<vmem>>) dst(%dma_wait3A_226 : memref<56x128xf32, #tpu.memory_space<hbm>>)
        } else {
        }
        %dma_start3A_215 = arith.constant 0 : i32
        %dma_start3A_216 = arith.constant 0 : i32
        %dma_start3A_217 = tpu.memref_slice %arg3[%dma_start3A_215, %dma_start3A_216] : memref<1000000x128xf32, #tpu.memory_space<hbm>> -> memref<1000000x128xf32, #tpu.memory_space<hbm>>
        tpu.enqueue_indirect_dma source(%dma_start3A_217 : memref<1000000x128xf32, #tpu.memory_space<hbm>>) target(%arg11 : memref<56x128xf32, #tpu.memory_space<vmem>>) offsets(%arg7 : memref<56xi32, #tpu.memory_space<vmem>>) semaphore(%arg19 : memref<!tpu.dma_semaphore, #tpu.memory_space<semaphore_mem>>)
      } else {
      }
      %dma_wait3A_123 = arith.constant 0 : i32
      %dma_wait3A_124 = arith.constant 0 : i32
      %dma_wait3A_125 = tpu.memref_slice %arg3[%dma_wait3A_123, %dma_wait3A_124] : memref<1000000x128xf32, #tpu.memory_space<hbm>> -> memref<1000000x128xf32, #tpu.memory_space<hbm>>
      tpu.wait_indirect_dma semaphore(%arg18 : memref<!tpu.dma_semaphore, #tpu.memory_space<semaphore_mem>>) src(%dma_wait3A_125 : memref<1000000x128xf32, #tpu.memory_space<hbm>>) dst(%arg10 : memref<56x128xf32, #tpu.memory_space<vmem>>)
      %add3A_126 = arith.addi %mul3A_2, %add3A_115 : i32
      %dma_start3A_127 = arith.constant 0 : i32
      %dma_start3A_128 = arith.constant 0 : i32
      %dma_start3A_129 = tpu.memref_slice %arg4[%add3A_126, %dma_start3A_127, %dma_start3A_128] : memref<4096x56x128xf32, #tpu.memory_space<hbm>> -> memref<1x56x128xf32, #tpu.memory_space<hbm>>
      %dma_start3A_130 = tpu.memref_squeeze %dma_start3A_129 : memref<1x56x128xf32, #tpu.memory_space<hbm>> -> memref<56x128xf32, #tpu.memory_space<hbm>>
      %dma_start3A_131 = arith.constant 0 : i32
      %dma_start3A_132 = arith.constant 0 : i32
      %dma_start3A_133 = tpu.memref_slice %arg4[%add3A_126, %dma_start3A_131, %dma_start3A_132] : memref<4096x56x128xf32, #tpu.memory_space<hbm>> -> memref<1x56x128xf32, #tpu.memory_space<hbm>>
      %dma_start3A_134 = tpu.memref_squeeze %dma_start3A_133 : memref<1x56x128xf32, #tpu.memory_space<hbm>> -> memref<56x128xf32, #tpu.memory_space<hbm>>
      tpu.enqueue_dma source(%arg10 : memref<56x128xf32, #tpu.memory_space<vmem>>) target(%dma_start3A_134 : memref<56x128xf32, #tpu.memory_space<hbm>>) target_semaphore(%arg22 : memref<!tpu.dma_semaphore, #tpu.memory_space<semaphore_mem>>)
      %add3A_135 = arith.constant 4 : i32
      %add3A_136 = arith.addi %add3A_115, %add3A_135 : i32
      %lt3A_137 = arith.constant 128 : i32
      %lt3A_138 = arith.cmpi slt, %add3A_136, %lt3A_137 : i32
      %convert_element_type3A_139 = arith.extui %lt3A_138 : i1 to i32
      %cond3A_140 = arith.constant 0 : i32
      %cond3A_141 = arith.cmpi ne, %convert_element_type3A_139, %cond3A_140 : i32
      scf.if %cond3A_141 {
        %add3A_202 = arith.constant 4 : i32
        %add3A_203 = arith.addi %add3A_115, %add3A_202 : i32
        %add3A_204 = arith.addi %mul3A_2, %add3A_203 : i32
        %dma_start3A_205 = arith.constant 0 : i32
        %dma_start3A_206 = tpu.memref_slice %arg2[%add3A_204, %dma_start3A_205] : memref<4096x56xi32, #tpu.memory_space<hbm>> -> memref<1x56xi32, #tpu.memory_space<hbm>>
        %dma_start3A_207 = tpu.memref_squeeze %dma_start3A_206 : memref<1x56xi32, #tpu.memory_space<hbm>> -> memref<56xi32, #tpu.memory_space<hbm>>
        %dma_start3A_208 = arith.constant 0 : i32
        %dma_start3A_209 = tpu.memref_slice %arg2[%add3A_204, %dma_start3A_208] : memref<4096x56xi32, #tpu.memory_space<hbm>> -> memref<1x56xi32, #tpu.memory_space<hbm>>
        %dma_start3A_210 = tpu.memref_squeeze %dma_start3A_209 : memref<1x56xi32, #tpu.memory_space<hbm>> -> memref<56xi32, #tpu.memory_space<hbm>>
        tpu.enqueue_dma source(%dma_start3A_210 : memref<56xi32, #tpu.memory_space<hbm>>) target(%arg6 : memref<56xi32, #tpu.memory_space<vmem>>) target_semaphore(%arg14 : memref<!tpu.dma_semaphore, #tpu.memory_space<semaphore_mem>>)
      } else {
      }
      %mul3A_142 = arith.constant 4 : i32
      %mul3A_143 = arith.muli %scan3A_84, %mul3A_142 : i32
      %add3A_144 = arith.constant 2 : i32
      %add3A_145 = arith.addi %mul3A_143, %add3A_144 : i32
      %add3A_146 = arith.constant 1 : i32
      %add3A_147 = arith.addi %add3A_145, %add3A_146 : i32
      %lt3A_148 = arith.constant 128 : i32
      %lt3A_149 = arith.cmpi slt, %add3A_147, %lt3A_148 : i32
      %convert_element_type3A_150 = arith.extui %lt3A_149 : i1 to i32
      %cond3A_151 = arith.constant 0 : i32
      %cond3A_152 = arith.cmpi ne, %convert_element_type3A_150, %cond3A_151 : i32
      scf.if %cond3A_152 {
        %dma_wait3A_202 = arith.constant 0 : i32
        %dma_wait3A_203 = arith.constant 0 : i32
        %dma_wait3A_204 = tpu.memref_slice %arg2[%dma_wait3A_202, %dma_wait3A_203] : memref<4096x56xi32, #tpu.memory_space<hbm>> -> memref<1x56xi32, #tpu.memory_space<hbm>>
        %dma_wait3A_205 = tpu.memref_squeeze %dma_wait3A_204 : memref<1x56xi32, #tpu.memory_space<hbm>> -> memref<56xi32, #tpu.memory_space<hbm>>
        %dma_wait3A_206 = arith.constant 0 : i32
        %dma_wait3A_207 = tpu.memref_slice %arg2[%dma_wait3A_202, %dma_wait3A_206] : memref<4096x56xi32, #tpu.memory_space<hbm>> -> memref<1x56xi32, #tpu.memory_space<hbm>>
        %dma_wait3A_208 = tpu.memref_squeeze %dma_wait3A_207 : memref<1x56xi32, #tpu.memory_space<hbm>> -> memref<56xi32, #tpu.memory_space<hbm>>
        tpu.wait_dma2 semaphore(%arg16 : memref<!tpu.dma_semaphore, #tpu.memory_space<semaphore_mem>>) src(%dma_wait3A_208 : memref<56xi32, #tpu.memory_space<hbm>>) dst(%arg8 : memref<56xi32, #tpu.memory_space<vmem>>)
        %add3A_209 = arith.constant 1 : i32
        %add3A_210 = arith.addi %add3A_145, %add3A_209 : i32
        %ge3A = arith.constant 4 : i32
        %ge3A_211 = arith.cmpi sge, %add3A_210, %ge3A : i32
        %convert_element_type3A_212 = arith.extui %ge3A_211 : i1 to i32
        %cond3A_213 = arith.constant 0 : i32
        %cond3A_214 = arith.cmpi ne, %convert_element_type3A_212, %cond3A_213 : i32
        scf.if %cond3A_214 {
          %dma_wait3A_218 = arith.constant 0 : i32
          %dma_wait3A_219 = arith.constant 0 : i32
          %dma_wait3A_220 = arith.constant 0 : i32
          %dma_wait3A_221 = tpu.memref_slice %arg4[%dma_wait3A_218, %dma_wait3A_219, %dma_wait3A_220] : memref<4096x56x128xf32, #tpu.memory_space<hbm>> -> memref<1x56x128xf32, #tpu.memory_space<hbm>>
          %dma_wait3A_222 = tpu.memref_squeeze %dma_wait3A_221 : memref<1x56x128xf32, #tpu.memory_space<hbm>> -> memref<56x128xf32, #tpu.memory_space<hbm>>
          %dma_wait3A_223 = arith.constant 0 : i32
          %dma_wait3A_224 = arith.constant 0 : i32
          %dma_wait3A_225 = tpu.memref_slice %arg4[%dma_wait3A_218, %dma_wait3A_223, %dma_wait3A_224] : memref<4096x56x128xf32, #tpu.memory_space<hbm>> -> memref<1x56x128xf32, #tpu.memory_space<hbm>>
          %dma_wait3A_226 = tpu.memref_squeeze %dma_wait3A_225 : memref<1x56x128xf32, #tpu.memory_space<hbm>> -> memref<56x128xf32, #tpu.memory_space<hbm>>
          tpu.wait_dma2 semaphore(%arg24 : memref<!tpu.dma_semaphore, #tpu.memory_space<semaphore_mem>>) src(%arg12 : memref<56x128xf32, #tpu.memory_space<vmem>>) dst(%dma_wait3A_226 : memref<56x128xf32, #tpu.memory_space<hbm>>)
        } else {
        }
        %dma_start3A_215 = arith.constant 0 : i32
        %dma_start3A_216 = arith.constant 0 : i32
        %dma_start3A_217 = tpu.memref_slice %arg3[%dma_start3A_215, %dma_start3A_216] : memref<1000000x128xf32, #tpu.memory_space<hbm>> -> memref<1000000x128xf32, #tpu.memory_space<hbm>>
        tpu.enqueue_indirect_dma source(%dma_start3A_217 : memref<1000000x128xf32, #tpu.memory_space<hbm>>) target(%arg12 : memref<56x128xf32, #tpu.memory_space<vmem>>) offsets(%arg8 : memref<56xi32, #tpu.memory_space<vmem>>) semaphore(%arg20 : memref<!tpu.dma_semaphore, #tpu.memory_space<semaphore_mem>>)
      } else {
      }
      %dma_wait3A_153 = arith.constant 0 : i32
      %dma_wait3A_154 = arith.constant 0 : i32
      %dma_wait3A_155 = tpu.memref_slice %arg3[%dma_wait3A_153, %dma_wait3A_154] : memref<1000000x128xf32, #tpu.memory_space<hbm>> -> memref<1000000x128xf32, #tpu.memory_space<hbm>>
      tpu.wait_indirect_dma semaphore(%arg19 : memref<!tpu.dma_semaphore, #tpu.memory_space<semaphore_mem>>) src(%dma_wait3A_155 : memref<1000000x128xf32, #tpu.memory_space<hbm>>) dst(%arg11 : memref<56x128xf32, #tpu.memory_space<vmem>>)
      %add3A_156 = arith.addi %mul3A_2, %add3A_145 : i32
      %dma_start3A_157 = arith.constant 0 : i32
      %dma_start3A_158 = arith.constant 0 : i32
      %dma_start3A_159 = tpu.memref_slice %arg4[%add3A_156, %dma_start3A_157, %dma_start3A_158] : memref<4096x56x128xf32, #tpu.memory_space<hbm>> -> memref<1x56x128xf32, #tpu.memory_space<hbm>>
      %dma_start3A_160 = tpu.memref_squeeze %dma_start3A_159 : memref<1x56x128xf32, #tpu.memory_space<hbm>> -> memref<56x128xf32, #tpu.memory_space<hbm>>
      %dma_start3A_161 = arith.constant 0 : i32
      %dma_start3A_162 = arith.constant 0 : i32
      %dma_start3A_163 = tpu.memref_slice %arg4[%add3A_156, %dma_start3A_161, %dma_start3A_162] : memref<4096x56x128xf32, #tpu.memory_space<hbm>> -> memref<1x56x128xf32, #tpu.memory_space<hbm>>
      %dma_start3A_164 = tpu.memref_squeeze %dma_start3A_163 : memref<1x56x128xf32, #tpu.memory_space<hbm>> -> memref<56x128xf32, #tpu.memory_space<hbm>>
      tpu.enqueue_dma source(%arg11 : memref<56x128xf32, #tpu.memory_space<vmem>>) target(%dma_start3A_164 : memref<56x128xf32, #tpu.memory_space<hbm>>) target_semaphore(%arg23 : memref<!tpu.dma_semaphore, #tpu.memory_space<semaphore_mem>>)
      %add3A_165 = arith.constant 4 : i32
      %add3A_166 = arith.addi %add3A_145, %add3A_165 : i32
      %lt3A_167 = arith.constant 128 : i32
      %lt3A_168 = arith.cmpi slt, %add3A_166, %lt3A_167 : i32
      %convert_element_type3A_169 = arith.extui %lt3A_168 : i1 to i32
      %cond3A_170 = arith.constant 0 : i32
      %cond3A_171 = arith.cmpi ne, %convert_element_type3A_169, %cond3A_170 : i32
      scf.if %cond3A_171 {
        %add3A_202 = arith.constant 4 : i32
        %add3A_203 = arith.addi %add3A_145, %add3A_202 : i32
        %add3A_204 = arith.addi %mul3A_2, %add3A_203 : i32
        %dma_start3A_205 = arith.constant 0 : i32
        %dma_start3A_206 = tpu.memref_slice %arg2[%add3A_204, %dma_start3A_205] : memref<4096x56xi32, #tpu.memory_space<hbm>> -> memref<1x56xi32, #tpu.memory_space<hbm>>
        %dma_start3A_207 = tpu.memref_squeeze %dma_start3A_206 : memref<1x56xi32, #tpu.memory_space<hbm>> -> memref<56xi32, #tpu.memory_space<hbm>>
        %dma_start3A_208 = arith.constant 0 : i32
        %dma_start3A_209 = tpu.memref_slice %arg2[%add3A_204, %dma_start3A_208] : memref<4096x56xi32, #tpu.memory_space<hbm>> -> memref<1x56xi32, #tpu.memory_space<hbm>>
        %dma_start3A_210 = tpu.memref_squeeze %dma_start3A_209 : memref<1x56xi32, #tpu.memory_space<hbm>> -> memref<56xi32, #tpu.memory_space<hbm>>
        tpu.enqueue_dma source(%dma_start3A_210 : memref<56xi32, #tpu.memory_space<hbm>>) target(%arg7 : memref<56xi32, #tpu.memory_space<vmem>>) target_semaphore(%arg15 : memref<!tpu.dma_semaphore, #tpu.memory_space<semaphore_mem>>)
      } else {
      }
      %mul3A_172 = arith.constant 4 : i32
      %mul3A_173 = arith.muli %scan3A_84, %mul3A_172 : i32
      %add3A_174 = arith.constant 3 : i32
      %add3A_175 = arith.addi %mul3A_173, %add3A_174 : i32
      %add3A_176 = arith.constant 1 : i32
      %add3A_177 = arith.addi %add3A_175, %add3A_176 : i32
      %lt3A_178 = arith.constant 128 : i32
      %lt3A_179 = arith.cmpi slt, %add3A_177, %lt3A_178 : i32
      %convert_element_type3A_180 = arith.extui %lt3A_179 : i1 to i32
      %cond3A_181 = arith.constant 0 : i32
      %cond3A_182 = arith.cmpi ne, %convert_element_type3A_180, %cond3A_181 : i32
      scf.if %cond3A_182 {
        %dma_wait3A_202 = arith.constant 0 : i32
        %dma_wait3A_203 = arith.constant 0 : i32
        %dma_wait3A_204 = tpu.memref_slice %arg2[%dma_wait3A_202, %dma_wait3A_203] : memref<4096x56xi32, #tpu.memory_space<hbm>> -> memref<1x56xi32, #tpu.memory_space<hbm>>
        %dma_wait3A_205 = tpu.memref_squeeze %dma_wait3A_204 : memref<1x56xi32, #tpu.memory_space<hbm>> -> memref<56xi32, #tpu.memory_space<hbm>>
        %dma_wait3A_206 = arith.constant 0 : i32
        %dma_wait3A_207 = tpu.memref_slice %arg2[%dma_wait3A_202, %dma_wait3A_206] : memref<4096x56xi32, #tpu.memory_space<hbm>> -> memref<1x56xi32, #tpu.memory_space<hbm>>
        %dma_wait3A_208 = tpu.memref_squeeze %dma_wait3A_207 : memref<1x56xi32, #tpu.memory_space<hbm>> -> memref<56xi32, #tpu.memory_space<hbm>>
        tpu.wait_dma2 semaphore(%arg13 : memref<!tpu.dma_semaphore, #tpu.memory_space<semaphore_mem>>) src(%dma_wait3A_208 : memref<56xi32, #tpu.memory_space<hbm>>) dst(%arg5 : memref<56xi32, #tpu.memory_space<vmem>>)
        %add3A_209 = arith.constant 1 : i32
        %add3A_210 = arith.addi %add3A_175, %add3A_209 : i32
        %ge3A = arith.constant 4 : i32
        %ge3A_211 = arith.cmpi sge, %add3A_210, %ge3A : i32
        %convert_element_type3A_212 = arith.extui %ge3A_211 : i1 to i32
        %cond3A_213 = arith.constant 0 : i32
        %cond3A_214 = arith.cmpi ne, %convert_element_type3A_212, %cond3A_213 : i32
        scf.if %cond3A_214 {
          %dma_wait3A_218 = arith.constant 0 : i32
          %dma_wait3A_219 = arith.constant 0 : i32
          %dma_wait3A_220 = arith.constant 0 : i32
          %dma_wait3A_221 = tpu.memref_slice %arg4[%dma_wait3A_218, %dma_wait3A_219, %dma_wait3A_220] : memref<4096x56x128xf32, #tpu.memory_space<hbm>> -> memref<1x56x128xf32, #tpu.memory_space<hbm>>
          %dma_wait3A_222 = tpu.memref_squeeze %dma_wait3A_221 : memref<1x56x128xf32, #tpu.memory_space<hbm>> -> memref<56x128xf32, #tpu.memory_space<hbm>>
          %dma_wait3A_223 = arith.constant 0 : i32
          %dma_wait3A_224 = arith.constant 0 : i32
          %dma_wait3A_225 = tpu.memref_slice %arg4[%dma_wait3A_218, %dma_wait3A_223, %dma_wait3A_224] : memref<4096x56x128xf32, #tpu.memory_space<hbm>> -> memref<1x56x128xf32, #tpu.memory_space<hbm>>
          %dma_wait3A_226 = tpu.memref_squeeze %dma_wait3A_225 : memref<1x56x128xf32, #tpu.memory_space<hbm>> -> memref<56x128xf32, #tpu.memory_space<hbm>>
          tpu.wait_dma2 semaphore(%arg21 : memref<!tpu.dma_semaphore, #tpu.memory_space<semaphore_mem>>) src(%arg9 : memref<56x128xf32, #tpu.memory_space<vmem>>) dst(%dma_wait3A_226 : memref<56x128xf32, #tpu.memory_space<hbm>>)
        } else {
        }
        %dma_start3A_215 = arith.constant 0 : i32
        %dma_start3A_216 = arith.constant 0 : i32
        %dma_start3A_217 = tpu.memref_slice %arg3[%dma_start3A_215, %dma_start3A_216] : memref<1000000x128xf32, #tpu.memory_space<hbm>> -> memref<1000000x128xf32, #tpu.memory_space<hbm>>
        tpu.enqueue_indirect_dma source(%dma_start3A_217 : memref<1000000x128xf32, #tpu.memory_space<hbm>>) target(%arg9 : memref<56x128xf32, #tpu.memory_space<vmem>>) offsets(%arg5 : memref<56xi32, #tpu.memory_space<vmem>>) semaphore(%arg17 : memref<!tpu.dma_semaphore, #tpu.memory_space<semaphore_mem>>)
      } else {
      }
      %dma_wait3A_183 = arith.constant 0 : i32
      %dma_wait3A_184 = arith.constant 0 : i32
      %dma_wait3A_185 = tpu.memref_slice %arg3[%dma_wait3A_183, %dma_wait3A_184] : memref<1000000x128xf32, #tpu.memory_space<hbm>> -> memref<1000000x128xf32, #tpu.memory_space<hbm>>
      tpu.wait_indirect_dma semaphore(%arg20 : memref<!tpu.dma_semaphore, #tpu.memory_space<semaphore_mem>>) src(%dma_wait3A_185 : memref<1000000x128xf32, #tpu.memory_space<hbm>>) dst(%arg12 : memref<56x128xf32, #tpu.memory_space<vmem>>)
      %add3A_186 = arith.addi %mul3A_2, %add3A_175 : i32
      %dma_start3A_187 = arith.constant 0 : i32
      %dma_start3A_188 = arith.constant 0 : i32
      %dma_start3A_189 = tpu.memref_slice %arg4[%add3A_186, %dma_start3A_187, %dma_start3A_188] : memref<4096x56x128xf32, #tpu.memory_space<hbm>> -> memref<1x56x128xf32, #tpu.memory_space<hbm>>
      %dma_start3A_190 = tpu.memref_squeeze %dma_start3A_189 : memref<1x56x128xf32, #tpu.memory_space<hbm>> -> memref<56x128xf32, #tpu.memory_space<hbm>>
      %dma_start3A_191 = arith.constant 0 : i32
      %dma_start3A_192 = arith.constant 0 : i32
      %dma_start3A_193 = tpu.memref_slice %arg4[%add3A_186, %dma_start3A_191, %dma_start3A_192] : memref<4096x56x128xf32, #tpu.memory_space<hbm>> -> memref<1x56x128xf32, #tpu.memory_space<hbm>>
      %dma_start3A_194 = tpu.memref_squeeze %dma_start3A_193 : memref<1x56x128xf32, #tpu.memory_space<hbm>> -> memref<56x128xf32, #tpu.memory_space<hbm>>
      tpu.enqueue_dma source(%arg12 : memref<56x128xf32, #tpu.memory_space<vmem>>) target(%dma_start3A_194 : memref<56x128xf32, #tpu.memory_space<hbm>>) target_semaphore(%arg24 : memref<!tpu.dma_semaphore, #tpu.memory_space<semaphore_mem>>)
      %add3A_195 = arith.constant 4 : i32
      %add3A_196 = arith.addi %add3A_175, %add3A_195 : i32
      %lt3A_197 = arith.constant 128 : i32
      %lt3A_198 = arith.cmpi slt, %add3A_196, %lt3A_197 : i32
      %convert_element_type3A_199 = arith.extui %lt3A_198 : i1 to i32
      %cond3A_200 = arith.constant 0 : i32
      %cond3A_201 = arith.cmpi ne, %convert_element_type3A_199, %cond3A_200 : i32
      scf.if %cond3A_201 {
        %add3A_202 = arith.constant 4 : i32
        %add3A_203 = arith.addi %add3A_175, %add3A_202 : i32
        %add3A_204 = arith.addi %mul3A_2, %add3A_203 : i32
        %dma_start3A_205 = arith.constant 0 : i32
        %dma_start3A_206 = tpu.memref_slice %arg2[%add3A_204, %dma_start3A_205] : memref<4096x56xi32, #tpu.memory_space<hbm>> -> memref<1x56xi32, #tpu.memory_space<hbm>>
        %dma_start3A_207 = tpu.memref_squeeze %dma_start3A_206 : memref<1x56xi32, #tpu.memory_space<hbm>> -> memref<56xi32, #tpu.memory_space<hbm>>
        %dma_start3A_208 = arith.constant 0 : i32
        %dma_start3A_209 = tpu.memref_slice %arg2[%add3A_204, %dma_start3A_208] : memref<4096x56xi32, #tpu.memory_space<hbm>> -> memref<1x56xi32, #tpu.memory_space<hbm>>
        %dma_start3A_210 = tpu.memref_squeeze %dma_start3A_209 : memref<1x56xi32, #tpu.memory_space<hbm>> -> memref<56xi32, #tpu.memory_space<hbm>>
        tpu.enqueue_dma source(%dma_start3A_210 : memref<56xi32, #tpu.memory_space<hbm>>) target(%arg8 : memref<56xi32, #tpu.memory_space<vmem>>) target_semaphore(%arg16 : memref<!tpu.dma_semaphore, #tpu.memory_space<semaphore_mem>>)
      } else {
      }
    }
    %scan3A_47 = arith.constant 32 : i32
    %dma_wait3A_48 = arith.constant 0 : i32
    %dma_wait3A_49 = arith.constant 0 : i32
    %dma_wait3A_50 = arith.constant 0 : i32
    %dma_wait3A_51 = tpu.memref_slice %arg4[%dma_wait3A_48, %dma_wait3A_49, %dma_wait3A_50] : memref<4096x56x128xf32, #tpu.memory_space<hbm>> -> memref<1x56x128xf32, #tpu.memory_space<hbm>>
    %dma_wait3A_52 = tpu.memref_squeeze %dma_wait3A_51 : memref<1x56x128xf32, #tpu.memory_space<hbm>> -> memref<56x128xf32, #tpu.memory_space<hbm>>
    %dma_wait3A_53 = arith.constant 0 : i32
    %dma_wait3A_54 = arith.constant 0 : i32
    %dma_wait3A_55 = tpu.memref_slice %arg4[%dma_wait3A_48, %dma_wait3A_53, %dma_wait3A_54] : memref<4096x56x128xf32, #tpu.memory_space<hbm>> -> memref<1x56x128xf32, #tpu.memory_space<hbm>>
    %dma_wait3A_56 = tpu.memref_squeeze %dma_wait3A_55 : memref<1x56x128xf32, #tpu.memory_space<hbm>> -> memref<56x128xf32, #tpu.memory_space<hbm>>
    tpu.wait_dma2 semaphore(%arg21 : memref<!tpu.dma_semaphore, #tpu.memory_space<semaphore_mem>>) src(%arg9 : memref<56x128xf32, #tpu.memory_space<vmem>>) dst(%dma_wait3A_56 : memref<56x128xf32, #tpu.memory_space<hbm>>)
    %dma_wait3A_57 = arith.constant 0 : i32
    %dma_wait3A_58 = arith.constant 0 : i32
    %dma_wait3A_59 = arith.constant 0 : i32
    %dma_wait3A_60 = tpu.memref_slice %arg4[%dma_wait3A_57, %dma_wait3A_58, %dma_wait3A_59] : memref<4096x56x128xf32, #tpu.memory_space<hbm>> -> memref<1x56x128xf32, #tpu.memory_space<hbm>>
    %dma_wait3A_61 = tpu.memref_squeeze %dma_wait3A_60 : memref<1x56x128xf32, #tpu.memory_space<hbm>> -> memref<56x128xf32, #tpu.memory_space<hbm>>
    %dma_wait3A_62 = arith.constant 0 : i32
    %dma_wait3A_63 = arith.constant 0 : i32
    %dma_wait3A_64 = tpu.memref_slice %arg4[%dma_wait3A_57, %dma_wait3A_62, %dma_wait3A_63] : memref<4096x56x128xf32, #tpu.memory_space<hbm>> -> memref<1x56x128xf32, #tpu.memory_space<hbm>>
    %dma_wait3A_65 = tpu.memref_squeeze %dma_wait3A_64 : memref<1x56x128xf32, #tpu.memory_space<hbm>> -> memref<56x128xf32, #tpu.memory_space<hbm>>
    tpu.wait_dma2 semaphore(%arg22 : memref<!tpu.dma_semaphore, #tpu.memory_space<semaphore_mem>>) src(%arg10 : memref<56x128xf32, #tpu.memory_space<vmem>>) dst(%dma_wait3A_65 : memref<56x128xf32, #tpu.memory_space<hbm>>)
    %dma_wait3A_66 = arith.constant 0 : i32
    %dma_wait3A_67 = arith.constant 0 : i32
    %dma_wait3A_68 = arith.constant 0 : i32
    %dma_wait3A_69 = tpu.memref_slice %arg4[%dma_wait3A_66, %dma_wait3A_67, %dma_wait3A_68] : memref<4096x56x128xf32, #tpu.memory_space<hbm>> -> memref<1x56x128xf32, #tpu.memory_space<hbm>>
    %dma_wait3A_70 = tpu.memref_squeeze %dma_wait3A_69 : memref<1x56x128xf32, #tpu.memory_space<hbm>> -> memref<56x128xf32, #tpu.memory_space<hbm>>
    %dma_wait3A_71 = arith.constant 0 : i32
    %dma_wait3A_72 = arith.constant 0 : i32
    %dma_wait3A_73 = tpu.memref_slice %arg4[%dma_wait3A_66, %dma_wait3A_71, %dma_wait3A_72] : memref<4096x56x128xf32, #tpu.memory_space<hbm>> -> memref<1x56x128xf32, #tpu.memory_space<hbm>>
    %dma_wait3A_74 = tpu.memref_squeeze %dma_wait3A_73 : memref<1x56x128xf32, #tpu.memory_space<hbm>> -> memref<56x128xf32, #tpu.memory_space<hbm>>
    tpu.wait_dma2 semaphore(%arg23 : memref<!tpu.dma_semaphore, #tpu.memory_space<semaphore_mem>>) src(%arg11 : memref<56x128xf32, #tpu.memory_space<vmem>>) dst(%dma_wait3A_74 : memref<56x128xf32, #tpu.memory_space<hbm>>)
    %dma_wait3A_75 = arith.constant 0 : i32
    %dma_wait3A_76 = arith.constant 0 : i32
    %dma_wait3A_77 = arith.constant 0 : i32
    %dma_wait3A_78 = tpu.memref_slice %arg4[%dma_wait3A_75, %dma_wait3A_76, %dma_wait3A_77] : memref<4096x56x128xf32, #tpu.memory_space<hbm>> -> memref<1x56x128xf32, #tpu.memory_space<hbm>>
    %dma_wait3A_79 = tpu.memref_squeeze %dma_wait3A_78 : memref<1x56x128xf32, #tpu.memory_space<hbm>> -> memref<56x128xf32, #tpu.memory_space<hbm>>
    %dma_wait3A_80 = arith.constant 0 : i32
    %dma_wait3A_81 = arith.constant 0 : i32
    %dma_wait3A_82 = tpu.memref_slice %arg4[%dma_wait3A_75, %dma_wait3A_80, %dma_wait3A_81] : memref<4096x56x128xf32, #tpu.memory_space<hbm>> -> memref<1x56x128xf32, #tpu.memory_space<hbm>>
    %dma_wait3A_83 = tpu.memref_squeeze %dma_wait3A_82 : memref<1x56x128xf32, #tpu.memory_space<hbm>> -> memref<56x128xf32, #tpu.memory_space<hbm>>
    tpu.wait_dma2 semaphore(%arg24 : memref<!tpu.dma_semaphore, #tpu.memory_space<semaphore_mem>>) src(%arg12 : memref<56x128xf32, #tpu.memory_space<vmem>>) dst(%dma_wait3A_83 : memref<56x128xf32, #tpu.memory_space<hbm>>)
    return
  }
}

module attributes {stable_mosaic.version = 14 : i64} {
  func.func @body(%arg0: i32, %arg1: memref<64x16384xf32, #tpu.memory_space<vmem>>, %arg2: memref<16384x128xf32, #tpu.memory_space<vmem>>) attributes {dimension_semantics = [#tpu.dimension_semantics<arbitrary>], iteration_bounds = array<i64: 62>, scalar_prefetch = 0 : i64, scratch_operands = 0 : i64, tpu.core_type = #tpu.core_type<tc>, window_params = [{transform_indices = @transform_0, window_bounds = array<i64: 64, 16384>}, {transform_indices = @transform_1, window_bounds = array<i64: 16384, 128>}]} {
    %get3A = arith.constant 0 : index
    %get3A_0 = arith.constant 0 : index
    %get3A_1 = vector.load %arg1[%get3A, %get3A_0] : memref<64x16384xf32, #tpu.memory_space<vmem>>, vector<64x16384xf32>
    %iota3A = tpu.iota {dimensions = array<i32: 0>} : vector<64x64xi32>
    %iota3A_2 = tpu.iota {dimensions = array<i32: 1>} : vector<64x64xi32>
    %add3A = arith.constant 0 : i32
    %add3A_3 = vector.broadcast %add3A : i32 to vector<64x64xi32>
    %add3A_4 = arith.addi %iota3A, %add3A_3 : vector<64x64xi32>
    %eq3A = arith.cmpi eq, %add3A_4, %iota3A_2 : vector<64x64xi32>
    %convert_element_type3A = arith.extui %eq3A : vector<64x64xi1> to vector<64x64xi32>
    %convert_element_type3A_5 = arith.sitofp %convert_element_type3A : vector<64x64xi32> to vector<64x64xf32>
    %dot_general3A = arith.constant dense<0.000000e+00> : vector<16384x64xf32>
    %dot_general3A_6 = tpu.matmul %get3A_1, %convert_element_type3A_5, %dot_general3A {dimension_numbers = #tpu.dot_dimension_numbers<[0], [0], [1], [1], [0, 1, 1, 1], [], []>, transpose_lhs_hint = false} : vector<64x16384xf32>, vector<64x64xf32>, vector<16384x64xf32> -> vector<16384x64xf32>
    %swap3A = arith.constant 0 : index
    %swap3A_7 = arith.constant 0 : index
    %swap3A_8 = vector.load %arg2[%swap3A, %swap3A_7] : memref<16384x128xf32, #tpu.memory_space<vmem>>, vector<16384x64xf32>
    tpu.vector_store %arg2[%swap3A, %swap3A_7], %dot_general3A_6 {strides = array<i32>} : memref<16384x128xf32, #tpu.memory_space<vmem>>, vector<16384x64xf32>,
    return
  }
  func.func @transform_0(%arg0: i32) -> (i32, i32) {
    %c0_i32 = arith.constant 0 : i32
    %c0_i32_0 = arith.constant 0 : i32
    return %c0_i32, %arg0 : i32, i32
  }
  func.func @transform_1(%arg0: i32) -> (i32, i32) {
    %c0_i32 = arith.constant 0 : i32
    %c0_i32_0 = arith.constant 0 : i32
    return %arg0, %c0_i32 : i32, i32
  }
}

module attributes {stable_mosaic.version = 14 : i64} {
  func.func @body(%arg0: i32, %arg1: i32, %arg2: memref<512x8x128xf32, #tpu.memory_space<vmem>>, %arg3: memref<8x512xf32, #tpu.memory_space<vmem>>, %arg4: memref<8x64xf32, #tpu.memory_space<vmem>>, %arg5: memref<1x64xf32, #tpu.memory_space<vmem>>, %arg6: memref<1x64xf32, #tpu.memory_space<vmem>>, %arg7: memref<8x64x512xf32, #tpu.memory_space<vmem>>) attributes {dimension_semantics = [#tpu.dimension_semantics<arbitrary>, #tpu.dimension_semantics<arbitrary>], iteration_bounds = array<i64: 7, 8>, scalar_prefetch = 0 : i64, scratch_operands = 0 : i64, tpu.core_type = #tpu.core_type<tc>, window_params = [{transform_indices = @transform_0, window_bounds = array<i64: 512, 8, 128>}, {transform_indices = @transform_1, window_bounds = array<i64: 8, 512>}, {transform_indices = @transform_2, window_bounds = array<i64: 8, 64>}, {pipeline_mode = #tpu.pipeline_mode<synchronous>, transform_indices = @transform_3, window_bounds = array<i64: 1, 64>}, {pipeline_mode = #tpu.pipeline_mode<synchronous>, transform_indices = @transform_4, window_bounds = array<i64: 1, 64>}, {transform_indices = @transform_5, window_bounds = array<i64: 8, 64, 512>}]} {
    %get3A = arith.constant 0 : index
    %get3A_0 = arith.constant 0 : index
    %get3A_1 = vector.load %arg3[%get3A, %get3A_0] : memref<8x512xf32, #tpu.memory_space<vmem>>, vector<8x512xf32>
    %get3A_2 = arith.constant 0 : index
    %get3A_3 = arith.constant 0 : index
    %get3A_4 = vector.load %arg5[%get3A_2, %get3A_3] : memref<1x64xf32, #tpu.memory_space<vmem>>, vector<1x64xf32>
    %get3A_5 = vector.shape_cast %get3A_4 : vector<1x64xf32> to vector<64xf32>
    %get3A_6 = arith.constant 0 : index
    %get3A_7 = arith.constant 0 : index
    %get3A_8 = vector.load %arg6[%get3A_6, %get3A_7] : memref<1x64xf32, #tpu.memory_space<vmem>>, vector<1x64xf32>
    %get3A_9 = vector.shape_cast %get3A_8 : vector<1x64xf32> to vector<64xf32>
    %get3A_10 = arith.constant 0 : index
    %get3A_11 = arith.constant 0 : index
    %get3A_12 = vector.load %arg4[%get3A_10, %get3A_11] : memref<8x64xf32, #tpu.memory_space<vmem>>, vector<8x64xf32>
    %broadcast_in_dim3A = vector.shape_cast %get3A_9 : vector<64xf32> to vector<1x64xf32>
    %add3A = vector.broadcast %broadcast_in_dim3A : vector<1x64xf32> to vector<8x64xf32>
    %add3A_13 = arith.addf %get3A_12, %add3A : vector<8x64xf32>
    %get3A_14 = arith.constant 0 : index
    %get3A_15 = arith.constant 0 : index
    %get3A_16 = arith.constant 0 : index
    %get3A_17 = vector.load %arg2[%get3A_14, %get3A_15, %get3A_16] : memref<512x8x128xf32, #tpu.memory_space<vmem>>, vector<512x8x128xf32>
    %reshape3A = vector.shape_cast %get3A_17 : vector<512x8x128xf32> to vector<512x1024xf32>
    %transpose3A = tpu.transpose %reshape3A, [1, 0] : vector<512x1024xf32> -> vector<1024x512xf32>
    %slice3A = vector.extract_strided_slice %transpose3A {offsets = [0, 0], sizes = [64, 512], strides = [1, 1]} : vector<1024x512xf32> to vector<64x512xf32>
    %slice3A_18 = vector.extract_strided_slice %get3A_1 {offsets = [0, 0], sizes = [1, 512], strides = [1, 1]} : vector<8x512xf32> to vector<1x512xf32>
    %squeeze3A = vector.shape_cast %slice3A_18 : vector<1x512xf32> to vector<512xf32>
    %broadcast_in_dim3A_19 = vector.shape_cast %squeeze3A : vector<512xf32> to vector<1x512xf32>
    %broadcast_in_dim3A_20 = vector.shape_cast %get3A_5 : vector<64xf32> to vector<64x1xf32>
    %mul3A = vector.broadcast %broadcast_in_dim3A_19 : vector<1x512xf32> to vector<64x512xf32>
    %mul3A_21 = vector.broadcast %broadcast_in_dim3A_20 : vector<64x1xf32> to vector<64x512xf32>
    %mul3A_22 = arith.mulf %mul3A, %mul3A_21 : vector<64x512xf32>
    %add3A_23 = arith.addf %slice3A, %mul3A_22 : vector<64x512xf32>
    %slice3A_24 = vector.extract_strided_slice %add3A_13 {offsets = [0, 0], sizes = [1, 64], strides = [1, 1]} : vector<8x64xf32> to vector<1x64xf32>
    %squeeze3A_25 = vector.shape_cast %slice3A_24 : vector<1x64xf32> to vector<64xf32>
    %broadcast_in_dim3A_26 = vector.shape_cast %squeeze3A_25 : vector<64xf32> to vector<64x1xf32>
    %add3A_27 = vector.broadcast %broadcast_in_dim3A_26 : vector<64x1xf32> to vector<64x512xf32>
    %add3A_28 = arith.addf %add3A_23, %add3A_27 : vector<64x512xf32>
    %swap3A = arith.constant 0 : index
    %swap3A_29 = arith.constant 0 : index
    %swap3A_30 = arith.constant 0 : index
    %swap3A_31 = vector.load %arg7[%swap3A, %swap3A_29, %swap3A_30] : memref<8x64x512xf32, #tpu.memory_space<vmem>>, vector<1x64x512xf32>
    %swap3A_32 = vector.shape_cast %swap3A_31 : vector<1x64x512xf32> to vector<64x512xf32>
    %swap3A_33 = vector.shape_cast %add3A_28 : vector<64x512xf32> to vector<1x64x512xf32>
    tpu.vector_store %arg7[%swap3A, %swap3A_29, %swap3A_30], %swap3A_33 {strides = array<i32>} : memref<8x64x512xf32, #tpu.memory_space<vmem>>, vector<1x64x512xf32>,
    %slice3A_34 = vector.extract_strided_slice %transpose3A {offsets = [128, 0], sizes = [64, 512], strides = [1, 1]} : vector<1024x512xf32> to vector<64x512xf32>
    %slice3A_35 = vector.extract_strided_slice %get3A_1 {offsets = [1, 0], sizes = [1, 512], strides = [1, 1]} : vector<8x512xf32> to vector<1x512xf32>
    %squeeze3A_36 = vector.shape_cast %slice3A_35 : vector<1x512xf32> to vector<512xf32>
    %broadcast_in_dim3A_37 = vector.shape_cast %squeeze3A_36 : vector<512xf32> to vector<1x512xf32>
    %broadcast_in_dim3A_38 = vector.shape_cast %get3A_5 : vector<64xf32> to vector<64x1xf32>
    %mul3A_39 = vector.broadcast %broadcast_in_dim3A_37 : vector<1x512xf32> to vector<64x512xf32>
    %mul3A_40 = vector.broadcast %broadcast_in_dim3A_38 : vector<64x1xf32> to vector<64x512xf32>
    %mul3A_41 = arith.mulf %mul3A_39, %mul3A_40 : vector<64x512xf32>
    %add3A_42 = arith.addf %slice3A_34, %mul3A_41 : vector<64x512xf32>
    %slice3A_43 = vector.extract_strided_slice %add3A_13 {offsets = [1, 0], sizes = [1, 64], strides = [1, 1]} : vector<8x64xf32> to vector<1x64xf32>
    %squeeze3A_44 = vector.shape_cast %slice3A_43 : vector<1x64xf32> to vector<64xf32>
    %broadcast_in_dim3A_45 = vector.shape_cast %squeeze3A_44 : vector<64xf32> to vector<64x1xf32>
    %add3A_46 = vector.broadcast %broadcast_in_dim3A_45 : vector<64x1xf32> to vector<64x512xf32>
    %add3A_47 = arith.addf %add3A_42, %add3A_46 : vector<64x512xf32>
    %swap3A_48 = arith.constant 1 : index
    %swap3A_49 = arith.constant 0 : index
    %swap3A_50 = arith.constant 0 : index
    %swap3A_51 = vector.load %arg7[%swap3A_48, %swap3A_49, %swap3A_50] : memref<8x64x512xf32, #tpu.memory_space<vmem>>, vector<1x64x512xf32>
    %swap3A_52 = vector.shape_cast %swap3A_51 : vector<1x64x512xf32> to vector<64x512xf32>
    %swap3A_53 = vector.shape_cast %add3A_47 : vector<64x512xf32> to vector<1x64x512xf32>
    tpu.vector_store %arg7[%swap3A_48, %swap3A_49, %swap3A_50], %swap3A_53 {strides = array<i32>} : memref<8x64x512xf32, #tpu.memory_space<vmem>>, vector<1x64x512xf32>,
    %slice3A_54 = vector.extract_strided_slice %transpose3A {offsets = [256, 0], sizes = [64, 512], strides = [1, 1]} : vector<1024x512xf32> to vector<64x512xf32>
    %slice3A_55 = vector.extract_strided_slice %get3A_1 {offsets = [2, 0], sizes = [1, 512], strides = [1, 1]} : vector<8x512xf32> to vector<1x512xf32>
    %squeeze3A_56 = vector.shape_cast %slice3A_55 : vector<1x512xf32> to vector<512xf32>
    %broadcast_in_dim3A_57 = vector.shape_cast %squeeze3A_56 : vector<512xf32> to vector<1x512xf32>
    %broadcast_in_dim3A_58 = vector.shape_cast %get3A_5 : vector<64xf32> to vector<64x1xf32>
    %mul3A_59 = vector.broadcast %broadcast_in_dim3A_57 : vector<1x512xf32> to vector<64x512xf32>
    %mul3A_60 = vector.broadcast %broadcast_in_dim3A_58 : vector<64x1xf32> to vector<64x512xf32>
    %mul3A_61 = arith.mulf %mul3A_59, %mul3A_60 : vector<64x512xf32>
    %add3A_62 = arith.addf %slice3A_54, %mul3A_61 : vector<64x512xf32>
    %slice3A_63 = vector.extract_strided_slice %add3A_13 {offsets = [2, 0], sizes = [1, 64], strides = [1, 1]} : vector<8x64xf32> to vector<1x64xf32>
    %squeeze3A_64 = vector.shape_cast %slice3A_63 : vector<1x64xf32> to vector<64xf32>
    %broadcast_in_dim3A_65 = vector.shape_cast %squeeze3A_64 : vector<64xf32> to vector<64x1xf32>
    %add3A_66 = vector.broadcast %broadcast_in_dim3A_65 : vector<64x1xf32> to vector<64x512xf32>
    %add3A_67 = arith.addf %add3A_62, %add3A_66 : vector<64x512xf32>
    %swap3A_68 = arith.constant 2 : index
    %swap3A_69 = arith.constant 0 : index
    %swap3A_70 = arith.constant 0 : index
    %swap3A_71 = vector.load %arg7[%swap3A_68, %swap3A_69, %swap3A_70] : memref<8x64x512xf32, #tpu.memory_space<vmem>>, vector<1x64x512xf32>
    %swap3A_72 = vector.shape_cast %swap3A_71 : vector<1x64x512xf32> to vector<64x512xf32>
    %swap3A_73 = vector.shape_cast %add3A_67 : vector<64x512xf32> to vector<1x64x512xf32>
    tpu.vector_store %arg7[%swap3A_68, %swap3A_69, %swap3A_70], %swap3A_73 {strides = array<i32>} : memref<8x64x512xf32, #tpu.memory_space<vmem>>, vector<1x64x512xf32>,
    %slice3A_74 = vector.extract_strided_slice %transpose3A {offsets = [384, 0], sizes = [64, 512], strides = [1, 1]} : vector<1024x512xf32> to vector<64x512xf32>
    %slice3A_75 = vector.extract_strided_slice %get3A_1 {offsets = [3, 0], sizes = [1, 512], strides = [1, 1]} : vector<8x512xf32> to vector<1x512xf32>
    %squeeze3A_76 = vector.shape_cast %slice3A_75 : vector<1x512xf32> to vector<512xf32>
    %broadcast_in_dim3A_77 = vector.shape_cast %squeeze3A_76 : vector<512xf32> to vector<1x512xf32>
    %broadcast_in_dim3A_78 = vector.shape_cast %get3A_5 : vector<64xf32> to vector<64x1xf32>
    %mul3A_79 = vector.broadcast %broadcast_in_dim3A_77 : vector<1x512xf32> to vector<64x512xf32>
    %mul3A_80 = vector.broadcast %broadcast_in_dim3A_78 : vector<64x1xf32> to vector<64x512xf32>
    %mul3A_81 = arith.mulf %mul3A_79, %mul3A_80 : vector<64x512xf32>
    %add3A_82 = arith.addf %slice3A_74, %mul3A_81 : vector<64x512xf32>
    %slice3A_83 = vector.extract_strided_slice %add3A_13 {offsets = [3, 0], sizes = [1, 64], strides = [1, 1]} : vector<8x64xf32> to vector<1x64xf32>
    %squeeze3A_84 = vector.shape_cast %slice3A_83 : vector<1x64xf32> to vector<64xf32>
    %broadcast_in_dim3A_85 = vector.shape_cast %squeeze3A_84 : vector<64xf32> to vector<64x1xf32>
    %add3A_86 = vector.broadcast %broadcast_in_dim3A_85 : vector<64x1xf32> to vector<64x512xf32>
    %add3A_87 = arith.addf %add3A_82, %add3A_86 : vector<64x512xf32>
    %swap3A_88 = arith.constant 3 : index
    %swap3A_89 = arith.constant 0 : index
    %swap3A_90 = arith.constant 0 : index
    %swap3A_91 = vector.load %arg7[%swap3A_88, %swap3A_89, %swap3A_90] : memref<8x64x512xf32, #tpu.memory_space<vmem>>, vector<1x64x512xf32>
    %swap3A_92 = vector.shape_cast %swap3A_91 : vector<1x64x512xf32> to vector<64x512xf32>
    %swap3A_93 = vector.shape_cast %add3A_87 : vector<64x512xf32> to vector<1x64x512xf32>
    tpu.vector_store %arg7[%swap3A_88, %swap3A_89, %swap3A_90], %swap3A_93 {strides = array<i32>} : memref<8x64x512xf32, #tpu.memory_space<vmem>>, vector<1x64x512xf32>,
    %slice3A_94 = vector.extract_strided_slice %transpose3A {offsets = [512, 0], sizes = [64, 512], strides = [1, 1]} : vector<1024x512xf32> to vector<64x512xf32>
    %slice3A_95 = vector.extract_strided_slice %get3A_1 {offsets = [4, 0], sizes = [1, 512], strides = [1, 1]} : vector<8x512xf32> to vector<1x512xf32>
    %squeeze3A_96 = vector.shape_cast %slice3A_95 : vector<1x512xf32> to vector<512xf32>
    %broadcast_in_dim3A_97 = vector.shape_cast %squeeze3A_96 : vector<512xf32> to vector<1x512xf32>
    %broadcast_in_dim3A_98 = vector.shape_cast %get3A_5 : vector<64xf32> to vector<64x1xf32>
    %mul3A_99 = vector.broadcast %broadcast_in_dim3A_97 : vector<1x512xf32> to vector<64x512xf32>
    %mul3A_100 = vector.broadcast %broadcast_in_dim3A_98 : vector<64x1xf32> to vector<64x512xf32>
    %mul3A_101 = arith.mulf %mul3A_99, %mul3A_100 : vector<64x512xf32>
    %add3A_102 = arith.addf %slice3A_94, %mul3A_101 : vector<64x512xf32>
    %slice3A_103 = vector.extract_strided_slice %add3A_13 {offsets = [4, 0], sizes = [1, 64], strides = [1, 1]} : vector<8x64xf32> to vector<1x64xf32>
    %squeeze3A_104 = vector.shape_cast %slice3A_103 : vector<1x64xf32> to vector<64xf32>
    %broadcast_in_dim3A_105 = vector.shape_cast %squeeze3A_104 : vector<64xf32> to vector<64x1xf32>
    %add3A_106 = vector.broadcast %broadcast_in_dim3A_105 : vector<64x1xf32> to vector<64x512xf32>
    %add3A_107 = arith.addf %add3A_102, %add3A_106 : vector<64x512xf32>
    %swap3A_108 = arith.constant 4 : index
    %swap3A_109 = arith.constant 0 : index
    %swap3A_110 = arith.constant 0 : index
    %swap3A_111 = vector.load %arg7[%swap3A_108, %swap3A_109, %swap3A_110] : memref<8x64x512xf32, #tpu.memory_space<vmem>>, vector<1x64x512xf32>
    %swap3A_112 = vector.shape_cast %swap3A_111 : vector<1x64x512xf32> to vector<64x512xf32>
    %swap3A_113 = vector.shape_cast %add3A_107 : vector<64x512xf32> to vector<1x64x512xf32>
    tpu.vector_store %arg7[%swap3A_108, %swap3A_109, %swap3A_110], %swap3A_113 {strides = array<i32>} : memref<8x64x512xf32, #tpu.memory_space<vmem>>, vector<1x64x512xf32>,
    %slice3A_114 = vector.extract_strided_slice %transpose3A {offsets = [640, 0], sizes = [64, 512], strides = [1, 1]} : vector<1024x512xf32> to vector<64x512xf32>
    %slice3A_115 = vector.extract_strided_slice %get3A_1 {offsets = [5, 0], sizes = [1, 512], strides = [1, 1]} : vector<8x512xf32> to vector<1x512xf32>
    %squeeze3A_116 = vector.shape_cast %slice3A_115 : vector<1x512xf32> to vector<512xf32>
    %broadcast_in_dim3A_117 = vector.shape_cast %squeeze3A_116 : vector<512xf32> to vector<1x512xf32>
    %broadcast_in_dim3A_118 = vector.shape_cast %get3A_5 : vector<64xf32> to vector<64x1xf32>
    %mul3A_119 = vector.broadcast %broadcast_in_dim3A_117 : vector<1x512xf32> to vector<64x512xf32>
    %mul3A_120 = vector.broadcast %broadcast_in_dim3A_118 : vector<64x1xf32> to vector<64x512xf32>
    %mul3A_121 = arith.mulf %mul3A_119, %mul3A_120 : vector<64x512xf32>
    %add3A_122 = arith.addf %slice3A_114, %mul3A_121 : vector<64x512xf32>
    %slice3A_123 = vector.extract_strided_slice %add3A_13 {offsets = [5, 0], sizes = [1, 64], strides = [1, 1]} : vector<8x64xf32> to vector<1x64xf32>
    %squeeze3A_124 = vector.shape_cast %slice3A_123 : vector<1x64xf32> to vector<64xf32>
    %broadcast_in_dim3A_125 = vector.shape_cast %squeeze3A_124 : vector<64xf32> to vector<64x1xf32>
    %add3A_126 = vector.broadcast %broadcast_in_dim3A_125 : vector<64x1xf32> to vector<64x512xf32>
    %add3A_127 = arith.addf %add3A_122, %add3A_126 : vector<64x512xf32>
    %swap3A_128 = arith.constant 5 : index
    %swap3A_129 = arith.constant 0 : index
    %swap3A_130 = arith.constant 0 : index
    %swap3A_131 = vector.load %arg7[%swap3A_128, %swap3A_129, %swap3A_130] : memref<8x64x512xf32, #tpu.memory_space<vmem>>, vector<1x64x512xf32>
    %swap3A_132 = vector.shape_cast %swap3A_131 : vector<1x64x512xf32> to vector<64x512xf32>
    %swap3A_133 = vector.shape_cast %add3A_127 : vector<64x512xf32> to vector<1x64x512xf32>
    tpu.vector_store %arg7[%swap3A_128, %swap3A_129, %swap3A_130], %swap3A_133 {strides = array<i32>} : memref<8x64x512xf32, #tpu.memory_space<vmem>>, vector<1x64x512xf32>,
    %slice3A_134 = vector.extract_strided_slice %transpose3A {offsets = [768, 0], sizes = [64, 512], strides = [1, 1]} : vector<1024x512xf32> to vector<64x512xf32>
    %slice3A_135 = vector.extract_strided_slice %get3A_1 {offsets = [6, 0], sizes = [1, 512], strides = [1, 1]} : vector<8x512xf32> to vector<1x512xf32>
    %squeeze3A_136 = vector.shape_cast %slice3A_135 : vector<1x512xf32> to vector<512xf32>
    %broadcast_in_dim3A_137 = vector.shape_cast %squeeze3A_136 : vector<512xf32> to vector<1x512xf32>
    %broadcast_in_dim3A_138 = vector.shape_cast %get3A_5 : vector<64xf32> to vector<64x1xf32>
    %mul3A_139 = vector.broadcast %broadcast_in_dim3A_137 : vector<1x512xf32> to vector<64x512xf32>
    %mul3A_140 = vector.broadcast %broadcast_in_dim3A_138 : vector<64x1xf32> to vector<64x512xf32>
    %mul3A_141 = arith.mulf %mul3A_139, %mul3A_140 : vector<64x512xf32>
    %add3A_142 = arith.addf %slice3A_134, %mul3A_141 : vector<64x512xf32>
    %slice3A_143 = vector.extract_strided_slice %add3A_13 {offsets = [6, 0], sizes = [1, 64], strides = [1, 1]} : vector<8x64xf32> to vector<1x64xf32>
    %squeeze3A_144 = vector.shape_cast %slice3A_143 : vector<1x64xf32> to vector<64xf32>
    %broadcast_in_dim3A_145 = vector.shape_cast %squeeze3A_144 : vector<64xf32> to vector<64x1xf32>
    %add3A_146 = vector.broadcast %broadcast_in_dim3A_145 : vector<64x1xf32> to vector<64x512xf32>
    %add3A_147 = arith.addf %add3A_142, %add3A_146 : vector<64x512xf32>
    %swap3A_148 = arith.constant 6 : index
    %swap3A_149 = arith.constant 0 : index
    %swap3A_150 = arith.constant 0 : index
    %swap3A_151 = vector.load %arg7[%swap3A_148, %swap3A_149, %swap3A_150] : memref<8x64x512xf32, #tpu.memory_space<vmem>>, vector<1x64x512xf32>
    %swap3A_152 = vector.shape_cast %swap3A_151 : vector<1x64x512xf32> to vector<64x512xf32>
    %swap3A_153 = vector.shape_cast %add3A_147 : vector<64x512xf32> to vector<1x64x512xf32>
    tpu.vector_store %arg7[%swap3A_148, %swap3A_149, %swap3A_150], %swap3A_153 {strides = array<i32>} : memref<8x64x512xf32, #tpu.memory_space<vmem>>, vector<1x64x512xf32>,
    %slice3A_154 = vector.extract_strided_slice %transpose3A {offsets = [896, 0], sizes = [64, 512], strides = [1, 1]} : vector<1024x512xf32> to vector<64x512xf32>
    %slice3A_155 = vector.extract_strided_slice %get3A_1 {offsets = [7, 0], sizes = [1, 512], strides = [1, 1]} : vector<8x512xf32> to vector<1x512xf32>
    %squeeze3A_156 = vector.shape_cast %slice3A_155 : vector<1x512xf32> to vector<512xf32>
    %broadcast_in_dim3A_157 = vector.shape_cast %squeeze3A_156 : vector<512xf32> to vector<1x512xf32>
    %broadcast_in_dim3A_158 = vector.shape_cast %get3A_5 : vector<64xf32> to vector<64x1xf32>
    %mul3A_159 = vector.broadcast %broadcast_in_dim3A_157 : vector<1x512xf32> to vector<64x512xf32>
    %mul3A_160 = vector.broadcast %broadcast_in_dim3A_158 : vector<64x1xf32> to vector<64x512xf32>
    %mul3A_161 = arith.mulf %mul3A_159, %mul3A_160 : vector<64x512xf32>
    %add3A_162 = arith.addf %slice3A_154, %mul3A_161 : vector<64x512xf32>
    %slice3A_163 = vector.extract_strided_slice %add3A_13 {offsets = [7, 0], sizes = [1, 64], strides = [1, 1]} : vector<8x64xf32> to vector<1x64xf32>
    %squeeze3A_164 = vector.shape_cast %slice3A_163 : vector<1x64xf32> to vector<64xf32>
    %broadcast_in_dim3A_165 = vector.shape_cast %squeeze3A_164 : vector<64xf32> to vector<64x1xf32>
    %add3A_166 = vector.broadcast %broadcast_in_dim3A_165 : vector<64x1xf32> to vector<64x512xf32>
    %add3A_167 = arith.addf %add3A_162, %add3A_166 : vector<64x512xf32>
    %swap3A_168 = arith.constant 7 : index
    %swap3A_169 = arith.constant 0 : index
    %swap3A_170 = arith.constant 0 : index
    %swap3A_171 = vector.load %arg7[%swap3A_168, %swap3A_169, %swap3A_170] : memref<8x64x512xf32, #tpu.memory_space<vmem>>, vector<1x64x512xf32>
    %swap3A_172 = vector.shape_cast %swap3A_171 : vector<1x64x512xf32> to vector<64x512xf32>
    %swap3A_173 = vector.shape_cast %add3A_167 : vector<64x512xf32> to vector<1x64x512xf32>
    tpu.vector_store %arg7[%swap3A_168, %swap3A_169, %swap3A_170], %swap3A_173 {strides = array<i32>} : memref<8x64x512xf32, #tpu.memory_space<vmem>>, vector<1x64x512xf32>,
    return
  }
  func.func @transform_0(%arg0: i32, %arg1: i32) -> (i32, i32, i32) {
    %c0_i32 = arith.constant 0 : i32
    %c0_i32_0 = arith.constant 0 : i32
    return %arg1, %arg0, %c0_i32 : i32, i32, i32
  }
  func.func @transform_1(%arg0: i32, %arg1: i32) -> (i32, i32) {
    %c0_i32 = arith.constant 0 : i32
    return %arg0, %arg1 : i32, i32
  }
  func.func @transform_2(%arg0: i32, %arg1: i32) -> (i32, i32) {
    %c0_i32 = arith.constant 0 : i32
    %c0_i32_0 = arith.constant 0 : i32
    return %arg0, %c0_i32 : i32, i32
  }
  func.func @transform_3(%arg0: i32, %arg1: i32) -> (i32, i32) {
    %c0_i32 = arith.constant 0 : i32
    %c0_i32_0 = arith.constant 0 : i32
    %c0_i32_1 = arith.constant 0 : i32
    return %c0_i32, %c0_i32_0 : i32, i32
  }
  func.func @transform_4(%arg0: i32, %arg1: i32) -> (i32, i32) {
    %c0_i32 = arith.constant 0 : i32
    %c0_i32_0 = arith.constant 0 : i32
    %c0_i32_1 = arith.constant 0 : i32
    return %c0_i32, %c0_i32_0 : i32, i32
  }
  func.func @transform_5(%arg0: i32, %arg1: i32) -> (i32, i32, i32) {
    %add3A = arith.constant 0 : i32
    %add3A_0 = arith.addi %arg0, %add3A : i32
    %c0_i32 = arith.constant 0 : i32
    %c0_i32_1 = arith.constant 0 : i32
    return %add3A_0, %c0_i32, %arg1 : i32, i32, i32
  }
}

module attributes {stable_mosaic.version = 14 : i64} {
  func.func @body(%arg0: i32, %arg1: i32, %arg2: memref<200x64x4096xf32, #tpu.memory_space<any>>, %arg3: memref<512x8x128xf32, #tpu.memory_space<vmem>>, %arg4: memref<8x512xf32, #tpu.memory_space<vmem>>, %arg5: memref<8x64xf32, #tpu.memory_space<vmem>>, %arg6: memref<1x64xf32, #tpu.memory_space<vmem>>, %arg7: memref<1x64xf32, #tpu.memory_space<vmem>>, %arg8: memref<8x64x512xf32, #tpu.memory_space<vmem>>) attributes {dimension_semantics = [#tpu.dimension_semantics<arbitrary>, #tpu.dimension_semantics<arbitrary>], iteration_bounds = array<i64: 7, 8>, scalar_prefetch = 0 : i64, scratch_operands = 0 : i64, tpu.core_type = #tpu.core_type<tc>, window_params = [{}, {transform_indices = @transform_1, window_bounds = array<i64: 512, 8, 128>}, {transform_indices = @transform_2, window_bounds = array<i64: 8, 512>}, {transform_indices = @transform_3, window_bounds = array<i64: 8, 64>}, {pipeline_mode = #tpu.pipeline_mode<synchronous>, transform_indices = @transform_4, window_bounds = array<i64: 1, 64>}, {pipeline_mode = #tpu.pipeline_mode<synchronous>, transform_indices = @transform_5, window_bounds = array<i64: 1, 64>}, {transform_indices = @transform_6, window_bounds = array<i64: 8, 64, 512>}]} {
    %get3A = arith.constant 0 : index
    %get3A_0 = arith.constant 0 : index
    %get3A_1 = vector.load %arg4[%get3A, %get3A_0] : memref<8x512xf32, #tpu.memory_space<vmem>>, vector<8x512xf32>
    %get3A_2 = arith.constant 0 : index
    %get3A_3 = arith.constant 0 : index
    %get3A_4 = vector.load %arg6[%get3A_2, %get3A_3] : memref<1x64xf32, #tpu.memory_space<vmem>>, vector<1x64xf32>
    %get3A_5 = vector.shape_cast %get3A_4 : vector<1x64xf32> to vector<64xf32>
    %get3A_6 = arith.constant 0 : index
    %get3A_7 = arith.constant 0 : index
    %get3A_8 = vector.load %arg7[%get3A_6, %get3A_7] : memref<1x64xf32, #tpu.memory_space<vmem>>, vector<1x64xf32>
    %get3A_9 = vector.shape_cast %get3A_8 : vector<1x64xf32> to vector<64xf32>
    %get3A_10 = arith.constant 0 : index
    %get3A_11 = arith.constant 0 : index
    %get3A_12 = vector.load %arg5[%get3A_10, %get3A_11] : memref<8x64xf32, #tpu.memory_space<vmem>>, vector<8x64xf32>
    %broadcast_in_dim3A = vector.shape_cast %get3A_9 : vector<64xf32> to vector<1x64xf32>
    %add3A = vector.broadcast %broadcast_in_dim3A : vector<1x64xf32> to vector<8x64xf32>
    %add3A_13 = arith.addf %get3A_12, %add3A : vector<8x64xf32>
    %get3A_14 = arith.constant 0 : index
    %get3A_15 = arith.constant 0 : index
    %get3A_16 = arith.constant 0 : index
    %get3A_17 = vector.load %arg3[%get3A_14, %get3A_15, %get3A_16] : memref<512x8x128xf32, #tpu.memory_space<vmem>>, vector<512x8x128xf32>
    %reshape3A = vector.shape_cast %get3A_17 : vector<512x8x128xf32> to vector<512x1024xf32>
    %transpose3A = tpu.transpose %reshape3A, [1, 0] : vector<512x1024xf32> -> vector<1024x512xf32>
    %slice3A = vector.extract_strided_slice %transpose3A {offsets = [0, 0], sizes = [64, 512], strides = [1, 1]} : vector<1024x512xf32> to vector<64x512xf32>
    %slice3A_18 = vector.extract_strided_slice %get3A_1 {offsets = [0, 0], sizes = [1, 512], strides = [1, 1]} : vector<8x512xf32> to vector<1x512xf32>
    %squeeze3A = vector.shape_cast %slice3A_18 : vector<1x512xf32> to vector<512xf32>
    %broadcast_in_dim3A_19 = vector.shape_cast %squeeze3A : vector<512xf32> to vector<1x512xf32>
    %broadcast_in_dim3A_20 = vector.shape_cast %get3A_5 : vector<64xf32> to vector<64x1xf32>
    %mul3A = vector.broadcast %broadcast_in_dim3A_19 : vector<1x512xf32> to vector<64x512xf32>
    %mul3A_21 = vector.broadcast %broadcast_in_dim3A_20 : vector<64x1xf32> to vector<64x512xf32>
    %mul3A_22 = arith.mulf %mul3A, %mul3A_21 : vector<64x512xf32>
    %add3A_23 = arith.addf %slice3A, %mul3A_22 : vector<64x512xf32>
    %slice3A_24 = vector.extract_strided_slice %add3A_13 {offsets = [0, 0], sizes = [1, 64], strides = [1, 1]} : vector<8x64xf32> to vector<1x64xf32>
    %squeeze3A_25 = vector.shape_cast %slice3A_24 : vector<1x64xf32> to vector<64xf32>
    %broadcast_in_dim3A_26 = vector.shape_cast %squeeze3A_25 : vector<64xf32> to vector<64x1xf32>
    %add3A_27 = vector.broadcast %broadcast_in_dim3A_26 : vector<64x1xf32> to vector<64x512xf32>
    %add3A_28 = arith.addf %add3A_23, %add3A_27 : vector<64x512xf32>
    %swap3A = arith.constant 0 : index
    %swap3A_29 = arith.constant 0 : index
    %swap3A_30 = arith.constant 0 : index
    %swap3A_31 = vector.load %arg8[%swap3A, %swap3A_29, %swap3A_30] : memref<8x64x512xf32, #tpu.memory_space<vmem>>, vector<1x64x512xf32>
    %swap3A_32 = vector.shape_cast %swap3A_31 : vector<1x64x512xf32> to vector<64x512xf32>
    %swap3A_33 = vector.shape_cast %add3A_28 : vector<64x512xf32> to vector<1x64x512xf32>
    tpu.vector_store %arg8[%swap3A, %swap3A_29, %swap3A_30], %swap3A_33 {strides = array<i32>} : memref<8x64x512xf32, #tpu.memory_space<vmem>>, vector<1x64x512xf32>,
    %slice3A_34 = vector.extract_strided_slice %transpose3A {offsets = [128, 0], sizes = [64, 512], strides = [1, 1]} : vector<1024x512xf32> to vector<64x512xf32>
    %slice3A_35 = vector.extract_strided_slice %get3A_1 {offsets = [1, 0], sizes = [1, 512], strides = [1, 1]} : vector<8x512xf32> to vector<1x512xf32>
    %squeeze3A_36 = vector.shape_cast %slice3A_35 : vector<1x512xf32> to vector<512xf32>
    %broadcast_in_dim3A_37 = vector.shape_cast %squeeze3A_36 : vector<512xf32> to vector<1x512xf32>
    %broadcast_in_dim3A_38 = vector.shape_cast %get3A_5 : vector<64xf32> to vector<64x1xf32>
    %mul3A_39 = vector.broadcast %broadcast_in_dim3A_37 : vector<1x512xf32> to vector<64x512xf32>
    %mul3A_40 = vector.broadcast %broadcast_in_dim3A_38 : vector<64x1xf32> to vector<64x512xf32>
    %mul3A_41 = arith.mulf %mul3A_39, %mul3A_40 : vector<64x512xf32>
    %add3A_42 = arith.addf %slice3A_34, %mul3A_41 : vector<64x512xf32>
    %slice3A_43 = vector.extract_strided_slice %add3A_13 {offsets = [1, 0], sizes = [1, 64], strides = [1, 1]} : vector<8x64xf32> to vector<1x64xf32>
    %squeeze3A_44 = vector.shape_cast %slice3A_43 : vector<1x64xf32> to vector<64xf32>
    %broadcast_in_dim3A_45 = vector.shape_cast %squeeze3A_44 : vector<64xf32> to vector<64x1xf32>
    %add3A_46 = vector.broadcast %broadcast_in_dim3A_45 : vector<64x1xf32> to vector<64x512xf32>
    %add3A_47 = arith.addf %add3A_42, %add3A_46 : vector<64x512xf32>
    %swap3A_48 = arith.constant 1 : index
    %swap3A_49 = arith.constant 0 : index
    %swap3A_50 = arith.constant 0 : index
    %swap3A_51 = vector.load %arg8[%swap3A_48, %swap3A_49, %swap3A_50] : memref<8x64x512xf32, #tpu.memory_space<vmem>>, vector<1x64x512xf32>
    %swap3A_52 = vector.shape_cast %swap3A_51 : vector<1x64x512xf32> to vector<64x512xf32>
    %swap3A_53 = vector.shape_cast %add3A_47 : vector<64x512xf32> to vector<1x64x512xf32>
    tpu.vector_store %arg8[%swap3A_48, %swap3A_49, %swap3A_50], %swap3A_53 {strides = array<i32>} : memref<8x64x512xf32, #tpu.memory_space<vmem>>, vector<1x64x512xf32>,
    %slice3A_54 = vector.extract_strided_slice %transpose3A {offsets = [256, 0], sizes = [64, 512], strides = [1, 1]} : vector<1024x512xf32> to vector<64x512xf32>
    %slice3A_55 = vector.extract_strided_slice %get3A_1 {offsets = [2, 0], sizes = [1, 512], strides = [1, 1]} : vector<8x512xf32> to vector<1x512xf32>
    %squeeze3A_56 = vector.shape_cast %slice3A_55 : vector<1x512xf32> to vector<512xf32>
    %broadcast_in_dim3A_57 = vector.shape_cast %squeeze3A_56 : vector<512xf32> to vector<1x512xf32>
    %broadcast_in_dim3A_58 = vector.shape_cast %get3A_5 : vector<64xf32> to vector<64x1xf32>
    %mul3A_59 = vector.broadcast %broadcast_in_dim3A_57 : vector<1x512xf32> to vector<64x512xf32>
    %mul3A_60 = vector.broadcast %broadcast_in_dim3A_58 : vector<64x1xf32> to vector<64x512xf32>
    %mul3A_61 = arith.mulf %mul3A_59, %mul3A_60 : vector<64x512xf32>
    %add3A_62 = arith.addf %slice3A_54, %mul3A_61 : vector<64x512xf32>
    %slice3A_63 = vector.extract_strided_slice %add3A_13 {offsets = [2, 0], sizes = [1, 64], strides = [1, 1]} : vector<8x64xf32> to vector<1x64xf32>
    %squeeze3A_64 = vector.shape_cast %slice3A_63 : vector<1x64xf32> to vector<64xf32>
    %broadcast_in_dim3A_65 = vector.shape_cast %squeeze3A_64 : vector<64xf32> to vector<64x1xf32>
    %add3A_66 = vector.broadcast %broadcast_in_dim3A_65 : vector<64x1xf32> to vector<64x512xf32>
    %add3A_67 = arith.addf %add3A_62, %add3A_66 : vector<64x512xf32>
    %swap3A_68 = arith.constant 2 : index
    %swap3A_69 = arith.constant 0 : index
    %swap3A_70 = arith.constant 0 : index
    %swap3A_71 = vector.load %arg8[%swap3A_68, %swap3A_69, %swap3A_70] : memref<8x64x512xf32, #tpu.memory_space<vmem>>, vector<1x64x512xf32>
    %swap3A_72 = vector.shape_cast %swap3A_71 : vector<1x64x512xf32> to vector<64x512xf32>
    %swap3A_73 = vector.shape_cast %add3A_67 : vector<64x512xf32> to vector<1x64x512xf32>
    tpu.vector_store %arg8[%swap3A_68, %swap3A_69, %swap3A_70], %swap3A_73 {strides = array<i32>} : memref<8x64x512xf32, #tpu.memory_space<vmem>>, vector<1x64x512xf32>,
    %slice3A_74 = vector.extract_strided_slice %transpose3A {offsets = [384, 0], sizes = [64, 512], strides = [1, 1]} : vector<1024x512xf32> to vector<64x512xf32>
    %slice3A_75 = vector.extract_strided_slice %get3A_1 {offsets = [3, 0], sizes = [1, 512], strides = [1, 1]} : vector<8x512xf32> to vector<1x512xf32>
    %squeeze3A_76 = vector.shape_cast %slice3A_75 : vector<1x512xf32> to vector<512xf32>
    %broadcast_in_dim3A_77 = vector.shape_cast %squeeze3A_76 : vector<512xf32> to vector<1x512xf32>
    %broadcast_in_dim3A_78 = vector.shape_cast %get3A_5 : vector<64xf32> to vector<64x1xf32>
    %mul3A_79 = vector.broadcast %broadcast_in_dim3A_77 : vector<1x512xf32> to vector<64x512xf32>
    %mul3A_80 = vector.broadcast %broadcast_in_dim3A_78 : vector<64x1xf32> to vector<64x512xf32>
    %mul3A_81 = arith.mulf %mul3A_79, %mul3A_80 : vector<64x512xf32>
    %add3A_82 = arith.addf %slice3A_74, %mul3A_81 : vector<64x512xf32>
    %slice3A_83 = vector.extract_strided_slice %add3A_13 {offsets = [3, 0], sizes = [1, 64], strides = [1, 1]} : vector<8x64xf32> to vector<1x64xf32>
    %squeeze3A_84 = vector.shape_cast %slice3A_83 : vector<1x64xf32> to vector<64xf32>
    %broadcast_in_dim3A_85 = vector.shape_cast %squeeze3A_84 : vector<64xf32> to vector<64x1xf32>
    %add3A_86 = vector.broadcast %broadcast_in_dim3A_85 : vector<64x1xf32> to vector<64x512xf32>
    %add3A_87 = arith.addf %add3A_82, %add3A_86 : vector<64x512xf32>
    %swap3A_88 = arith.constant 3 : index
    %swap3A_89 = arith.constant 0 : index
    %swap3A_90 = arith.constant 0 : index
    %swap3A_91 = vector.load %arg8[%swap3A_88, %swap3A_89, %swap3A_90] : memref<8x64x512xf32, #tpu.memory_space<vmem>>, vector<1x64x512xf32>
    %swap3A_92 = vector.shape_cast %swap3A_91 : vector<1x64x512xf32> to vector<64x512xf32>
    %swap3A_93 = vector.shape_cast %add3A_87 : vector<64x512xf32> to vector<1x64x512xf32>
    tpu.vector_store %arg8[%swap3A_88, %swap3A_89, %swap3A_90], %swap3A_93 {strides = array<i32>} : memref<8x64x512xf32, #tpu.memory_space<vmem>>, vector<1x64x512xf32>,
    %slice3A_94 = vector.extract_strided_slice %transpose3A {offsets = [512, 0], sizes = [64, 512], strides = [1, 1]} : vector<1024x512xf32> to vector<64x512xf32>
    %slice3A_95 = vector.extract_strided_slice %get3A_1 {offsets = [4, 0], sizes = [1, 512], strides = [1, 1]} : vector<8x512xf32> to vector<1x512xf32>
    %squeeze3A_96 = vector.shape_cast %slice3A_95 : vector<1x512xf32> to vector<512xf32>
    %broadcast_in_dim3A_97 = vector.shape_cast %squeeze3A_96 : vector<512xf32> to vector<1x512xf32>
    %broadcast_in_dim3A_98 = vector.shape_cast %get3A_5 : vector<64xf32> to vector<64x1xf32>
    %mul3A_99 = vector.broadcast %broadcast_in_dim3A_97 : vector<1x512xf32> to vector<64x512xf32>
    %mul3A_100 = vector.broadcast %broadcast_in_dim3A_98 : vector<64x1xf32> to vector<64x512xf32>
    %mul3A_101 = arith.mulf %mul3A_99, %mul3A_100 : vector<64x512xf32>
    %add3A_102 = arith.addf %slice3A_94, %mul3A_101 : vector<64x512xf32>
    %slice3A_103 = vector.extract_strided_slice %add3A_13 {offsets = [4, 0], sizes = [1, 64], strides = [1, 1]} : vector<8x64xf32> to vector<1x64xf32>
    %squeeze3A_104 = vector.shape_cast %slice3A_103 : vector<1x64xf32> to vector<64xf32>
    %broadcast_in_dim3A_105 = vector.shape_cast %squeeze3A_104 : vector<64xf32> to vector<64x1xf32>
    %add3A_106 = vector.broadcast %broadcast_in_dim3A_105 : vector<64x1xf32> to vector<64x512xf32>
    %add3A_107 = arith.addf %add3A_102, %add3A_106 : vector<64x512xf32>
    %swap3A_108 = arith.constant 4 : index
    %swap3A_109 = arith.constant 0 : index
    %swap3A_110 = arith.constant 0 : index
    %swap3A_111 = vector.load %arg8[%swap3A_108, %swap3A_109, %swap3A_110] : memref<8x64x512xf32, #tpu.memory_space<vmem>>, vector<1x64x512xf32>
    %swap3A_112 = vector.shape_cast %swap3A_111 : vector<1x64x512xf32> to vector<64x512xf32>
    %swap3A_113 = vector.shape_cast %add3A_107 : vector<64x512xf32> to vector<1x64x512xf32>
    tpu.vector_store %arg8[%swap3A_108, %swap3A_109, %swap3A_110], %swap3A_113 {strides = array<i32>} : memref<8x64x512xf32, #tpu.memory_space<vmem>>, vector<1x64x512xf32>,
    %slice3A_114 = vector.extract_strided_slice %transpose3A {offsets = [640, 0], sizes = [64, 512], strides = [1, 1]} : vector<1024x512xf32> to vector<64x512xf32>
    %slice3A_115 = vector.extract_strided_slice %get3A_1 {offsets = [5, 0], sizes = [1, 512], strides = [1, 1]} : vector<8x512xf32> to vector<1x512xf32>
    %squeeze3A_116 = vector.shape_cast %slice3A_115 : vector<1x512xf32> to vector<512xf32>
    %broadcast_in_dim3A_117 = vector.shape_cast %squeeze3A_116 : vector<512xf32> to vector<1x512xf32>
    %broadcast_in_dim3A_118 = vector.shape_cast %get3A_5 : vector<64xf32> to vector<64x1xf32>
    %mul3A_119 = vector.broadcast %broadcast_in_dim3A_117 : vector<1x512xf32> to vector<64x512xf32>
    %mul3A_120 = vector.broadcast %broadcast_in_dim3A_118 : vector<64x1xf32> to vector<64x512xf32>
    %mul3A_121 = arith.mulf %mul3A_119, %mul3A_120 : vector<64x512xf32>
    %add3A_122 = arith.addf %slice3A_114, %mul3A_121 : vector<64x512xf32>
    %slice3A_123 = vector.extract_strided_slice %add3A_13 {offsets = [5, 0], sizes = [1, 64], strides = [1, 1]} : vector<8x64xf32> to vector<1x64xf32>
    %squeeze3A_124 = vector.shape_cast %slice3A_123 : vector<1x64xf32> to vector<64xf32>
    %broadcast_in_dim3A_125 = vector.shape_cast %squeeze3A_124 : vector<64xf32> to vector<64x1xf32>
    %add3A_126 = vector.broadcast %broadcast_in_dim3A_125 : vector<64x1xf32> to vector<64x512xf32>
    %add3A_127 = arith.addf %add3A_122, %add3A_126 : vector<64x512xf32>
    %swap3A_128 = arith.constant 5 : index
    %swap3A_129 = arith.constant 0 : index
    %swap3A_130 = arith.constant 0 : index
    %swap3A_131 = vector.load %arg8[%swap3A_128, %swap3A_129, %swap3A_130] : memref<8x64x512xf32, #tpu.memory_space<vmem>>, vector<1x64x512xf32>
    %swap3A_132 = vector.shape_cast %swap3A_131 : vector<1x64x512xf32> to vector<64x512xf32>
    %swap3A_133 = vector.shape_cast %add3A_127 : vector<64x512xf32> to vector<1x64x512xf32>
    tpu.vector_store %arg8[%swap3A_128, %swap3A_129, %swap3A_130], %swap3A_133 {strides = array<i32>} : memref<8x64x512xf32, #tpu.memory_space<vmem>>, vector<1x64x512xf32>,
    %slice3A_134 = vector.extract_strided_slice %transpose3A {offsets = [768, 0], sizes = [64, 512], strides = [1, 1]} : vector<1024x512xf32> to vector<64x512xf32>
    %slice3A_135 = vector.extract_strided_slice %get3A_1 {offsets = [6, 0], sizes = [1, 512], strides = [1, 1]} : vector<8x512xf32> to vector<1x512xf32>
    %squeeze3A_136 = vector.shape_cast %slice3A_135 : vector<1x512xf32> to vector<512xf32>
    %broadcast_in_dim3A_137 = vector.shape_cast %squeeze3A_136 : vector<512xf32> to vector<1x512xf32>
    %broadcast_in_dim3A_138 = vector.shape_cast %get3A_5 : vector<64xf32> to vector<64x1xf32>
    %mul3A_139 = vector.broadcast %broadcast_in_dim3A_137 : vector<1x512xf32> to vector<64x512xf32>
    %mul3A_140 = vector.broadcast %broadcast_in_dim3A_138 : vector<64x1xf32> to vector<64x512xf32>
    %mul3A_141 = arith.mulf %mul3A_139, %mul3A_140 : vector<64x512xf32>
    %add3A_142 = arith.addf %slice3A_134, %mul3A_141 : vector<64x512xf32>
    %slice3A_143 = vector.extract_strided_slice %add3A_13 {offsets = [6, 0], sizes = [1, 64], strides = [1, 1]} : vector<8x64xf32> to vector<1x64xf32>
    %squeeze3A_144 = vector.shape_cast %slice3A_143 : vector<1x64xf32> to vector<64xf32>
    %broadcast_in_dim3A_145 = vector.shape_cast %squeeze3A_144 : vector<64xf32> to vector<64x1xf32>
    %add3A_146 = vector.broadcast %broadcast_in_dim3A_145 : vector<64x1xf32> to vector<64x512xf32>
    %add3A_147 = arith.addf %add3A_142, %add3A_146 : vector<64x512xf32>
    %swap3A_148 = arith.constant 6 : index
    %swap3A_149 = arith.constant 0 : index
    %swap3A_150 = arith.constant 0 : index
    %swap3A_151 = vector.load %arg8[%swap3A_148, %swap3A_149, %swap3A_150] : memref<8x64x512xf32, #tpu.memory_space<vmem>>, vector<1x64x512xf32>
    %swap3A_152 = vector.shape_cast %swap3A_151 : vector<1x64x512xf32> to vector<64x512xf32>
    %swap3A_153 = vector.shape_cast %add3A_147 : vector<64x512xf32> to vector<1x64x512xf32>
    tpu.vector_store %arg8[%swap3A_148, %swap3A_149, %swap3A_150], %swap3A_153 {strides = array<i32>} : memref<8x64x512xf32, #tpu.memory_space<vmem>>, vector<1x64x512xf32>,
    %slice3A_154 = vector.extract_strided_slice %transpose3A {offsets = [896, 0], sizes = [64, 512], strides = [1, 1]} : vector<1024x512xf32> to vector<64x512xf32>
    %slice3A_155 = vector.extract_strided_slice %get3A_1 {offsets = [7, 0], sizes = [1, 512], strides = [1, 1]} : vector<8x512xf32> to vector<1x512xf32>
    %squeeze3A_156 = vector.shape_cast %slice3A_155 : vector<1x512xf32> to vector<512xf32>
    %broadcast_in_dim3A_157 = vector.shape_cast %squeeze3A_156 : vector<512xf32> to vector<1x512xf32>
    %broadcast_in_dim3A_158 = vector.shape_cast %get3A_5 : vector<64xf32> to vector<64x1xf32>
    %mul3A_159 = vector.broadcast %broadcast_in_dim3A_157 : vector<1x512xf32> to vector<64x512xf32>
    %mul3A_160 = vector.broadcast %broadcast_in_dim3A_158 : vector<64x1xf32> to vector<64x512xf32>
    %mul3A_161 = arith.mulf %mul3A_159, %mul3A_160 : vector<64x512xf32>
    %add3A_162 = arith.addf %slice3A_154, %mul3A_161 : vector<64x512xf32>
    %slice3A_163 = vector.extract_strided_slice %add3A_13 {offsets = [7, 0], sizes = [1, 64], strides = [1, 1]} : vector<8x64xf32> to vector<1x64xf32>
    %squeeze3A_164 = vector.shape_cast %slice3A_163 : vector<1x64xf32> to vector<64xf32>
    %broadcast_in_dim3A_165 = vector.shape_cast %squeeze3A_164 : vector<64xf32> to vector<64x1xf32>
    %add3A_166 = vector.broadcast %broadcast_in_dim3A_165 : vector<64x1xf32> to vector<64x512xf32>
    %add3A_167 = arith.addf %add3A_162, %add3A_166 : vector<64x512xf32>
    %swap3A_168 = arith.constant 7 : index
    %swap3A_169 = arith.constant 0 : index
    %swap3A_170 = arith.constant 0 : index
    %swap3A_171 = vector.load %arg8[%swap3A_168, %swap3A_169, %swap3A_170] : memref<8x64x512xf32, #tpu.memory_space<vmem>>, vector<1x64x512xf32>
    %swap3A_172 = vector.shape_cast %swap3A_171 : vector<1x64x512xf32> to vector<64x512xf32>
    %swap3A_173 = vector.shape_cast %add3A_167 : vector<64x512xf32> to vector<1x64x512xf32>
    tpu.vector_store %arg8[%swap3A_168, %swap3A_169, %swap3A_170], %swap3A_173 {strides = array<i32>} : memref<8x64x512xf32, #tpu.memory_space<vmem>>, vector<1x64x512xf32>,
    return
  }
  func.func @transform_1(%arg0: i32, %arg1: i32) -> (i32, i32, i32) {
    %c0_i32 = arith.constant 0 : i32
    %c0_i32_0 = arith.constant 0 : i32
    return %arg1, %arg0, %c0_i32 : i32, i32, i32
  }
  func.func @transform_2(%arg0: i32, %arg1: i32) -> (i32, i32) {
    %c0_i32 = arith.constant 0 : i32
    return %arg0, %arg1 : i32, i32
  }
  func.func @transform_3(%arg0: i32, %arg1: i32) -> (i32, i32) {
    %c0_i32 = arith.constant 0 : i32
    %c0_i32_0 = arith.constant 0 : i32
    return %arg0, %c0_i32 : i32, i32
  }
  func.func @transform_4(%arg0: i32, %arg1: i32) -> (i32, i32) {
    %c0_i32 = arith.constant 0 : i32
    %c0_i32_0 = arith.constant 0 : i32
    %c0_i32_1 = arith.constant 0 : i32
    return %c0_i32, %c0_i32_0 : i32, i32
  }
  func.func @transform_5(%arg0: i32, %arg1: i32) -> (i32, i32) {
    %c0_i32 = arith.constant 0 : i32
    %c0_i32_0 = arith.constant 0 : i32
    %c0_i32_1 = arith.constant 0 : i32
    return %c0_i32, %c0_i32_0 : i32, i32
  }
  func.func @transform_6(%arg0: i32, %arg1: i32) -> (i32, i32, i32) {
    %add3A = arith.constant 7 : i32
    %add3A_0 = arith.addi %arg0, %add3A : i32
    %c0_i32 = arith.constant 0 : i32
    %c0_i32_1 = arith.constant 0 : i32
    return %add3A_0, %c0_i32, %arg1 : i32, i32, i32
  }
}

module attributes {stable_mosaic.version = 14 : i64} {
  func.func @body(%arg0: i32, %arg1: i32, %arg2: memref<200x64x4096xf32, #tpu.memory_space<any>>, %arg3: memref<512x8x128xf32, #tpu.memory_space<vmem>>, %arg4: memref<8x512xf32, #tpu.memory_space<vmem>>, %arg5: memref<8x64xf32, #tpu.memory_space<vmem>>, %arg6: memref<1x64xf32, #tpu.memory_space<vmem>>, %arg7: memref<1x64xf32, #tpu.memory_space<vmem>>, %arg8: memref<8x64x512xf32, #tpu.memory_space<vmem>>) attributes {dimension_semantics = [#tpu.dimension_semantics<arbitrary>, #tpu.dimension_semantics<arbitrary>], iteration_bounds = array<i64: 7, 8>, scalar_prefetch = 0 : i64, scratch_operands = 0 : i64, tpu.core_type = #tpu.core_type<tc>, window_params = [{}, {transform_indices = @transform_1, window_bounds = array<i64: 512, 8, 128>}, {transform_indices = @transform_2, window_bounds = array<i64: 8, 512>}, {transform_indices = @transform_3, window_bounds = array<i64: 8, 64>}, {pipeline_mode = #tpu.pipeline_mode<synchronous>, transform_indices = @transform_4, window_bounds = array<i64: 1, 64>}, {pipeline_mode = #tpu.pipeline_mode<synchronous>, transform_indices = @transform_5, window_bounds = array<i64: 1, 64>}, {transform_indices = @transform_6, window_bounds = array<i64: 8, 64, 512>}]} {
    %get3A = arith.constant 0 : index
    %get3A_0 = arith.constant 0 : index
    %get3A_1 = vector.load %arg4[%get3A, %get3A_0] : memref<8x512xf32, #tpu.memory_space<vmem>>, vector<8x512xf32>
    %get3A_2 = arith.constant 0 : index
    %get3A_3 = arith.constant 0 : index
    %get3A_4 = vector.load %arg6[%get3A_2, %get3A_3] : memref<1x64xf32, #tpu.memory_space<vmem>>, vector<1x64xf32>
    %get3A_5 = vector.shape_cast %get3A_4 : vector<1x64xf32> to vector<64xf32>
    %get3A_6 = arith.constant 0 : index
    %get3A_7 = arith.constant 0 : index
    %get3A_8 = vector.load %arg7[%get3A_6, %get3A_7] : memref<1x64xf32, #tpu.memory_space<vmem>>, vector<1x64xf32>
    %get3A_9 = vector.shape_cast %get3A_8 : vector<1x64xf32> to vector<64xf32>
    %get3A_10 = arith.constant 0 : index
    %get3A_11 = arith.constant 0 : index
    %get3A_12 = vector.load %arg5[%get3A_10, %get3A_11] : memref<8x64xf32, #tpu.memory_space<vmem>>, vector<8x64xf32>
    %broadcast_in_dim3A = vector.shape_cast %get3A_9 : vector<64xf32> to vector<1x64xf32>
    %add3A = vector.broadcast %broadcast_in_dim3A : vector<1x64xf32> to vector<8x64xf32>
    %add3A_13 = arith.addf %get3A_12, %add3A : vector<8x64xf32>
    %get3A_14 = arith.constant 0 : index
    %get3A_15 = arith.constant 0 : index
    %get3A_16 = arith.constant 0 : index
    %get3A_17 = vector.load %arg3[%get3A_14, %get3A_15, %get3A_16] : memref<512x8x128xf32, #tpu.memory_space<vmem>>, vector<512x8x128xf32>
    %reshape3A = vector.shape_cast %get3A_17 : vector<512x8x128xf32> to vector<512x1024xf32>
    %transpose3A = tpu.transpose %reshape3A, [1, 0] : vector<512x1024xf32> -> vector<1024x512xf32>
    %slice3A = vector.extract_strided_slice %transpose3A {offsets = [0, 0], sizes = [64, 512], strides = [1, 1]} : vector<1024x512xf32> to vector<64x512xf32>
    %slice3A_18 = vector.extract_strided_slice %get3A_1 {offsets = [0, 0], sizes = [1, 512], strides = [1, 1]} : vector<8x512xf32> to vector<1x512xf32>
    %squeeze3A = vector.shape_cast %slice3A_18 : vector<1x512xf32> to vector<512xf32>
    %broadcast_in_dim3A_19 = vector.shape_cast %squeeze3A : vector<512xf32> to vector<1x512xf32>
    %broadcast_in_dim3A_20 = vector.shape_cast %get3A_5 : vector<64xf32> to vector<64x1xf32>
    %mul3A = vector.broadcast %broadcast_in_dim3A_19 : vector<1x512xf32> to vector<64x512xf32>
    %mul3A_21 = vector.broadcast %broadcast_in_dim3A_20 : vector<64x1xf32> to vector<64x512xf32>
    %mul3A_22 = arith.mulf %mul3A, %mul3A_21 : vector<64x512xf32>
    %add3A_23 = arith.addf %slice3A, %mul3A_22 : vector<64x512xf32>
    %slice3A_24 = vector.extract_strided_slice %add3A_13 {offsets = [0, 0], sizes = [1, 64], strides = [1, 1]} : vector<8x64xf32> to vector<1x64xf32>
    %squeeze3A_25 = vector.shape_cast %slice3A_24 : vector<1x64xf32> to vector<64xf32>
    %broadcast_in_dim3A_26 = vector.shape_cast %squeeze3A_25 : vector<64xf32> to vector<64x1xf32>
    %add3A_27 = vector.broadcast %broadcast_in_dim3A_26 : vector<64x1xf32> to vector<64x512xf32>
    %add3A_28 = arith.addf %add3A_23, %add3A_27 : vector<64x512xf32>
    %swap3A = arith.constant 0 : index
    %swap3A_29 = arith.constant 0 : index
    %swap3A_30 = arith.constant 0 : index
    %swap3A_31 = vector.load %arg8[%swap3A, %swap3A_29, %swap3A_30] : memref<8x64x512xf32, #tpu.memory_space<vmem>>, vector<1x64x512xf32>
    %swap3A_32 = vector.shape_cast %swap3A_31 : vector<1x64x512xf32> to vector<64x512xf32>
    %swap3A_33 = vector.shape_cast %add3A_28 : vector<64x512xf32> to vector<1x64x512xf32>
    tpu.vector_store %arg8[%swap3A, %swap3A_29, %swap3A_30], %swap3A_33 {strides = array<i32>} : memref<8x64x512xf32, #tpu.memory_space<vmem>>, vector<1x64x512xf32>,
    %slice3A_34 = vector.extract_strided_slice %transpose3A {offsets = [128, 0], sizes = [64, 512], strides = [1, 1]} : vector<1024x512xf32> to vector<64x512xf32>
    %slice3A_35 = vector.extract_strided_slice %get3A_1 {offsets = [1, 0], sizes = [1, 512], strides = [1, 1]} : vector<8x512xf32> to vector<1x512xf32>
    %squeeze3A_36 = vector.shape_cast %slice3A_35 : vector<1x512xf32> to vector<512xf32>
    %broadcast_in_dim3A_37 = vector.shape_cast %squeeze3A_36 : vector<512xf32> to vector<1x512xf32>
    %broadcast_in_dim3A_38 = vector.shape_cast %get3A_5 : vector<64xf32> to vector<64x1xf32>
    %mul3A_39 = vector.broadcast %broadcast_in_dim3A_37 : vector<1x512xf32> to vector<64x512xf32>
    %mul3A_40 = vector.broadcast %broadcast_in_dim3A_38 : vector<64x1xf32> to vector<64x512xf32>
    %mul3A_41 = arith.mulf %mul3A_39, %mul3A_40 : vector<64x512xf32>
    %add3A_42 = arith.addf %slice3A_34, %mul3A_41 : vector<64x512xf32>
    %slice3A_43 = vector.extract_strided_slice %add3A_13 {offsets = [1, 0], sizes = [1, 64], strides = [1, 1]} : vector<8x64xf32> to vector<1x64xf32>
    %squeeze3A_44 = vector.shape_cast %slice3A_43 : vector<1x64xf32> to vector<64xf32>
    %broadcast_in_dim3A_45 = vector.shape_cast %squeeze3A_44 : vector<64xf32> to vector<64x1xf32>
    %add3A_46 = vector.broadcast %broadcast_in_dim3A_45 : vector<64x1xf32> to vector<64x512xf32>
    %add3A_47 = arith.addf %add3A_42, %add3A_46 : vector<64x512xf32>
    %swap3A_48 = arith.constant 1 : index
    %swap3A_49 = arith.constant 0 : index
    %swap3A_50 = arith.constant 0 : index
    %swap3A_51 = vector.load %arg8[%swap3A_48, %swap3A_49, %swap3A_50] : memref<8x64x512xf32, #tpu.memory_space<vmem>>, vector<1x64x512xf32>
    %swap3A_52 = vector.shape_cast %swap3A_51 : vector<1x64x512xf32> to vector<64x512xf32>
    %swap3A_53 = vector.shape_cast %add3A_47 : vector<64x512xf32> to vector<1x64x512xf32>
    tpu.vector_store %arg8[%swap3A_48, %swap3A_49, %swap3A_50], %swap3A_53 {strides = array<i32>} : memref<8x64x512xf32, #tpu.memory_space<vmem>>, vector<1x64x512xf32>,
    %slice3A_54 = vector.extract_strided_slice %transpose3A {offsets = [256, 0], sizes = [64, 512], strides = [1, 1]} : vector<1024x512xf32> to vector<64x512xf32>
    %slice3A_55 = vector.extract_strided_slice %get3A_1 {offsets = [2, 0], sizes = [1, 512], strides = [1, 1]} : vector<8x512xf32> to vector<1x512xf32>
    %squeeze3A_56 = vector.shape_cast %slice3A_55 : vector<1x512xf32> to vector<512xf32>
    %broadcast_in_dim3A_57 = vector.shape_cast %squeeze3A_56 : vector<512xf32> to vector<1x512xf32>
    %broadcast_in_dim3A_58 = vector.shape_cast %get3A_5 : vector<64xf32> to vector<64x1xf32>
    %mul3A_59 = vector.broadcast %broadcast_in_dim3A_57 : vector<1x512xf32> to vector<64x512xf32>
    %mul3A_60 = vector.broadcast %broadcast_in_dim3A_58 : vector<64x1xf32> to vector<64x512xf32>
    %mul3A_61 = arith.mulf %mul3A_59, %mul3A_60 : vector<64x512xf32>
    %add3A_62 = arith.addf %slice3A_54, %mul3A_61 : vector<64x512xf32>
    %slice3A_63 = vector.extract_strided_slice %add3A_13 {offsets = [2, 0], sizes = [1, 64], strides = [1, 1]} : vector<8x64xf32> to vector<1x64xf32>
    %squeeze3A_64 = vector.shape_cast %slice3A_63 : vector<1x64xf32> to vector<64xf32>
    %broadcast_in_dim3A_65 = vector.shape_cast %squeeze3A_64 : vector<64xf32> to vector<64x1xf32>
    %add3A_66 = vector.broadcast %broadcast_in_dim3A_65 : vector<64x1xf32> to vector<64x512xf32>
    %add3A_67 = arith.addf %add3A_62, %add3A_66 : vector<64x512xf32>
    %swap3A_68 = arith.constant 2 : index
    %swap3A_69 = arith.constant 0 : index
    %swap3A_70 = arith.constant 0 : index
    %swap3A_71 = vector.load %arg8[%swap3A_68, %swap3A_69, %swap3A_70] : memref<8x64x512xf32, #tpu.memory_space<vmem>>, vector<1x64x512xf32>
    %swap3A_72 = vector.shape_cast %swap3A_71 : vector<1x64x512xf32> to vector<64x512xf32>
    %swap3A_73 = vector.shape_cast %add3A_67 : vector<64x512xf32> to vector<1x64x512xf32>
    tpu.vector_store %arg8[%swap3A_68, %swap3A_69, %swap3A_70], %swap3A_73 {strides = array<i32>} : memref<8x64x512xf32, #tpu.memory_space<vmem>>, vector<1x64x512xf32>,
    %slice3A_74 = vector.extract_strided_slice %transpose3A {offsets = [384, 0], sizes = [64, 512], strides = [1, 1]} : vector<1024x512xf32> to vector<64x512xf32>
    %slice3A_75 = vector.extract_strided_slice %get3A_1 {offsets = [3, 0], sizes = [1, 512], strides = [1, 1]} : vector<8x512xf32> to vector<1x512xf32>
    %squeeze3A_76 = vector.shape_cast %slice3A_75 : vector<1x512xf32> to vector<512xf32>
    %broadcast_in_dim3A_77 = vector.shape_cast %squeeze3A_76 : vector<512xf32> to vector<1x512xf32>
    %broadcast_in_dim3A_78 = vector.shape_cast %get3A_5 : vector<64xf32> to vector<64x1xf32>
    %mul3A_79 = vector.broadcast %broadcast_in_dim3A_77 : vector<1x512xf32> to vector<64x512xf32>
    %mul3A_80 = vector.broadcast %broadcast_in_dim3A_78 : vector<64x1xf32> to vector<64x512xf32>
    %mul3A_81 = arith.mulf %mul3A_79, %mul3A_80 : vector<64x512xf32>
    %add3A_82 = arith.addf %slice3A_74, %mul3A_81 : vector<64x512xf32>
    %slice3A_83 = vector.extract_strided_slice %add3A_13 {offsets = [3, 0], sizes = [1, 64], strides = [1, 1]} : vector<8x64xf32> to vector<1x64xf32>
    %squeeze3A_84 = vector.shape_cast %slice3A_83 : vector<1x64xf32> to vector<64xf32>
    %broadcast_in_dim3A_85 = vector.shape_cast %squeeze3A_84 : vector<64xf32> to vector<64x1xf32>
    %add3A_86 = vector.broadcast %broadcast_in_dim3A_85 : vector<64x1xf32> to vector<64x512xf32>
    %add3A_87 = arith.addf %add3A_82, %add3A_86 : vector<64x512xf32>
    %swap3A_88 = arith.constant 3 : index
    %swap3A_89 = arith.constant 0 : index
    %swap3A_90 = arith.constant 0 : index
    %swap3A_91 = vector.load %arg8[%swap3A_88, %swap3A_89, %swap3A_90] : memref<8x64x512xf32, #tpu.memory_space<vmem>>, vector<1x64x512xf32>
    %swap3A_92 = vector.shape_cast %swap3A_91 : vector<1x64x512xf32> to vector<64x512xf32>
    %swap3A_93 = vector.shape_cast %add3A_87 : vector<64x512xf32> to vector<1x64x512xf32>
    tpu.vector_store %arg8[%swap3A_88, %swap3A_89, %swap3A_90], %swap3A_93 {strides = array<i32>} : memref<8x64x512xf32, #tpu.memory_space<vmem>>, vector<1x64x512xf32>,
    %slice3A_94 = vector.extract_strided_slice %transpose3A {offsets = [512, 0], sizes = [64, 512], strides = [1, 1]} : vector<1024x512xf32> to vector<64x512xf32>
    %slice3A_95 = vector.extract_strided_slice %get3A_1 {offsets = [4, 0], sizes = [1, 512], strides = [1, 1]} : vector<8x512xf32> to vector<1x512xf32>
    %squeeze3A_96 = vector.shape_cast %slice3A_95 : vector<1x512xf32> to vector<512xf32>
    %broadcast_in_dim3A_97 = vector.shape_cast %squeeze3A_96 : vector<512xf32> to vector<1x512xf32>
    %broadcast_in_dim3A_98 = vector.shape_cast %get3A_5 : vector<64xf32> to vector<64x1xf32>
    %mul3A_99 = vector.broadcast %broadcast_in_dim3A_97 : vector<1x512xf32> to vector<64x512xf32>
    %mul3A_100 = vector.broadcast %broadcast_in_dim3A_98 : vector<64x1xf32> to vector<64x512xf32>
    %mul3A_101 = arith.mulf %mul3A_99, %mul3A_100 : vector<64x512xf32>
    %add3A_102 = arith.addf %slice3A_94, %mul3A_101 : vector<64x512xf32>
    %slice3A_103 = vector.extract_strided_slice %add3A_13 {offsets = [4, 0], sizes = [1, 64], strides = [1, 1]} : vector<8x64xf32> to vector<1x64xf32>
    %squeeze3A_104 = vector.shape_cast %slice3A_103 : vector<1x64xf32> to vector<64xf32>
    %broadcast_in_dim3A_105 = vector.shape_cast %squeeze3A_104 : vector<64xf32> to vector<64x1xf32>
    %add3A_106 = vector.broadcast %broadcast_in_dim3A_105 : vector<64x1xf32> to vector<64x512xf32>
    %add3A_107 = arith.addf %add3A_102, %add3A_106 : vector<64x512xf32>
    %swap3A_108 = arith.constant 4 : index
    %swap3A_109 = arith.constant 0 : index
    %swap3A_110 = arith.constant 0 : index
    %swap3A_111 = vector.load %arg8[%swap3A_108, %swap3A_109, %swap3A_110] : memref<8x64x512xf32, #tpu.memory_space<vmem>>, vector<1x64x512xf32>
    %swap3A_112 = vector.shape_cast %swap3A_111 : vector<1x64x512xf32> to vector<64x512xf32>
    %swap3A_113 = vector.shape_cast %add3A_107 : vector<64x512xf32> to vector<1x64x512xf32>
    tpu.vector_store %arg8[%swap3A_108, %swap3A_109, %swap3A_110], %swap3A_113 {strides = array<i32>} : memref<8x64x512xf32, #tpu.memory_space<vmem>>, vector<1x64x512xf32>,
    %slice3A_114 = vector.extract_strided_slice %transpose3A {offsets = [640, 0], sizes = [64, 512], strides = [1, 1]} : vector<1024x512xf32> to vector<64x512xf32>
    %slice3A_115 = vector.extract_strided_slice %get3A_1 {offsets = [5, 0], sizes = [1, 512], strides = [1, 1]} : vector<8x512xf32> to vector<1x512xf32>
    %squeeze3A_116 = vector.shape_cast %slice3A_115 : vector<1x512xf32> to vector<512xf32>
    %broadcast_in_dim3A_117 = vector.shape_cast %squeeze3A_116 : vector<512xf32> to vector<1x512xf32>
    %broadcast_in_dim3A_118 = vector.shape_cast %get3A_5 : vector<64xf32> to vector<64x1xf32>
    %mul3A_119 = vector.broadcast %broadcast_in_dim3A_117 : vector<1x512xf32> to vector<64x512xf32>
    %mul3A_120 = vector.broadcast %broadcast_in_dim3A_118 : vector<64x1xf32> to vector<64x512xf32>
    %mul3A_121 = arith.mulf %mul3A_119, %mul3A_120 : vector<64x512xf32>
    %add3A_122 = arith.addf %slice3A_114, %mul3A_121 : vector<64x512xf32>
    %slice3A_123 = vector.extract_strided_slice %add3A_13 {offsets = [5, 0], sizes = [1, 64], strides = [1, 1]} : vector<8x64xf32> to vector<1x64xf32>
    %squeeze3A_124 = vector.shape_cast %slice3A_123 : vector<1x64xf32> to vector<64xf32>
    %broadcast_in_dim3A_125 = vector.shape_cast %squeeze3A_124 : vector<64xf32> to vector<64x1xf32>
    %add3A_126 = vector.broadcast %broadcast_in_dim3A_125 : vector<64x1xf32> to vector<64x512xf32>
    %add3A_127 = arith.addf %add3A_122, %add3A_126 : vector<64x512xf32>
    %swap3A_128 = arith.constant 5 : index
    %swap3A_129 = arith.constant 0 : index
    %swap3A_130 = arith.constant 0 : index
    %swap3A_131 = vector.load %arg8[%swap3A_128, %swap3A_129, %swap3A_130] : memref<8x64x512xf32, #tpu.memory_space<vmem>>, vector<1x64x512xf32>
    %swap3A_132 = vector.shape_cast %swap3A_131 : vector<1x64x512xf32> to vector<64x512xf32>
    %swap3A_133 = vector.shape_cast %add3A_127 : vector<64x512xf32> to vector<1x64x512xf32>
    tpu.vector_store %arg8[%swap3A_128, %swap3A_129, %swap3A_130], %swap3A_133 {strides = array<i32>} : memref<8x64x512xf32, #tpu.memory_space<vmem>>, vector<1x64x512xf32>,
    %slice3A_134 = vector.extract_strided_slice %transpose3A {offsets = [768, 0], sizes = [64, 512], strides = [1, 1]} : vector<1024x512xf32> to vector<64x512xf32>
    %slice3A_135 = vector.extract_strided_slice %get3A_1 {offsets = [6, 0], sizes = [1, 512], strides = [1, 1]} : vector<8x512xf32> to vector<1x512xf32>
    %squeeze3A_136 = vector.shape_cast %slice3A_135 : vector<1x512xf32> to vector<512xf32>
    %broadcast_in_dim3A_137 = vector.shape_cast %squeeze3A_136 : vector<512xf32> to vector<1x512xf32>
    %broadcast_in_dim3A_138 = vector.shape_cast %get3A_5 : vector<64xf32> to vector<64x1xf32>
    %mul3A_139 = vector.broadcast %broadcast_in_dim3A_137 : vector<1x512xf32> to vector<64x512xf32>
    %mul3A_140 = vector.broadcast %broadcast_in_dim3A_138 : vector<64x1xf32> to vector<64x512xf32>
    %mul3A_141 = arith.mulf %mul3A_139, %mul3A_140 : vector<64x512xf32>
    %add3A_142 = arith.addf %slice3A_134, %mul3A_141 : vector<64x512xf32>
    %slice3A_143 = vector.extract_strided_slice %add3A_13 {offsets = [6, 0], sizes = [1, 64], strides = [1, 1]} : vector<8x64xf32> to vector<1x64xf32>
    %squeeze3A_144 = vector.shape_cast %slice3A_143 : vector<1x64xf32> to vector<64xf32>
    %broadcast_in_dim3A_145 = vector.shape_cast %squeeze3A_144 : vector<64xf32> to vector<64x1xf32>
    %add3A_146 = vector.broadcast %broadcast_in_dim3A_145 : vector<64x1xf32> to vector<64x512xf32>
    %add3A_147 = arith.addf %add3A_142, %add3A_146 : vector<64x512xf32>
    %swap3A_148 = arith.constant 6 : index
    %swap3A_149 = arith.constant 0 : index
    %swap3A_150 = arith.constant 0 : index
    %swap3A_151 = vector.load %arg8[%swap3A_148, %swap3A_149, %swap3A_150] : memref<8x64x512xf32, #tpu.memory_space<vmem>>, vector<1x64x512xf32>
    %swap3A_152 = vector.shape_cast %swap3A_151 : vector<1x64x512xf32> to vector<64x512xf32>
    %swap3A_153 = vector.shape_cast %add3A_147 : vector<64x512xf32> to vector<1x64x512xf32>
    tpu.vector_store %arg8[%swap3A_148, %swap3A_149, %swap3A_150], %swap3A_153 {strides = array<i32>} : memref<8x64x512xf32, #tpu.memory_space<vmem>>, vector<1x64x512xf32>,
    %slice3A_154 = vector.extract_strided_slice %transpose3A {offsets = [896, 0], sizes = [64, 512], strides = [1, 1]} : vector<1024x512xf32> to vector<64x512xf32>
    %slice3A_155 = vector.extract_strided_slice %get3A_1 {offsets = [7, 0], sizes = [1, 512], strides = [1, 1]} : vector<8x512xf32> to vector<1x512xf32>
    %squeeze3A_156 = vector.shape_cast %slice3A_155 : vector<1x512xf32> to vector<512xf32>
    %broadcast_in_dim3A_157 = vector.shape_cast %squeeze3A_156 : vector<512xf32> to vector<1x512xf32>
    %broadcast_in_dim3A_158 = vector.shape_cast %get3A_5 : vector<64xf32> to vector<64x1xf32>
    %mul3A_159 = vector.broadcast %broadcast_in_dim3A_157 : vector<1x512xf32> to vector<64x512xf32>
    %mul3A_160 = vector.broadcast %broadcast_in_dim3A_158 : vector<64x1xf32> to vector<64x512xf32>
    %mul3A_161 = arith.mulf %mul3A_159, %mul3A_160 : vector<64x512xf32>
    %add3A_162 = arith.addf %slice3A_154, %mul3A_161 : vector<64x512xf32>
    %slice3A_163 = vector.extract_strided_slice %add3A_13 {offsets = [7, 0], sizes = [1, 64], strides = [1, 1]} : vector<8x64xf32> to vector<1x64xf32>
    %squeeze3A_164 = vector.shape_cast %slice3A_163 : vector<1x64xf32> to vector<64xf32>
    %broadcast_in_dim3A_165 = vector.shape_cast %squeeze3A_164 : vector<64xf32> to vector<64x1xf32>
    %add3A_166 = vector.broadcast %broadcast_in_dim3A_165 : vector<64x1xf32> to vector<64x512xf32>
    %add3A_167 = arith.addf %add3A_162, %add3A_166 : vector<64x512xf32>
    %swap3A_168 = arith.constant 7 : index
    %swap3A_169 = arith.constant 0 : index
    %swap3A_170 = arith.constant 0 : index
    %swap3A_171 = vector.load %arg8[%swap3A_168, %swap3A_169, %swap3A_170] : memref<8x64x512xf32, #tpu.memory_space<vmem>>, vector<1x64x512xf32>
    %swap3A_172 = vector.shape_cast %swap3A_171 : vector<1x64x512xf32> to vector<64x512xf32>
    %swap3A_173 = vector.shape_cast %add3A_167 : vector<64x512xf32> to vector<1x64x512xf32>
    tpu.vector_store %arg8[%swap3A_168, %swap3A_169, %swap3A_170], %swap3A_173 {strides = array<i32>} : memref<8x64x512xf32, #tpu.memory_space<vmem>>, vector<1x64x512xf32>,
    return
  }
  func.func @transform_1(%arg0: i32, %arg1: i32) -> (i32, i32, i32) {
    %c0_i32 = arith.constant 0 : i32
    %c0_i32_0 = arith.constant 0 : i32
    return %arg1, %arg0, %c0_i32 : i32, i32, i32
  }
  func.func @transform_2(%arg0: i32, %arg1: i32) -> (i32, i32) {
    %c0_i32 = arith.constant 0 : i32
    return %arg0, %arg1 : i32, i32
  }
  func.func @transform_3(%arg0: i32, %arg1: i32) -> (i32, i32) {
    %c0_i32 = arith.constant 0 : i32
    %c0_i32_0 = arith.constant 0 : i32
    return %arg0, %c0_i32 : i32, i32
  }
  func.func @transform_4(%arg0: i32, %arg1: i32) -> (i32, i32) {
    %c0_i32 = arith.constant 0 : i32
    %c0_i32_0 = arith.constant 0 : i32
    %c0_i32_1 = arith.constant 0 : i32
    return %c0_i32, %c0_i32_0 : i32, i32
  }
  func.func @transform_5(%arg0: i32, %arg1: i32) -> (i32, i32) {
    %c0_i32 = arith.constant 0 : i32
    %c0_i32_0 = arith.constant 0 : i32
    %c0_i32_1 = arith.constant 0 : i32
    return %c0_i32, %c0_i32_0 : i32, i32
  }
  func.func @transform_6(%arg0: i32, %arg1: i32) -> (i32, i32, i32) {
    %add3A = arith.constant 14 : i32
    %add3A_0 = arith.addi %arg0, %add3A : i32
    %c0_i32 = arith.constant 0 : i32
    %c0_i32_1 = arith.constant 0 : i32
    return %add3A_0, %c0_i32, %arg1 : i32, i32, i32
  }
}

module attributes {stable_mosaic.version = 14 : i64} {
  func.func @body(%arg0: i32, %arg1: i32, %arg2: memref<200x64x4096xf32, #tpu.memory_space<any>>, %arg3: memref<512x8x128xf32, #tpu.memory_space<vmem>>, %arg4: memref<8x512xf32, #tpu.memory_space<vmem>>, %arg5: memref<8x64xf32, #tpu.memory_space<vmem>>, %arg6: memref<1x64xf32, #tpu.memory_space<vmem>>, %arg7: memref<1x64xf32, #tpu.memory_space<vmem>>, %arg8: memref<8x64x512xf32, #tpu.memory_space<vmem>>) attributes {dimension_semantics = [#tpu.dimension_semantics<arbitrary>, #tpu.dimension_semantics<arbitrary>], iteration_bounds = array<i64: 4, 8>, scalar_prefetch = 0 : i64, scratch_operands = 0 : i64, tpu.core_type = #tpu.core_type<tc>, window_params = [{}, {transform_indices = @transform_1, window_bounds = array<i64: 512, 8, 128>}, {transform_indices = @transform_2, window_bounds = array<i64: 8, 512>}, {transform_indices = @transform_3, window_bounds = array<i64: 8, 64>}, {pipeline_mode = #tpu.pipeline_mode<synchronous>, transform_indices = @transform_4, window_bounds = array<i64: 1, 64>}, {pipeline_mode = #tpu.pipeline_mode<synchronous>, transform_indices = @transform_5, window_bounds = array<i64: 1, 64>}, {transform_indices = @transform_6, window_bounds = array<i64: 8, 64, 512>}]} {
    %get3A = arith.constant 0 : index
    %get3A_0 = arith.constant 0 : index
    %get3A_1 = vector.load %arg4[%get3A, %get3A_0] : memref<8x512xf32, #tpu.memory_space<vmem>>, vector<8x512xf32>
    %get3A_2 = arith.constant 0 : index
    %get3A_3 = arith.constant 0 : index
    %get3A_4 = vector.load %arg6[%get3A_2, %get3A_3] : memref<1x64xf32, #tpu.memory_space<vmem>>, vector<1x64xf32>
    %get3A_5 = vector.shape_cast %get3A_4 : vector<1x64xf32> to vector<64xf32>
    %get3A_6 = arith.constant 0 : index
    %get3A_7 = arith.constant 0 : index
    %get3A_8 = vector.load %arg7[%get3A_6, %get3A_7] : memref<1x64xf32, #tpu.memory_space<vmem>>, vector<1x64xf32>
    %get3A_9 = vector.shape_cast %get3A_8 : vector<1x64xf32> to vector<64xf32>
    %get3A_10 = arith.constant 0 : index
    %get3A_11 = arith.constant 0 : index
    %get3A_12 = vector.load %arg5[%get3A_10, %get3A_11] : memref<8x64xf32, #tpu.memory_space<vmem>>, vector<8x64xf32>
    %broadcast_in_dim3A = vector.shape_cast %get3A_9 : vector<64xf32> to vector<1x64xf32>
    %add3A = vector.broadcast %broadcast_in_dim3A : vector<1x64xf32> to vector<8x64xf32>
    %add3A_13 = arith.addf %get3A_12, %add3A : vector<8x64xf32>
    %get3A_14 = arith.constant 0 : index
    %get3A_15 = arith.constant 0 : index
    %get3A_16 = arith.constant 0 : index
    %get3A_17 = vector.load %arg3[%get3A_14, %get3A_15, %get3A_16] : memref<512x8x128xf32, #tpu.memory_space<vmem>>, vector<512x8x128xf32>
    %reshape3A = vector.shape_cast %get3A_17 : vector<512x8x128xf32> to vector<512x1024xf32>
    %transpose3A = tpu.transpose %reshape3A, [1, 0] : vector<512x1024xf32> -> vector<1024x512xf32>
    %slice3A = vector.extract_strided_slice %transpose3A {offsets = [0, 0], sizes = [64, 512], strides = [1, 1]} : vector<1024x512xf32> to vector<64x512xf32>
    %slice3A_18 = vector.extract_strided_slice %get3A_1 {offsets = [0, 0], sizes = [1, 512], strides = [1, 1]} : vector<8x512xf32> to vector<1x512xf32>
    %squeeze3A = vector.shape_cast %slice3A_18 : vector<1x512xf32> to vector<512xf32>
    %broadcast_in_dim3A_19 = vector.shape_cast %squeeze3A : vector<512xf32> to vector<1x512xf32>
    %broadcast_in_dim3A_20 = vector.shape_cast %get3A_5 : vector<64xf32> to vector<64x1xf32>
    %mul3A = vector.broadcast %broadcast_in_dim3A_19 : vector<1x512xf32> to vector<64x512xf32>
    %mul3A_21 = vector.broadcast %broadcast_in_dim3A_20 : vector<64x1xf32> to vector<64x512xf32>
    %mul3A_22 = arith.mulf %mul3A, %mul3A_21 : vector<64x512xf32>
    %add3A_23 = arith.addf %slice3A, %mul3A_22 : vector<64x512xf32>
    %slice3A_24 = vector.extract_strided_slice %add3A_13 {offsets = [0, 0], sizes = [1, 64], strides = [1, 1]} : vector<8x64xf32> to vector<1x64xf32>
    %squeeze3A_25 = vector.shape_cast %slice3A_24 : vector<1x64xf32> to vector<64xf32>
    %broadcast_in_dim3A_26 = vector.shape_cast %squeeze3A_25 : vector<64xf32> to vector<64x1xf32>
    %add3A_27 = vector.broadcast %broadcast_in_dim3A_26 : vector<64x1xf32> to vector<64x512xf32>
    %add3A_28 = arith.addf %add3A_23, %add3A_27 : vector<64x512xf32>
    %swap3A = arith.constant 0 : index
    %swap3A_29 = arith.constant 0 : index
    %swap3A_30 = arith.constant 0 : index
    %swap3A_31 = vector.load %arg8[%swap3A, %swap3A_29, %swap3A_30] : memref<8x64x512xf32, #tpu.memory_space<vmem>>, vector<1x64x512xf32>
    %swap3A_32 = vector.shape_cast %swap3A_31 : vector<1x64x512xf32> to vector<64x512xf32>
    %swap3A_33 = vector.shape_cast %add3A_28 : vector<64x512xf32> to vector<1x64x512xf32>
    tpu.vector_store %arg8[%swap3A, %swap3A_29, %swap3A_30], %swap3A_33 {strides = array<i32>} : memref<8x64x512xf32, #tpu.memory_space<vmem>>, vector<1x64x512xf32>,
    %slice3A_34 = vector.extract_strided_slice %transpose3A {offsets = [128, 0], sizes = [64, 512], strides = [1, 1]} : vector<1024x512xf32> to vector<64x512xf32>
    %slice3A_35 = vector.extract_strided_slice %get3A_1 {offsets = [1, 0], sizes = [1, 512], strides = [1, 1]} : vector<8x512xf32> to vector<1x512xf32>
    %squeeze3A_36 = vector.shape_cast %slice3A_35 : vector<1x512xf32> to vector<512xf32>
    %broadcast_in_dim3A_37 = vector.shape_cast %squeeze3A_36 : vector<512xf32> to vector<1x512xf32>
    %broadcast_in_dim3A_38 = vector.shape_cast %get3A_5 : vector<64xf32> to vector<64x1xf32>
    %mul3A_39 = vector.broadcast %broadcast_in_dim3A_37 : vector<1x512xf32> to vector<64x512xf32>
    %mul3A_40 = vector.broadcast %broadcast_in_dim3A_38 : vector<64x1xf32> to vector<64x512xf32>
    %mul3A_41 = arith.mulf %mul3A_39, %mul3A_40 : vector<64x512xf32>
    %add3A_42 = arith.addf %slice3A_34, %mul3A_41 : vector<64x512xf32>
    %slice3A_43 = vector.extract_strided_slice %add3A_13 {offsets = [1, 0], sizes = [1, 64], strides = [1, 1]} : vector<8x64xf32> to vector<1x64xf32>
    %squeeze3A_44 = vector.shape_cast %slice3A_43 : vector<1x64xf32> to vector<64xf32>
    %broadcast_in_dim3A_45 = vector.shape_cast %squeeze3A_44 : vector<64xf32> to vector<64x1xf32>
    %add3A_46 = vector.broadcast %broadcast_in_dim3A_45 : vector<64x1xf32> to vector<64x512xf32>
    %add3A_47 = arith.addf %add3A_42, %add3A_46 : vector<64x512xf32>
    %swap3A_48 = arith.constant 1 : index
    %swap3A_49 = arith.constant 0 : index
    %swap3A_50 = arith.constant 0 : index
    %swap3A_51 = vector.load %arg8[%swap3A_48, %swap3A_49, %swap3A_50] : memref<8x64x512xf32, #tpu.memory_space<vmem>>, vector<1x64x512xf32>
    %swap3A_52 = vector.shape_cast %swap3A_51 : vector<1x64x512xf32> to vector<64x512xf32>
    %swap3A_53 = vector.shape_cast %add3A_47 : vector<64x512xf32> to vector<1x64x512xf32>
    tpu.vector_store %arg8[%swap3A_48, %swap3A_49, %swap3A_50], %swap3A_53 {strides = array<i32>} : memref<8x64x512xf32, #tpu.memory_space<vmem>>, vector<1x64x512xf32>,
    %slice3A_54 = vector.extract_strided_slice %transpose3A {offsets = [256, 0], sizes = [64, 512], strides = [1, 1]} : vector<1024x512xf32> to vector<64x512xf32>
    %slice3A_55 = vector.extract_strided_slice %get3A_1 {offsets = [2, 0], sizes = [1, 512], strides = [1, 1]} : vector<8x512xf32> to vector<1x512xf32>
    %squeeze3A_56 = vector.shape_cast %slice3A_55 : vector<1x512xf32> to vector<512xf32>
    %broadcast_in_dim3A_57 = vector.shape_cast %squeeze3A_56 : vector<512xf32> to vector<1x512xf32>
    %broadcast_in_dim3A_58 = vector.shape_cast %get3A_5 : vector<64xf32> to vector<64x1xf32>
    %mul3A_59 = vector.broadcast %broadcast_in_dim3A_57 : vector<1x512xf32> to vector<64x512xf32>
    %mul3A_60 = vector.broadcast %broadcast_in_dim3A_58 : vector<64x1xf32> to vector<64x512xf32>
    %mul3A_61 = arith.mulf %mul3A_59, %mul3A_60 : vector<64x512xf32>
    %add3A_62 = arith.addf %slice3A_54, %mul3A_61 : vector<64x512xf32>
    %slice3A_63 = vector.extract_strided_slice %add3A_13 {offsets = [2, 0], sizes = [1, 64], strides = [1, 1]} : vector<8x64xf32> to vector<1x64xf32>
    %squeeze3A_64 = vector.shape_cast %slice3A_63 : vector<1x64xf32> to vector<64xf32>
    %broadcast_in_dim3A_65 = vector.shape_cast %squeeze3A_64 : vector<64xf32> to vector<64x1xf32>
    %add3A_66 = vector.broadcast %broadcast_in_dim3A_65 : vector<64x1xf32> to vector<64x512xf32>
    %add3A_67 = arith.addf %add3A_62, %add3A_66 : vector<64x512xf32>
    %swap3A_68 = arith.constant 2 : index
    %swap3A_69 = arith.constant 0 : index
    %swap3A_70 = arith.constant 0 : index
    %swap3A_71 = vector.load %arg8[%swap3A_68, %swap3A_69, %swap3A_70] : memref<8x64x512xf32, #tpu.memory_space<vmem>>, vector<1x64x512xf32>
    %swap3A_72 = vector.shape_cast %swap3A_71 : vector<1x64x512xf32> to vector<64x512xf32>
    %swap3A_73 = vector.shape_cast %add3A_67 : vector<64x512xf32> to vector<1x64x512xf32>
    tpu.vector_store %arg8[%swap3A_68, %swap3A_69, %swap3A_70], %swap3A_73 {strides = array<i32>} : memref<8x64x512xf32, #tpu.memory_space<vmem>>, vector<1x64x512xf32>,
    %slice3A_74 = vector.extract_strided_slice %transpose3A {offsets = [384, 0], sizes = [64, 512], strides = [1, 1]} : vector<1024x512xf32> to vector<64x512xf32>
    %slice3A_75 = vector.extract_strided_slice %get3A_1 {offsets = [3, 0], sizes = [1, 512], strides = [1, 1]} : vector<8x512xf32> to vector<1x512xf32>
    %squeeze3A_76 = vector.shape_cast %slice3A_75 : vector<1x512xf32> to vector<512xf32>
    %broadcast_in_dim3A_77 = vector.shape_cast %squeeze3A_76 : vector<512xf32> to vector<1x512xf32>
    %broadcast_in_dim3A_78 = vector.shape_cast %get3A_5 : vector<64xf32> to vector<64x1xf32>
    %mul3A_79 = vector.broadcast %broadcast_in_dim3A_77 : vector<1x512xf32> to vector<64x512xf32>
    %mul3A_80 = vector.broadcast %broadcast_in_dim3A_78 : vector<64x1xf32> to vector<64x512xf32>
    %mul3A_81 = arith.mulf %mul3A_79, %mul3A_80 : vector<64x512xf32>
    %add3A_82 = arith.addf %slice3A_74, %mul3A_81 : vector<64x512xf32>
    %slice3A_83 = vector.extract_strided_slice %add3A_13 {offsets = [3, 0], sizes = [1, 64], strides = [1, 1]} : vector<8x64xf32> to vector<1x64xf32>
    %squeeze3A_84 = vector.shape_cast %slice3A_83 : vector<1x64xf32> to vector<64xf32>
    %broadcast_in_dim3A_85 = vector.shape_cast %squeeze3A_84 : vector<64xf32> to vector<64x1xf32>
    %add3A_86 = vector.broadcast %broadcast_in_dim3A_85 : vector<64x1xf32> to vector<64x512xf32>
    %add3A_87 = arith.addf %add3A_82, %add3A_86 : vector<64x512xf32>
    %swap3A_88 = arith.constant 3 : index
    %swap3A_89 = arith.constant 0 : index
    %swap3A_90 = arith.constant 0 : index
    %swap3A_91 = vector.load %arg8[%swap3A_88, %swap3A_89, %swap3A_90] : memref<8x64x512xf32, #tpu.memory_space<vmem>>, vector<1x64x512xf32>
    %swap3A_92 = vector.shape_cast %swap3A_91 : vector<1x64x512xf32> to vector<64x512xf32>
    %swap3A_93 = vector.shape_cast %add3A_87 : vector<64x512xf32> to vector<1x64x512xf32>
    tpu.vector_store %arg8[%swap3A_88, %swap3A_89, %swap3A_90], %swap3A_93 {strides = array<i32>} : memref<8x64x512xf32, #tpu.memory_space<vmem>>, vector<1x64x512xf32>,
    %slice3A_94 = vector.extract_strided_slice %transpose3A {offsets = [512, 0], sizes = [64, 512], strides = [1, 1]} : vector<1024x512xf32> to vector<64x512xf32>
    %slice3A_95 = vector.extract_strided_slice %get3A_1 {offsets = [4, 0], sizes = [1, 512], strides = [1, 1]} : vector<8x512xf32> to vector<1x512xf32>
    %squeeze3A_96 = vector.shape_cast %slice3A_95 : vector<1x512xf32> to vector<512xf32>
    %broadcast_in_dim3A_97 = vector.shape_cast %squeeze3A_96 : vector<512xf32> to vector<1x512xf32>
    %broadcast_in_dim3A_98 = vector.shape_cast %get3A_5 : vector<64xf32> to vector<64x1xf32>
    %mul3A_99 = vector.broadcast %broadcast_in_dim3A_97 : vector<1x512xf32> to vector<64x512xf32>
    %mul3A_100 = vector.broadcast %broadcast_in_dim3A_98 : vector<64x1xf32> to vector<64x512xf32>
    %mul3A_101 = arith.mulf %mul3A_99, %mul3A_100 : vector<64x512xf32>
    %add3A_102 = arith.addf %slice3A_94, %mul3A_101 : vector<64x512xf32>
    %slice3A_103 = vector.extract_strided_slice %add3A_13 {offsets = [4, 0], sizes = [1, 64], strides = [1, 1]} : vector<8x64xf32> to vector<1x64xf32>
    %squeeze3A_104 = vector.shape_cast %slice3A_103 : vector<1x64xf32> to vector<64xf32>
    %broadcast_in_dim3A_105 = vector.shape_cast %squeeze3A_104 : vector<64xf32> to vector<64x1xf32>
    %add3A_106 = vector.broadcast %broadcast_in_dim3A_105 : vector<64x1xf32> to vector<64x512xf32>
    %add3A_107 = arith.addf %add3A_102, %add3A_106 : vector<64x512xf32>
    %swap3A_108 = arith.constant 4 : index
    %swap3A_109 = arith.constant 0 : index
    %swap3A_110 = arith.constant 0 : index
    %swap3A_111 = vector.load %arg8[%swap3A_108, %swap3A_109, %swap3A_110] : memref<8x64x512xf32, #tpu.memory_space<vmem>>, vector<1x64x512xf32>
    %swap3A_112 = vector.shape_cast %swap3A_111 : vector<1x64x512xf32> to vector<64x512xf32>
    %swap3A_113 = vector.shape_cast %add3A_107 : vector<64x512xf32> to vector<1x64x512xf32>
    tpu.vector_store %arg8[%swap3A_108, %swap3A_109, %swap3A_110], %swap3A_113 {strides = array<i32>} : memref<8x64x512xf32, #tpu.memory_space<vmem>>, vector<1x64x512xf32>,
    %slice3A_114 = vector.extract_strided_slice %transpose3A {offsets = [640, 0], sizes = [64, 512], strides = [1, 1]} : vector<1024x512xf32> to vector<64x512xf32>
    %slice3A_115 = vector.extract_strided_slice %get3A_1 {offsets = [5, 0], sizes = [1, 512], strides = [1, 1]} : vector<8x512xf32> to vector<1x512xf32>
    %squeeze3A_116 = vector.shape_cast %slice3A_115 : vector<1x512xf32> to vector<512xf32>
    %broadcast_in_dim3A_117 = vector.shape_cast %squeeze3A_116 : vector<512xf32> to vector<1x512xf32>
    %broadcast_in_dim3A_118 = vector.shape_cast %get3A_5 : vector<64xf32> to vector<64x1xf32>
    %mul3A_119 = vector.broadcast %broadcast_in_dim3A_117 : vector<1x512xf32> to vector<64x512xf32>
    %mul3A_120 = vector.broadcast %broadcast_in_dim3A_118 : vector<64x1xf32> to vector<64x512xf32>
    %mul3A_121 = arith.mulf %mul3A_119, %mul3A_120 : vector<64x512xf32>
    %add3A_122 = arith.addf %slice3A_114, %mul3A_121 : vector<64x512xf32>
    %slice3A_123 = vector.extract_strided_slice %add3A_13 {offsets = [5, 0], sizes = [1, 64], strides = [1, 1]} : vector<8x64xf32> to vector<1x64xf32>
    %squeeze3A_124 = vector.shape_cast %slice3A_123 : vector<1x64xf32> to vector<64xf32>
    %broadcast_in_dim3A_125 = vector.shape_cast %squeeze3A_124 : vector<64xf32> to vector<64x1xf32>
    %add3A_126 = vector.broadcast %broadcast_in_dim3A_125 : vector<64x1xf32> to vector<64x512xf32>
    %add3A_127 = arith.addf %add3A_122, %add3A_126 : vector<64x512xf32>
    %swap3A_128 = arith.constant 5 : index
    %swap3A_129 = arith.constant 0 : index
    %swap3A_130 = arith.constant 0 : index
    %swap3A_131 = vector.load %arg8[%swap3A_128, %swap3A_129, %swap3A_130] : memref<8x64x512xf32, #tpu.memory_space<vmem>>, vector<1x64x512xf32>
    %swap3A_132 = vector.shape_cast %swap3A_131 : vector<1x64x512xf32> to vector<64x512xf32>
    %swap3A_133 = vector.shape_cast %add3A_127 : vector<64x512xf32> to vector<1x64x512xf32>
    tpu.vector_store %arg8[%swap3A_128, %swap3A_129, %swap3A_130], %swap3A_133 {strides = array<i32>} : memref<8x64x512xf32, #tpu.memory_space<vmem>>, vector<1x64x512xf32>,
    %slice3A_134 = vector.extract_strided_slice %transpose3A {offsets = [768, 0], sizes = [64, 512], strides = [1, 1]} : vector<1024x512xf32> to vector<64x512xf32>
    %slice3A_135 = vector.extract_strided_slice %get3A_1 {offsets = [6, 0], sizes = [1, 512], strides = [1, 1]} : vector<8x512xf32> to vector<1x512xf32>
    %squeeze3A_136 = vector.shape_cast %slice3A_135 : vector<1x512xf32> to vector<512xf32>
    %broadcast_in_dim3A_137 = vector.shape_cast %squeeze3A_136 : vector<512xf32> to vector<1x512xf32>
    %broadcast_in_dim3A_138 = vector.shape_cast %get3A_5 : vector<64xf32> to vector<64x1xf32>
    %mul3A_139 = vector.broadcast %broadcast_in_dim3A_137 : vector<1x512xf32> to vector<64x512xf32>
    %mul3A_140 = vector.broadcast %broadcast_in_dim3A_138 : vector<64x1xf32> to vector<64x512xf32>
    %mul3A_141 = arith.mulf %mul3A_139, %mul3A_140 : vector<64x512xf32>
    %add3A_142 = arith.addf %slice3A_134, %mul3A_141 : vector<64x512xf32>
    %slice3A_143 = vector.extract_strided_slice %add3A_13 {offsets = [6, 0], sizes = [1, 64], strides = [1, 1]} : vector<8x64xf32> to vector<1x64xf32>
    %squeeze3A_144 = vector.shape_cast %slice3A_143 : vector<1x64xf32> to vector<64xf32>
    %broadcast_in_dim3A_145 = vector.shape_cast %squeeze3A_144 : vector<64xf32> to vector<64x1xf32>
    %add3A_146 = vector.broadcast %broadcast_in_dim3A_145 : vector<64x1xf32> to vector<64x512xf32>
    %add3A_147 = arith.addf %add3A_142, %add3A_146 : vector<64x512xf32>
    %swap3A_148 = arith.constant 6 : index
    %swap3A_149 = arith.constant 0 : index
    %swap3A_150 = arith.constant 0 : index
    %swap3A_151 = vector.load %arg8[%swap3A_148, %swap3A_149, %swap3A_150] : memref<8x64x512xf32, #tpu.memory_space<vmem>>, vector<1x64x512xf32>
    %swap3A_152 = vector.shape_cast %swap3A_151 : vector<1x64x512xf32> to vector<64x512xf32>
    %swap3A_153 = vector.shape_cast %add3A_147 : vector<64x512xf32> to vector<1x64x512xf32>
    tpu.vector_store %arg8[%swap3A_148, %swap3A_149, %swap3A_150], %swap3A_153 {strides = array<i32>} : memref<8x64x512xf32, #tpu.memory_space<vmem>>, vector<1x64x512xf32>,
    %slice3A_154 = vector.extract_strided_slice %transpose3A {offsets = [896, 0], sizes = [64, 512], strides = [1, 1]} : vector<1024x512xf32> to vector<64x512xf32>
    %slice3A_155 = vector.extract_strided_slice %get3A_1 {offsets = [7, 0], sizes = [1, 512], strides = [1, 1]} : vector<8x512xf32> to vector<1x512xf32>
    %squeeze3A_156 = vector.shape_cast %slice3A_155 : vector<1x512xf32> to vector<512xf32>
    %broadcast_in_dim3A_157 = vector.shape_cast %squeeze3A_156 : vector<512xf32> to vector<1x512xf32>
    %broadcast_in_dim3A_158 = vector.shape_cast %get3A_5 : vector<64xf32> to vector<64x1xf32>
    %mul3A_159 = vector.broadcast %broadcast_in_dim3A_157 : vector<1x512xf32> to vector<64x512xf32>
    %mul3A_160 = vector.broadcast %broadcast_in_dim3A_158 : vector<64x1xf32> to vector<64x512xf32>
    %mul3A_161 = arith.mulf %mul3A_159, %mul3A_160 : vector<64x512xf32>
    %add3A_162 = arith.addf %slice3A_154, %mul3A_161 : vector<64x512xf32>
    %slice3A_163 = vector.extract_strided_slice %add3A_13 {offsets = [7, 0], sizes = [1, 64], strides = [1, 1]} : vector<8x64xf32> to vector<1x64xf32>
    %squeeze3A_164 = vector.shape_cast %slice3A_163 : vector<1x64xf32> to vector<64xf32>
    %broadcast_in_dim3A_165 = vector.shape_cast %squeeze3A_164 : vector<64xf32> to vector<64x1xf32>
    %add3A_166 = vector.broadcast %broadcast_in_dim3A_165 : vector<64x1xf32> to vector<64x512xf32>
    %add3A_167 = arith.addf %add3A_162, %add3A_166 : vector<64x512xf32>
    %swap3A_168 = arith.constant 7 : index
    %swap3A_169 = arith.constant 0 : index
    %swap3A_170 = arith.constant 0 : index
    %swap3A_171 = vector.load %arg8[%swap3A_168, %swap3A_169, %swap3A_170] : memref<8x64x512xf32, #tpu.memory_space<vmem>>, vector<1x64x512xf32>
    %swap3A_172 = vector.shape_cast %swap3A_171 : vector<1x64x512xf32> to vector<64x512xf32>
    %swap3A_173 = vector.shape_cast %add3A_167 : vector<64x512xf32> to vector<1x64x512xf32>
    tpu.vector_store %arg8[%swap3A_168, %swap3A_169, %swap3A_170], %swap3A_173 {strides = array<i32>} : memref<8x64x512xf32, #tpu.memory_space<vmem>>, vector<1x64x512xf32>,
    return
  }
  func.func @transform_1(%arg0: i32, %arg1: i32) -> (i32, i32, i32) {
    %c0_i32 = arith.constant 0 : i32
    %c0_i32_0 = arith.constant 0 : i32
    return %arg1, %arg0, %c0_i32 : i32, i32, i32
  }
  func.func @transform_2(%arg0: i32, %arg1: i32) -> (i32, i32) {
    %c0_i32 = arith.constant 0 : i32
    return %arg0, %arg1 : i32, i32
  }
  func.func @transform_3(%arg0: i32, %arg1: i32) -> (i32, i32) {
    %c0_i32 = arith.constant 0 : i32
    %c0_i32_0 = arith.constant 0 : i32
    return %arg0, %c0_i32 : i32, i32
  }
  func.func @transform_4(%arg0: i32, %arg1: i32) -> (i32, i32) {
    %c0_i32 = arith.constant 0 : i32
    %c0_i32_0 = arith.constant 0 : i32
    %c0_i32_1 = arith.constant 0 : i32
    return %c0_i32, %c0_i32_0 : i32, i32
  }
  func.func @transform_5(%arg0: i32, %arg1: i32) -> (i32, i32) {
    %c0_i32 = arith.constant 0 : i32
    %c0_i32_0 = arith.constant 0 : i32
    %c0_i32_1 = arith.constant 0 : i32
    return %c0_i32, %c0_i32_0 : i32, i32
  }
  func.func @transform_6(%arg0: i32, %arg1: i32) -> (i32, i32, i32) {
    %add3A = arith.constant 21 : i32
    %add3A_0 = arith.addi %arg0, %add3A : i32
    %c0_i32 = arith.constant 0 : i32
    %c0_i32_1 = arith.constant 0 : i32
    return %add3A_0, %c0_i32, %arg1 : i32, i32, i32
  }
}

</mosaic_0001>

<sc_bundles>
// kernel: kernel.11.cloned.1.call-start
scs
__scs_entry_jumppad:
0x0: {  	(pc) =	sbr.rel $0x88, $3  }
0x1: {  	(tag) =	ssettag $0x0;
	lr =	simm.s32 $0x1  }
0x2: {  	[smem:$0x3F9B] =	sst lr;
	_ =	strace $0xD0000000  }
0x3: {  	_ = 	snop  }
0x4: {  	_ = 	snop  }
0x5: {  	_ = 	snop  }
0x6: {  	_ = 	snop  }
0x7: {  	_ = 	snop  }
__scs_overlays_trampoline_lowered:
0x8: {  	[smem:$0x3FAA] =	sst s0  }
0x9: {  	[smem:$0x3FAB] =	sst s1  }
0xa: {  	[smem:$0x3FAC] =	sst s2  }
0xb: {  	[smem:$0x3FAD] =	sst s3  }
0xc: {  	[smem:$0x3FAE] =	sst s4  }
0xd: {  	[smem:$0x3FAF] =	sst s5  }
0xe: {  	[smem:$0x3FB0] =	sst s6  }
0xf: {  	[smem:$0x3FB1] =	sst s7  }
0x10: {  	[smem:$0x3FB2] =	sst s8  }
0x11: {  	[smem:$0x3FB3] =	sst s9;
	s0 =	simm.s32 @!p0 $0x0  }
0x12: {  	s1 =	sld [smem:$0x3F99];
	s0 =	simm.s32 @p0 $0x1  }
0x13: {  	[smem:$0x3FB4] =	sst s0;
	s0 =	simm.s32 @!p1 $0x0  }
0x14: {  	s2 =	sld [smem:$0x3F98];
	s0 =	simm.s32 @p1 $0x1  }
0x15: {  	[smem:$0x3FB5] =	sst s0;
	s0 =	simm.s32 @!p2 $0x0  }
0x16: {  	s3 =	sld [smem:$0x3FDB];
	s0 =	simm.s32 @p2 $0x1  }
0x17: {  	s4 =	simm.s32 $0x1BF5;
	[smem:$0x3FB7] =	sst s0  }
0x18: {  	s0 =	sld [smem:$0x3F9A];
	_ =	swait.ge [sflag:s4], $0x0  }
0x19: {  	s7 =	sld [smem:$0x3F9B]  }
0x1a: {  	s8 =	sadd.s32 $0xFFFFE003, lr  }
0x1b: {  	s9 =	sadd.s32 $0xFFFFFEF7, lr;
	s5 =	simm.s32 $0xFFFFFFFF;
	p2 =	slt.u32 s8, $0xFFFFF086  }
0x1c: {  	p1 =	slt.u32 s9, $0xF7A;
	s5 =	simm.s32 @!p2 $0x0  }
0x1d: {  	s5 =	simm.s32 @p1 $0x1;
	p0 =	seq.s32 s7, s2  }
0x1e: {  	s7 =	smul.u32 @!p0 $0xF7A, s2;
	p2 =	seq.s32 @!p0 s5, $0x0  }
0x1f: {  	s9 =	smul.u32 $0xF7A, s1;
	s8 =	simm.s32 @!p0 $0x1BF5;
	p2 =	por !p2, p0  }
0x20: {  	[sflag:s8] =	ssyncset.s32 @!p0 $0xFFFFF086;
	s6 =	sadd.s32 @!p0 s3, s7;
	s7 =	simm.s32 @!p0 $0x108  }
0x21: {  	s3 =	sadd.s32 s3, s9;
	s6 =	sadd.s32 @!p0 $0x88, s6;
	s7 =	simm.s32 @p2 $0x1082  }
0x22: {  	[simem:s7], [sflag:s8] =	dma.local @!p0 [hbm:s6], $0xF7A  }
0x23: {  	s9 =	sor.u32 $0xD0000000, s2;
	s6 =	simm.s32 $0x108;
	_ =	swait.ge @!p0 [sflag:s8], $0x0  }
0x24: {  	s3 =	sadd.s32 $0x88, s3;
	s6 =	simm.s32 @!p1 $0x1082;
	[sflag:s4] =	ssyncset.s32 $0xFFFFF086  }
0x25: {  	[simem:s6], [sflag:s4] =	dma.local [hbm:s3], $0xF7A  }
0x26: {  	[smem:$0x3F9B] =	sst s1;
	(tag) =	ssettag s2;
	_ =	strace s9  }
0x27: {  	s1 =	sld [smem:$0x3FAB]  }
0x28: {  	s2 =	sld [smem:$0x3FAC]  }
0x29: {  	s4 =	sld [smem:$0x3FAE]  }
0x2a: {  	p0 =	seq.s32 s5, $0x0;
	s5 =	sld [smem:$0x3FAF]  }
0x2b: {  	s6 =	sld [smem:$0x3FB0]  }
0x2c: {  	s7 =	sld [smem:$0x3FB1]  }
0x2d: {  	s3 =	simm.s32 $0x108;
	s8 =	sld [smem:$0x3FB2]  }
0x2e: {  	s3 =	simm.s32 @!p0 $0x1082;
	s9 =	sld [smem:$0x3FB3]  }
0x2f: {  	lr =	sadd.s32 s0, s3;
	s0 =	sld [smem:$0x3FAA]  }
0x30: {  	s3 =	sld [smem:$0x3FAD]  }
0x31: {  	[smem:$0x3FB6] =	sst s10  }
0x32: {  	s10 =	sld [smem:$0x3FB4];
	_ =	sdelay $0x3  }
0x33: {  	p0 =	seq.s32 s10, $0x1;
	s10 =	sld [smem:$0x3FB6];
	_ =	sdelay $0x3  }
0x34: {  	[smem:$0x3FB6] =	sst s10  }
0x35: {  	s10 =	sld [smem:$0x3FB5];
	_ =	sdelay $0x3  }
0x36: {  	p1 =	seq.s32 s10, $0x1;
	s10 =	sld [smem:$0x3FB6];
	_ =	sdelay $0x3  }
0x37: {  	[smem:$0x3FB6] =	sst s10  }
0x38: {  	s10 =	sld [smem:$0x3FB7]  }
0x39: {  	_ = 	snop;
	(pc) =	sbr.ind lr, $3  }
0x3a: {  	_ = 	snop  }
0x3b: {  	_ = 	snop  }
0x3c: {  	p2 =	seq.s32 s10, $0x1;
	s10 =	sld [smem:$0x3FB6]  }
0x3d: {  	_ =	shalt  }
0x3e: {  	_ =	shalt  }
0x3f: {  	_ =	shalt  }
0x40: {  	_ =	shalt  }
0x41: {  	_ =	shalt  }
0x42: {  	_ =	shalt  }
0x43: {  	_ =	shalt  }
0x44: {  	_ =	shalt  }
0x45: {  	_ =	shalt  }
0x46: {  	_ =	shalt  }
0x47: {  	_ =	shalt  }
0x48: {  	_ =	shalt  }
0x49: {  	_ =	shalt  }
0x4a: {  	_ =	shalt  }
0x4b: {  	_ =	shalt  }
0x4c: {  	_ =	shalt  }
0x4d: {  	_ =	shalt  }
0x4e: {  	_ =	shalt  }
0x4f: {  	_ =	shalt  }
0x50: {  	_ =	shalt  }
0x51: {  	_ =	shalt  }
0x52: {  	_ =	shalt  }
0x53: {  	_ =	shalt  }
0x54: {  	_ =	shalt  }
0x55: {  	_ =	shalt  }
0x56: {  	_ =	shalt  }
0x57: {  	_ =	shalt  }
0x58: {  	_ =	shalt  }
0x59: {  	_ =	shalt  }
0x5a: {  	_ =	shalt  }
0x5b: {  	_ =	shalt  }
0x5c: {  	_ =	shalt  }
0x5d: {  	_ =	shalt  }
0x5e: {  	_ =	shalt  }
0x5f: {  	_ =	shalt  }
0x60: {  	_ =	shalt  }
0x61: {  	_ =	shalt  }
0x62: {  	_ =	shalt  }
0x63: {  	_ =	shalt  }
0x64: {  	_ =	shalt  }
0x65: {  	_ =	shalt  }
0x66: {  	_ =	shalt  }
0x67: {  	_ =	shalt  }
0x68: {  	_ =	shalt  }
0x69: {  	_ =	shalt  }
0x6a: {  	_ =	shalt  }
0x6b: {  	_ =	shalt  }
0x6c: {  	_ =	shalt  }
0x6d: {  	_ =	shalt  }
0x6e: {  	_ =	shalt  }
0x6f: {  	_ =	shalt  }
0x70: {  	_ =	shalt  }
0x71: {  	_ =	shalt  }
0x72: {  	_ =	shalt  }
0x73: {  	_ =	shalt  }
0x74: {  	_ =	shalt  }
0x75: {  	_ =	shalt  }
0x76: {  	_ =	shalt  }
0x77: {  	_ =	shalt  }
0x78: {  	_ =	shalt  }
0x79: {  	_ =	shalt  }
0x7a: {  	_ =	shalt  }
0x7b: {  	_ =	shalt  }
0x7c: {  	_ =	shalt  }
0x7d: {  	_ =	shalt  }
0x7e: {  	_ =	shalt  }
0x7f: {  	_ =	shalt  }
0x80: {  	_ =	shalt  }
0x81: {  	_ =	shalt  }
0x82: {  	_ =	shalt  }
0x83: {  	_ =	shalt  }
0x84: {  	_ =	shalt  }
0x85: {  	_ =	shalt  }
0x86: {  	_ =	shalt  }
0x87: {  	_ =	shalt  }
.Lfunc_end0:
.L_simem_size_0:
called_computation_lowered:
.L_overlay_start_0:
0x88: {  	s2 =	sld [smem:$0x3FD9]  }
0x89: {  	s3 =	sld [smem:$0x3FFE];
	_ =	sdelay $0x1  }
0x8a: {  	s1 =	srdreg.scid  }
0x8b: {  	s0 =	sand.u32 $0x1, s1  }
0x8c: {  	s17 =	sshll.u32 s0, $0xA;
	s2 =	sadd.s32 s3, s2  }
0x8d: {  	s2 =	sadd.s32 s2, s17  }
0x8e: {  	[smem:$0x3FC2] =	sst s2  }
0x8f: {  	_ = 	snop  }
0x90: {  	s2 =	sld [smem:$0x3FD0];
	(tm) =	ssettm $0x1  }
0x91: {  	s18 =	sld [smem:$0x3FFB];
	_ =	sdelay $0x3  }
0x92: {  	_ =	strace s18  }
0x93: {  	s3 =	sld [smem:$0x3FFC];
	_ =	sdelay $0x3  }
0x94: {  	_ =	strace s3  }
0x95: {  	s3 =	sld [smem:$0x3FFD];
	_ =	sdelay $0x3  }
0x96: {  	_ =	strace s3  }
0x97: {  	_ =	strace $0x8FFFFFFF  }
0x98: {  	s19 =	sld [smem:$0x3FDB];
	_ =	sdelay $0x1  }
0x99: {  	s4 =	simm.s32 $_scs_section_size  }
0x9a: {  	s5 =	simm.s32 $_size__tile_overlayer_lowered;
	s6 =	simm.s32 $_tile_overlayer_lowered  }
0x9b: {  	s22 =	simm.s32 $0x1BFF;
	s21 =	sshll.u32 s6, $0x1;
	s3 =	sadd.s32 s4, s19  }
0x9c: {  	s7 =	simm.s32 $0x0;
	s20 =	sshll.u32 s5, $0x1;
	s5 =	sadd.s32 s21, s3  }
0x9d: {  	[timem:s7], [sflag:s22] =	dma.local [hbm:s5], s20  }
0x9e: {  	_ =	swait.ge [sflag:s22], s20  }
0x9f: {  	s4 =	ssub.s32 $0x0, s20;
	[sflag:s22] =	ssyncset.done $0x0  }
0xa0: {  	[sflag:s22] =	ssyncadd.s32 s4;
	_ =	sdelay $0x1  }
0xa1: {  	s23 =	simm.s32 $0x1B8B  }
0xa2: {  	_ =	swait.ge [sflag:s23], $0x1  }
0xa3: {  	[sflag:s23] =	ssyncset.done $0x0  }
0xa4: {  	s25 =	simm.s32 $0x1B8E;
	s24 =	sld [smem:$0x3FFE];
	[sflag:s23] =	ssyncadd.s32 $0xFFFFFFFF  }
0xa5: {  	s26 =	simm.s32 $execute0_lowered;
	[smem:$0x3FD2] =	sst s25  }
0xa6: {  	s5 =	sshll.u32 s26, $0x1;
	_ =	strace $0x80000046;
	[dreg:$0x1] =	wrdreg $0xFFFFFFFF  }
0xa7: {  	s28 =	simm.s32 $_size_execute0_lowered;
	s3 =	sadd.s32 s3, s5;
	[dreg:$0x0] =	wrdreg $0x0  }
0xa8: {  	s5 =	sshll.u32 s28, $0x1;
	[dreg:$0x2] =	wrdreg s3  }
0xa9: {  	[dreg:$0x3] =	wrdreg s5  }
0xaa: {  	[dreg:$0x4] =	wrdreg $0xC0  }
0xab: {  	_ =	task [dreg:s7], $0x5FFFF  }
0xac: {  	[dreg:$0x1] =	wrdreg $0xFFFFFFFF  }
0xad: {  	[dreg:$0x0] =	wrdreg $0x60  }
0xae: {  	[dreg:$0x2] =	wrdreg s2  }
0xaf: {  	[dreg:$0x3] =	wrdreg s24  }
0xb0: {  	[dreg:$0x4] =	wrdreg $0x9  }
0xb1: {  	_ =	task.clear_ibuf [dreg:s7], $0x5FFFF;
	_ =	strace $0x90000046  }
0xb2: {  	s29 =	simm.s32 $0x9;
	_ =	strace $0x80000048  }
0xb3: {  	_ =	swait.ge [sflag:s29], $0x1  }
0xb4: {  	[sflag:s29] =	ssyncadd.s32 $0xFFFFFFFF  }
0xb5: {  	_ =	strace $0x90000048  }
0xb6: {  	_ =	sfence  }
0xb7: {  	s30 =	sld [smem:$0x0];
	_ =	sdelay $0x2  }
0xb8: {  	s31 =	sshll.u32 s1, $0xD;
	s1 =	sshrl.u32 s1, $0x2  }
0xb9: {  	s3 =	sand.u32 $0x4000, s31;
	s1 =	sadd.s32 s1, s30  }
0xba: {  	s0 =	sor.u32 s3, s0;
	s1 =	sshll.u32 s1, $0x11  }
0xbb: {  	s0 =	sor.u32 s1, s0  }
0xbc: {  	s0 =	sadd.s32 $0x8F2B, s0  }
0xbd: {  	[sflag:s0] =	ssyncadd.remote.s32 $0x1  }
0xbe: {  	_ =	sfence.sel $0xFFFF  }
0xbf: {  	[dreg:$0x0] =	wrdreg $0xFFFFFFFF;
	(pc) =	sbr.abs _section_cstart, $3  }
0xc0: {  	[dreg:$0x1] =	wrdreg $0xFFFFFFFF  }
0xc1: {  	_ =	task.clear_ibuf [dreg:s7], $0x2FFFF;
	_ =	strace $0x9FFFFFFF  }
0xc2: {  	(tm) =	ssettm $0x7FFFFFFF  }
0xc3: {  	_ =	shalt  }
tec
execute0_lowered:
.L_overlay_start_1:
0x0: {  	(tag) =	ssettag $0x1  }
0x1: {  	s1 =	rddreg [dreg:$0x0]  }
0x2: {  	s0 =	rddreg [dreg:$0x1];
	s2 =	srdreg.scid  }
0x3: {  	s3 =	simm.s32 $0x0;
	s9 =	stileid.u32;
	s13 =	simm.s32 $0x80  }
0x4: {  	s14 =	simm.s32 $0x100;
	s15 =	simm.s32 $0x180;
	s16 =	simm.s32 $0x1  }
0x5: {  	s17 =	simm.s32 $0x38;
	s18 =	simm.s32 $0x200;
	s19 =	simm.s32 $0x2  }
0x6: {  	s20 =	simm.s32 $0x1E00;
	s28 =	simm.s32 $0x7;
	s29 =	simm.s32 $0x8  }
0x7: {  	s30 =	simm.s32 $0x9;
	s31 =	simm.s32 $0xA;
	s2 =	sand.u32 $0x1, s2  }
0x8: {  	[smem:$0x7FF] =	sst s3;
	s4 =	sshll.u32 s9, $0x8;
	s23 =	smul.u32 $0x38000, s9  }
0x9: {  	s11 =	sshll.u32 s9, $0xC;
	s5 =	sshll.u32 s2, $0x7;
	_ =	strace $0x80000047  }
0xa: {  	s7 =	ssub.s32 $0x2, s2;
	s25 =	smul.u32 $0x1C000, s2;
	s2 =	sshll.u32 s2, $0xB  }
0xb: {  	s6 =	sor.u32 s5, s4;
	s4 =	sadd.s32 $0x10E00, s0;
	s8 =	sshrl.u32 s7, $0x1  }
0xc: {  	s0 =	sadd.s32 $0xF53200, s0;
	s12 =	sor.u32 s2, s11;
	s5 =	sshll.u32 s6, $0x4  }
0xd: {  	s2 =	simm.s32 $0xC;
	s7 =	ssub.s32 s7, s8;
	s5 =	sadd.s32 s1, s5  }
0xe: {  	s6 =	smul.u32 $0x380, s6;
	s26 =	smax.u32 s7, $0x1;
	[dreg:$0x3] =	wrdreg s5  }
0xf: {  	s21 =	sadd.s32 $0x10, s5;
	s22 =	sadd.s32 $0x20, s5;
	[dreg:$0x8] =	wrdreg s26  }
0x10: {  	s6 =	sadd.s32 s6, s0;
	s5 =	sadd.s32 $0x30, s5;
	[dreg:$0x4] =	wrdreg s21  }
.Ltmp0:
0x11: {  	s0 =	sadd.s32 s23, s0;
	[dreg:$0x5] =	wrdreg s22;
	(pc) =	sbr.rel .LBB2_1-.Ltmp0, $4  }
0x12: {  	s23 =	simm.s32 $0x3A00;
	s26 =	simm.s32 $0x5600;
	[dreg:$0x6] =	wrdreg s5  }
0x13: {  	s24 =	sadd.s32 $0x1BC80, s6;
	s8 =	sadd.s32 s25, s0;
	s21 =	simm.s32 $0x5  }
0x14: {  	s22 =	simm.s32 $0x3;
	s25 =	simm.s32 $0x4;
	s0 =	simm.s32 $0xB  }
0x15: {  	s6 =	simm.s32 $0x0;
	[dreg:$0x7] =	wrdreg s24;
	s24 =	simm.s32 $0x6  }
.LBB2_4:
0x16: {  	_ =	swait.ge [sflag:s29], $0x1C00  }
0x17: {  	[sflag:s29] =	ssyncset.done $0x0  }
0x18: {  	s5 =	rddreg [dreg:$0x7];
	[sflag:s29] =	ssyncadd.s32 $0xFFFFE400  }
0x19: {  	[hbm4b:s5+s3] =	stream.linear.scatter [tilespmem:s26], [sflag:$0xC], $0x1C00, $0x38;
	[tilespmem:$0x7200] =	vst v63  }
0x1a: {  	_ =	swait.ge [sflag:s30], $0x1C00  }
0x1b: {  	[sflag:s30] =	ssyncset.done $0x0  }
0x1c: {  	[sflag:s30] =	ssyncadd.s32 $0xFFFFE400  }
0x1d: {  	_ =	swait.ge [sflag:s31], $0x1C00  }
0x1e: {  	[sflag:s31] =	ssyncset.done $0x0  }
0x1f: {  	[sflag:s31] =	ssyncadd.s32 $0xFFFFE400  }
0x20: {  	_ =	swait.ge [sflag:s0], $0x1C00  }
0x21: {  	[sflag:s0] =	ssyncset.done $0x0  }
0x22: {  	[sflag:s0] =	ssyncadd.s32 $0xFFFFE400  }
0x23: {  	_ =	swait.ge [sflag:s2], $0x1C00  }
0x24: {  	s6 =	sadd.s32 $0x1, s6;
	s11 =	rddreg [dreg:$0x8]  }
0x25: {  	p0 =	sne.s32 s6, s11  }
.Ltmp1:
0x26: {  	_ = 	snop;
	(pc) =	sbr.rel @!p0 .LBB2_5-.Ltmp1, $3  }
0x27: {  	_ =	sdelay $0x1  }
0x28: {  	[sflag:s2] =	ssyncset.done $0x0  }
0x29: {  	[sflag:s2] =	ssyncadd.s32 $0xFFFFE400  }
.LBB2_1:
0x2a: {  	s5 =	rddreg [dreg:$0x3]  }
0x2b: {  	[tilespmem:s3], [sflag:$0x1] =	stream.linear.gather [hbm4b:s5+s3], $0x80, $0x38;
	[tilespmem:$0x7200] =	vst v63  }
0x2c: {  	s9 =	rddreg [dreg:$0x4]  }
0x2d: {  	[tilespmem:s13], [sflag:$0x2] =	stream.linear.gather [hbm4b:s9+s3], $0x80, $0x38;
	[tilespmem:$0x7200] =	vst v63  }
0x2e: {  	s10 =	rddreg [dreg:$0x5]  }
0x2f: {  	[tilespmem:s14], [sflag:$0x3] =	stream.linear.gather [hbm4b:s10+s3], $0x80, $0x38;
	[tilespmem:$0x7200] =	vst v63  }
0x30: {  	s11 =	rddreg [dreg:$0x6]  }
0x31: {  	[tilespmem:s15], [sflag:$0x4] =	stream.linear.gather [hbm4b:s11+s3], $0x80, $0x38;
	[tilespmem:$0x7200] =	vst v63  }
0x32: {  	_ =	swait.ge [sflag:s16], $0x80  }
0x33: {  	[sflag:s16] =	ssyncset.done $0x0  }
0x34: {  	s7 =	simm.s32 $0x70;
	s11 =	smov.u32 s8;
	[sflag:s16] =	ssyncadd.s32 $0xFFFFFF80  }
0x35: {  	[tilespmem:s18], [sflag:$0x5] =	stream.indirect.gather [hbm4b:s4+s17], $0x80, s3, s17, $0xb8;
	[tilespmem:$0x7200] =	vst v63  }
.LBB2_2:
0x36: {  	_ =	swait.ge [sflag:s19], $0x80  }
0x37: {  	p0 =	seq.s32 s7, $0x70;
	[sflag:s19] =	ssyncset.done $0x0  }
0x38: {  	s9 =	simm.s32 @!p0 $0xA;
	[sflag:s19] =	ssyncadd.s32 $0xFFFFFF80  }
0x39: {  	_ =	swait.ge @!p0 [sflag:s9], $0x1C00  }
0x3a: {  	[sflag:s9] =	ssyncset.done @!p0 $0x0  }
0x3b: {  	p1 =	seq.s32 s7, $0x830;
	[sflag:s9] =	ssyncadd.s32 @!p0 $0xFFFFE400  }
0x3c: {  	[tilespmem:s20], [sflag:$0x6] =	stream.indirect.gather [hbm4b:s4+s17], $0x80, s13, s17, $0xb8;
	[tilespmem:$0x7200] =	vst v63  }
0x3d: {  	s9 =	sadd.s32 @!p1 $0xFFFFFFD0, s7;
	_ =	swait.ge [sflag:s21], $0x1C00  }
0x3e: {  	s10 =	sadd.s32 @!p1 s12, s9;
	s9 =	sand.u32 @!p1 $0x40, s9;
	[sflag:s21] =	ssyncset.done $0x0  }
0x3f: {  	s10 =	sand.u32 @!p1 $0x1FF80, s10;
	s9 =	sadd.s32 @!p1 s1, s9;
	[sflag:s21] =	ssyncadd.s32 $0xFFFFE400  }
0x40: {  	[hbm4b:s11+s3] =	stream.linear.scatter [tilespmem:s18], [sflag:$0x9], $0x1C00, $0x38;
	[tilespmem:$0x7200] =	vst v63  }
0x41: {  	s9 =	sadd.s32 @!p1 s10, s9;
	s10 =	simm.s32 @!p1 $0x0  }
0x42: {  	[tilespmem:s10], [sflag:$0x1] =	stream.linear.gather @!p1 [hbm4b:s9+s10], $0x80, $0x38;
	[tilespmem:$0x7200] =	vst v63  }
0x43: {  	_ =	swait.ge [sflag:s22], $0x80  }
0x44: {  	[sflag:s22] =	ssyncset.done $0x0  }
0x45: {  	s9 =	simm.s32 @!p0 $0xB;
	[sflag:s22] =	ssyncadd.s32 $0xFFFFFF80  }
0x46: {  	_ =	swait.ge @!p0 [sflag:s9], $0x1C00  }
0x47: {  	[sflag:s9] =	ssyncset.done @!p0 $0x0  }
0x48: {  	[sflag:s9] =	ssyncadd.s32 @!p0 $0xFFFFE400  }
0x49: {  	[tilespmem:s23], [sflag:$0x7] =	stream.indirect.gather [hbm4b:s4+s17], $0x80, s14, s17, $0xb8;
	[tilespmem:$0x7200] =	vst v63  }
0x4a: {  	_ =	swait.ge [sflag:s24], $0x1C00  }
0x4b: {  	[sflag:s24] =	ssyncset.done $0x0  }
0x4c: {  	s5 =	sadd.s32 $0x380, s11;
	s9 =	sadd.s32 @!p1 $0xFFFFFFE0, s7;
	[sflag:s24] =	ssyncadd.s32 $0xFFFFE400  }
0x4d: {  	[hbm4b:s5+s3] =	stream.linear.scatter [tilespmem:s20], [sflag:$0xA], $0x1C00, $0x38;
	[tilespmem:$0x7200] =	vst v63  }
0x4e: {  	s5 =	sadd.s32 @!p1 s12, s9;
	s9 =	sand.u32 @!p1 $0x50, s9  }
0x4f: {  	s5 =	sand.u32 @!p1 $0x1FF80, s5;
	s9 =	sadd.s32 @!p1 s1, s9  }
0x50: {  	s5 =	sadd.s32 @!p1 s5, s9;
	s9 =	simm.s32 @!p1 $0x80  }
0x51: {  	[tilespmem:s9], [sflag:$0x2] =	stream.linear.gather @!p1 [hbm4b:s5+s10], $0x80, $0x38;
	[tilespmem:$0x7200] =	vst v63  }
0x52: {  	_ =	swait.ge [sflag:s25], $0x80  }
0x53: {  	[sflag:s25] =	ssyncset.done $0x0  }
0x54: {  	s5 =	simm.s32 @!p0 $0xC;
	[sflag:s25] =	ssyncadd.s32 $0xFFFFFF80  }
0x55: {  	_ =	swait.ge @!p0 [sflag:s5], $0x1C00  }
0x56: {  	[sflag:s5] =	ssyncset.done @!p0 $0x0  }
0x57: {  	[sflag:s5] =	ssyncadd.s32 @!p0 $0xFFFFE400  }
0x58: {  	[tilespmem:s26], [sflag:$0x8] =	stream.indirect.gather [hbm4b:s4+s17], $0x80, s15, s17, $0xb8;
	[tilespmem:$0x7200] =	vst v63  }
.Ltmp2:
0x59: {  	_ = 	snop;
	(pc) =	sbr.rel @p1 .LBB2_4-.Ltmp2, $4  }
0x5a: {  	_ =	swait.ge [sflag:s28], $0x1C00  }
0x5b: {  	[sflag:s28] =	ssyncset.done $0x0  }
0x5c: {  	s10 =	sadd.s32 $0x700, s11;
	[sflag:s28] =	ssyncadd.s32 $0xFFFFE400  }
0x5d: {  	[hbm4b:s10+s3] =	stream.linear.scatter [tilespmem:s23], [sflag:$0xB], $0x1C00, $0x38;
	[tilespmem:$0x7200] =	vst v63  }
0x5e: {  	s5 =	sadd.s32 s7, s12;
	s9 =	sadd.s32 $0xFFFFFFF0, s7  }
0x5f: {  	s10 =	sadd.s32 $0xFFFFFFF0, s5;
	s9 =	sand.u32 $0x60, s9  }
0x60: {  	s10 =	sand.u32 $0x1FF80, s10;
	s9 =	sadd.s32 s1, s9  }
0x61: {  	s9 =	sadd.s32 s10, s9  }
0x62: {  	[tilespmem:s14], [sflag:$0x3] =	stream.linear.gather [hbm4b:s9+s3], $0x80, $0x38;
	[tilespmem:$0x7200] =	vst v63  }
0x63: {  	_ =	swait.ge [sflag:s16], $0x80  }
0x64: {  	[sflag:s16] =	ssyncset.done $0x0  }
0x65: {  	[sflag:s16] =	ssyncadd.s32 $0xFFFFFF80  }
0x66: {  	_ =	swait.ge [sflag:s30], $0x1C00  }
0x67: {  	[sflag:s30] =	ssyncset.done $0x0  }
0x68: {  	[sflag:s30] =	ssyncadd.s32 $0xFFFFE400  }
0x69: {  	[tilespmem:s18], [sflag:$0x5] =	stream.indirect.gather [hbm4b:s4+s17], $0x80, s3, s17, $0xb8;
	[tilespmem:$0x7200] =	vst v63  }
0x6a: {  	_ =	swait.ge [sflag:s29], $0x1C00  }
0x6b: {  	[sflag:s29] =	ssyncset.done $0x0  }
0x6c: {  	s10 =	sadd.s32 $0xA80, s11;
	[sflag:s29] =	ssyncadd.s32 $0xFFFFE400  }
0x6d: {  	[hbm4b:s10+s3] =	stream.linear.scatter [tilespmem:s26], [sflag:$0xC], $0x1C00, $0x38;
	[tilespmem:$0x7200] =	vst v63  }
.Ltmp3:
0x6e: {  	_ = 	snop;
	(pc) =	sbr.rel .LBB2_2-.Ltmp3, $4  }
0x6f: {  	s10 =	sand.u32 $0x70, s7  }
0x70: {  	s5 =	sand.u32 $0x1FF80, s5;
	s9 =	sadd.s32 s1, s10  }
0x71: {  	s11 =	sadd.s32 $0xE00, s11;
	s7 =	sadd.s32 $0x40, s7;
	s5 =	sadd.s32 s5, s9  }
0x72: {  	[tilespmem:s15], [sflag:$0x4] =	stream.linear.gather [hbm4b:s5+s3], $0x80, $0x38;
	[tilespmem:$0x7200] =	vst v63  }
.LBB2_5:
0x73: {  	_ =	sfence.sel $0x180000  }
0x74: {  	[bflag:$0x0] =	sbarrier.arrive $0xFFFF  }
0x75: {  	_ =	strace $0x90000047  }
0x76: {  	s0 =	stileid.u32;
	[bflag:$0x2] =	sbarrier.arrive $0xFFFF  }
0x77: {  	p0 =	sne.s32 s0, $0x0;
	s0 =	rddreg [dreg:$0x2]  }
0x78: {  	s0 =	sadd.s32 @!p0 $0x100000, s0  }
0x79: {  	[sflag:s0] =	ssyncadd.tile.s32 @!p0 $0x1;
	_ =	shalt  }
.Lfunc_end2:
_tile_overlayer_lowered:
.L_overlay_start_2:
0x7a: {  	(tag) =	ssettag $0x2  }
0x7b: {  	s0 =	rddreg [dreg:$0x0];
	s2 =	stileid.u32  }
0x7c: {  	s1 =	rddreg [dreg:$0x1];
	p0 =	sne.s32 s2, $0x0  }
0x7d: {  	s3 =	rddreg [dreg:$0x2];
	[bflag:$0x3] =	sbarrier.arrive $0xFFFF;
	s2 =	simm.s32 @!p0 $0x1C0D  }
0x7e: {  	[timem:s3], [sflag:s2] =	dma.local @!p0 [hbm:s0], s1  }
0x7f: {  	s0 =	simm.s32 @!p0 $0xD  }
0x80: {  	_ =	swait.ge @!p0 [sflag:s0], s1  }
0x81: {  	s1 =	ssub.s32 @!p0 $0x0, s1;
	[sflag:s0] =	ssyncset.done @!p0 $0x0  }
0x82: {  	[sflag:s0] =	ssyncadd.s32 @!p0 s1  }
0x83: {  	[bflag:$0x3] =	sbarrier.arrive $0xFFFF  }
0x84: {  	_ =	shalt  }

// kernel: kernel.14.cloned.1.call-start
scs
__scs_entry_jumppad:
0x0: {  	(pc) =	sbr.rel $0x88, $3  }
0x1: {  	(tag) =	ssettag $0x0;
	lr =	simm.s32 $0x1  }
0x2: {  	[smem:$0x3F9B] =	sst lr;
	_ =	strace $0xD0000000  }
0x3: {  	_ = 	snop  }
0x4: {  	_ = 	snop  }
0x5: {  	_ = 	snop  }
0x6: {  	_ = 	snop  }
0x7: {  	_ = 	snop  }
__scs_overlays_trampoline_lowered:
0x8: {  	[smem:$0x3FAA] =	sst s0  }
0x9: {  	[smem:$0x3FAB] =	sst s1  }
0xa: {  	[smem:$0x3FAC] =	sst s2  }
0xb: {  	[smem:$0x3FAD] =	sst s3  }
0xc: {  	[smem:$0x3FAE] =	sst s4  }
0xd: {  	[smem:$0x3FAF] =	sst s5  }
0xe: {  	[smem:$0x3FB0] =	sst s6  }
0xf: {  	[smem:$0x3FB1] =	sst s7  }
0x10: {  	[smem:$0x3FB2] =	sst s8  }
0x11: {  	[smem:$0x3FB3] =	sst s9;
	s0 =	simm.s32 @!p0 $0x0  }
0x12: {  	s1 =	sld [smem:$0x3F99];
	s0 =	simm.s32 @p0 $0x1  }
0x13: {  	[smem:$0x3FB4] =	sst s0;
	s0 =	simm.s32 @!p1 $0x0  }
0x14: {  	s2 =	sld [smem:$0x3F98];
	s0 =	simm.s32 @p1 $0x1  }
0x15: {  	[smem:$0x3FB5] =	sst s0;
	s0 =	simm.s32 @!p2 $0x0  }
0x16: {  	s3 =	sld [smem:$0x3FDB];
	s0 =	simm.s32 @p2 $0x1  }
0x17: {  	s4 =	simm.s32 $0x1BF5;
	[smem:$0x3FB7] =	sst s0  }
0x18: {  	s0 =	sld [smem:$0x3F9A];
	_ =	swait.ge [sflag:s4], $0x0  }
0x19: {  	s7 =	sld [smem:$0x3F9B]  }
0x1a: {  	s8 =	sadd.s32 $0xFFFFE003, lr  }
0x1b: {  	s9 =	sadd.s32 $0xFFFFFEF7, lr;
	s5 =	simm.s32 $0xFFFFFFFF;
	p2 =	slt.u32 s8, $0xFFFFF086  }
0x1c: {  	p1 =	slt.u32 s9, $0xF7A;
	s5 =	simm.s32 @!p2 $0x0  }
0x1d: {  	s5 =	simm.s32 @p1 $0x1;
	p0 =	seq.s32 s7, s2  }
0x1e: {  	s7 =	smul.u32 @!p0 $0xF7A, s2;
	p2 =	seq.s32 @!p0 s5, $0x0  }
0x1f: {  	s9 =	smul.u32 $0xF7A, s1;
	s8 =	simm.s32 @!p0 $0x1BF5;
	p2 =	por !p2, p0  }
0x20: {  	[sflag:s8] =	ssyncset.s32 @!p0 $0xFFFFF086;
	s6 =	sadd.s32 @!p0 s3, s7;
	s7 =	simm.s32 @!p0 $0x108  }
0x21: {  	s3 =	sadd.s32 s3, s9;
	s6 =	sadd.s32 @!p0 $0x88, s6;
	s7 =	simm.s32 @p2 $0x1082  }
0x22: {  	[simem:s7], [sflag:s8] =	dma.local @!p0 [hbm:s6], $0xF7A  }
0x23: {  	s9 =	sor.u32 $0xD0000000, s2;
	s6 =	simm.s32 $0x108;
	_ =	swait.ge @!p0 [sflag:s8], $0x0  }
0x24: {  	s3 =	sadd.s32 $0x88, s3;
	s6 =	simm.s32 @!p1 $0x1082;
	[sflag:s4] =	ssyncset.s32 $0xFFFFF086  }
0x25: {  	[simem:s6], [sflag:s4] =	dma.local [hbm:s3], $0xF7A  }
0x26: {  	[smem:$0x3F9B] =	sst s1;
	(tag) =	ssettag s2;
	_ =	strace s9  }
0x27: {  	s1 =	sld [smem:$0x3FAB]  }
0x28: {  	s2 =	sld [smem:$0x3FAC]  }
0x29: {  	s4 =	sld [smem:$0x3FAE]  }
0x2a: {  	p0 =	seq.s32 s5, $0x0;
	s5 =	sld [smem:$0x3FAF]  }
0x2b: {  	s6 =	sld [smem:$0x3FB0]  }
0x2c: {  	s7 =	sld [smem:$0x3FB1]  }
0x2d: {  	s3 =	simm.s32 $0x108;
	s8 =	sld [smem:$0x3FB2]  }
0x2e: {  	s3 =	simm.s32 @!p0 $0x1082;
	s9 =	sld [smem:$0x3FB3]  }
0x2f: {  	lr =	sadd.s32 s0, s3;
	s0 =	sld [smem:$0x3FAA]  }
0x30: {  	s3 =	sld [smem:$0x3FAD]  }
0x31: {  	[smem:$0x3FB6] =	sst s10  }
0x32: {  	s10 =	sld [smem:$0x3FB4];
	_ =	sdelay $0x3  }
0x33: {  	p0 =	seq.s32 s10, $0x1;
	s10 =	sld [smem:$0x3FB6];
	_ =	sdelay $0x3  }
0x34: {  	[smem:$0x3FB6] =	sst s10  }
0x35: {  	s10 =	sld [smem:$0x3FB5];
	_ =	sdelay $0x3  }
0x36: {  	p1 =	seq.s32 s10, $0x1;
	s10 =	sld [smem:$0x3FB6];
	_ =	sdelay $0x3  }
0x37: {  	[smem:$0x3FB6] =	sst s10  }
0x38: {  	s10 =	sld [smem:$0x3FB7]  }
0x39: {  	_ = 	snop;
	(pc) =	sbr.ind lr, $3  }
0x3a: {  	_ = 	snop  }
0x3b: {  	_ = 	snop  }
0x3c: {  	p2 =	seq.s32 s10, $0x1;
	s10 =	sld [smem:$0x3FB6]  }
0x3d: {  	_ =	shalt  }
0x3e: {  	_ =	shalt  }
0x3f: {  	_ =	shalt  }
0x40: {  	_ =	shalt  }
0x41: {  	_ =	shalt  }
0x42: {  	_ =	shalt  }
0x43: {  	_ =	shalt  }
0x44: {  	_ =	shalt  }
0x45: {  	_ =	shalt  }
0x46: {  	_ =	shalt  }
0x47: {  	_ =	shalt  }
0x48: {  	_ =	shalt  }
0x49: {  	_ =	shalt  }
0x4a: {  	_ =	shalt  }
0x4b: {  	_ =	shalt  }
0x4c: {  	_ =	shalt  }
0x4d: {  	_ =	shalt  }
0x4e: {  	_ =	shalt  }
0x4f: {  	_ =	shalt  }
0x50: {  	_ =	shalt  }
0x51: {  	_ =	shalt  }
0x52: {  	_ =	shalt  }
0x53: {  	_ =	shalt  }
0x54: {  	_ =	shalt  }
0x55: {  	_ =	shalt  }
0x56: {  	_ =	shalt  }
0x57: {  	_ =	shalt  }
0x58: {  	_ =	shalt  }
0x59: {  	_ =	shalt  }
0x5a: {  	_ =	shalt  }
0x5b: {  	_ =	shalt  }
0x5c: {  	_ =	shalt  }
0x5d: {  	_ =	shalt  }
0x5e: {  	_ =	shalt  }
0x5f: {  	_ =	shalt  }
0x60: {  	_ =	shalt  }
0x61: {  	_ =	shalt  }
0x62: {  	_ =	shalt  }
0x63: {  	_ =	shalt  }
0x64: {  	_ =	shalt  }
0x65: {  	_ =	shalt  }
0x66: {  	_ =	shalt  }
0x67: {  	_ =	shalt  }
0x68: {  	_ =	shalt  }
0x69: {  	_ =	shalt  }
0x6a: {  	_ =	shalt  }
0x6b: {  	_ =	shalt  }
0x6c: {  	_ =	shalt  }
0x6d: {  	_ =	shalt  }
0x6e: {  	_ =	shalt  }
0x6f: {  	_ =	shalt  }
0x70: {  	_ =	shalt  }
0x71: {  	_ =	shalt  }
0x72: {  	_ =	shalt  }
0x73: {  	_ =	shalt  }
0x74: {  	_ =	shalt  }
0x75: {  	_ =	shalt  }
0x76: {  	_ =	shalt  }
0x77: {  	_ =	shalt  }
0x78: {  	_ =	shalt  }
0x79: {  	_ =	shalt  }
0x7a: {  	_ =	shalt  }
0x7b: {  	_ =	shalt  }
0x7c: {  	_ =	shalt  }
0x7d: {  	_ =	shalt  }
0x7e: {  	_ =	shalt  }
0x7f: {  	_ =	shalt  }
0x80: {  	_ =	shalt  }
0x81: {  	_ =	shalt  }
0x82: {  	_ =	shalt  }
0x83: {  	_ =	shalt  }
0x84: {  	_ =	shalt  }
0x85: {  	_ =	shalt  }
0x86: {  	_ =	shalt  }
0x87: {  	_ =	shalt  }
.Lfunc_end0:
.L_simem_size_0:
called_computation.1_lowered:
.L_overlay_start_0:
0x88: {  	s2 =	sld [smem:$0x3FD9]  }
0x89: {  	s3 =	sld [smem:$0x3FFE];
	_ =	sdelay $0x1  }
0x8a: {  	s1 =	srdreg.scid  }
0x8b: {  	s0 =	sand.u32 $0x1, s1  }
0x8c: {  	s17 =	sshll.u32 s0, $0xA;
	s2 =	sadd.s32 s3, s2  }
0x8d: {  	s2 =	sadd.s32 s2, s17  }
0x8e: {  	[smem:$0x3FC2] =	sst s2  }
0x8f: {  	_ = 	snop  }
0x90: {  	(tm) =	ssettm $0x1  }
0x91: {  	s18 =	sld [smem:$0x3FFB];
	_ =	sdelay $0x3  }
0x92: {  	_ =	strace s18  }
0x93: {  	s2 =	sld [smem:$0x3FFC];
	_ =	sdelay $0x3  }
0x94: {  	_ =	strace s2  }
0x95: {  	s2 =	sld [smem:$0x3FFD];
	_ =	sdelay $0x3  }
0x96: {  	_ =	strace s2  }
0x97: {  	_ =	strace $0x8FFFFFFF  }
0x98: {  	s19 =	sld [smem:$0x3FDB];
	_ =	sdelay $0x1  }
0x99: {  	s20 =	simm.s32 $_scs_section_size  }
0x9a: {  	s4 =	simm.s32 $_size__tile_overlayer_lowered;
	s5 =	simm.s32 $_tile_overlayer_lowered  }
0x9b: {  	s6 =	simm.s32 $0x1BFF;
	s21 =	sshll.u32 s5, $0x1;
	s3 =	sadd.s32 s20, s19  }
0x9c: {  	s22 =	simm.s32 $0x0;
	s4 =	sshll.u32 s4, $0x1;
	s5 =	sadd.s32 s21, s3  }
0x9d: {  	[timem:s22], [sflag:s6] =	dma.local [hbm:s5], s4  }
0x9e: {  	_ =	swait.ge [sflag:s6], s4  }
0x9f: {  	s4 =	ssub.s32 $0x0, s4;
	[sflag:s6] =	ssyncset.done $0x0  }
0xa0: {  	[sflag:s6] =	ssyncadd.s32 s4;
	_ =	sdelay $0x1  }
0xa1: {  	s23 =	simm.s32 $0x1B8B  }
0xa2: {  	_ =	swait.ge [sflag:s23], $0x1  }
0xa3: {  	[sflag:s23] =	ssyncset.done $0x0  }
0xa4: {  	[sflag:s23] =	ssyncadd.s32 $0xFFFFFFFF  }
0xa5: {  	s4 =	sld [smem:$0x0]  }
0xa6: {  	s5 =	sand.u32 $0xFFFFFFFE, s1  }
0xa7: {  	p0 =	sne.s32 s1, s5  }
0xa8: {  	s5 =	sshll.u32 @p0 s5, $0xE  }
0xa9: {  	s5 =	sadd.s32 @p0 $0x11B8D, s5;
	s6 =	sshll.u32 @p0 s4, $0x11  }
0xaa: {  	s5 =	sor.u32 @p0 s6, s5  }
0xab: {  	[sflag:s5] =	ssyncadd.remote.s32 @p0 $0x1;
	_ =	sdelay $0x1  }
0xac: {  	s5 =	simm.s32 @p0 $0x1B8D  }
0xad: {  	_ =	swait.eq @p0 [sflag:s5], $0x1  }
0xae: {  	[sflag:s5] =	ssyncadd.s32 @p0 $0xFFFFFFFF  }
0xaf: {  	s6 =	sshll.u32 @!p0 s1, $0xE  }
0xb0: {  	s6 =	sor.u32 @!p0 $0x4000, s6;
	s5 =	simm.s32 @!p0 $0x1B8D  }
0xb1: {  	s4 =	sshll.u32 @!p0 s4, $0x11;
	s6 =	sadd.s32 @!p0 $0x11B8D, s6;
	_ =	swait.eq @!p0 [sflag:s5], $0x1  }
0xb2: {  	s4 =	sor.u32 @!p0 s4, s6;
	[sflag:s5] =	ssyncadd.s32 @!p0 $0xFFFFFFFF  }
0xb3: {  	s25 =	simm.s32 $0x1B8E;
	s24 =	sld [smem:$0x3FFE];
	[sflag:s4] =	ssyncadd.remote.s32 @!p0 $0x1  }
0xb4: {  	s26 =	simm.s32 $execute0_lowered;
	[smem:$0x3FD2] =	sst s25  }
0xb5: {  	s5 =	sshll.u32 s26, $0x1;
	_ =	strace $0x80000049;
	[dreg:$0x1] =	wrdreg $0xFFFFFFFF  }
0xb6: {  	s28 =	simm.s32 $_size_execute0_lowered;
	s3 =	sadd.s32 s3, s5;
	[dreg:$0x0] =	wrdreg $0x0  }
0xb7: {  	s5 =	sshll.u32 s28, $0x1;
	[dreg:$0x2] =	wrdreg s3  }
0xb8: {  	[dreg:$0x3] =	wrdreg s5  }
0xb9: {  	[dreg:$0x4] =	wrdreg $0xC0  }
0xba: {  	_ =	task [dreg:s22], $0x5FFFF  }
0xbb: {  	[dreg:$0x1] =	wrdreg $0xFFFFFFFF  }
0xbc: {  	[dreg:$0x0] =	wrdreg $0x60  }
0xbd: {  	[dreg:$0x2] =	wrdreg s24  }
0xbe: {  	[dreg:$0x3] =	wrdreg $0xA  }
0xbf: {  	_ =	task.clear_ibuf [dreg:s22], $0x4FFFF;
	_ =	strace $0x90000049  }
0xc0: {  	s29 =	simm.s32 $0xA;
	_ =	strace $0x8000004B  }
0xc1: {  	_ =	swait.ge [sflag:s29], $0x1  }
0xc2: {  	[sflag:s29] =	ssyncadd.s32 $0xFFFFFFFF  }
0xc3: {  	_ =	strace $0x9000004B  }
0xc4: {  	_ =	sfence  }
0xc5: {  	s30 =	sld [smem:$0x0];
	_ =	sdelay $0x2  }
0xc6: {  	s31 =	sshll.u32 s1, $0xD;
	s1 =	sshrl.u32 s1, $0x2  }
0xc7: {  	s4 =	sand.u32 $0x4000, s31;
	s1 =	sadd.s32 s1, s30  }
0xc8: {  	s0 =	sor.u32 s4, s0;
	s1 =	sshll.u32 s1, $0x11  }
0xc9: {  	s0 =	sor.u32 s1, s0  }
0xca: {  	s0 =	sadd.s32 $0x8F2B, s0  }
0xcb: {  	[sflag:s0] =	ssyncadd.remote.s32 $0x1  }
0xcc: {  	_ =	sfence.sel $0xFFFF  }
0xcd: {  	[dreg:$0x0] =	wrdreg $0xFFFFFFFF;
	(pc) =	sbr.abs _section_cstart, $3  }
0xce: {  	[dreg:$0x1] =	wrdreg $0xFFFFFFFF  }
0xcf: {  	_ =	task.clear_ibuf [dreg:s22], $0x2FFFF;
	_ =	strace $0x9FFFFFFF  }
0xd0: {  	(tm) =	ssettm $0x7FFFFFFF  }
0xd1: {  	_ =	shalt  }
tec
execute0_lowered:
.L_overlay_start_1:
0x0: {  	(tag) =	ssettag $0x1  }
0x1: {  	s0 =	rddreg [dreg:$0x0];
	s1 =	srdreg.scid;
	s2 =	simm.s32 $0x0  }
0x2: {  	s9 =	stileid.u32;
	s13 =	simm.s32 $0x80;
	s14 =	simm.s32 $0x100  }
0x3: {  	s15 =	simm.s32 $0x180;
	s16 =	simm.s32 $0x1;
	s17 =	simm.s32 $0x38  }
0x4: {  	s18 =	simm.s32 $0x200;
	s19 =	simm.s32 $0x2;
	s20 =	simm.s32 $0x1E00  }
0x5: {  	s28 =	simm.s32 $0x7;
	s29 =	simm.s32 $0x8;
	s30 =	simm.s32 $0x9  }
0x6: {  	s31 =	simm.s32 $0xA;
	s1 =	sand.u32 $0x1, s1;
	[smem:$0x7FF] =	sst s2  }
0x7: {  	s4 =	sshll.u32 s9, $0x8;
	s3 =	sadd.s32 $0x12D3200, s0;
	s23 =	smul.u32 $0x38000, s9  }
0x8: {  	s11 =	sshll.u32 s9, $0xC;
	s5 =	sshll.u32 s1, $0x7;
	_ =	strace $0x8000004A  }
0x9: {  	s7 =	ssub.s32 $0x2, s1;
	s25 =	smul.u32 $0x1C000, s1;
	s1 =	sshll.u32 s1, $0xB  }
0xa: {  	s6 =	sor.u32 s5, s4;
	s4 =	sadd.s32 $0x10E00, s0;
	s8 =	sshrl.u32 s7, $0x1  }
0xb: {  	s0 =	sadd.s32 $0x12E3200, s0;
	s12 =	sor.u32 s1, s11;
	s5 =	sshll.u32 s6, $0x4  }
0xc: {  	s1 =	simm.s32 $0xC;
	s7 =	ssub.s32 s7, s8;
	s5 =	sadd.s32 s3, s5  }
0xd: {  	s6 =	smul.u32 $0x380, s6;
	s26 =	smax.u32 s7, $0x1;
	[dreg:$0x2] =	wrdreg s5  }
0xe: {  	s21 =	sadd.s32 $0x10, s5;
	s22 =	sadd.s32 $0x20, s5;
	[dreg:$0x7] =	wrdreg s26  }
0xf: {  	s6 =	sadd.s32 s6, s0;
	s5 =	sadd.s32 $0x30, s5;
	[dreg:$0x3] =	wrdreg s21  }
.Ltmp0:
0x10: {  	s0 =	sadd.s32 s23, s0;
	[dreg:$0x4] =	wrdreg s22;
	(pc) =	sbr.rel .LBB2_1-.Ltmp0, $4  }
0x11: {  	s23 =	simm.s32 $0x3A00;
	s26 =	simm.s32 $0x5600;
	[dreg:$0x5] =	wrdreg s5  }
0x12: {  	s24 =	sadd.s32 $0x1BC80, s6;
	s8 =	sadd.s32 s25, s0;
	s21 =	simm.s32 $0x5  }
0x13: {  	s22 =	simm.s32 $0x3;
	s25 =	simm.s32 $0x4;
	s0 =	simm.s32 $0xB  }
0x14: {  	s6 =	simm.s32 $0x0;
	[dreg:$0x6] =	wrdreg s24;
	s24 =	simm.s32 $0x6  }
.LBB2_4:
0x15: {  	_ =	swait.ge [sflag:s29], $0x1C00  }
0x16: {  	[sflag:s29] =	ssyncset.done $0x0  }
0x17: {  	s5 =	rddreg [dreg:$0x6];
	[sflag:s29] =	ssyncadd.s32 $0xFFFFE400  }
0x18: {  	[hbm4b:s5+s2] =	stream.linear.scatter [tilespmem:s26], [sflag:$0xC], $0x1C00, $0x38;
	[tilespmem:$0x7200] =	vst v63  }
0x19: {  	_ =	swait.ge [sflag:s30], $0x1C00  }
0x1a: {  	[sflag:s30] =	ssyncset.done $0x0  }
0x1b: {  	[sflag:s30] =	ssyncadd.s32 $0xFFFFE400  }
0x1c: {  	_ =	swait.ge [sflag:s31], $0x1C00  }
0x1d: {  	[sflag:s31] =	ssyncset.done $0x0  }
0x1e: {  	[sflag:s31] =	ssyncadd.s32 $0xFFFFE400  }
0x1f: {  	_ =	swait.ge [sflag:s0], $0x1C00  }
0x20: {  	[sflag:s0] =	ssyncset.done $0x0  }
0x21: {  	[sflag:s0] =	ssyncadd.s32 $0xFFFFE400  }
0x22: {  	_ =	swait.ge [sflag:s1], $0x1C00  }
0x23: {  	s6 =	sadd.s32 $0x1, s6;
	s11 =	rddreg [dreg:$0x7]  }
0x24: {  	p0 =	sne.s32 s6, s11  }
.Ltmp1:
0x25: {  	_ = 	snop;
	(pc) =	sbr.rel @!p0 .LBB2_5-.Ltmp1, $3  }
0x26: {  	_ =	sdelay $0x1  }
0x27: {  	[sflag:s1] =	ssyncset.done $0x0  }
0x28: {  	[sflag:s1] =	ssyncadd.s32 $0xFFFFE400  }
.LBB2_1:
0x29: {  	s5 =	rddreg [dreg:$0x2]  }
0x2a: {  	[tilespmem:s2], [sflag:$0x1] =	stream.linear.gather [hbm4b:s5+s2], $0x80, $0x38;
	[tilespmem:$0x7200] =	vst v63  }
0x2b: {  	s9 =	rddreg [dreg:$0x3]  }
0x2c: {  	[tilespmem:s13], [sflag:$0x2] =	stream.linear.gather [hbm4b:s9+s2], $0x80, $0x38;
	[tilespmem:$0x7200] =	vst v63  }
0x2d: {  	s10 =	rddreg [dreg:$0x4]  }
0x2e: {  	[tilespmem:s14], [sflag:$0x3] =	stream.linear.gather [hbm4b:s10+s2], $0x80, $0x38;
	[tilespmem:$0x7200] =	vst v63  }
0x2f: {  	s11 =	rddreg [dreg:$0x5]  }
0x30: {  	[tilespmem:s15], [sflag:$0x4] =	stream.linear.gather [hbm4b:s11+s2], $0x80, $0x38;
	[tilespmem:$0x7200] =	vst v63  }
0x31: {  	_ =	swait.ge [sflag:s16], $0x80  }
0x32: {  	[sflag:s16] =	ssyncset.done $0x0  }
0x33: {  	s7 =	simm.s32 $0x70;
	s11 =	smov.u32 s8;
	[sflag:s16] =	ssyncadd.s32 $0xFFFFFF80  }
0x34: {  	[tilespmem:s18], [sflag:$0x5] =	stream.indirect.gather [hbm4b:s4+s17], $0x80, s2, s17, $0xb8;
	[tilespmem:$0x7200] =	vst v63  }
.LBB2_2:
0x35: {  	_ =	swait.ge [sflag:s19], $0x80  }
0x36: {  	p0 =	seq.s32 s7, $0x70;
	[sflag:s19] =	ssyncset.done $0x0  }
0x37: {  	s9 =	simm.s32 @!p0 $0xA;
	[sflag:s19] =	ssyncadd.s32 $0xFFFFFF80  }
0x38: {  	_ =	swait.ge @!p0 [sflag:s9], $0x1C00  }
0x39: {  	[sflag:s9] =	ssyncset.done @!p0 $0x0  }
0x3a: {  	p1 =	seq.s32 s7, $0x830;
	[sflag:s9] =	ssyncadd.s32 @!p0 $0xFFFFE400  }
0x3b: {  	[tilespmem:s20], [sflag:$0x6] =	stream.indirect.gather [hbm4b:s4+s17], $0x80, s13, s17, $0xb8;
	[tilespmem:$0x7200] =	vst v63  }
0x3c: {  	s9 =	sadd.s32 @!p1 $0xFFFFFFD0, s7;
	_ =	swait.ge [sflag:s21], $0x1C00  }
0x3d: {  	s10 =	sadd.s32 @!p1 s12, s9;
	s9 =	sand.u32 @!p1 $0x40, s9;
	[sflag:s21] =	ssyncset.done $0x0  }
0x3e: {  	s10 =	sand.u32 @!p1 $0x1FF80, s10;
	s9 =	sadd.s32 @!p1 s3, s9;
	[sflag:s21] =	ssyncadd.s32 $0xFFFFE400  }
0x3f: {  	[hbm4b:s11+s2] =	stream.linear.scatter [tilespmem:s18], [sflag:$0x9], $0x1C00, $0x38;
	[tilespmem:$0x7200] =	vst v63  }
0x40: {  	s9 =	sadd.s32 @!p1 s10, s9;
	s10 =	simm.s32 @!p1 $0x0  }
0x41: {  	[tilespmem:s10], [sflag:$0x1] =	stream.linear.gather @!p1 [hbm4b:s9+s10], $0x80, $0x38;
	[tilespmem:$0x7200] =	vst v63  }
0x42: {  	_ =	swait.ge [sflag:s22], $0x80  }
0x43: {  	[sflag:s22] =	ssyncset.done $0x0  }
0x44: {  	s9 =	simm.s32 @!p0 $0xB;
	[sflag:s22] =	ssyncadd.s32 $0xFFFFFF80  }
0x45: {  	_ =	swait.ge @!p0 [sflag:s9], $0x1C00  }
0x46: {  	[sflag:s9] =	ssyncset.done @!p0 $0x0  }
0x47: {  	[sflag:s9] =	ssyncadd.s32 @!p0 $0xFFFFE400  }
0x48: {  	[tilespmem:s23], [sflag:$0x7] =	stream.indirect.gather [hbm4b:s4+s17], $0x80, s14, s17, $0xb8;
	[tilespmem:$0x7200] =	vst v63  }
0x49: {  	_ =	swait.ge [sflag:s24], $0x1C00  }
0x4a: {  	[sflag:s24] =	ssyncset.done $0x0  }
0x4b: {  	s5 =	sadd.s32 $0x380, s11;
	s9 =	sadd.s32 @!p1 $0xFFFFFFE0, s7;
	[sflag:s24] =	ssyncadd.s32 $0xFFFFE400  }
0x4c: {  	[hbm4b:s5+s2] =	stream.linear.scatter [tilespmem:s20], [sflag:$0xA], $0x1C00, $0x38;
	[tilespmem:$0x7200] =	vst v63  }
0x4d: {  	s5 =	sadd.s32 @!p1 s12, s9;
	s9 =	sand.u32 @!p1 $0x50, s9  }
0x4e: {  	s5 =	sand.u32 @!p1 $0x1FF80, s5;
	s9 =	sadd.s32 @!p1 s3, s9  }
0x4f: {  	s5 =	sadd.s32 @!p1 s5, s9;
	s9 =	simm.s32 @!p1 $0x80  }
0x50: {  	[tilespmem:s9], [sflag:$0x2] =	stream.linear.gather @!p1 [hbm4b:s5+s10], $0x80, $0x38;
	[tilespmem:$0x7200] =	vst v63  }
0x51: {  	_ =	swait.ge [sflag:s25], $0x80  }
0x52: {  	[sflag:s25] =	ssyncset.done $0x0  }
0x53: {  	s5 =	simm.s32 @!p0 $0xC;
	[sflag:s25] =	ssyncadd.s32 $0xFFFFFF80  }
0x54: {  	_ =	swait.ge @!p0 [sflag:s5], $0x1C00  }
0x55: {  	[sflag:s5] =	ssyncset.done @!p0 $0x0  }
0x56: {  	[sflag:s5] =	ssyncadd.s32 @!p0 $0xFFFFE400  }
0x57: {  	[tilespmem:s26], [sflag:$0x8] =	stream.indirect.gather [hbm4b:s4+s17], $0x80, s15, s17, $0xb8;
	[tilespmem:$0x7200] =	vst v63  }
.Ltmp2:
0x58: {  	_ = 	snop;
	(pc) =	sbr.rel @p1 .LBB2_4-.Ltmp2, $4  }
0x59: {  	_ =	swait.ge [sflag:s28], $0x1C00  }
0x5a: {  	[sflag:s28] =	ssyncset.done $0x0  }
0x5b: {  	s10 =	sadd.s32 $0x700, s11;
	[sflag:s28] =	ssyncadd.s32 $0xFFFFE400  }
0x5c: {  	[hbm4b:s10+s2] =	stream.linear.scatter [tilespmem:s23], [sflag:$0xB], $0x1C00, $0x38;
	[tilespmem:$0x7200] =	vst v63  }
0x5d: {  	s5 =	sadd.s32 s7, s12;
	s9 =	sadd.s32 $0xFFFFFFF0, s7  }
0x5e: {  	s10 =	sadd.s32 $0xFFFFFFF0, s5;
	s9 =	sand.u32 $0x60, s9  }
0x5f: {  	s10 =	sand.u32 $0x1FF80, s10;
	s9 =	sadd.s32 s3, s9  }
0x60: {  	s9 =	sadd.s32 s10, s9  }
0x61: {  	[tilespmem:s14], [sflag:$0x3] =	stream.linear.gather [hbm4b:s9+s2], $0x80, $0x38;
	[tilespmem:$0x7200] =	vst v63  }
0x62: {  	_ =	swait.ge [sflag:s16], $0x80  }
0x63: {  	[sflag:s16] =	ssyncset.done $0x0  }
0x64: {  	[sflag:s16] =	ssyncadd.s32 $0xFFFFFF80  }
0x65: {  	_ =	swait.ge [sflag:s30], $0x1C00  }
0x66: {  	[sflag:s30] =	ssyncset.done $0x0  }
0x67: {  	[sflag:s30] =	ssyncadd.s32 $0xFFFFE400  }
0x68: {  	[tilespmem:s18], [sflag:$0x5] =	stream.indirect.gather [hbm4b:s4+s17], $0x80, s2, s17, $0xb8;
	[tilespmem:$0x7200] =	vst v63  }
0x69: {  	_ =	swait.ge [sflag:s29], $0x1C00  }
0x6a: {  	[sflag:s29] =	ssyncset.done $0x0  }
0x6b: {  	s10 =	sadd.s32 $0xA80, s11;
	[sflag:s29] =	ssyncadd.s32 $0xFFFFE400  }
0x6c: {  	[hbm4b:s10+s2] =	stream.linear.scatter [tilespmem:s26], [sflag:$0xC], $0x1C00, $0x38;
	[tilespmem:$0x7200] =	vst v63  }
.Ltmp3:
0x6d: {  	_ = 	snop;
	(pc) =	sbr.rel .LBB2_2-.Ltmp3, $4  }
0x6e: {  	s10 =	sand.u32 $0x70, s7  }
0x6f: {  	s5 =	sand.u32 $0x1FF80, s5;
	s9 =	sadd.s32 s3, s10  }
0x70: {  	s11 =	sadd.s32 $0xE00, s11;
	s7 =	sadd.s32 $0x40, s7;
	s5 =	sadd.s32 s5, s9  }
0x71: {  	[tilespmem:s15], [sflag:$0x4] =	stream.linear.gather [hbm4b:s5+s2], $0x80, $0x38;
	[tilespmem:$0x7200] =	vst v63  }
.LBB2_5:
0x72: {  	_ =	sfence.sel $0x180000  }
0x73: {  	[bflag:$0x0] =	sbarrier.arrive $0xFFFF  }
0x74: {  	_ =	strace $0x9000004A  }
0x75: {  	s0 =	stileid.u32;
	[bflag:$0x2] =	sbarrier.arrive $0xFFFF  }
0x76: {  	p0 =	sne.s32 s0, $0x0;
	s0 =	rddreg [dreg:$0x1]  }
0x77: {  	s0 =	sadd.s32 @!p0 $0x100000, s0  }
0x78: {  	[sflag:s0] =	ssyncadd.tile.s32 @!p0 $0x1;
	_ =	shalt  }
.Lfunc_end2:
_tile_overlayer_lowered:
.L_overlay_start_2:
0x79: {  	(tag) =	ssettag $0x2  }
0x7a: {  	s0 =	rddreg [dreg:$0x0];
	s2 =	stileid.u32  }
0x7b: {  	s1 =	rddreg [dreg:$0x1];
	p0 =	sne.s32 s2, $0x0  }
0x7c: {  	s3 =	rddreg [dreg:$0x2];
	[bflag:$0x3] =	sbarrier.arrive $0xFFFF;
	s2 =	simm.s32 @!p0 $0x1C0D  }
0x7d: {  	[timem:s3], [sflag:s2] =	dma.local @!p0 [hbm:s0], s1  }
0x7e: {  	s0 =	simm.s32 @!p0 $0xD  }
0x7f: {  	_ =	swait.ge @!p0 [sflag:s0], s1  }
0x80: {  	s1 =	ssub.s32 @!p0 $0x0, s1;
	[sflag:s0] =	ssyncset.done @!p0 $0x0  }
0x81: {  	[sflag:s0] =	ssyncadd.s32 @!p0 s1  }
0x82: {  	[bflag:$0x3] =	sbarrier.arrive $0xFFFF  }
0x83: {  	_ =	shalt  }

// kernel: kernel.17.cloned.1.call-start
scs
__scs_entry_jumppad:
0x0: {  	(pc) =	sbr.rel $0x88, $3  }
0x1: {  	(tag) =	ssettag $0x0;
	lr =	simm.s32 $0x1  }
0x2: {  	[smem:$0x3F9B] =	sst lr;
	_ =	strace $0xD0000000  }
0x3: {  	_ = 	snop  }
0x4: {  	_ = 	snop  }
0x5: {  	_ = 	snop  }
0x6: {  	_ = 	snop  }
0x7: {  	_ = 	snop  }
__scs_overlays_trampoline_lowered:
0x8: {  	[smem:$0x3FAA] =	sst s0  }
0x9: {  	[smem:$0x3FAB] =	sst s1  }
0xa: {  	[smem:$0x3FAC] =	sst s2  }
0xb: {  	[smem:$0x3FAD] =	sst s3  }
0xc: {  	[smem:$0x3FAE] =	sst s4  }
0xd: {  	[smem:$0x3FAF] =	sst s5  }
0xe: {  	[smem:$0x3FB0] =	sst s6  }
0xf: {  	[smem:$0x3FB1] =	sst s7  }
0x10: {  	[smem:$0x3FB2] =	sst s8  }
0x11: {  	[smem:$0x3FB3] =	sst s9;
	s0 =	simm.s32 @!p0 $0x0  }
0x12: {  	s1 =	sld [smem:$0x3F99];
	s0 =	simm.s32 @p0 $0x1  }
0x13: {  	[smem:$0x3FB4] =	sst s0;
	s0 =	simm.s32 @!p1 $0x0  }
0x14: {  	s2 =	sld [smem:$0x3F98];
	s0 =	simm.s32 @p1 $0x1  }
0x15: {  	[smem:$0x3FB5] =	sst s0;
	s0 =	simm.s32 @!p2 $0x0  }
0x16: {  	s3 =	sld [smem:$0x3FDB];
	s0 =	simm.s32 @p2 $0x1  }
0x17: {  	s4 =	simm.s32 $0x1BF5;
	[smem:$0x3FB7] =	sst s0  }
0x18: {  	s0 =	sld [smem:$0x3F9A];
	_ =	swait.ge [sflag:s4], $0x0  }
0x19: {  	s7 =	sld [smem:$0x3F9B]  }
0x1a: {  	s8 =	sadd.s32 $0xFFFFE003, lr  }
0x1b: {  	s9 =	sadd.s32 $0xFFFFFEF7, lr;
	s5 =	simm.s32 $0xFFFFFFFF;
	p2 =	slt.u32 s8, $0xFFFFF086  }
0x1c: {  	p1 =	slt.u32 s9, $0xF7A;
	s5 =	simm.s32 @!p2 $0x0  }
0x1d: {  	s5 =	simm.s32 @p1 $0x1;
	p0 =	seq.s32 s7, s2  }
0x1e: {  	s7 =	smul.u32 @!p0 $0xF7A, s2;
	p2 =	seq.s32 @!p0 s5, $0x0  }
0x1f: {  	s9 =	smul.u32 $0xF7A, s1;
	s8 =	simm.s32 @!p0 $0x1BF5;
	p2 =	por !p2, p0  }
0x20: {  	[sflag:s8] =	ssyncset.s32 @!p0 $0xFFFFF086;
	s6 =	sadd.s32 @!p0 s3, s7;
	s7 =	simm.s32 @!p0 $0x108  }
0x21: {  	s3 =	sadd.s32 s3, s9;
	s6 =	sadd.s32 @!p0 $0x88, s6;
	s7 =	simm.s32 @p2 $0x1082  }
0x22: {  	[simem:s7], [sflag:s8] =	dma.local @!p0 [hbm:s6], $0xF7A  }
0x23: {  	s9 =	sor.u32 $0xD0000000, s2;
	s6 =	simm.s32 $0x108;
	_ =	swait.ge @!p0 [sflag:s8], $0x0  }
0x24: {  	s3 =	sadd.s32 $0x88, s3;
	s6 =	simm.s32 @!p1 $0x1082;
	[sflag:s4] =	ssyncset.s32 $0xFFFFF086  }
0x25: {  	[simem:s6], [sflag:s4] =	dma.local [hbm:s3], $0xF7A  }
0x26: {  	[smem:$0x3F9B] =	sst s1;
	(tag) =	ssettag s2;
	_ =	strace s9  }
0x27: {  	s1 =	sld [smem:$0x3FAB]  }
0x28: {  	s2 =	sld [smem:$0x3FAC]  }
0x29: {  	s4 =	sld [smem:$0x3FAE]  }
0x2a: {  	p0 =	seq.s32 s5, $0x0;
	s5 =	sld [smem:$0x3FAF]  }
0x2b: {  	s6 =	sld [smem:$0x3FB0]  }
0x2c: {  	s7 =	sld [smem:$0x3FB1]  }
0x2d: {  	s3 =	simm.s32 $0x108;
	s8 =	sld [smem:$0x3FB2]  }
0x2e: {  	s3 =	simm.s32 @!p0 $0x1082;
	s9 =	sld [smem:$0x3FB3]  }
0x2f: {  	lr =	sadd.s32 s0, s3;
	s0 =	sld [smem:$0x3FAA]  }
0x30: {  	s3 =	sld [smem:$0x3FAD]  }
0x31: {  	[smem:$0x3FB6] =	sst s10  }
0x32: {  	s10 =	sld [smem:$0x3FB4];
	_ =	sdelay $0x3  }
0x33: {  	p0 =	seq.s32 s10, $0x1;
	s10 =	sld [smem:$0x3FB6];
	_ =	sdelay $0x3  }
0x34: {  	[smem:$0x3FB6] =	sst s10  }
0x35: {  	s10 =	sld [smem:$0x3FB5];
	_ =	sdelay $0x3  }
0x36: {  	p1 =	seq.s32 s10, $0x1;
	s10 =	sld [smem:$0x3FB6];
	_ =	sdelay $0x3  }
0x37: {  	[smem:$0x3FB6] =	sst s10  }
0x38: {  	s10 =	sld [smem:$0x3FB7]  }
0x39: {  	_ = 	snop;
	(pc) =	sbr.ind lr, $3  }
0x3a: {  	_ = 	snop  }
0x3b: {  	_ = 	snop  }
0x3c: {  	p2 =	seq.s32 s10, $0x1;
	s10 =	sld [smem:$0x3FB6]  }
0x3d: {  	_ =	shalt  }
0x3e: {  	_ =	shalt  }
0x3f: {  	_ =	shalt  }
0x40: {  	_ =	shalt  }
0x41: {  	_ =	shalt  }
0x42: {  	_ =	shalt  }
0x43: {  	_ =	shalt  }
0x44: {  	_ =	shalt  }
0x45: {  	_ =	shalt  }
0x46: {  	_ =	shalt  }
0x47: {  	_ =	shalt  }
0x48: {  	_ =	shalt  }
0x49: {  	_ =	shalt  }
0x4a: {  	_ =	shalt  }
0x4b: {  	_ =	shalt  }
0x4c: {  	_ =	shalt  }
0x4d: {  	_ =	shalt  }
0x4e: {  	_ =	shalt  }
0x4f: {  	_ =	shalt  }
0x50: {  	_ =	shalt  }
0x51: {  	_ =	shalt  }
0x52: {  	_ =	shalt  }
0x53: {  	_ =	shalt  }
0x54: {  	_ =	shalt  }
0x55: {  	_ =	shalt  }
0x56: {  	_ =	shalt  }
0x57: {  	_ =	shalt  }
0x58: {  	_ =	shalt  }
0x59: {  	_ =	shalt  }
0x5a: {  	_ =	shalt  }
0x5b: {  	_ =	shalt  }
0x5c: {  	_ =	shalt  }
0x5d: {  	_ =	shalt  }
0x5e: {  	_ =	shalt  }
0x5f: {  	_ =	shalt  }
0x60: {  	_ =	shalt  }
0x61: {  	_ =	shalt  }
0x62: {  	_ =	shalt  }
0x63: {  	_ =	shalt  }
0x64: {  	_ =	shalt  }
0x65: {  	_ =	shalt  }
0x66: {  	_ =	shalt  }
0x67: {  	_ =	shalt  }
0x68: {  	_ =	shalt  }
0x69: {  	_ =	shalt  }
0x6a: {  	_ =	shalt  }
0x6b: {  	_ =	shalt  }
0x6c: {  	_ =	shalt  }
0x6d: {  	_ =	shalt  }
0x6e: {  	_ =	shalt  }
0x6f: {  	_ =	shalt  }
0x70: {  	_ =	shalt  }
0x71: {  	_ =	shalt  }
0x72: {  	_ =	shalt  }
0x73: {  	_ =	shalt  }
0x74: {  	_ =	shalt  }
0x75: {  	_ =	shalt  }
0x76: {  	_ =	shalt  }
0x77: {  	_ =	shalt  }
0x78: {  	_ =	shalt  }
0x79: {  	_ =	shalt  }
0x7a: {  	_ =	shalt  }
0x7b: {  	_ =	shalt  }
0x7c: {  	_ =	shalt  }
0x7d: {  	_ =	shalt  }
0x7e: {  	_ =	shalt  }
0x7f: {  	_ =	shalt  }
0x80: {  	_ =	shalt  }
0x81: {  	_ =	shalt  }
0x82: {  	_ =	shalt  }
0x83: {  	_ =	shalt  }
0x84: {  	_ =	shalt  }
0x85: {  	_ =	shalt  }
0x86: {  	_ =	shalt  }
0x87: {  	_ =	shalt  }
.Lfunc_end0:
.L_simem_size_0:
called_computation.2_lowered:
.L_overlay_start_0:
0x88: {  	s2 =	sld [smem:$0x3FD9]  }
0x89: {  	s3 =	sld [smem:$0x3FFE];
	_ =	sdelay $0x1  }
0x8a: {  	s1 =	srdreg.scid  }
0x8b: {  	s0 =	sand.u32 $0x1, s1  }
0x8c: {  	s17 =	sshll.u32 s0, $0xA;
	s2 =	sadd.s32 s3, s2  }
0x8d: {  	s2 =	sadd.s32 s2, s17  }
0x8e: {  	[smem:$0x3FC2] =	sst s2  }
0x8f: {  	_ = 	snop  }
0x90: {  	(tm) =	ssettm $0x1  }
0x91: {  	s18 =	sld [smem:$0x3FFB];
	_ =	sdelay $0x3  }
0x92: {  	_ =	strace s18  }
0x93: {  	s2 =	sld [smem:$0x3FFC];
	_ =	sdelay $0x3  }
0x94: {  	_ =	strace s2  }
0x95: {  	s2 =	sld [smem:$0x3FFD];
	_ =	sdelay $0x3  }
0x96: {  	_ =	strace s2  }
0x97: {  	_ =	strace $0x8FFFFFFF  }
0x98: {  	s19 =	sld [smem:$0x3FDB];
	_ =	sdelay $0x1  }
0x99: {  	s20 =	simm.s32 $_scs_section_size  }
0x9a: {  	s4 =	simm.s32 $_size__tile_overlayer_lowered;
	s5 =	simm.s32 $_tile_overlayer_lowered  }
0x9b: {  	s6 =	simm.s32 $0x1BFF;
	s21 =	sshll.u32 s5, $0x1;
	s3 =	sadd.s32 s20, s19  }
0x9c: {  	s22 =	simm.s32 $0x0;
	s4 =	sshll.u32 s4, $0x1;
	s5 =	sadd.s32 s21, s3  }
0x9d: {  	[timem:s22], [sflag:s6] =	dma.local [hbm:s5], s4  }
0x9e: {  	_ =	swait.ge [sflag:s6], s4  }
0x9f: {  	s4 =	ssub.s32 $0x0, s4;
	[sflag:s6] =	ssyncset.done $0x0  }
0xa0: {  	[sflag:s6] =	ssyncadd.s32 s4;
	_ =	sdelay $0x1  }
0xa1: {  	s23 =	simm.s32 $0x1B8B  }
0xa2: {  	_ =	swait.ge [sflag:s23], $0x1  }
0xa3: {  	[sflag:s23] =	ssyncset.done $0x0  }
0xa4: {  	[sflag:s23] =	ssyncadd.s32 $0xFFFFFFFF  }
0xa5: {  	s4 =	sld [smem:$0x0]  }
0xa6: {  	s5 =	sand.u32 $0xFFFFFFFE, s1  }
0xa7: {  	p0 =	sne.s32 s1, s5  }
0xa8: {  	s5 =	sshll.u32 @p0 s5, $0xE  }
0xa9: {  	s5 =	sadd.s32 @p0 $0x11B8D, s5;
	s6 =	sshll.u32 @p0 s4, $0x11  }
0xaa: {  	s5 =	sor.u32 @p0 s6, s5  }
0xab: {  	[sflag:s5] =	ssyncadd.remote.s32 @p0 $0x1;
	_ =	sdelay $0x1  }
0xac: {  	s5 =	simm.s32 @p0 $0x1B8D  }
0xad: {  	_ =	swait.eq @p0 [sflag:s5], $0x1  }
0xae: {  	[sflag:s5] =	ssyncadd.s32 @p0 $0xFFFFFFFF  }
0xaf: {  	s6 =	sshll.u32 @!p0 s1, $0xE  }
0xb0: {  	s6 =	sor.u32 @!p0 $0x4000, s6;
	s5 =	simm.s32 @!p0 $0x1B8D  }
0xb1: {  	s4 =	sshll.u32 @!p0 s4, $0x11;
	s6 =	sadd.s32 @!p0 $0x11B8D, s6;
	_ =	swait.eq @!p0 [sflag:s5], $0x1  }
0xb2: {  	s4 =	sor.u32 @!p0 s4, s6;
	[sflag:s5] =	ssyncadd.s32 @!p0 $0xFFFFFFFF  }
0xb3: {  	s25 =	simm.s32 $0x1B8E;
	s24 =	sld [smem:$0x3FFE];
	[sflag:s4] =	ssyncadd.remote.s32 @!p0 $0x1  }
0xb4: {  	s26 =	simm.s32 $execute0_lowered;
	[smem:$0x3FD2] =	sst s25  }
0xb5: {  	s5 =	sshll.u32 s26, $0x1;
	_ =	strace $0x8000004C;
	[dreg:$0x1] =	wrdreg $0xFFFFFFFF  }
0xb6: {  	s28 =	simm.s32 $_size_execute0_lowered;
	s3 =	sadd.s32 s3, s5;
	[dreg:$0x0] =	wrdreg $0x0  }
0xb7: {  	s5 =	sshll.u32 s28, $0x1;
	[dreg:$0x2] =	wrdreg s3  }
0xb8: {  	[dreg:$0x3] =	wrdreg s5  }
0xb9: {  	[dreg:$0x4] =	wrdreg $0xC0  }
0xba: {  	_ =	task [dreg:s22], $0x5FFFF  }
0xbb: {  	[dreg:$0x1] =	wrdreg $0xFFFFFFFF  }
0xbc: {  	[dreg:$0x0] =	wrdreg $0x60  }
0xbd: {  	[dreg:$0x2] =	wrdreg s24  }
0xbe: {  	[dreg:$0x3] =	wrdreg $0xB  }
0xbf: {  	_ =	task.clear_ibuf [dreg:s22], $0x4FFFF;
	_ =	strace $0x9000004C  }
0xc0: {  	s29 =	simm.s32 $0xB;
	_ =	strace $0x8000004E  }
0xc1: {  	_ =	swait.ge [sflag:s29], $0x1  }
0xc2: {  	[sflag:s29] =	ssyncadd.s32 $0xFFFFFFFF  }
0xc3: {  	_ =	strace $0x9000004E  }
0xc4: {  	_ =	sfence  }
0xc5: {  	s30 =	sld [smem:$0x0];
	_ =	sdelay $0x2  }
0xc6: {  	s31 =	sshll.u32 s1, $0xD;
	s1 =	sshrl.u32 s1, $0x2  }
0xc7: {  	s4 =	sand.u32 $0x4000, s31;
	s1 =	sadd.s32 s1, s30  }
0xc8: {  	s0 =	sor.u32 s4, s0;
	s1 =	sshll.u32 s1, $0x11  }
0xc9: {  	s0 =	sor.u32 s1, s0  }
0xca: {  	s0 =	sadd.s32 $0x8F2B, s0  }
0xcb: {  	[sflag:s0] =	ssyncadd.remote.s32 $0x1  }
0xcc: {  	_ =	sfence.sel $0xFFFF  }
0xcd: {  	[dreg:$0x0] =	wrdreg $0xFFFFFFFF;
	(pc) =	sbr.abs _section_cstart, $3  }
0xce: {  	[dreg:$0x1] =	wrdreg $0xFFFFFFFF  }
0xcf: {  	_ =	task.clear_ibuf [dreg:s22], $0x2FFFF;
	_ =	strace $0x9FFFFFFF  }
0xd0: {  	(tm) =	ssettm $0x7FFFFFFF  }
0xd1: {  	_ =	shalt  }
tec
execute0_lowered:
.L_overlay_start_1:
0x0: {  	(tag) =	ssettag $0x1  }
0x1: {  	s0 =	rddreg [dreg:$0x0];
	s1 =	srdreg.scid;
	s2 =	simm.s32 $0x0  }
0x2: {  	s9 =	stileid.u32;
	s13 =	simm.s32 $0x80;
	s14 =	simm.s32 $0x100  }
0x3: {  	s15 =	simm.s32 $0x180;
	s16 =	simm.s32 $0x1;
	s17 =	simm.s32 $0x38  }
0x4: {  	s18 =	simm.s32 $0x200;
	s19 =	simm.s32 $0x2;
	s20 =	simm.s32 $0x1E00  }
0x5: {  	s28 =	simm.s32 $0x7;
	s29 =	simm.s32 $0x8;
	s30 =	simm.s32 $0x9  }
0x6: {  	s31 =	simm.s32 $0xA;
	s1 =	sand.u32 $0x1, s1;
	[smem:$0x7FF] =	sst s2  }
0x7: {  	s4 =	sshll.u32 s9, $0x8;
	s3 =	sadd.s32 $0x1663200, s0;
	s23 =	smul.u32 $0x38000, s9  }
0x8: {  	s11 =	sshll.u32 s9, $0xC;
	s5 =	sshll.u32 s1, $0x7;
	_ =	strace $0x8000004D  }
0x9: {  	s7 =	ssub.s32 $0x2, s1;
	s25 =	smul.u32 $0x1C000, s1;
	s1 =	sshll.u32 s1, $0xB  }
0xa: {  	s6 =	sor.u32 s5, s4;
	s4 =	sadd.s32 $0x10E00, s0;
	s8 =	sshrl.u32 s7, $0x1  }
0xb: {  	s0 =	sadd.s32 $0x1673200, s0;
	s12 =	sor.u32 s1, s11;
	s5 =	sshll.u32 s6, $0x4  }
0xc: {  	s1 =	simm.s32 $0xC;
	s7 =	ssub.s32 s7, s8;
	s5 =	sadd.s32 s3, s5  }
0xd: {  	s6 =	smul.u32 $0x380, s6;
	s26 =	smax.u32 s7, $0x1;
	[dreg:$0x2] =	wrdreg s5  }
0xe: {  	s21 =	sadd.s32 $0x10, s5;
	s22 =	sadd.s32 $0x20, s5;
	[dreg:$0x7] =	wrdreg s26  }
0xf: {  	s6 =	sadd.s32 s6, s0;
	s5 =	sadd.s32 $0x30, s5;
	[dreg:$0x3] =	wrdreg s21  }
.Ltmp0:
0x10: {  	s0 =	sadd.s32 s23, s0;
	[dreg:$0x4] =	wrdreg s22;
	(pc) =	sbr.rel .LBB2_1-.Ltmp0, $4  }
0x11: {  	s23 =	simm.s32 $0x3A00;
	s26 =	simm.s32 $0x5600;
	[dreg:$0x5] =	wrdreg s5  }
0x12: {  	s24 =	sadd.s32 $0x1BC80, s6;
	s8 =	sadd.s32 s25, s0;
	s21 =	simm.s32 $0x5  }
0x13: {  	s22 =	simm.s32 $0x3;
	s25 =	simm.s32 $0x4;
	s0 =	simm.s32 $0xB  }
0x14: {  	s6 =	simm.s32 $0x0;
	[dreg:$0x6] =	wrdreg s24;
	s24 =	simm.s32 $0x6  }
.LBB2_4:
0x15: {  	_ =	swait.ge [sflag:s29], $0x1C00  }
0x16: {  	[sflag:s29] =	ssyncset.done $0x0  }
0x17: {  	s5 =	rddreg [dreg:$0x6];
	[sflag:s29] =	ssyncadd.s32 $0xFFFFE400  }
0x18: {  	[hbm4b:s5+s2] =	stream.linear.scatter [tilespmem:s26], [sflag:$0xC], $0x1C00, $0x38;
	[tilespmem:$0x7200] =	vst v63  }
0x19: {  	_ =	swait.ge [sflag:s30], $0x1C00  }
0x1a: {  	[sflag:s30] =	ssyncset.done $0x0  }
0x1b: {  	[sflag:s30] =	ssyncadd.s32 $0xFFFFE400  }
0x1c: {  	_ =	swait.ge [sflag:s31], $0x1C00  }
0x1d: {  	[sflag:s31] =	ssyncset.done $0x0  }
0x1e: {  	[sflag:s31] =	ssyncadd.s32 $0xFFFFE400  }
0x1f: {  	_ =	swait.ge [sflag:s0], $0x1C00  }
0x20: {  	[sflag:s0] =	ssyncset.done $0x0  }
0x21: {  	[sflag:s0] =	ssyncadd.s32 $0xFFFFE400  }
0x22: {  	_ =	swait.ge [sflag:s1], $0x1C00  }
0x23: {  	s6 =	sadd.s32 $0x1, s6;
	s11 =	rddreg [dreg:$0x7]  }
0x24: {  	p0 =	sne.s32 s6, s11  }
.Ltmp1:
0x25: {  	_ = 	snop;
	(pc) =	sbr.rel @!p0 .LBB2_5-.Ltmp1, $3  }
0x26: {  	_ =	sdelay $0x1  }
0x27: {  	[sflag:s1] =	ssyncset.done $0x0  }
0x28: {  	[sflag:s1] =	ssyncadd.s32 $0xFFFFE400  }
.LBB2_1:
0x29: {  	s5 =	rddreg [dreg:$0x2]  }
0x2a: {  	[tilespmem:s2], [sflag:$0x1] =	stream.linear.gather [hbm4b:s5+s2], $0x80, $0x38;
	[tilespmem:$0x7200] =	vst v63  }
0x2b: {  	s9 =	rddreg [dreg:$0x3]  }
0x2c: {  	[tilespmem:s13], [sflag:$0x2] =	stream.linear.gather [hbm4b:s9+s2], $0x80, $0x38;
	[tilespmem:$0x7200] =	vst v63  }
0x2d: {  	s10 =	rddreg [dreg:$0x4]  }
0x2e: {  	[tilespmem:s14], [sflag:$0x3] =	stream.linear.gather [hbm4b:s10+s2], $0x80, $0x38;
	[tilespmem:$0x7200] =	vst v63  }
0x2f: {  	s11 =	rddreg [dreg:$0x5]  }
0x30: {  	[tilespmem:s15], [sflag:$0x4] =	stream.linear.gather [hbm4b:s11+s2], $0x80, $0x38;
	[tilespmem:$0x7200] =	vst v63  }
0x31: {  	_ =	swait.ge [sflag:s16], $0x80  }
0x32: {  	[sflag:s16] =	ssyncset.done $0x0  }
0x33: {  	s7 =	simm.s32 $0x70;
	s11 =	smov.u32 s8;
	[sflag:s16] =	ssyncadd.s32 $0xFFFFFF80  }
0x34: {  	[tilespmem:s18], [sflag:$0x5] =	stream.indirect.gather [hbm4b:s4+s17], $0x80, s2, s17, $0xb8;
	[tilespmem:$0x7200] =	vst v63  }
.LBB2_2:
0x35: {  	_ =	swait.ge [sflag:s19], $0x80  }
0x36: {  	p0 =	seq.s32 s7, $0x70;
	[sflag:s19] =	ssyncset.done $0x0  }
0x37: {  	s9 =	simm.s32 @!p0 $0xA;
	[sflag:s19] =	ssyncadd.s32 $0xFFFFFF80  }
0x38: {  	_ =	swait.ge @!p0 [sflag:s9], $0x1C00  }
0x39: {  	[sflag:s9] =	ssyncset.done @!p0 $0x0  }
0x3a: {  	p1 =	seq.s32 s7, $0x830;
	[sflag:s9] =	ssyncadd.s32 @!p0 $0xFFFFE400  }
0x3b: {  	[tilespmem:s20], [sflag:$0x6] =	stream.indirect.gather [hbm4b:s4+s17], $0x80, s13, s17, $0xb8;
	[tilespmem:$0x7200] =	vst v63  }
0x3c: {  	s9 =	sadd.s32 @!p1 $0xFFFFFFD0, s7;
	_ =	swait.ge [sflag:s21], $0x1C00  }
0x3d: {  	s10 =	sadd.s32 @!p1 s12, s9;
	s9 =	sand.u32 @!p1 $0x40, s9;
	[sflag:s21] =	ssyncset.done $0x0  }
0x3e: {  	s10 =	sand.u32 @!p1 $0x1FF80, s10;
	s9 =	sadd.s32 @!p1 s3, s9;
	[sflag:s21] =	ssyncadd.s32 $0xFFFFE400  }
0x3f: {  	[hbm4b:s11+s2] =	stream.linear.scatter [tilespmem:s18], [sflag:$0x9], $0x1C00, $0x38;
	[tilespmem:$0x7200] =	vst v63  }
0x40: {  	s9 =	sadd.s32 @!p1 s10, s9;
	s10 =	simm.s32 @!p1 $0x0  }
0x41: {  	[tilespmem:s10], [sflag:$0x1] =	stream.linear.gather @!p1 [hbm4b:s9+s10], $0x80, $0x38;
	[tilespmem:$0x7200] =	vst v63  }
0x42: {  	_ =	swait.ge [sflag:s22], $0x80  }
0x43: {  	[sflag:s22] =	ssyncset.done $0x0  }
0x44: {  	s9 =	simm.s32 @!p0 $0xB;
	[sflag:s22] =	ssyncadd.s32 $0xFFFFFF80  }
0x45: {  	_ =	swait.ge @!p0 [sflag:s9], $0x1C00  }
0x46: {  	[sflag:s9] =	ssyncset.done @!p0 $0x0  }
0x47: {  	[sflag:s9] =	ssyncadd.s32 @!p0 $0xFFFFE400  }
0x48: {  	[tilespmem:s23], [sflag:$0x7] =	stream.indirect.gather [hbm4b:s4+s17], $0x80, s14, s17, $0xb8;
	[tilespmem:$0x7200] =	vst v63  }
0x49: {  	_ =	swait.ge [sflag:s24], $0x1C00  }
0x4a: {  	[sflag:s24] =	ssyncset.done $0x0  }
0x4b: {  	s5 =	sadd.s32 $0x380, s11;
	s9 =	sadd.s32 @!p1 $0xFFFFFFE0, s7;
	[sflag:s24] =	ssyncadd.s32 $0xFFFFE400  }
0x4c: {  	[hbm4b:s5+s2] =	stream.linear.scatter [tilespmem:s20], [sflag:$0xA], $0x1C00, $0x38;
	[tilespmem:$0x7200] =	vst v63  }
0x4d: {  	s5 =	sadd.s32 @!p1 s12, s9;
	s9 =	sand.u32 @!p1 $0x50, s9  }
0x4e: {  	s5 =	sand.u32 @!p1 $0x1FF80, s5;
	s9 =	sadd.s32 @!p1 s3, s9  }
0x4f: {  	s5 =	sadd.s32 @!p1 s5, s9;
	s9 =	simm.s32 @!p1 $0x80  }
0x50: {  	[tilespmem:s9], [sflag:$0x2] =	stream.linear.gather @!p1 [hbm4b:s5+s10], $0x80, $0x38;
	[tilespmem:$0x7200] =	vst v63  }
0x51: {  	_ =	swait.ge [sflag:s25], $0x80  }
0x52: {  	[sflag:s25] =	ssyncset.done $0x0  }
0x53: {  	s5 =	simm.s32 @!p0 $0xC;
	[sflag:s25] =	ssyncadd.s32 $0xFFFFFF80  }
0x54: {  	_ =	swait.ge @!p0 [sflag:s5], $0x1C00  }
0x55: {  	[sflag:s5] =	ssyncset.done @!p0 $0x0  }
0x56: {  	[sflag:s5] =	ssyncadd.s32 @!p0 $0xFFFFE400  }
0x57: {  	[tilespmem:s26], [sflag:$0x8] =	stream.indirect.gather [hbm4b:s4+s17], $0x80, s15, s17, $0xb8;
	[tilespmem:$0x7200] =	vst v63  }
.Ltmp2:
0x58: {  	_ = 	snop;
	(pc) =	sbr.rel @p1 .LBB2_4-.Ltmp2, $4  }
0x59: {  	_ =	swait.ge [sflag:s28], $0x1C00  }
0x5a: {  	[sflag:s28] =	ssyncset.done $0x0  }
0x5b: {  	s10 =	sadd.s32 $0x700, s11;
	[sflag:s28] =	ssyncadd.s32 $0xFFFFE400  }
0x5c: {  	[hbm4b:s10+s2] =	stream.linear.scatter [tilespmem:s23], [sflag:$0xB], $0x1C00, $0x38;
	[tilespmem:$0x7200] =	vst v63  }
0x5d: {  	s5 =	sadd.s32 s7, s12;
	s9 =	sadd.s32 $0xFFFFFFF0, s7  }
0x5e: {  	s10 =	sadd.s32 $0xFFFFFFF0, s5;
	s9 =	sand.u32 $0x60, s9  }
0x5f: {  	s10 =	sand.u32 $0x1FF80, s10;
	s9 =	sadd.s32 s3, s9  }
0x60: {  	s9 =	sadd.s32 s10, s9  }
0x61: {  	[tilespmem:s14], [sflag:$0x3] =	stream.linear.gather [hbm4b:s9+s2], $0x80, $0x38;
	[tilespmem:$0x7200] =	vst v63  }
0x62: {  	_ =	swait.ge [sflag:s16], $0x80  }
0x63: {  	[sflag:s16] =	ssyncset.done $0x0  }
0x64: {  	[sflag:s16] =	ssyncadd.s32 $0xFFFFFF80  }
0x65: {  	_ =	swait.ge [sflag:s30], $0x1C00  }
0x66: {  	[sflag:s30] =	ssyncset.done $0x0  }
0x67: {  	[sflag:s30] =	ssyncadd.s32 $0xFFFFE400  }
0x68: {  	[tilespmem:s18], [sflag:$0x5] =	stream.indirect.gather [hbm4b:s4+s17], $0x80, s2, s17, $0xb8;
	[tilespmem:$0x7200] =	vst v63  }
0x69: {  	_ =	swait.ge [sflag:s29], $0x1C00  }
0x6a: {  	[sflag:s29] =	ssyncset.done $0x0  }
0x6b: {  	s10 =	sadd.s32 $0xA80, s11;
	[sflag:s29] =	ssyncadd.s32 $0xFFFFE400  }
0x6c: {  	[hbm4b:s10+s2] =	stream.linear.scatter [tilespmem:s26], [sflag:$0xC], $0x1C00, $0x38;
	[tilespmem:$0x7200] =	vst v63  }
.Ltmp3:
0x6d: {  	_ = 	snop;
	(pc) =	sbr.rel .LBB2_2-.Ltmp3, $4  }
0x6e: {  	s10 =	sand.u32 $0x70, s7  }
0x6f: {  	s5 =	sand.u32 $0x1FF80, s5;
	s9 =	sadd.s32 s3, s10  }
0x70: {  	s11 =	sadd.s32 $0xE00, s11;
	s7 =	sadd.s32 $0x40, s7;
	s5 =	sadd.s32 s5, s9  }
0x71: {  	[tilespmem:s15], [sflag:$0x4] =	stream.linear.gather [hbm4b:s5+s2], $0x80, $0x38;
	[tilespmem:$0x7200] =	vst v63  }
.LBB2_5:
0x72: {  	_ =	sfence.sel $0x180000  }
0x73: {  	[bflag:$0x0] =	sbarrier.arrive $0xFFFF  }
0x74: {  	_ =	strace $0x9000004D  }
0x75: {  	s0 =	stileid.u32;
	[bflag:$0x2] =	sbarrier.arrive $0xFFFF  }
0x76: {  	p0 =	sne.s32 s0, $0x0;
	s0 =	rddreg [dreg:$0x1]  }
0x77: {  	s0 =	sadd.s32 @!p0 $0x100000, s0  }
0x78: {  	[sflag:s0] =	ssyncadd.tile.s32 @!p0 $0x1;
	_ =	shalt  }
.Lfunc_end2:
_tile_overlayer_lowered:
.L_overlay_start_2:
0x79: {  	(tag) =	ssettag $0x2  }
0x7a: {  	s0 =	rddreg [dreg:$0x0];
	s2 =	stileid.u32  }
0x7b: {  	s1 =	rddreg [dreg:$0x1];
	p0 =	sne.s32 s2, $0x0  }
0x7c: {  	s3 =	rddreg [dreg:$0x2];
	[bflag:$0x3] =	sbarrier.arrive $0xFFFF;
	s2 =	simm.s32 @!p0 $0x1C0D  }
0x7d: {  	[timem:s3], [sflag:s2] =	dma.local @!p0 [hbm:s0], s1  }
0x7e: {  	s0 =	simm.s32 @!p0 $0xD  }
0x7f: {  	_ =	swait.ge @!p0 [sflag:s0], s1  }
0x80: {  	s1 =	ssub.s32 @!p0 $0x0, s1;
	[sflag:s0] =	ssyncset.done @!p0 $0x0  }
0x81: {  	[sflag:s0] =	ssyncadd.s32 @!p0 s1  }
0x82: {  	[bflag:$0x3] =	sbarrier.arrive $0xFFFF  }
0x83: {  	_ =	shalt  }

// kernel: kernel.20.cloned.1.call-start
scs
__scs_entry_jumppad:
0x0: {  	(pc) =	sbr.rel $0x88, $3  }
0x1: {  	(tag) =	ssettag $0x0;
	lr =	simm.s32 $0x1  }
0x2: {  	[smem:$0x3F9B] =	sst lr;
	_ =	strace $0xD0000000  }
0x3: {  	_ = 	snop  }
0x4: {  	_ = 	snop  }
0x5: {  	_ = 	snop  }
0x6: {  	_ = 	snop  }
0x7: {  	_ = 	snop  }
__scs_overlays_trampoline_lowered:
0x8: {  	[smem:$0x3FAA] =	sst s0  }
0x9: {  	[smem:$0x3FAB] =	sst s1  }
0xa: {  	[smem:$0x3FAC] =	sst s2  }
0xb: {  	[smem:$0x3FAD] =	sst s3  }
0xc: {  	[smem:$0x3FAE] =	sst s4  }
0xd: {  	[smem:$0x3FAF] =	sst s5  }
0xe: {  	[smem:$0x3FB0] =	sst s6  }
0xf: {  	[smem:$0x3FB1] =	sst s7  }
0x10: {  	[smem:$0x3FB2] =	sst s8  }
0x11: {  	[smem:$0x3FB3] =	sst s9;
	s0 =	simm.s32 @!p0 $0x0  }
0x12: {  	s1 =	sld [smem:$0x3F99];
	s0 =	simm.s32 @p0 $0x1  }
0x13: {  	[smem:$0x3FB4] =	sst s0;
	s0 =	simm.s32 @!p1 $0x0  }
0x14: {  	s2 =	sld [smem:$0x3F98];
	s0 =	simm.s32 @p1 $0x1  }
0x15: {  	[smem:$0x3FB5] =	sst s0;
	s0 =	simm.s32 @!p2 $0x0  }
0x16: {  	s3 =	sld [smem:$0x3FDB];
	s0 =	simm.s32 @p2 $0x1  }
0x17: {  	s4 =	simm.s32 $0x1BF5;
	[smem:$0x3FB7] =	sst s0  }
0x18: {  	s0 =	sld [smem:$0x3F9A];
	_ =	swait.ge [sflag:s4], $0x0  }
0x19: {  	s7 =	sld [smem:$0x3F9B]  }
0x1a: {  	s8 =	sadd.s32 $0xFFFFE003, lr  }
0x1b: {  	s9 =	sadd.s32 $0xFFFFFEF7, lr;
	s5 =	simm.s32 $0xFFFFFFFF;
	p2 =	slt.u32 s8, $0xFFFFF086  }
0x1c: {  	p1 =	slt.u32 s9, $0xF7A;
	s5 =	simm.s32 @!p2 $0x0  }
0x1d: {  	s5 =	simm.s32 @p1 $0x1;
	p0 =	seq.s32 s7, s2  }
0x1e: {  	s7 =	smul.u32 @!p0 $0xF7A, s2;
	p2 =	seq.s32 @!p0 s5, $0x0  }
0x1f: {  	s9 =	smul.u32 $0xF7A, s1;
	s8 =	simm.s32 @!p0 $0x1BF5;
	p2 =	por !p2, p0  }
0x20: {  	[sflag:s8] =	ssyncset.s32 @!p0 $0xFFFFF086;
	s6 =	sadd.s32 @!p0 s3, s7;
	s7 =	simm.s32 @!p0 $0x108  }
0x21: {  	s3 =	sadd.s32 s3, s9;
	s6 =	sadd.s32 @!p0 $0x88, s6;
	s7 =	simm.s32 @p2 $0x1082  }
0x22: {  	[simem:s7], [sflag:s8] =	dma.local @!p0 [hbm:s6], $0xF7A  }
0x23: {  	s9 =	sor.u32 $0xD0000000, s2;
	s6 =	simm.s32 $0x108;
	_ =	swait.ge @!p0 [sflag:s8], $0x0  }
0x24: {  	s3 =	sadd.s32 $0x88, s3;
	s6 =	simm.s32 @!p1 $0x1082;
	[sflag:s4] =	ssyncset.s32 $0xFFFFF086  }
0x25: {  	[simem:s6], [sflag:s4] =	dma.local [hbm:s3], $0xF7A  }
0x26: {  	[smem:$0x3F9B] =	sst s1;
	(tag) =	ssettag s2;
	_ =	strace s9  }
0x27: {  	s1 =	sld [smem:$0x3FAB]  }
0x28: {  	s2 =	sld [smem:$0x3FAC]  }
0x29: {  	s4 =	sld [smem:$0x3FAE]  }
0x2a: {  	p0 =	seq.s32 s5, $0x0;
	s5 =	sld [smem:$0x3FAF]  }
0x2b: {  	s6 =	sld [smem:$0x3FB0]  }
0x2c: {  	s7 =	sld [smem:$0x3FB1]  }
0x2d: {  	s3 =	simm.s32 $0x108;
	s8 =	sld [smem:$0x3FB2]  }
0x2e: {  	s3 =	simm.s32 @!p0 $0x1082;
	s9 =	sld [smem:$0x3FB3]  }
0x2f: {  	lr =	sadd.s32 s0, s3;
	s0 =	sld [smem:$0x3FAA]  }
0x30: {  	s3 =	sld [smem:$0x3FAD]  }
0x31: {  	[smem:$0x3FB6] =	sst s10  }
0x32: {  	s10 =	sld [smem:$0x3FB4];
	_ =	sdelay $0x3  }
0x33: {  	p0 =	seq.s32 s10, $0x1;
	s10 =	sld [smem:$0x3FB6];
	_ =	sdelay $0x3  }
0x34: {  	[smem:$0x3FB6] =	sst s10  }
0x35: {  	s10 =	sld [smem:$0x3FB5];
	_ =	sdelay $0x3  }
0x36: {  	p1 =	seq.s32 s10, $0x1;
	s10 =	sld [smem:$0x3FB6];
	_ =	sdelay $0x3  }
0x37: {  	[smem:$0x3FB6] =	sst s10  }
0x38: {  	s10 =	sld [smem:$0x3FB7]  }
0x39: {  	_ = 	snop;
	(pc) =	sbr.ind lr, $3  }
0x3a: {  	_ = 	snop  }
0x3b: {  	_ = 	snop  }
0x3c: {  	p2 =	seq.s32 s10, $0x1;
	s10 =	sld [smem:$0x3FB6]  }
0x3d: {  	_ =	shalt  }
0x3e: {  	_ =	shalt  }
0x3f: {  	_ =	shalt  }
0x40: {  	_ =	shalt  }
0x41: {  	_ =	shalt  }
0x42: {  	_ =	shalt  }
0x43: {  	_ =	shalt  }
0x44: {  	_ =	shalt  }
0x45: {  	_ =	shalt  }
0x46: {  	_ =	shalt  }
0x47: {  	_ =	shalt  }
0x48: {  	_ =	shalt  }
0x49: {  	_ =	shalt  }
0x4a: {  	_ =	shalt  }
0x4b: {  	_ =	shalt  }
0x4c: {  	_ =	shalt  }
0x4d: {  	_ =	shalt  }
0x4e: {  	_ =	shalt  }
0x4f: {  	_ =	shalt  }
0x50: {  	_ =	shalt  }
0x51: {  	_ =	shalt  }
0x52: {  	_ =	shalt  }
0x53: {  	_ =	shalt  }
0x54: {  	_ =	shalt  }
0x55: {  	_ =	shalt  }
0x56: {  	_ =	shalt  }
0x57: {  	_ =	shalt  }
0x58: {  	_ =	shalt  }
0x59: {  	_ =	shalt  }
0x5a: {  	_ =	shalt  }
0x5b: {  	_ =	shalt  }
0x5c: {  	_ =	shalt  }
0x5d: {  	_ =	shalt  }
0x5e: {  	_ =	shalt  }
0x5f: {  	_ =	shalt  }
0x60: {  	_ =	shalt  }
0x61: {  	_ =	shalt  }
0x62: {  	_ =	shalt  }
0x63: {  	_ =	shalt  }
0x64: {  	_ =	shalt  }
0x65: {  	_ =	shalt  }
0x66: {  	_ =	shalt  }
0x67: {  	_ =	shalt  }
0x68: {  	_ =	shalt  }
0x69: {  	_ =	shalt  }
0x6a: {  	_ =	shalt  }
0x6b: {  	_ =	shalt  }
0x6c: {  	_ =	shalt  }
0x6d: {  	_ =	shalt  }
0x6e: {  	_ =	shalt  }
0x6f: {  	_ =	shalt  }
0x70: {  	_ =	shalt  }
0x71: {  	_ =	shalt  }
0x72: {  	_ =	shalt  }
0x73: {  	_ =	shalt  }
0x74: {  	_ =	shalt  }
0x75: {  	_ =	shalt  }
0x76: {  	_ =	shalt  }
0x77: {  	_ =	shalt  }
0x78: {  	_ =	shalt  }
0x79: {  	_ =	shalt  }
0x7a: {  	_ =	shalt  }
0x7b: {  	_ =	shalt  }
0x7c: {  	_ =	shalt  }
0x7d: {  	_ =	shalt  }
0x7e: {  	_ =	shalt  }
0x7f: {  	_ =	shalt  }
0x80: {  	_ =	shalt  }
0x81: {  	_ =	shalt  }
0x82: {  	_ =	shalt  }
0x83: {  	_ =	shalt  }
0x84: {  	_ =	shalt  }
0x85: {  	_ =	shalt  }
0x86: {  	_ =	shalt  }
0x87: {  	_ =	shalt  }
.Lfunc_end0:
.L_simem_size_0:
called_computation.3_lowered:
.L_overlay_start_0:
0x88: {  	s2 =	sld [smem:$0x3FD9]  }
0x89: {  	s3 =	sld [smem:$0x3FFE];
	_ =	sdelay $0x1  }
0x8a: {  	s1 =	srdreg.scid  }
0x8b: {  	s0 =	sand.u32 $0x1, s1  }
0x8c: {  	s17 =	sshll.u32 s0, $0xA;
	s2 =	sadd.s32 s3, s2  }
0x8d: {  	s2 =	sadd.s32 s2, s17  }
0x8e: {  	[smem:$0x3FC2] =	sst s2  }
0x8f: {  	_ = 	snop  }
0x90: {  	(tm) =	ssettm $0x1  }
0x91: {  	s18 =	sld [smem:$0x3FFB];
	_ =	sdelay $0x3  }
0x92: {  	_ =	strace s18  }
0x93: {  	s2 =	sld [smem:$0x3FFC];
	_ =	sdelay $0x3  }
0x94: {  	_ =	strace s2  }
0x95: {  	s2 =	sld [smem:$0x3FFD];
	_ =	sdelay $0x3  }
0x96: {  	_ =	strace s2  }
0x97: {  	_ =	strace $0x8FFFFFFF  }
0x98: {  	s19 =	sld [smem:$0x3FDB];
	_ =	sdelay $0x1  }
0x99: {  	s20 =	simm.s32 $_scs_section_size  }
0x9a: {  	s4 =	simm.s32 $_size__tile_overlayer_lowered;
	s5 =	simm.s32 $_tile_overlayer_lowered  }
0x9b: {  	s6 =	simm.s32 $0x1BFF;
	s21 =	sshll.u32 s5, $0x1;
	s3 =	sadd.s32 s20, s19  }
0x9c: {  	s22 =	simm.s32 $0x0;
	s4 =	sshll.u32 s4, $0x1;
	s5 =	sadd.s32 s21, s3  }
0x9d: {  	[timem:s22], [sflag:s6] =	dma.local [hbm:s5], s4  }
0x9e: {  	_ =	swait.ge [sflag:s6], s4  }
0x9f: {  	s4 =	ssub.s32 $0x0, s4;
	[sflag:s6] =	ssyncset.done $0x0  }
0xa0: {  	[sflag:s6] =	ssyncadd.s32 s4;
	_ =	sdelay $0x1  }
0xa1: {  	s23 =	simm.s32 $0x1B8B  }
0xa2: {  	_ =	swait.ge [sflag:s23], $0x1  }
0xa3: {  	[sflag:s23] =	ssyncset.done $0x0  }
0xa4: {  	[sflag:s23] =	ssyncadd.s32 $0xFFFFFFFF  }
0xa5: {  	s4 =	sld [smem:$0x0]  }
0xa6: {  	s5 =	sand.u32 $0xFFFFFFFE, s1  }
0xa7: {  	p0 =	sne.s32 s1, s5  }
0xa8: {  	s5 =	sshll.u32 @p0 s5, $0xE  }
0xa9: {  	s5 =	sadd.s32 @p0 $0x11B8D, s5;
	s6 =	sshll.u32 @p0 s4, $0x11  }
0xaa: {  	s5 =	sor.u32 @p0 s6, s5  }
0xab: {  	[sflag:s5] =	ssyncadd.remote.s32 @p0 $0x1;
	_ =	sdelay $0x1  }
0xac: {  	s5 =	simm.s32 @p0 $0x1B8D  }
0xad: {  	_ =	swait.eq @p0 [sflag:s5], $0x1  }
0xae: {  	[sflag:s5] =	ssyncadd.s32 @p0 $0xFFFFFFFF  }
0xaf: {  	s6 =	sshll.u32 @!p0 s1, $0xE  }
0xb0: {  	s6 =	sor.u32 @!p0 $0x4000, s6;
	s5 =	simm.s32 @!p0 $0x1B8D  }
0xb1: {  	s4 =	sshll.u32 @!p0 s4, $0x11;
	s6 =	sadd.s32 @!p0 $0x11B8D, s6;
	_ =	swait.eq @!p0 [sflag:s5], $0x1  }
0xb2: {  	s4 =	sor.u32 @!p0 s4, s6;
	[sflag:s5] =	ssyncadd.s32 @!p0 $0xFFFFFFFF  }
0xb3: {  	s25 =	simm.s32 $0x1B8E;
	s24 =	sld [smem:$0x3FFE];
	[sflag:s4] =	ssyncadd.remote.s32 @!p0 $0x1  }
0xb4: {  	s26 =	simm.s32 $execute0_lowered;
	[smem:$0x3FD2] =	sst s25  }
0xb5: {  	s5 =	sshll.u32 s26, $0x1;
	_ =	strace $0x8000004F;
	[dreg:$0x1] =	wrdreg $0xFFFFFFFF  }
0xb6: {  	s28 =	simm.s32 $_size_execute0_lowered;
	s3 =	sadd.s32 s3, s5;
	[dreg:$0x0] =	wrdreg $0x0  }
0xb7: {  	s5 =	sshll.u32 s28, $0x1;
	[dreg:$0x2] =	wrdreg s3  }
0xb8: {  	[dreg:$0x3] =	wrdreg s5  }
0xb9: {  	[dreg:$0x4] =	wrdreg $0xC0  }
0xba: {  	_ =	task [dreg:s22], $0x5FFFF  }
0xbb: {  	[dreg:$0x1] =	wrdreg $0xFFFFFFFF  }
0xbc: {  	[dreg:$0x0] =	wrdreg $0x60  }
0xbd: {  	[dreg:$0x2] =	wrdreg s24  }
0xbe: {  	[dreg:$0x3] =	wrdreg $0xC  }
0xbf: {  	_ =	task.clear_ibuf [dreg:s22], $0x4FFFF;
	_ =	strace $0x9000004F  }
0xc0: {  	s29 =	simm.s32 $0xC;
	_ =	strace $0x80000051  }
0xc1: {  	_ =	swait.ge [sflag:s29], $0x1  }
0xc2: {  	[sflag:s29] =	ssyncadd.s32 $0xFFFFFFFF  }
0xc3: {  	_ =	strace $0x90000051  }
0xc4: {  	_ =	sfence  }
0xc5: {  	s30 =	sld [smem:$0x0];
	_ =	sdelay $0x2  }
0xc6: {  	s31 =	sshll.u32 s1, $0xD;
	s1 =	sshrl.u32 s1, $0x2  }
0xc7: {  	s4 =	sand.u32 $0x4000, s31;
	s1 =	sadd.s32 s1, s30  }
0xc8: {  	s0 =	sor.u32 s4, s0;
	s1 =	sshll.u32 s1, $0x11  }
0xc9: {  	s0 =	sor.u32 s1, s0  }
0xca: {  	s0 =	sadd.s32 $0x8F2B, s0  }
0xcb: {  	[sflag:s0] =	ssyncadd.remote.s32 $0x1  }
0xcc: {  	_ =	sfence.sel $0xFFFF  }
0xcd: {  	[dreg:$0x0] =	wrdreg $0xFFFFFFFF;
	(pc) =	sbr.abs _section_cstart, $3  }
0xce: {  	[dreg:$0x1] =	wrdreg $0xFFFFFFFF  }
0xcf: {  	_ =	task.clear_ibuf [dreg:s22], $0x2FFFF;
	_ =	strace $0x9FFFFFFF  }
0xd0: {  	(tm) =	ssettm $0x7FFFFFFF  }
0xd1: {  	_ =	shalt  }
tec
execute0_lowered:
.L_overlay_start_1:
0x0: {  	(tag) =	ssettag $0x1  }
0x1: {  	s0 =	rddreg [dreg:$0x0];
	s1 =	srdreg.scid;
	s2 =	simm.s32 $0x0  }
0x2: {  	s9 =	stileid.u32;
	s13 =	simm.s32 $0x80;
	s14 =	simm.s32 $0x100  }
0x3: {  	s15 =	simm.s32 $0x180;
	s16 =	simm.s32 $0x1;
	s17 =	simm.s32 $0x20  }
0x4: {  	s18 =	simm.s32 $0x200;
	s19 =	simm.s32 $0x2;
	s20 =	simm.s32 $0x1200  }
0x5: {  	s28 =	simm.s32 $0x7;
	s29 =	simm.s32 $0x8;
	s30 =	simm.s32 $0x9  }
0x6: {  	s31 =	simm.s32 $0xA;
	s1 =	sand.u32 $0x1, s1;
	[smem:$0x7FF] =	sst s2  }
0x7: {  	s4 =	sshll.u32 s9, $0x8;
	s3 =	sadd.s32 $0x19F3200, s0;
	s23 =	sshll.u32 s9, $0x11  }
0x8: {  	s11 =	sshll.u32 s9, $0xC;
	s5 =	sshll.u32 s1, $0x7;
	_ =	strace $0x80000050  }
0x9: {  	s7 =	ssub.s32 $0x2, s1;
	s25 =	sshll.u32 s1, $0x10;
	s1 =	sshll.u32 s1, $0xB  }
0xa: {  	s6 =	sor.u32 s5, s4;
	s4 =	sadd.s32 $0x10E00, s0;
	s0 =	sadd.s32 $0x1A03200, s0  }
0xb: {  	s8 =	sshrl.u32 s7, $0x1;
	s12 =	sor.u32 s1, s11;
	s1 =	simm.s32 $0xC  }
0xc: {  	s5 =	sshll.u32 s6, $0x4;
	s7 =	ssub.s32 s7, s8;
	s6 =	sshll.u32 s6, $0x9  }
0xd: {  	s5 =	sadd.s32 s3, s5;
	s6 =	sadd.s32 s6, s0;
	s0 =	sadd.s32 s23, s0  }
0xe: {  	s26 =	smax.u32 s7, $0x1;
	s23 =	simm.s32 $0x2200;
	[dreg:$0x2] =	wrdreg s5  }
0xf: {  	s21 =	sadd.s32 $0x10, s5;
	s22 =	sadd.s32 $0x20, s5;
	[dreg:$0x7] =	wrdreg s26  }
.Ltmp0:
0x10: {  	s5 =	sadd.s32 $0x30, s5;
	[dreg:$0x3] =	wrdreg s21;
	(pc) =	sbr.rel .LBB2_1-.Ltmp0, $4  }
0x11: {  	s24 =	sadd.s32 $0xFE00, s6;
	s8 =	sadd.s32 s25, s0;
	[dreg:$0x4] =	wrdreg s22  }
0x12: {  	s25 =	simm.s32 $0x4;
	s26 =	simm.s32 $0x3200;
	[dreg:$0x5] =	wrdreg s5  }
0x13: {  	s0 =	simm.s32 $0xB;
	s6 =	simm.s32 $0x0;
	[dreg:$0x6] =	wrdreg s24  }
0x14: {  	s21 =	simm.s32 $0x5;
	s22 =	simm.s32 $0x3;
	s24 =	simm.s32 $0x6  }
.LBB2_4:
0x15: {  	_ =	swait.ge [sflag:s29], $0x1000  }
0x16: {  	[sflag:s29] =	ssyncset.done $0x0  }
0x17: {  	s5 =	rddreg [dreg:$0x6];
	[sflag:s29] =	ssyncadd.s32 $0xFFFFF000  }
0x18: {  	[hbm4b:s5+s2] =	stream.linear.scatter [tilespmem:s26], [sflag:$0xC], $0x1000, $0x38;
	[tilespmem:$0x4200] =	vst v63  }
0x19: {  	_ =	swait.ge [sflag:s30], $0x1000  }
0x1a: {  	[sflag:s30] =	ssyncset.done $0x0  }
0x1b: {  	[sflag:s30] =	ssyncadd.s32 $0xFFFFF000  }
0x1c: {  	_ =	swait.ge [sflag:s31], $0x1000  }
0x1d: {  	[sflag:s31] =	ssyncset.done $0x0  }
0x1e: {  	[sflag:s31] =	ssyncadd.s32 $0xFFFFF000  }
0x1f: {  	_ =	swait.ge [sflag:s0], $0x1000  }
0x20: {  	[sflag:s0] =	ssyncset.done $0x0  }
0x21: {  	[sflag:s0] =	ssyncadd.s32 $0xFFFFF000  }
0x22: {  	_ =	swait.ge [sflag:s1], $0x1000  }
0x23: {  	s6 =	sadd.s32 $0x1, s6;
	s11 =	rddreg [dreg:$0x7]  }
0x24: {  	p0 =	sne.s32 s6, s11  }
.Ltmp1:
0x25: {  	_ = 	snop;
	(pc) =	sbr.rel @!p0 .LBB2_5-.Ltmp1, $3  }
0x26: {  	_ =	sdelay $0x1  }
0x27: {  	[sflag:s1] =	ssyncset.done $0x0  }
0x28: {  	[sflag:s1] =	ssyncadd.s32 $0xFFFFF000  }
.LBB2_1:
0x29: {  	s5 =	rddreg [dreg:$0x2]  }
0x2a: {  	[tilespmem:s2], [sflag:$0x1] =	stream.linear.gather [hbm4b:s5+s2], $0x80, $0x38;
	[tilespmem:$0x4200] =	vst v63  }
0x2b: {  	s9 =	rddreg [dreg:$0x3]  }
0x2c: {  	[tilespmem:s13], [sflag:$0x2] =	stream.linear.gather [hbm4b:s9+s2], $0x80, $0x38;
	[tilespmem:$0x4200] =	vst v63  }
0x2d: {  	s10 =	rddreg [dreg:$0x4]  }
0x2e: {  	[tilespmem:s14], [sflag:$0x3] =	stream.linear.gather [hbm4b:s10+s2], $0x80, $0x38;
	[tilespmem:$0x4200] =	vst v63  }
0x2f: {  	s11 =	rddreg [dreg:$0x5]  }
0x30: {  	[tilespmem:s15], [sflag:$0x4] =	stream.linear.gather [hbm4b:s11+s2], $0x80, $0x38;
	[tilespmem:$0x4200] =	vst v63  }
0x31: {  	_ =	swait.ge [sflag:s16], $0x80  }
0x32: {  	[sflag:s16] =	ssyncset.done $0x0  }
0x33: {  	s7 =	simm.s32 $0x70;
	s11 =	smov.u32 s8;
	[sflag:s16] =	ssyncadd.s32 $0xFFFFFF80  }
0x34: {  	[tilespmem:s18], [sflag:$0x5] =	stream.indirect.gather [hbm4b:s4+s17], $0x80, s2, s17, $0xb8;
	[tilespmem:$0x4200] =	vst v63  }
.LBB2_2:
0x35: {  	_ =	swait.ge [sflag:s19], $0x80  }
0x36: {  	p0 =	seq.s32 s7, $0x70;
	[sflag:s19] =	ssyncset.done $0x0  }
0x37: {  	s9 =	simm.s32 @!p0 $0xA;
	[sflag:s19] =	ssyncadd.s32 $0xFFFFFF80  }
0x38: {  	_ =	swait.ge @!p0 [sflag:s9], $0x1000  }
0x39: {  	[sflag:s9] =	ssyncset.done @!p0 $0x0  }
0x3a: {  	p1 =	seq.s32 s7, $0x830;
	[sflag:s9] =	ssyncadd.s32 @!p0 $0xFFFFF000  }
0x3b: {  	[tilespmem:s20], [sflag:$0x6] =	stream.indirect.gather [hbm4b:s4+s17], $0x80, s13, s17, $0xb8;
	[tilespmem:$0x4200] =	vst v63  }
0x3c: {  	s9 =	sadd.s32 @!p1 $0xFFFFFFD0, s7;
	_ =	swait.ge [sflag:s21], $0x1000  }
0x3d: {  	s10 =	sadd.s32 @!p1 s12, s9;
	s9 =	sand.u32 @!p1 $0x40, s9;
	[sflag:s21] =	ssyncset.done $0x0  }
0x3e: {  	s10 =	sand.u32 @!p1 $0x1FF80, s10;
	s9 =	sadd.s32 @!p1 s3, s9;
	[sflag:s21] =	ssyncadd.s32 $0xFFFFF000  }
0x3f: {  	[hbm4b:s11+s2] =	stream.linear.scatter [tilespmem:s18], [sflag:$0x9], $0x1000, $0x38;
	[tilespmem:$0x4200] =	vst v63  }
0x40: {  	s9 =	sadd.s32 @!p1 s10, s9;
	s10 =	simm.s32 @!p1 $0x0  }
0x41: {  	[tilespmem:s10], [sflag:$0x1] =	stream.linear.gather @!p1 [hbm4b:s9+s10], $0x80, $0x38;
	[tilespmem:$0x4200] =	vst v63  }
0x42: {  	_ =	swait.ge [sflag:s22], $0x80  }
0x43: {  	[sflag:s22] =	ssyncset.done $0x0  }
0x44: {  	s9 =	simm.s32 @!p0 $0xB;
	[sflag:s22] =	ssyncadd.s32 $0xFFFFFF80  }
0x45: {  	_ =	swait.ge @!p0 [sflag:s9], $0x1000  }
0x46: {  	[sflag:s9] =	ssyncset.done @!p0 $0x0  }
0x47: {  	[sflag:s9] =	ssyncadd.s32 @!p0 $0xFFFFF000  }
0x48: {  	[tilespmem:s23], [sflag:$0x7] =	stream.indirect.gather [hbm4b:s4+s17], $0x80, s14, s17, $0xb8;
	[tilespmem:$0x4200] =	vst v63  }
0x49: {  	_ =	swait.ge [sflag:s24], $0x1000  }
0x4a: {  	[sflag:s24] =	ssyncset.done $0x0  }
0x4b: {  	s5 =	sadd.s32 $0x200, s11;
	s9 =	sadd.s32 @!p1 $0xFFFFFFE0, s7;
	[sflag:s24] =	ssyncadd.s32 $0xFFFFF000  }
0x4c: {  	[hbm4b:s5+s2] =	stream.linear.scatter [tilespmem:s20], [sflag:$0xA], $0x1000, $0x38;
	[tilespmem:$0x4200] =	vst v63  }
0x4d: {  	s5 =	sadd.s32 @!p1 s12, s9;
	s9 =	sand.u32 @!p1 $0x50, s9  }
0x4e: {  	s5 =	sand.u32 @!p1 $0x1FF80, s5;
	s9 =	sadd.s32 @!p1 s3, s9  }
0x4f: {  	s5 =	sadd.s32 @!p1 s5, s9;
	s9 =	simm.s32 @!p1 $0x80  }
0x50: {  	[tilespmem:s9], [sflag:$0x2] =	stream.linear.gather @!p1 [hbm4b:s5+s10], $0x80, $0x38;
	[tilespmem:$0x4200] =	vst v63  }
0x51: {  	_ =	swait.ge [sflag:s25], $0x80  }
0x52: {  	[sflag:s25] =	ssyncset.done $0x0  }
0x53: {  	s5 =	simm.s32 @!p0 $0xC;
	[sflag:s25] =	ssyncadd.s32 $0xFFFFFF80  }
0x54: {  	_ =	swait.ge @!p0 [sflag:s5], $0x1000  }
0x55: {  	[sflag:s5] =	ssyncset.done @!p0 $0x0  }
0x56: {  	[sflag:s5] =	ssyncadd.s32 @!p0 $0xFFFFF000  }
0x57: {  	[tilespmem:s26], [sflag:$0x8] =	stream.indirect.gather [hbm4b:s4+s17], $0x80, s15, s17, $0xb8;
	[tilespmem:$0x4200] =	vst v63  }
.Ltmp2:
0x58: {  	_ = 	snop;
	(pc) =	sbr.rel @p1 .LBB2_4-.Ltmp2, $4  }
0x59: {  	_ =	swait.ge [sflag:s28], $0x1000  }
0x5a: {  	[sflag:s28] =	ssyncset.done $0x0  }
0x5b: {  	s10 =	sadd.s32 $0x400, s11;
	[sflag:s28] =	ssyncadd.s32 $0xFFFFF000  }
0x5c: {  	[hbm4b:s10+s2] =	stream.linear.scatter [tilespmem:s23], [sflag:$0xB], $0x1000, $0x38;
	[tilespmem:$0x4200] =	vst v63  }
0x5d: {  	s5 =	sadd.s32 s7, s12;
	s9 =	sadd.s32 $0xFFFFFFF0, s7  }
0x5e: {  	s10 =	sadd.s32 $0xFFFFFFF0, s5;
	s9 =	sand.u32 $0x60, s9  }
0x5f: {  	s10 =	sand.u32 $0x1FF80, s10;
	s9 =	sadd.s32 s3, s9  }
0x60: {  	s9 =	sadd.s32 s10, s9  }
0x61: {  	[tilespmem:s14], [sflag:$0x3] =	stream.linear.gather [hbm4b:s9+s2], $0x80, $0x38;
	[tilespmem:$0x4200] =	vst v63  }
0x62: {  	_ =	swait.ge [sflag:s16], $0x80  }
0x63: {  	[sflag:s16] =	ssyncset.done $0x0  }
0x64: {  	[sflag:s16] =	ssyncadd.s32 $0xFFFFFF80  }
0x65: {  	_ =	swait.ge [sflag:s30], $0x1000  }
0x66: {  	[sflag:s30] =	ssyncset.done $0x0  }
0x67: {  	[sflag:s30] =	ssyncadd.s32 $0xFFFFF000  }
0x68: {  	[tilespmem:s18], [sflag:$0x5] =	stream.indirect.gather [hbm4b:s4+s17], $0x80, s2, s17, $0xb8;
	[tilespmem:$0x4200] =	vst v63  }
0x69: {  	_ =	swait.ge [sflag:s29], $0x1000  }
0x6a: {  	[sflag:s29] =	ssyncset.done $0x0  }
0x6b: {  	s10 =	sadd.s32 $0x600, s11;
	[sflag:s29] =	ssyncadd.s32 $0xFFFFF000  }
0x6c: {  	[hbm4b:s10+s2] =	stream.linear.scatter [tilespmem:s26], [sflag:$0xC], $0x1000, $0x38;
	[tilespmem:$0x4200] =	vst v63  }
.Ltmp3:
0x6d: {  	_ = 	snop;
	(pc) =	sbr.rel .LBB2_2-.Ltmp3, $4  }
0x6e: {  	s10 =	sand.u32 $0x70, s7  }
0x6f: {  	s5 =	sand.u32 $0x1FF80, s5;
	s9 =	sadd.s32 s3, s10  }
0x70: {  	s11 =	sadd.s32 $0x800, s11;
	s7 =	sadd.s32 $0x40, s7;
	s5 =	sadd.s32 s5, s9  }
0x71: {  	[tilespmem:s15], [sflag:$0x4] =	stream.linear.gather [hbm4b:s5+s2], $0x80, $0x38;
	[tilespmem:$0x4200] =	vst v63  }
.LBB2_5:
0x72: {  	_ =	sfence.sel $0x180000  }
0x73: {  	[bflag:$0x0] =	sbarrier.arrive $0xFFFF  }
0x74: {  	_ =	strace $0x90000050  }
0x75: {  	s0 =	stileid.u32;
	[bflag:$0x2] =	sbarrier.arrive $0xFFFF  }
0x76: {  	p0 =	sne.s32 s0, $0x0;
	s0 =	rddreg [dreg:$0x1]  }
0x77: {  	s0 =	sadd.s32 @!p0 $0x100000, s0  }
0x78: {  	[sflag:s0] =	ssyncadd.tile.s32 @!p0 $0x1;
	_ =	shalt  }
.Lfunc_end2:
_tile_overlayer_lowered:
.L_overlay_start_2:
0x79: {  	(tag) =	ssettag $0x2  }
0x7a: {  	s0 =	rddreg [dreg:$0x0];
	s2 =	stileid.u32  }
0x7b: {  	s1 =	rddreg [dreg:$0x1];
	p0 =	sne.s32 s2, $0x0  }
0x7c: {  	s3 =	rddreg [dreg:$0x2];
	[bflag:$0x3] =	sbarrier.arrive $0xFFFF;
	s2 =	simm.s32 @!p0 $0x1C0D  }
0x7d: {  	[timem:s3], [sflag:s2] =	dma.local @!p0 [hbm:s0], s1  }
0x7e: {  	s0 =	simm.s32 @!p0 $0xD  }
0x7f: {  	_ =	swait.ge @!p0 [sflag:s0], s1  }
0x80: {  	s1 =	ssub.s32 @!p0 $0x0, s1;
	[sflag:s0] =	ssyncset.done @!p0 $0x0  }
0x81: {  	[sflag:s0] =	ssyncadd.s32 @!p0 s1  }
0x82: {  	[bflag:$0x3] =	sbarrier.arrive $0xFFFF  }
0x83: {  	_ =	shalt  }

</sc_bundles>
